<compile_context>
chip_gen: v7x
topology: tpu7x:2x2x1
jax: 0.10.2.dev20260603
libtpu: 0.0.44.dev20260713+nightly
codegen_flags: <defaults>
</compile_context>

<pallas_src>
import functools

import jax
import jax.numpy as jnp
from jax import lax
from jax.experimental import pallas as pl
from jax.experimental.pallas import tpu as pltpu
from jax.experimental.pallas import tpu_sc as plsc

N = 10000
E = 320000
D_IN = 128
H = 32
W2P = 8

NC, NS = 2, 16
NT = NC * NS
CHUNK = 400
NCHUNK = 25
NBUF = 5
PER_TILE = NCHUNK * CHUNK
ROWS_PER_TILE = N // NS

_mesh = plsc.VectorSubcoreMesh(core_axis_name="c", subcore_axis_name="s")
_sc_params = pltpu.CompilerParams(use_tc_tiling_on_sc=False)


def _make_edge_pass(width):
  @functools.partial(
      pl.kernel,
      out_type=jax.ShapeDtypeStruct((NC, N, width), jnp.float32),
      mesh=_mesh,
      compiler_params=_sc_params,
      scratch_types=[
          pltpu.VMEM((NCHUNK, CHUNK), jnp.int32),
          pltpu.VMEM((NCHUNK, CHUNK), jnp.int32),
          pltpu.VMEM((NBUF, CHUNK, width), jnp.float32),
          pltpu.VMEM_SHARED((N, width), jnp.float32),
          pltpu.VMEM_SHARED((N, width), jnp.float32),
          [pltpu.SemaphoreType.DMA] * NBUF,
          [pltpu.SemaphoreType.DMA] * NBUF,
      ],
  )
  def edge_pass(ei_hbm, y_hbm, zeros_hbm, out_hbm,
                src_v, dst_v, vals_v, agg_s, y_s, gsem, ssem):
    c = lax.axis_index("c")
    s = lax.axis_index("s")
    wid = c * NS + s
    out2 = out_hbm.at[c]

    pltpu.sync_copy(zeros_hbm, vals_v.at[0])

    row0 = s * ROWS_PER_TILE
    nfull, rem = divmod(ROWS_PER_TILE, CHUNK)

    def over_rows(fn):
      @pl.loop(0, nfull)
      def _(i):
        fn(row0 + i * CHUNK, CHUNK)
      if rem:
        fn(row0 + nfull * CHUNK, rem)

    over_rows(lambda r, n: pltpu.sync_copy(
        vals_v.at[0].at[pl.ds(0, n)], agg_s.at[pl.ds(r, n)]))
    over_rows(lambda r, n: pltpu.sync_copy(
        y_hbm.at[pl.ds(r, n)], y_s.at[pl.ds(r, n)]))

    pltpu.sync_copy(ei_hbm.at[0, wid], src_v)
    pltpu.sync_copy(ei_hbm.at[1, wid], dst_v)

    plsc.subcore_barrier()

    def gather_src(b):
      return y_hbm if b >= 4 else y_s

    def start_gather(j, b):
      pltpu.async_copy(gather_src(b).at[src_v.at[j]], vals_v.at[b], gsem[b])

    def wait_gather(j, b):
      pltpu.make_async_copy(gather_src(b).at[src_v.at[j]], vals_v.at[b],
                            gsem[b]).wait()

    def start_scatter(j, b):
      pltpu.async_copy(vals_v.at[b], agg_s.at[dst_v.at[j]], ssem[b],
                       add=True)

    def wait_scatter(j, b):
      pltpu.make_async_copy(vals_v.at[b], agg_s.at[dst_v.at[j]],
                            ssem[b]).wait()

    for b in range(NBUF):
      start_gather(b, b)

    @pl.loop(0, NCHUNK - NBUF, step=NBUF)
    def _(j):
      for b in range(NBUF):
        wait_gather(j + b, b)
        start_scatter(j + b, b)
      for b in range(NBUF):
        wait_scatter(j + b, b)
        start_gather(j + b + NBUF, b)

    last = NCHUNK - NBUF
    for b in range(NBUF):
      wait_gather(last + b, b)
      start_scatter(last + b, b)
    for b in range(NBUF):
      wait_scatter(last + b, b)

    plsc.subcore_barrier()

    over_rows(lambda r, n: pltpu.sync_copy(
        agg_s.at[pl.ds(r, n)], out2.at[pl.ds(r, n)]))

  return edge_pass


_edge_pass_l1 = _make_edge_pass(H)
_edge_pass_l2 = _make_edge_pass(W2P)

DEG_ROWS = 624


@functools.partial(
    pl.kernel,
    out_type=jax.ShapeDtypeStruct((NC, N), jnp.float32),
    mesh=_mesh,
    compiler_params=_sc_params,
    scratch_types=[
        pltpu.VMEM((NCHUNK, CHUNK), jnp.int32),
        pltpu.VMEM((CHUNK,), jnp.float32),
        pltpu.VMEM((640,), jnp.float32),
        pltpu.VMEM_SHARED((N,), jnp.float32),
        pltpu.SemaphoreType.DMA,
    ],
)
def _deg_pass(ei_hbm, out_hbm, dst_v, ones_v, zeros_v, deg_s, sem):
  c = lax.axis_index("c")
  s = lax.axis_index("s")
  wid = c * NS + s

  for k in range(CHUNK // 16):
    ones_v.at[pl.ds(k * 16, 16)][...] = jnp.ones((16,), jnp.float32)

  @pl.loop(0, 640 // 16)
  def _(k):
    zeros_v.at[pl.ds(k * 16, 16)][...] = jnp.zeros((16,), jnp.float32)

  row0 = s * DEG_ROWS

  @pl.when(s < NS - 1)
  def _():
    pltpu.sync_copy(zeros_v.at[pl.ds(0, DEG_ROWS)],
                    deg_s.at[pl.ds(row0, DEG_ROWS)])

  @pl.when(s == NS - 1)
  def _():
    pltpu.sync_copy(zeros_v, deg_s.at[pl.ds((NS - 1) * DEG_ROWS, 640)])

  pltpu.sync_copy(ei_hbm.at[1, wid], dst_v)

  plsc.subcore_barrier()

  @pl.loop(0, NCHUNK)
  def _(j):
    pltpu.async_copy(ones_v, deg_s.at[dst_v.at[j]], sem, add=True)

  @pl.loop(0, NCHUNK)
  def _(j):
    pltpu.make_async_copy(ones_v, deg_s.at[dst_v.at[j]], sem).wait()

  plsc.subcore_barrier()

  @pl.when(s < NS - 1)
  def _():
    pltpu.sync_copy(deg_s.at[pl.ds(row0, DEG_ROWS)],
                    out_hbm.at[c].at[pl.ds(row0, DEG_ROWS)])

  @pl.when(s == NS - 1)
  def _():
    pltpu.sync_copy(deg_s.at[pl.ds((NS - 1) * DEG_ROWS, 640)],
                    out_hbm.at[c].at[pl.ds((NS - 1) * DEG_ROWS, 640)])


def _tc_front(x_ref, w_ref, degp_ref, y_ref, dis_ref):
  deg = degp_ref[0] + degp_ref[1] + 1.0
  dis = lax.rsqrt(deg)[:, None]
  dis_ref[...] = dis
  y_ref[...] = dis * jnp.dot(x_ref[...], w_ref[...],
                             preferred_element_type=jnp.float32)


def _tc_mid(p_ref, y_ref, dis_ref, b1_ref, w2_ref, z_ref):
  dis = dis_ref[...]
  h = dis * (p_ref[0] + p_ref[1] + y_ref[...]) + b1_ref[...]
  h = jnp.maximum(h, 0.0)
  z_ref[...] = dis * jnp.dot(h, w2_ref[...],
                             preferred_element_type=jnp.float32)


def _tc_final(q_ref, z_ref, dis_ref, b2_ref, o_ref):
  out = dis_ref[...] * (q_ref[0] + q_ref[1] + z_ref[...])
  o_ref[...] = out[:, :2] + b2_ref[...]


def kernel(x, edge_index, W1, b1, W2, b2):
  eir = edge_index.astype(jnp.int32).reshape(2, NT, NCHUNK, CHUNK)

  degp = _deg_pass(eir)

  y, dis = pl.pallas_call(
      _tc_front,
      out_shape=(jax.ShapeDtypeStruct((N, H), jnp.float32),
                 jax.ShapeDtypeStruct((N, 1), jnp.float32)),
  )(x, W1, degp)

  zeros_h = jnp.zeros((CHUNK, H), jnp.float32)
  zeros_2 = jnp.zeros((CHUNK, W2P), jnp.float32)
  p = _edge_pass_l1(eir, y, zeros_h)

  z = pl.pallas_call(
      _tc_mid,
      out_shape=jax.ShapeDtypeStruct((N, W2P), jnp.float32),
  )(p, y, dis, b1.reshape(1, H), jnp.pad(W2, ((0, 0), (0, W2P - 2))))

  q = _edge_pass_l2(eir, z, zeros_2)

  out = pl.pallas_call(
      _tc_final,
      out_shape=jax.ShapeDtypeStruct((N, 2), jnp.float32),
  )(q, z, dis, b2.reshape(1, 2))

  return out

# --- scband reference (transcript-rebuilt; emitter-appended) ---
"""Pipeline reference for scband-gnn-53249004536466 (READ-ONLY COPY).

The authoritative reference and input builder live on the scoring server;
editing this copy changes nothing except your own understanding.
"""

import jax, jax.numpy as jnp
import numpy as np

N = 10000
E = 320000
D_IN = 128
H = 32
D_OUT = 2


def setup_inputs(seed: int = 0) -> dict:
    key = jax.random.key(seed)
    k_x, k_ei, k_w1, k_b1, k_w2, k_b2 = jax.random.split(key, 6)
    x = jax.random.normal(k_x, (N, D_IN), dtype=jnp.float32)
    edge_index = jax.random.randint(k_ei, (2, E), 0, N, dtype=jnp.int64)
    W1 = jax.random.normal(k_w1, (D_IN, H), dtype=jnp.float32) * (1.0 / np.sqrt(D_IN))
    b1 = jnp.zeros((H,), dtype=jnp.float32)
    W2 = jax.random.normal(k_w2, (H, D_OUT), dtype=jnp.float32) * (1.0 / np.sqrt(H))
    b2 = jnp.zeros((D_OUT,), dtype=jnp.float32)
    return {"x": x, "edge_index": edge_index, "W1": W1, "b1": b1, "W2": W2, "b2": b2}


def _gcn_conv(x, edge_index, W, b):
    # GCNConv: add self-loops, symmetric normalization D^{-1/2}(A+I)D^{-1/2} X W + b
    n = x.shape[0]
    loops = jnp.arange(n, dtype=edge_index.dtype)
    src = jnp.concatenate([edge_index[0], loops])
    dst = jnp.concatenate([edge_index[1], loops])
    xw = x @ W
    deg = jnp.zeros((n,), dtype=xw.dtype).at[dst].add(1.0)
    deg_inv_sqrt = jnp.where(deg > 0, 1.0 / jnp.sqrt(deg), 0.0)
    norm = deg_inv_sqrt[src] * deg_inv_sqrt[dst]
    msgs = xw[src] * norm[:, None]
    out = jnp.zeros_like(xw).at[dst].add(msgs)
    return out + b


def reference(x, edge_index, W1, b1, W2, b2):
    h = _gcn_conv(x, edge_index, W1, b1)
    h = jax.nn.relu(h)
    out = _gcn_conv(h, edge_index, W2, b2)
    return out

if __name__ == "__main__":
    import jax
    _d = setup_inputs()
    print(jax.jit(kernel)(*tuple(_d.values())))

</pallas_src>

<mosaic_0001>
#map = affine_map<(d0, d1) -> (0, 0, 0, 0)>
#map1 = affine_map<(d0, d1) -> (0, 0)>
#map2 = affine_map<(d0, d1) -> (0, 0, 0)>
module attributes {stable_mosaic.version = 14 : i64} {
  func.func @edge_pass(%arg0: i32, %arg1: i32, %arg2: memref<2x32x25x400xi32, #tpu.memory_space<hbm>>, %arg3: memref<10000x8xf32, #tpu.memory_space<hbm>>, %arg4: memref<400x8xf32, #tpu.memory_space<hbm>>, %arg5: memref<2x10000x8xf32, #tpu.memory_space<hbm>>, %arg6: memref<25x400xi32, #tpu.memory_space<vmem>>, %arg7: memref<25x400xi32, #tpu.memory_space<vmem>>, %arg8: memref<5x400x8xf32, #tpu.memory_space<vmem>>, %arg9: memref<10000x8xf32, #tpu.memory_space<vmem_shared>>, %arg10: memref<10000x8xf32, #tpu.memory_space<vmem_shared>>, %arg11: memref<!tpu.dma_semaphore, #tpu.memory_space<semaphore_mem>>, %arg12: memref<!tpu.dma_semaphore, #tpu.memory_space<semaphore_mem>>, %arg13: memref<!tpu.dma_semaphore, #tpu.memory_space<semaphore_mem>>, %arg14: memref<!tpu.dma_semaphore, #tpu.memory_space<semaphore_mem>>, %arg15: memref<!tpu.dma_semaphore, #tpu.memory_space<semaphore_mem>>, %arg16: memref<!tpu.dma_semaphore, #tpu.memory_space<semaphore_mem>>, %arg17: memref<!tpu.dma_semaphore, #tpu.memory_space<semaphore_mem>>, %arg18: memref<!tpu.dma_semaphore, #tpu.memory_space<semaphore_mem>>, %arg19: memref<!tpu.dma_semaphore, #tpu.memory_space<semaphore_mem>>, %arg20: memref<!tpu.dma_semaphore, #tpu.memory_space<semaphore_mem>>) attributes {dimension_semantics = [#tpu.dimension_semantics<core_parallel>, #tpu.dimension_semantics<subcore_parallel>], iteration_bounds = array<i64: 2, 16>, scalar_prefetch = 0 : i64, scratch_operands = 15 : i64, tpu.core_type = #tpu.core_type<sc_vector_subcore>, window_params = [{transform_indices = #map}, {transform_indices = #map1}, {transform_indices = #map1}, {transform_indices = #map2}]} {
    %mul3A = arith.constant 16 : i32
    %mul3A_0 = arith.muli %arg0, %mul3A : i32
    %add3A = arith.addi %mul3A_0, %arg1 : i32
    %run_scoped3A = arith.constant 0 : i32
    "tpu.region"() ({
      %run_scoped3A_283 = tpu.sem_alloc : memref<!tpu.dma_semaphore, #tpu.memory_space<semaphore_mem>>
      %dma_start3A_284 = arith.constant 0 : i32
      %dma_start3A_285 = arith.constant 0 : i32
      %dma_start3A_286 = tpu.memref_slice %arg8[%run_scoped3A, %dma_start3A_284, %dma_start3A_285] : memref<5x400x8xf32, #tpu.memory_space<vmem>> -> memref<1x400x8xf32, #tpu.memory_space<vmem>>
      %dma_start3A_287 = tpu.memref_squeeze %dma_start3A_286 : memref<1x400x8xf32, #tpu.memory_space<vmem>> -> memref<400x8xf32, #tpu.memory_space<vmem>>
      %dma_start3A_288 = arith.constant 0 : i32
      %dma_start3A_289 = arith.constant 0 : i32
      %dma_start3A_290 = tpu.memref_slice %arg8[%run_scoped3A, %dma_start3A_288, %dma_start3A_289] : memref<5x400x8xf32, #tpu.memory_space<vmem>> -> memref<1x400x8xf32, #tpu.memory_space<vmem>>
      %dma_start3A_291 = tpu.memref_squeeze %dma_start3A_290 : memref<1x400x8xf32, #tpu.memory_space<vmem>> -> memref<400x8xf32, #tpu.memory_space<vmem>>
      tpu.enqueue_dma source(%arg4 : memref<400x8xf32, #tpu.memory_space<hbm>>) target(%dma_start3A_291 : memref<400x8xf32, #tpu.memory_space<vmem>>) target_semaphore(%run_scoped3A_283 : memref<!tpu.dma_semaphore, #tpu.memory_space<semaphore_mem>>)
      %dma_wait3A_292 = arith.constant 0 : i32
      %dma_wait3A_293 = arith.constant 0 : i32
      %dma_wait3A_294 = tpu.memref_slice %arg8[%run_scoped3A, %dma_wait3A_292, %dma_wait3A_293] : memref<5x400x8xf32, #tpu.memory_space<vmem>> -> memref<1x400x8xf32, #tpu.memory_space<vmem>>
      %dma_wait3A_295 = tpu.memref_squeeze %dma_wait3A_294 : memref<1x400x8xf32, #tpu.memory_space<vmem>> -> memref<400x8xf32, #tpu.memory_space<vmem>>
      %dma_wait3A_296 = arith.constant 0 : i32
      %dma_wait3A_297 = arith.constant 0 : i32
      %dma_wait3A_298 = tpu.memref_slice %arg8[%run_scoped3A, %dma_wait3A_296, %dma_wait3A_297] : memref<5x400x8xf32, #tpu.memory_space<vmem>> -> memref<1x400x8xf32, #tpu.memory_space<vmem>>
      %dma_wait3A_299 = tpu.memref_squeeze %dma_wait3A_298 : memref<1x400x8xf32, #tpu.memory_space<vmem>> -> memref<400x8xf32, #tpu.memory_space<vmem>>
      tpu.wait_dma2 semaphore(%run_scoped3A_283 : memref<!tpu.dma_semaphore, #tpu.memory_space<semaphore_mem>>) src(%arg4 : memref<400x8xf32, #tpu.memory_space<hbm>>) dst(%dma_wait3A_299 : memref<400x8xf32, #tpu.memory_space<vmem>>)
      tpu.yield
    }) : () -> ()
    %mul3A_1 = arith.constant 625 : i32
    %mul3A_2 = arith.muli %arg1, %mul3A_1 : i32
    %scan3A = arith.constant 0 : i32
    %mul3A_3 = arith.constant 1 : i32
    %mul3A_4 = arith.muli %scan3A, %mul3A_3 : i32
    %add3A_5 = arith.constant 0 : i32
    %add3A_6 = arith.addi %add3A_5, %mul3A_4 : i32
    %mul3A_7 = arith.constant 400 : i32
    %mul3A_8 = arith.muli %add3A_6, %mul3A_7 : i32
    %add3A_9 = arith.addi %mul3A_2, %mul3A_8 : i32
    %run_scoped3A_10 = arith.constant 0 : i32
    "tpu.region"() ({
      %run_scoped3A_283 = tpu.sem_alloc : memref<!tpu.dma_semaphore, #tpu.memory_space<semaphore_mem>>
      %dma_start3A_284 = arith.constant 0 : i32
      %dma_start3A_285 = arith.constant 0 : i32
      %dma_start3A_286 = tpu.memref_slice %arg8[%run_scoped3A_10, %dma_start3A_284, %dma_start3A_285] : memref<5x400x8xf32, #tpu.memory_space<vmem>> -> memref<1x400x8xf32, #tpu.memory_space<vmem>>
      %dma_start3A_287 = tpu.memref_squeeze %dma_start3A_286 : memref<1x400x8xf32, #tpu.memory_space<vmem>> -> memref<400x8xf32, #tpu.memory_space<vmem>>
      %dma_start3A_288 = arith.constant 0 : i32
      %dma_start3A_289 = arith.constant 0 : i32
      %dma_start3A_290 = tpu.memref_slice %dma_start3A_287[%dma_start3A_288, %dma_start3A_289] : memref<400x8xf32, #tpu.memory_space<vmem>> -> memref<400x8xf32, #tpu.memory_space<vmem>>
      %dma_start3A_291 = arith.constant 0 : i32
      %dma_start3A_292 = tpu.memref_slice %arg9[%add3A_9, %dma_start3A_291] : memref<10000x8xf32, #tpu.memory_space<vmem_shared>> -> memref<400x8xf32, #tpu.memory_space<vmem_shared>>
      %dma_start3A_293 = arith.constant 0 : i32
      %dma_start3A_294 = tpu.memref_slice %arg9[%add3A_9, %dma_start3A_293] : memref<10000x8xf32, #tpu.memory_space<vmem_shared>> -> memref<400x8xf32, #tpu.memory_space<vmem_shared>>
      %dma_start3A_295 = arith.constant 0 : i32
      %dma_start3A_296 = arith.constant 0 : i32
      %dma_start3A_297 = tpu.memref_slice %arg8[%run_scoped3A_10, %dma_start3A_295, %dma_start3A_296] : memref<5x400x8xf32, #tpu.memory_space<vmem>> -> memref<1x400x8xf32, #tpu.memory_space<vmem>>
      %dma_start3A_298 = tpu.memref_squeeze %dma_start3A_297 : memref<1x400x8xf32, #tpu.memory_space<vmem>> -> memref<400x8xf32, #tpu.memory_space<vmem>>
      %dma_start3A_299 = arith.constant 0 : i32
      %dma_start3A_300 = arith.constant 0 : i32
      %dma_start3A_301 = tpu.memref_slice %dma_start3A_298[%dma_start3A_299, %dma_start3A_300] : memref<400x8xf32, #tpu.memory_space<vmem>> -> memref<400x8xf32, #tpu.memory_space<vmem>>
      tpu.enqueue_dma source(%dma_start3A_301 : memref<400x8xf32, #tpu.memory_space<vmem>>) target(%dma_start3A_294 : memref<400x8xf32, #tpu.memory_space<vmem_shared>>) target_semaphore(%run_scoped3A_283 : memref<!tpu.dma_semaphore, #tpu.memory_space<semaphore_mem>>)
      %dma_wait3A_302 = arith.constant 0 : i32
      %dma_wait3A_303 = arith.constant 0 : i32
      %dma_wait3A_304 = tpu.memref_slice %arg8[%run_scoped3A_10, %dma_wait3A_302, %dma_wait3A_303] : memref<5x400x8xf32, #tpu.memory_space<vmem>> -> memref<1x400x8xf32, #tpu.memory_space<vmem>>
      %dma_wait3A_305 = tpu.memref_squeeze %dma_wait3A_304 : memref<1x400x8xf32, #tpu.memory_space<vmem>> -> memref<400x8xf32, #tpu.memory_space<vmem>>
      %dma_wait3A_306 = arith.constant 0 : i32
      %dma_wait3A_307 = arith.constant 0 : i32
      %dma_wait3A_308 = tpu.memref_slice %dma_wait3A_305[%dma_wait3A_306, %dma_wait3A_307] : memref<400x8xf32, #tpu.memory_space<vmem>> -> memref<400x8xf32, #tpu.memory_space<vmem>>
      %dma_wait3A_309 = arith.constant 0 : i32
      %dma_wait3A_310 = tpu.memref_slice %arg9[%add3A_9, %dma_wait3A_309] : memref<10000x8xf32, #tpu.memory_space<vmem_shared>> -> memref<400x8xf32, #tpu.memory_space<vmem_shared>>
      %dma_wait3A_311 = arith.constant 0 : i32
      %dma_wait3A_312 = tpu.memref_slice %arg9[%add3A_9, %dma_wait3A_311] : memref<10000x8xf32, #tpu.memory_space<vmem_shared>> -> memref<400x8xf32, #tpu.memory_space<vmem_shared>>
      %dma_wait3A_313 = arith.constant 0 : i32
      %dma_wait3A_314 = arith.constant 0 : i32
      %dma_wait3A_315 = tpu.memref_slice %arg8[%run_scoped3A_10, %dma_wait3A_313, %dma_wait3A_314] : memref<5x400x8xf32, #tpu.memory_space<vmem>> -> memref<1x400x8xf32, #tpu.memory_space<vmem>>
      %dma_wait3A_316 = tpu.memref_squeeze %dma_wait3A_315 : memref<1x400x8xf32, #tpu.memory_space<vmem>> -> memref<400x8xf32, #tpu.memory_space<vmem>>
      %dma_wait3A_317 = arith.constant 0 : i32
      %dma_wait3A_318 = arith.constant 0 : i32
      %dma_wait3A_319 = tpu.memref_slice %dma_wait3A_316[%dma_wait3A_317, %dma_wait3A_318] : memref<400x8xf32, #tpu.memory_space<vmem>> -> memref<400x8xf32, #tpu.memory_space<vmem>>
      tpu.wait_dma2 semaphore(%run_scoped3A_283 : memref<!tpu.dma_semaphore, #tpu.memory_space<semaphore_mem>>) src(%dma_wait3A_319 : memref<400x8xf32, #tpu.memory_space<vmem>>) dst(%dma_wait3A_312 : memref<400x8xf32, #tpu.memory_space<vmem_shared>>)
      tpu.yield
    }) : () -> ()
    %scan3A_11 = arith.constant 1 : i32
    %add3A_12 = arith.constant 400 : i32
    %add3A_13 = arith.addi %mul3A_2, %add3A_12 : i32
    %run_scoped3A_14 = arith.constant 0 : i32
    "tpu.region"() ({
      %run_scoped3A_283 = tpu.sem_alloc : memref<!tpu.dma_semaphore, #tpu.memory_space<semaphore_mem>>
      %dma_start3A_284 = arith.constant 0 : i32
      %dma_start3A_285 = arith.constant 0 : i32
      %dma_start3A_286 = tpu.memref_slice %arg8[%run_scoped3A_14, %dma_start3A_284, %dma_start3A_285] : memref<5x400x8xf32, #tpu.memory_space<vmem>> -> memref<1x400x8xf32, #tpu.memory_space<vmem>>
      %dma_start3A_287 = tpu.memref_squeeze %dma_start3A_286 : memref<1x400x8xf32, #tpu.memory_space<vmem>> -> memref<400x8xf32, #tpu.memory_space<vmem>>
      %dma_start3A_288 = arith.constant 0 : i32
      %dma_start3A_289 = arith.constant 0 : i32
      %dma_start3A_290 = tpu.memref_slice %dma_start3A_287[%dma_start3A_288, %dma_start3A_289] : memref<400x8xf32, #tpu.memory_space<vmem>> -> memref<225x8xf32, #tpu.memory_space<vmem>>
      %dma_start3A_291 = arith.constant 0 : i32
      %dma_start3A_292 = tpu.memref_slice %arg9[%add3A_13, %dma_start3A_291] : memref<10000x8xf32, #tpu.memory_space<vmem_shared>> -> memref<225x8xf32, #tpu.memory_space<vmem_shared>>
      %dma_start3A_293 = arith.constant 0 : i32
      %dma_start3A_294 = tpu.memref_slice %arg9[%add3A_13, %dma_start3A_293] : memref<10000x8xf32, #tpu.memory_space<vmem_shared>> -> memref<225x8xf32, #tpu.memory_space<vmem_shared>>
      %dma_start3A_295 = arith.constant 0 : i32
      %dma_start3A_296 = arith.constant 0 : i32
      %dma_start3A_297 = tpu.memref_slice %arg8[%run_scoped3A_14, %dma_start3A_295, %dma_start3A_296] : memref<5x400x8xf32, #tpu.memory_space<vmem>> -> memref<1x400x8xf32, #tpu.memory_space<vmem>>
      %dma_start3A_298 = tpu.memref_squeeze %dma_start3A_297 : memref<1x400x8xf32, #tpu.memory_space<vmem>> -> memref<400x8xf32, #tpu.memory_space<vmem>>
      %dma_start3A_299 = arith.constant 0 : i32
      %dma_start3A_300 = arith.constant 0 : i32
      %dma_start3A_301 = tpu.memref_slice %dma_start3A_298[%dma_start3A_299, %dma_start3A_300] : memref<400x8xf32, #tpu.memory_space<vmem>> -> memref<225x8xf32, #tpu.memory_space<vmem>>
      tpu.enqueue_dma source(%dma_start3A_301 : memref<225x8xf32, #tpu.memory_space<vmem>>) target(%dma_start3A_294 : memref<225x8xf32, #tpu.memory_space<vmem_shared>>) target_semaphore(%run_scoped3A_283 : memref<!tpu.dma_semaphore, #tpu.memory_space<semaphore_mem>>)
      %dma_wait3A_302 = arith.constant 0 : i32
      %dma_wait3A_303 = arith.constant 0 : i32
      %dma_wait3A_304 = tpu.memref_slice %arg8[%run_scoped3A_14, %dma_wait3A_302, %dma_wait3A_303] : memref<5x400x8xf32, #tpu.memory_space<vmem>> -> memref<1x400x8xf32, #tpu.memory_space<vmem>>
      %dma_wait3A_305 = tpu.memref_squeeze %dma_wait3A_304 : memref<1x400x8xf32, #tpu.memory_space<vmem>> -> memref<400x8xf32, #tpu.memory_space<vmem>>
      %dma_wait3A_306 = arith.constant 0 : i32
      %dma_wait3A_307 = arith.constant 0 : i32
      %dma_wait3A_308 = tpu.memref_slice %dma_wait3A_305[%dma_wait3A_306, %dma_wait3A_307] : memref<400x8xf32, #tpu.memory_space<vmem>> -> memref<225x8xf32, #tpu.memory_space<vmem>>
      %dma_wait3A_309 = arith.constant 0 : i32
      %dma_wait3A_310 = tpu.memref_slice %arg9[%add3A_13, %dma_wait3A_309] : memref<10000x8xf32, #tpu.memory_space<vmem_shared>> -> memref<225x8xf32, #tpu.memory_space<vmem_shared>>
      %dma_wait3A_311 = arith.constant 0 : i32
      %dma_wait3A_312 = tpu.memref_slice %arg9[%add3A_13, %dma_wait3A_311] : memref<10000x8xf32, #tpu.memory_space<vmem_shared>> -> memref<225x8xf32, #tpu.memory_space<vmem_shared>>
      %dma_wait3A_313 = arith.constant 0 : i32
      %dma_wait3A_314 = arith.constant 0 : i32
      %dma_wait3A_315 = tpu.memref_slice %arg8[%run_scoped3A_14, %dma_wait3A_313, %dma_wait3A_314] : memref<5x400x8xf32, #tpu.memory_space<vmem>> -> memref<1x400x8xf32, #tpu.memory_space<vmem>>
      %dma_wait3A_316 = tpu.memref_squeeze %dma_wait3A_315 : memref<1x400x8xf32, #tpu.memory_space<vmem>> -> memref<400x8xf32, #tpu.memory_space<vmem>>
      %dma_wait3A_317 = arith.constant 0 : i32
      %dma_wait3A_318 = arith.constant 0 : i32
      %dma_wait3A_319 = tpu.memref_slice %dma_wait3A_316[%dma_wait3A_317, %dma_wait3A_318] : memref<400x8xf32, #tpu.memory_space<vmem>> -> memref<225x8xf32, #tpu.memory_space<vmem>>
      tpu.wait_dma2 semaphore(%run_scoped3A_283 : memref<!tpu.dma_semaphore, #tpu.memory_space<semaphore_mem>>) src(%dma_wait3A_319 : memref<225x8xf32, #tpu.memory_space<vmem>>) dst(%dma_wait3A_312 : memref<225x8xf32, #tpu.memory_space<vmem_shared>>)
      tpu.yield
    }) : () -> ()
    %scan3A_15 = arith.constant 0 : i32
    %mul3A_16 = arith.constant 1 : i32
    %mul3A_17 = arith.muli %scan3A_15, %mul3A_16 : i32
    %add3A_18 = arith.constant 0 : i32
    %add3A_19 = arith.addi %add3A_18, %mul3A_17 : i32
    %mul3A_20 = arith.constant 400 : i32
    %mul3A_21 = arith.muli %add3A_19, %mul3A_20 : i32
    %add3A_22 = arith.addi %mul3A_2, %mul3A_21 : i32
    "tpu.region"() ({
      %run_scoped3A_283 = tpu.sem_alloc : memref<!tpu.dma_semaphore, #tpu.memory_space<semaphore_mem>>
      %dma_start3A_284 = arith.constant 0 : i32
      %dma_start3A_285 = tpu.memref_slice %arg10[%add3A_22, %dma_start3A_284] : memref<10000x8xf32, #tpu.memory_space<vmem_shared>> -> memref<400x8xf32, #tpu.memory_space<vmem_shared>>
      %dma_start3A_286 = arith.constant 0 : i32
      %dma_start3A_287 = tpu.memref_slice %arg3[%add3A_22, %dma_start3A_286] : memref<10000x8xf32, #tpu.memory_space<hbm>> -> memref<400x8xf32, #tpu.memory_space<hbm>>
      tpu.enqueue_dma source(%dma_start3A_287 : memref<400x8xf32, #tpu.memory_space<hbm>>) target(%dma_start3A_285 : memref<400x8xf32, #tpu.memory_space<vmem_shared>>) target_semaphore(%run_scoped3A_283 : memref<!tpu.dma_semaphore, #tpu.memory_space<semaphore_mem>>)
      %dma_wait3A_288 = arith.constant 0 : i32
      %dma_wait3A_289 = tpu.memref_slice %arg10[%add3A_22, %dma_wait3A_288] : memref<10000x8xf32, #tpu.memory_space<vmem_shared>> -> memref<400x8xf32, #tpu.memory_space<vmem_shared>>
      %dma_wait3A_290 = arith.constant 0 : i32
      %dma_wait3A_291 = tpu.memref_slice %arg3[%add3A_22, %dma_wait3A_290] : memref<10000x8xf32, #tpu.memory_space<hbm>> -> memref<400x8xf32, #tpu.memory_space<hbm>>
      tpu.wait_dma2 semaphore(%run_scoped3A_283 : memref<!tpu.dma_semaphore, #tpu.memory_space<semaphore_mem>>) src(%dma_wait3A_291 : memref<400x8xf32, #tpu.memory_space<hbm>>) dst(%dma_wait3A_289 : memref<400x8xf32, #tpu.memory_space<vmem_shared>>)
      tpu.yield
    }) : () -> ()
    %scan3A_23 = arith.constant 1 : i32
    %add3A_24 = arith.constant 400 : i32
    %add3A_25 = arith.addi %mul3A_2, %add3A_24 : i32
    "tpu.region"() ({
      %run_scoped3A_283 = tpu.sem_alloc : memref<!tpu.dma_semaphore, #tpu.memory_space<semaphore_mem>>
      %dma_start3A_284 = arith.constant 0 : i32
      %dma_start3A_285 = tpu.memref_slice %arg10[%add3A_25, %dma_start3A_284] : memref<10000x8xf32, #tpu.memory_space<vmem_shared>> -> memref<225x8xf32, #tpu.memory_space<vmem_shared>>
      %dma_start3A_286 = arith.constant 0 : i32
      %dma_start3A_287 = tpu.memref_slice %arg3[%add3A_25, %dma_start3A_286] : memref<10000x8xf32, #tpu.memory_space<hbm>> -> memref<225x8xf32, #tpu.memory_space<hbm>>
      tpu.enqueue_dma source(%dma_start3A_287 : memref<225x8xf32, #tpu.memory_space<hbm>>) target(%dma_start3A_285 : memref<225x8xf32, #tpu.memory_space<vmem_shared>>) target_semaphore(%run_scoped3A_283 : memref<!tpu.dma_semaphore, #tpu.memory_space<semaphore_mem>>)
      %dma_wait3A_288 = arith.constant 0 : i32
      %dma_wait3A_289 = tpu.memref_slice %arg10[%add3A_25, %dma_wait3A_288] : memref<10000x8xf32, #tpu.memory_space<vmem_shared>> -> memref<225x8xf32, #tpu.memory_space<vmem_shared>>
      %dma_wait3A_290 = arith.constant 0 : i32
      %dma_wait3A_291 = tpu.memref_slice %arg3[%add3A_25, %dma_wait3A_290] : memref<10000x8xf32, #tpu.memory_space<hbm>> -> memref<225x8xf32, #tpu.memory_space<hbm>>
      tpu.wait_dma2 semaphore(%run_scoped3A_283 : memref<!tpu.dma_semaphore, #tpu.memory_space<semaphore_mem>>) src(%dma_wait3A_291 : memref<225x8xf32, #tpu.memory_space<hbm>>) dst(%dma_wait3A_289 : memref<225x8xf32, #tpu.memory_space<vmem_shared>>)
      tpu.yield
    }) : () -> ()
    %run_scoped3A_26 = arith.constant 0 : i32
    "tpu.region"() ({
      %run_scoped3A_283 = tpu.sem_alloc : memref<!tpu.dma_semaphore, #tpu.memory_space<semaphore_mem>>
      %dma_start3A_284 = arith.constant 0 : i32
      %dma_start3A_285 = arith.constant 0 : i32
      %dma_start3A_286 = tpu.memref_slice %arg2[%run_scoped3A_26, %add3A, %dma_start3A_284, %dma_start3A_285] : memref<2x32x25x400xi32, #tpu.memory_space<hbm>> -> memref<1x1x25x400xi32, #tpu.memory_space<hbm>>
      %dma_start3A_287 = tpu.memref_squeeze %dma_start3A_286 : memref<1x1x25x400xi32, #tpu.memory_space<hbm>> -> memref<25x400xi32, #tpu.memory_space<hbm>>
      %dma_start3A_288 = arith.constant 0 : i32
      %dma_start3A_289 = arith.constant 0 : i32
      %dma_start3A_290 = tpu.memref_slice %arg2[%run_scoped3A_26, %add3A, %dma_start3A_288, %dma_start3A_289] : memref<2x32x25x400xi32, #tpu.memory_space<hbm>> -> memref<1x1x25x400xi32, #tpu.memory_space<hbm>>
      %dma_start3A_291 = tpu.memref_squeeze %dma_start3A_290 : memref<1x1x25x400xi32, #tpu.memory_space<hbm>> -> memref<25x400xi32, #tpu.memory_space<hbm>>
      tpu.enqueue_dma source(%dma_start3A_291 : memref<25x400xi32, #tpu.memory_space<hbm>>) target(%arg6 : memref<25x400xi32, #tpu.memory_space<vmem>>) target_semaphore(%run_scoped3A_283 : memref<!tpu.dma_semaphore, #tpu.memory_space<semaphore_mem>>)
      %dma_wait3A_292 = arith.constant 0 : i32
      %dma_wait3A_293 = arith.constant 0 : i32
      %dma_wait3A_294 = tpu.memref_slice %arg2[%run_scoped3A_26, %add3A, %dma_wait3A_292, %dma_wait3A_293] : memref<2x32x25x400xi32, #tpu.memory_space<hbm>> -> memref<1x1x25x400xi32, #tpu.memory_space<hbm>>
      %dma_wait3A_295 = tpu.memref_squeeze %dma_wait3A_294 : memref<1x1x25x400xi32, #tpu.memory_space<hbm>> -> memref<25x400xi32, #tpu.memory_space<hbm>>
      %dma_wait3A_296 = arith.constant 0 : i32
      %dma_wait3A_297 = arith.constant 0 : i32
      %dma_wait3A_298 = tpu.memref_slice %arg2[%run_scoped3A_26, %add3A, %dma_wait3A_296, %dma_wait3A_297] : memref<2x32x25x400xi32, #tpu.memory_space<hbm>> -> memref<1x1x25x400xi32, #tpu.memory_space<hbm>>
      %dma_wait3A_299 = tpu.memref_squeeze %dma_wait3A_298 : memref<1x1x25x400xi32, #tpu.memory_space<hbm>> -> memref<25x400xi32, #tpu.memory_space<hbm>>
      tpu.wait_dma2 semaphore(%run_scoped3A_283 : memref<!tpu.dma_semaphore, #tpu.memory_space<semaphore_mem>>) src(%dma_wait3A_299 : memref<25x400xi32, #tpu.memory_space<hbm>>) dst(%arg6 : memref<25x400xi32, #tpu.memory_space<vmem>>)
      tpu.yield
    }) : () -> ()
    %run_scoped3A_27 = arith.constant 1 : i32
    "tpu.region"() ({
      %run_scoped3A_283 = tpu.sem_alloc : memref<!tpu.dma_semaphore, #tpu.memory_space<semaphore_mem>>
      %dma_start3A_284 = arith.constant 0 : i32
      %dma_start3A_285 = arith.constant 0 : i32
      %dma_start3A_286 = tpu.memref_slice %arg2[%run_scoped3A_27, %add3A, %dma_start3A_284, %dma_start3A_285] : memref<2x32x25x400xi32, #tpu.memory_space<hbm>> -> memref<1x1x25x400xi32, #tpu.memory_space<hbm>>
      %dma_start3A_287 = tpu.memref_squeeze %dma_start3A_286 : memref<1x1x25x400xi32, #tpu.memory_space<hbm>> -> memref<25x400xi32, #tpu.memory_space<hbm>>
      %dma_start3A_288 = arith.constant 0 : i32
      %dma_start3A_289 = arith.constant 0 : i32
      %dma_start3A_290 = tpu.memref_slice %arg2[%run_scoped3A_27, %add3A, %dma_start3A_288, %dma_start3A_289] : memref<2x32x25x400xi32, #tpu.memory_space<hbm>> -> memref<1x1x25x400xi32, #tpu.memory_space<hbm>>
      %dma_start3A_291 = tpu.memref_squeeze %dma_start3A_290 : memref<1x1x25x400xi32, #tpu.memory_space<hbm>> -> memref<25x400xi32, #tpu.memory_space<hbm>>
      tpu.enqueue_dma source(%dma_start3A_291 : memref<25x400xi32, #tpu.memory_space<hbm>>) target(%arg7 : memref<25x400xi32, #tpu.memory_space<vmem>>) target_semaphore(%run_scoped3A_283 : memref<!tpu.dma_semaphore, #tpu.memory_space<semaphore_mem>>)
      %dma_wait3A_292 = arith.constant 0 : i32
      %dma_wait3A_293 = arith.constant 0 : i32
      %dma_wait3A_294 = tpu.memref_slice %arg2[%run_scoped3A_27, %add3A, %dma_wait3A_292, %dma_wait3A_293] : memref<2x32x25x400xi32, #tpu.memory_space<hbm>> -> memref<1x1x25x400xi32, #tpu.memory_space<hbm>>
      %dma_wait3A_295 = tpu.memref_squeeze %dma_wait3A_294 : memref<1x1x25x400xi32, #tpu.memory_space<hbm>> -> memref<25x400xi32, #tpu.memory_space<hbm>>
      %dma_wait3A_296 = arith.constant 0 : i32
      %dma_wait3A_297 = arith.constant 0 : i32
      %dma_wait3A_298 = tpu.memref_slice %arg2[%run_scoped3A_27, %add3A, %dma_wait3A_296, %dma_wait3A_297] : memref<2x32x25x400xi32, #tpu.memory_space<hbm>> -> memref<1x1x25x400xi32, #tpu.memory_space<hbm>>
      %dma_wait3A_299 = tpu.memref_squeeze %dma_wait3A_298 : memref<1x1x25x400xi32, #tpu.memory_space<hbm>> -> memref<25x400xi32, #tpu.memory_space<hbm>>
      tpu.wait_dma2 semaphore(%run_scoped3A_283 : memref<!tpu.dma_semaphore, #tpu.memory_space<semaphore_mem>>) src(%dma_wait3A_299 : memref<25x400xi32, #tpu.memory_space<hbm>>) dst(%arg7 : memref<25x400xi32, #tpu.memory_space<vmem>>)
      tpu.yield
    }) : () -> ()
    %barrier3A = arith.constant 0 : index
    tpu.barrier barrier_id(%barrier3A)
    %dma_start3A = arith.constant 0 : i32
    %dma_start3A_28 = arith.constant 0 : i32
    %dma_start3A_29 = arith.constant 0 : i32
    %dma_start3A_30 = arith.constant 0 : i32
    %dma_start3A_31 = tpu.memref_slice %arg8[%dma_start3A_28, %dma_start3A_29, %dma_start3A_30] : memref<5x400x8xf32, #tpu.memory_space<vmem>> -> memref<1x400x8xf32, #tpu.memory_space<vmem>>
    %dma_start3A_32 = tpu.memref_squeeze %dma_start3A_31 : memref<1x400x8xf32, #tpu.memory_space<vmem>> -> memref<400x8xf32, #tpu.memory_space<vmem>>
    %dma_start3A_33 = arith.constant 0 : i32
    %dma_start3A_34 = tpu.memref_slice %arg6[%dma_start3A, %dma_start3A_33] : memref<25x400xi32, #tpu.memory_space<vmem>> -> memref<1x400xi32, #tpu.memory_space<vmem>>
    %dma_start3A_35 = tpu.memref_squeeze %dma_start3A_34 : memref<1x400xi32, #tpu.memory_space<vmem>> -> memref<400xi32, #tpu.memory_space<vmem>>
    %dma_start3A_36 = arith.constant 0 : i32
    %dma_start3A_37 = arith.constant 0 : i32
    %dma_start3A_38 = tpu.memref_slice %arg10[%dma_start3A_36, %dma_start3A_37] : memref<10000x8xf32, #tpu.memory_space<vmem_shared>> -> memref<10000x8xf32, #tpu.memory_space<vmem_shared>>
    tpu.enqueue_indirect_dma source(%dma_start3A_38 : memref<10000x8xf32, #tpu.memory_space<vmem_shared>>) target(%dma_start3A_32 : memref<400x8xf32, #tpu.memory_space<vmem>>) offsets(%dma_start3A_35 : memref<400xi32, #tpu.memory_space<vmem>>) semaphore(%arg11 : memref<!tpu.dma_semaphore, #tpu.memory_space<semaphore_mem>>)
    %dma_start3A_39 = arith.constant 1 : i32
    %dma_start3A_40 = arith.constant 1 : i32
    %dma_start3A_41 = arith.constant 0 : i32
    %dma_start3A_42 = arith.constant 0 : i32
    %dma_start3A_43 = tpu.memref_slice %arg8[%dma_start3A_40, %dma_start3A_41, %dma_start3A_42] : memref<5x400x8xf32, #tpu.memory_space<vmem>> -> memref<1x400x8xf32, #tpu.memory_space<vmem>>
    %dma_start3A_44 = tpu.memref_squeeze %dma_start3A_43 : memref<1x400x8xf32, #tpu.memory_space<vmem>> -> memref<400x8xf32, #tpu.memory_space<vmem>>
    %dma_start3A_45 = arith.constant 0 : i32
    %dma_start3A_46 = tpu.memref_slice %arg6[%dma_start3A_39, %dma_start3A_45] : memref<25x400xi32, #tpu.memory_space<vmem>> -> memref<1x400xi32, #tpu.memory_space<vmem>>
    %dma_start3A_47 = tpu.memref_squeeze %dma_start3A_46 : memref<1x400xi32, #tpu.memory_space<vmem>> -> memref<400xi32, #tpu.memory_space<vmem>>
    %dma_start3A_48 = arith.constant 0 : i32
    %dma_start3A_49 = arith.constant 0 : i32
    %dma_start3A_50 = tpu.memref_slice %arg10[%dma_start3A_48, %dma_start3A_49] : memref<10000x8xf32, #tpu.memory_space<vmem_shared>> -> memref<10000x8xf32, #tpu.memory_space<vmem_shared>>
    tpu.enqueue_indirect_dma source(%dma_start3A_50 : memref<10000x8xf32, #tpu.memory_space<vmem_shared>>) target(%dma_start3A_44 : memref<400x8xf32, #tpu.memory_space<vmem>>) offsets(%dma_start3A_47 : memref<400xi32, #tpu.memory_space<vmem>>) semaphore(%arg12 : memref<!tpu.dma_semaphore, #tpu.memory_space<semaphore_mem>>)
    %dma_start3A_51 = arith.constant 2 : i32
    %dma_start3A_52 = arith.constant 2 : i32
    %dma_start3A_53 = arith.constant 0 : i32
    %dma_start3A_54 = arith.constant 0 : i32
    %dma_start3A_55 = tpu.memref_slice %arg8[%dma_start3A_52, %dma_start3A_53, %dma_start3A_54] : memref<5x400x8xf32, #tpu.memory_space<vmem>> -> memref<1x400x8xf32, #tpu.memory_space<vmem>>
    %dma_start3A_56 = tpu.memref_squeeze %dma_start3A_55 : memref<1x400x8xf32, #tpu.memory_space<vmem>> -> memref<400x8xf32, #tpu.memory_space<vmem>>
    %dma_start3A_57 = arith.constant 0 : i32
    %dma_start3A_58 = tpu.memref_slice %arg6[%dma_start3A_51, %dma_start3A_57] : memref<25x400xi32, #tpu.memory_space<vmem>> -> memref<1x400xi32, #tpu.memory_space<vmem>>
    %dma_start3A_59 = tpu.memref_squeeze %dma_start3A_58 : memref<1x400xi32, #tpu.memory_space<vmem>> -> memref<400xi32, #tpu.memory_space<vmem>>
    %dma_start3A_60 = arith.constant 0 : i32
    %dma_start3A_61 = arith.constant 0 : i32
    %dma_start3A_62 = tpu.memref_slice %arg10[%dma_start3A_60, %dma_start3A_61] : memref<10000x8xf32, #tpu.memory_space<vmem_shared>> -> memref<10000x8xf32, #tpu.memory_space<vmem_shared>>
    tpu.enqueue_indirect_dma source(%dma_start3A_62 : memref<10000x8xf32, #tpu.memory_space<vmem_shared>>) target(%dma_start3A_56 : memref<400x8xf32, #tpu.memory_space<vmem>>) offsets(%dma_start3A_59 : memref<400xi32, #tpu.memory_space<vmem>>) semaphore(%arg13 : memref<!tpu.dma_semaphore, #tpu.memory_space<semaphore_mem>>)
    %dma_start3A_63 = arith.constant 3 : i32
    %dma_start3A_64 = arith.constant 3 : i32
    %dma_start3A_65 = arith.constant 0 : i32
    %dma_start3A_66 = arith.constant 0 : i32
    %dma_start3A_67 = tpu.memref_slice %arg8[%dma_start3A_64, %dma_start3A_65, %dma_start3A_66] : memref<5x400x8xf32, #tpu.memory_space<vmem>> -> memref<1x400x8xf32, #tpu.memory_space<vmem>>
    %dma_start3A_68 = tpu.memref_squeeze %dma_start3A_67 : memref<1x400x8xf32, #tpu.memory_space<vmem>> -> memref<400x8xf32, #tpu.memory_space<vmem>>
    %dma_start3A_69 = arith.constant 0 : i32
    %dma_start3A_70 = tpu.memref_slice %arg6[%dma_start3A_63, %dma_start3A_69] : memref<25x400xi32, #tpu.memory_space<vmem>> -> memref<1x400xi32, #tpu.memory_space<vmem>>
    %dma_start3A_71 = tpu.memref_squeeze %dma_start3A_70 : memref<1x400xi32, #tpu.memory_space<vmem>> -> memref<400xi32, #tpu.memory_space<vmem>>
    %dma_start3A_72 = arith.constant 0 : i32
    %dma_start3A_73 = arith.constant 0 : i32
    %dma_start3A_74 = tpu.memref_slice %arg10[%dma_start3A_72, %dma_start3A_73] : memref<10000x8xf32, #tpu.memory_space<vmem_shared>> -> memref<10000x8xf32, #tpu.memory_space<vmem_shared>>
    tpu.enqueue_indirect_dma source(%dma_start3A_74 : memref<10000x8xf32, #tpu.memory_space<vmem_shared>>) target(%dma_start3A_68 : memref<400x8xf32, #tpu.memory_space<vmem>>) offsets(%dma_start3A_71 : memref<400xi32, #tpu.memory_space<vmem>>) semaphore(%arg14 : memref<!tpu.dma_semaphore, #tpu.memory_space<semaphore_mem>>)
    %dma_start3A_75 = arith.constant 4 : i32
    %dma_start3A_76 = arith.constant 4 : i32
    %dma_start3A_77 = arith.constant 0 : i32
    %dma_start3A_78 = arith.constant 0 : i32
    %dma_start3A_79 = tpu.memref_slice %arg8[%dma_start3A_76, %dma_start3A_77, %dma_start3A_78] : memref<5x400x8xf32, #tpu.memory_space<vmem>> -> memref<1x400x8xf32, #tpu.memory_space<vmem>>
    %dma_start3A_80 = tpu.memref_squeeze %dma_start3A_79 : memref<1x400x8xf32, #tpu.memory_space<vmem>> -> memref<400x8xf32, #tpu.memory_space<vmem>>
    %dma_start3A_81 = arith.constant 0 : i32
    %dma_start3A_82 = tpu.memref_slice %arg6[%dma_start3A_75, %dma_start3A_81] : memref<25x400xi32, #tpu.memory_space<vmem>> -> memref<1x400xi32, #tpu.memory_space<vmem>>
    %dma_start3A_83 = tpu.memref_squeeze %dma_start3A_82 : memref<1x400xi32, #tpu.memory_space<vmem>> -> memref<400xi32, #tpu.memory_space<vmem>>
    %dma_start3A_84 = arith.constant 0 : i32
    %dma_start3A_85 = arith.constant 0 : i32
    %dma_start3A_86 = tpu.memref_slice %arg3[%dma_start3A_84, %dma_start3A_85] : memref<10000x8xf32, #tpu.memory_space<hbm>> -> memref<10000x8xf32, #tpu.memory_space<hbm>>
    tpu.enqueue_indirect_dma source(%dma_start3A_86 : memref<10000x8xf32, #tpu.memory_space<hbm>>) target(%dma_start3A_80 : memref<400x8xf32, #tpu.memory_space<vmem>>) offsets(%dma_start3A_83 : memref<400xi32, #tpu.memory_space<vmem>>) semaphore(%arg15 : memref<!tpu.dma_semaphore, #tpu.memory_space<semaphore_mem>>)
    %scan3A_87 = arith.constant 0 : i32
    %scan3A_88 = arith.constant 4 : i32
    %scan3A_89 = arith.addi %scan3A_87, %scan3A_88 : i32
    %scan3A_90 = arith.constant 1 : i32
    scf.for %scan3A_283 = %scan3A_87 to %scan3A_89 step %scan3A_90  : i32 {
      %mul3A_284 = arith.constant 5 : i32
      %mul3A_285 = arith.muli %scan3A_283, %mul3A_284 : i32
      %add3A_286 = arith.constant 0 : i32
      %add3A_287 = arith.addi %add3A_286, %mul3A_285 : i32
      %add3A_288 = arith.constant 0 : i32
      %add3A_289 = arith.addi %add3A_287, %add3A_288 : i32
      %dma_wait3A_290 = arith.constant 0 : i32
      %dma_wait3A_291 = arith.constant 0 : i32
      %dma_wait3A_292 = arith.constant 0 : i32
      %dma_wait3A_293 = tpu.memref_slice %arg8[%dma_wait3A_290, %dma_wait3A_291, %dma_wait3A_292] : memref<5x400x8xf32, #tpu.memory_space<vmem>> -> memref<1x400x8xf32, #tpu.memory_space<vmem>>
      %dma_wait3A_294 = tpu.memref_squeeze %dma_wait3A_293 : memref<1x400x8xf32, #tpu.memory_space<vmem>> -> memref<400x8xf32, #tpu.memory_space<vmem>>
      %dma_wait3A_295 = arith.constant 0 : i32
      %dma_wait3A_296 = tpu.memref_slice %arg6[%add3A_289, %dma_wait3A_295] : memref<25x400xi32, #tpu.memory_space<vmem>> -> memref<1x400xi32, #tpu.memory_space<vmem>>
      %dma_wait3A_297 = tpu.memref_squeeze %dma_wait3A_296 : memref<1x400xi32, #tpu.memory_space<vmem>> -> memref<400xi32, #tpu.memory_space<vmem>>
      %dma_wait3A_298 = arith.constant 0 : i32
      %dma_wait3A_299 = arith.constant 0 : i32
      %dma_wait3A_300 = tpu.memref_slice %arg10[%dma_wait3A_298, %dma_wait3A_299] : memref<10000x8xf32, #tpu.memory_space<vmem_shared>> -> memref<10000x8xf32, #tpu.memory_space<vmem_shared>>
      tpu.wait_indirect_dma semaphore(%arg11 : memref<!tpu.dma_semaphore, #tpu.memory_space<semaphore_mem>>) src(%dma_wait3A_300 : memref<10000x8xf32, #tpu.memory_space<vmem_shared>>) dst(%dma_wait3A_294 : memref<400x8xf32, #tpu.memory_space<vmem>>)
      %add3A_301 = arith.constant 0 : i32
      %add3A_302 = arith.addi %add3A_287, %add3A_301 : i32
      %dma_start3A_303 = arith.constant 0 : i32
      %dma_start3A_304 = arith.constant 0 : i32
      %dma_start3A_305 = arith.constant 0 : i32
      %dma_start3A_306 = tpu.memref_slice %arg8[%dma_start3A_303, %dma_start3A_304, %dma_start3A_305] : memref<5x400x8xf32, #tpu.memory_space<vmem>> -> memref<1x400x8xf32, #tpu.memory_space<vmem>>
      %dma_start3A_307 = tpu.memref_squeeze %dma_start3A_306 : memref<1x400x8xf32, #tpu.memory_space<vmem>> -> memref<400x8xf32, #tpu.memory_space<vmem>>
      %dma_start3A_308 = arith.constant 0 : i32
      %dma_start3A_309 = tpu.memref_slice %arg7[%add3A_302, %dma_start3A_308] : memref<25x400xi32, #tpu.memory_space<vmem>> -> memref<1x400xi32, #tpu.memory_space<vmem>>
      %dma_start3A_310 = tpu.memref_squeeze %dma_start3A_309 : memref<1x400xi32, #tpu.memory_space<vmem>> -> memref<400xi32, #tpu.memory_space<vmem>>
      %dma_start3A_311 = arith.constant 0 : i32
      %dma_start3A_312 = arith.constant 0 : i32
      %dma_start3A_313 = tpu.memref_slice %arg9[%dma_start3A_311, %dma_start3A_312] : memref<10000x8xf32, #tpu.memory_space<vmem_shared>> -> memref<10000x8xf32, #tpu.memory_space<vmem_shared>>
      tpu.enqueue_indirect_dma source(%dma_start3A_307 : memref<400x8xf32, #tpu.memory_space<vmem>>) target(%dma_start3A_313 : memref<10000x8xf32, #tpu.memory_space<vmem_shared>>) offsets(%dma_start3A_310 : memref<400xi32, #tpu.memory_space<vmem>>) semaphore(%arg16 : memref<!tpu.dma_semaphore, #tpu.memory_space<semaphore_mem>>) {add = true}
      %add3A_314 = arith.constant 1 : i32
      %add3A_315 = arith.addi %add3A_287, %add3A_314 : i32
      %dma_wait3A_316 = arith.constant 1 : i32
      %dma_wait3A_317 = arith.constant 0 : i32
      %dma_wait3A_318 = arith.constant 0 : i32
      %dma_wait3A_319 = tpu.memref_slice %arg8[%dma_wait3A_316, %dma_wait3A_317, %dma_wait3A_318] : memref<5x400x8xf32, #tpu.memory_space<vmem>> -> memref<1x400x8xf32, #tpu.memory_space<vmem>>
      %dma_wait3A_320 = tpu.memref_squeeze %dma_wait3A_319 : memref<1x400x8xf32, #tpu.memory_space<vmem>> -> memref<400x8xf32, #tpu.memory_space<vmem>>
      %dma_wait3A_321 = arith.constant 0 : i32
      %dma_wait3A_322 = tpu.memref_slice %arg6[%add3A_315, %dma_wait3A_321] : memref<25x400xi32, #tpu.memory_space<vmem>> -> memref<1x400xi32, #tpu.memory_space<vmem>>
      %dma_wait3A_323 = tpu.memref_squeeze %dma_wait3A_322 : memref<1x400xi32, #tpu.memory_space<vmem>> -> memref<400xi32, #tpu.memory_space<vmem>>
      %dma_wait3A_324 = arith.constant 0 : i32
      %dma_wait3A_325 = arith.constant 0 : i32
      %dma_wait3A_326 = tpu.memref_slice %arg10[%dma_wait3A_324, %dma_wait3A_325] : memref<10000x8xf32, #tpu.memory_space<vmem_shared>> -> memref<10000x8xf32, #tpu.memory_space<vmem_shared>>
      tpu.wait_indirect_dma semaphore(%arg12 : memref<!tpu.dma_semaphore, #tpu.memory_space<semaphore_mem>>) src(%dma_wait3A_326 : memref<10000x8xf32, #tpu.memory_space<vmem_shared>>) dst(%dma_wait3A_320 : memref<400x8xf32, #tpu.memory_space<vmem>>)
      %add3A_327 = arith.constant 1 : i32
      %add3A_328 = arith.addi %add3A_287, %add3A_327 : i32
      %dma_start3A_329 = arith.constant 1 : i32
      %dma_start3A_330 = arith.constant 0 : i32
      %dma_start3A_331 = arith.constant 0 : i32
      %dma_start3A_332 = tpu.memref_slice %arg8[%dma_start3A_329, %dma_start3A_330, %dma_start3A_331] : memref<5x400x8xf32, #tpu.memory_space<vmem>> -> memref<1x400x8xf32, #tpu.memory_space<vmem>>
      %dma_start3A_333 = tpu.memref_squeeze %dma_start3A_332 : memref<1x400x8xf32, #tpu.memory_space<vmem>> -> memref<400x8xf32, #tpu.memory_space<vmem>>
      %dma_start3A_334 = arith.constant 0 : i32
      %dma_start3A_335 = tpu.memref_slice %arg7[%add3A_328, %dma_start3A_334] : memref<25x400xi32, #tpu.memory_space<vmem>> -> memref<1x400xi32, #tpu.memory_space<vmem>>
      %dma_start3A_336 = tpu.memref_squeeze %dma_start3A_335 : memref<1x400xi32, #tpu.memory_space<vmem>> -> memref<400xi32, #tpu.memory_space<vmem>>
      %dma_start3A_337 = arith.constant 0 : i32
      %dma_start3A_338 = arith.constant 0 : i32
      %dma_start3A_339 = tpu.memref_slice %arg9[%dma_start3A_337, %dma_start3A_338] : memref<10000x8xf32, #tpu.memory_space<vmem_shared>> -> memref<10000x8xf32, #tpu.memory_space<vmem_shared>>
      tpu.enqueue_indirect_dma source(%dma_start3A_333 : memref<400x8xf32, #tpu.memory_space<vmem>>) target(%dma_start3A_339 : memref<10000x8xf32, #tpu.memory_space<vmem_shared>>) offsets(%dma_start3A_336 : memref<400xi32, #tpu.memory_space<vmem>>) semaphore(%arg17 : memref<!tpu.dma_semaphore, #tpu.memory_space<semaphore_mem>>) {add = true}
      %add3A_340 = arith.constant 2 : i32
      %add3A_341 = arith.addi %add3A_287, %add3A_340 : i32
      %dma_wait3A_342 = arith.constant 2 : i32
      %dma_wait3A_343 = arith.constant 0 : i32
      %dma_wait3A_344 = arith.constant 0 : i32
      %dma_wait3A_345 = tpu.memref_slice %arg8[%dma_wait3A_342, %dma_wait3A_343, %dma_wait3A_344] : memref<5x400x8xf32, #tpu.memory_space<vmem>> -> memref<1x400x8xf32, #tpu.memory_space<vmem>>
      %dma_wait3A_346 = tpu.memref_squeeze %dma_wait3A_345 : memref<1x400x8xf32, #tpu.memory_space<vmem>> -> memref<400x8xf32, #tpu.memory_space<vmem>>
      %dma_wait3A_347 = arith.constant 0 : i32
      %dma_wait3A_348 = tpu.memref_slice %arg6[%add3A_341, %dma_wait3A_347] : memref<25x400xi32, #tpu.memory_space<vmem>> -> memref<1x400xi32, #tpu.memory_space<vmem>>
      %dma_wait3A_349 = tpu.memref_squeeze %dma_wait3A_348 : memref<1x400xi32, #tpu.memory_space<vmem>> -> memref<400xi32, #tpu.memory_space<vmem>>
      %dma_wait3A_350 = arith.constant 0 : i32
      %dma_wait3A_351 = arith.constant 0 : i32
      %dma_wait3A_352 = tpu.memref_slice %arg10[%dma_wait3A_350, %dma_wait3A_351] : memref<10000x8xf32, #tpu.memory_space<vmem_shared>> -> memref<10000x8xf32, #tpu.memory_space<vmem_shared>>
      tpu.wait_indirect_dma semaphore(%arg13 : memref<!tpu.dma_semaphore, #tpu.memory_space<semaphore_mem>>) src(%dma_wait3A_352 : memref<10000x8xf32, #tpu.memory_space<vmem_shared>>) dst(%dma_wait3A_346 : memref<400x8xf32, #tpu.memory_space<vmem>>)
      %add3A_353 = arith.constant 2 : i32
      %add3A_354 = arith.addi %add3A_287, %add3A_353 : i32
      %dma_start3A_355 = arith.constant 2 : i32
      %dma_start3A_356 = arith.constant 0 : i32
      %dma_start3A_357 = arith.constant 0 : i32
      %dma_start3A_358 = tpu.memref_slice %arg8[%dma_start3A_355, %dma_start3A_356, %dma_start3A_357] : memref<5x400x8xf32, #tpu.memory_space<vmem>> -> memref<1x400x8xf32, #tpu.memory_space<vmem>>
      %dma_start3A_359 = tpu.memref_squeeze %dma_start3A_358 : memref<1x400x8xf32, #tpu.memory_space<vmem>> -> memref<400x8xf32, #tpu.memory_space<vmem>>
      %dma_start3A_360 = arith.constant 0 : i32
      %dma_start3A_361 = tpu.memref_slice %arg7[%add3A_354, %dma_start3A_360] : memref<25x400xi32, #tpu.memory_space<vmem>> -> memref<1x400xi32, #tpu.memory_space<vmem>>
      %dma_start3A_362 = tpu.memref_squeeze %dma_start3A_361 : memref<1x400xi32, #tpu.memory_space<vmem>> -> memref<400xi32, #tpu.memory_space<vmem>>
      %dma_start3A_363 = arith.constant 0 : i32
      %dma_start3A_364 = arith.constant 0 : i32
      %dma_start3A_365 = tpu.memref_slice %arg9[%dma_start3A_363, %dma_start3A_364] : memref<10000x8xf32, #tpu.memory_space<vmem_shared>> -> memref<10000x8xf32, #tpu.memory_space<vmem_shared>>
      tpu.enqueue_indirect_dma source(%dma_start3A_359 : memref<400x8xf32, #tpu.memory_space<vmem>>) target(%dma_start3A_365 : memref<10000x8xf32, #tpu.memory_space<vmem_shared>>) offsets(%dma_start3A_362 : memref<400xi32, #tpu.memory_space<vmem>>) semaphore(%arg18 : memref<!tpu.dma_semaphore, #tpu.memory_space<semaphore_mem>>) {add = true}
      %add3A_366 = arith.constant 3 : i32
      %add3A_367 = arith.addi %add3A_287, %add3A_366 : i32
      %dma_wait3A_368 = arith.constant 3 : i32
      %dma_wait3A_369 = arith.constant 0 : i32
      %dma_wait3A_370 = arith.constant 0 : i32
      %dma_wait3A_371 = tpu.memref_slice %arg8[%dma_wait3A_368, %dma_wait3A_369, %dma_wait3A_370] : memref<5x400x8xf32, #tpu.memory_space<vmem>> -> memref<1x400x8xf32, #tpu.memory_space<vmem>>
      %dma_wait3A_372 = tpu.memref_squeeze %dma_wait3A_371 : memref<1x400x8xf32, #tpu.memory_space<vmem>> -> memref<400x8xf32, #tpu.memory_space<vmem>>
      %dma_wait3A_373 = arith.constant 0 : i32
      %dma_wait3A_374 = tpu.memref_slice %arg6[%add3A_367, %dma_wait3A_373] : memref<25x400xi32, #tpu.memory_space<vmem>> -> memref<1x400xi32, #tpu.memory_space<vmem>>
      %dma_wait3A_375 = tpu.memref_squeeze %dma_wait3A_374 : memref<1x400xi32, #tpu.memory_space<vmem>> -> memref<400xi32, #tpu.memory_space<vmem>>
      %dma_wait3A_376 = arith.constant 0 : i32
      %dma_wait3A_377 = arith.constant 0 : i32
      %dma_wait3A_378 = tpu.memref_slice %arg10[%dma_wait3A_376, %dma_wait3A_377] : memref<10000x8xf32, #tpu.memory_space<vmem_shared>> -> memref<10000x8xf32, #tpu.memory_space<vmem_shared>>
      tpu.wait_indirect_dma semaphore(%arg14 : memref<!tpu.dma_semaphore, #tpu.memory_space<semaphore_mem>>) src(%dma_wait3A_378 : memref<10000x8xf32, #tpu.memory_space<vmem_shared>>) dst(%dma_wait3A_372 : memref<400x8xf32, #tpu.memory_space<vmem>>)
      %add3A_379 = arith.constant 3 : i32
      %add3A_380 = arith.addi %add3A_287, %add3A_379 : i32
      %dma_start3A_381 = arith.constant 3 : i32
      %dma_start3A_382 = arith.constant 0 : i32
      %dma_start3A_383 = arith.constant 0 : i32
      %dma_start3A_384 = tpu.memref_slice %arg8[%dma_start3A_381, %dma_start3A_382, %dma_start3A_383] : memref<5x400x8xf32, #tpu.memory_space<vmem>> -> memref<1x400x8xf32, #tpu.memory_space<vmem>>
      %dma_start3A_385 = tpu.memref_squeeze %dma_start3A_384 : memref<1x400x8xf32, #tpu.memory_space<vmem>> -> memref<400x8xf32, #tpu.memory_space<vmem>>
      %dma_start3A_386 = arith.constant 0 : i32
      %dma_start3A_387 = tpu.memref_slice %arg7[%add3A_380, %dma_start3A_386] : memref<25x400xi32, #tpu.memory_space<vmem>> -> memref<1x400xi32, #tpu.memory_space<vmem>>
      %dma_start3A_388 = tpu.memref_squeeze %dma_start3A_387 : memref<1x400xi32, #tpu.memory_space<vmem>> -> memref<400xi32, #tpu.memory_space<vmem>>
      %dma_start3A_389 = arith.constant 0 : i32
      %dma_start3A_390 = arith.constant 0 : i32
      %dma_start3A_391 = tpu.memref_slice %arg9[%dma_start3A_389, %dma_start3A_390] : memref<10000x8xf32, #tpu.memory_space<vmem_shared>> -> memref<10000x8xf32, #tpu.memory_space<vmem_shared>>
      tpu.enqueue_indirect_dma source(%dma_start3A_385 : memref<400x8xf32, #tpu.memory_space<vmem>>) target(%dma_start3A_391 : memref<10000x8xf32, #tpu.memory_space<vmem_shared>>) offsets(%dma_start3A_388 : memref<400xi32, #tpu.memory_space<vmem>>) semaphore(%arg19 : memref<!tpu.dma_semaphore, #tpu.memory_space<semaphore_mem>>) {add = true}
      %add3A_392 = arith.constant 4 : i32
      %add3A_393 = arith.addi %add3A_287, %add3A_392 : i32
      %dma_wait3A_394 = arith.constant 4 : i32
      %dma_wait3A_395 = arith.constant 0 : i32
      %dma_wait3A_396 = arith.constant 0 : i32
      %dma_wait3A_397 = tpu.memref_slice %arg8[%dma_wait3A_394, %dma_wait3A_395, %dma_wait3A_396] : memref<5x400x8xf32, #tpu.memory_space<vmem>> -> memref<1x400x8xf32, #tpu.memory_space<vmem>>
      %dma_wait3A_398 = tpu.memref_squeeze %dma_wait3A_397 : memref<1x400x8xf32, #tpu.memory_space<vmem>> -> memref<400x8xf32, #tpu.memory_space<vmem>>
      %dma_wait3A_399 = arith.constant 0 : i32
      %dma_wait3A_400 = tpu.memref_slice %arg6[%add3A_393, %dma_wait3A_399] : memref<25x400xi32, #tpu.memory_space<vmem>> -> memref<1x400xi32, #tpu.memory_space<vmem>>
      %dma_wait3A_401 = tpu.memref_squeeze %dma_wait3A_400 : memref<1x400xi32, #tpu.memory_space<vmem>> -> memref<400xi32, #tpu.memory_space<vmem>>
      %dma_wait3A_402 = arith.constant 0 : i32
      %dma_wait3A_403 = arith.constant 0 : i32
      %dma_wait3A_404 = tpu.memref_slice %arg3[%dma_wait3A_402, %dma_wait3A_403] : memref<10000x8xf32, #tpu.memory_space<hbm>> -> memref<10000x8xf32, #tpu.memory_space<hbm>>
      tpu.wait_indirect_dma semaphore(%arg15 : memref<!tpu.dma_semaphore, #tpu.memory_space<semaphore_mem>>) src(%dma_wait3A_404 : memref<10000x8xf32, #tpu.memory_space<hbm>>) dst(%dma_wait3A_398 : memref<400x8xf32, #tpu.memory_space<vmem>>)
      %add3A_405 = arith.constant 4 : i32
      %add3A_406 = arith.addi %add3A_287, %add3A_405 : i32
      %dma_start3A_407 = arith.constant 4 : i32
      %dma_start3A_408 = arith.constant 0 : i32
      %dma_start3A_409 = arith.constant 0 : i32
      %dma_start3A_410 = tpu.memref_slice %arg8[%dma_start3A_407, %dma_start3A_408, %dma_start3A_409] : memref<5x400x8xf32, #tpu.memory_space<vmem>> -> memref<1x400x8xf32, #tpu.memory_space<vmem>>
      %dma_start3A_411 = tpu.memref_squeeze %dma_start3A_410 : memref<1x400x8xf32, #tpu.memory_space<vmem>> -> memref<400x8xf32, #tpu.memory_space<vmem>>
      %dma_start3A_412 = arith.constant 0 : i32
      %dma_start3A_413 = tpu.memref_slice %arg7[%add3A_406, %dma_start3A_412] : memref<25x400xi32, #tpu.memory_space<vmem>> -> memref<1x400xi32, #tpu.memory_space<vmem>>
      %dma_start3A_414 = tpu.memref_squeeze %dma_start3A_413 : memref<1x400xi32, #tpu.memory_space<vmem>> -> memref<400xi32, #tpu.memory_space<vmem>>
      %dma_start3A_415 = arith.constant 0 : i32
      %dma_start3A_416 = arith.constant 0 : i32
      %dma_start3A_417 = tpu.memref_slice %arg9[%dma_start3A_415, %dma_start3A_416] : memref<10000x8xf32, #tpu.memory_space<vmem_shared>> -> memref<10000x8xf32, #tpu.memory_space<vmem_shared>>
      tpu.enqueue_indirect_dma source(%dma_start3A_411 : memref<400x8xf32, #tpu.memory_space<vmem>>) target(%dma_start3A_417 : memref<10000x8xf32, #tpu.memory_space<vmem_shared>>) offsets(%dma_start3A_414 : memref<400xi32, #tpu.memory_space<vmem>>) semaphore(%arg20 : memref<!tpu.dma_semaphore, #tpu.memory_space<semaphore_mem>>) {add = true}
      %add3A_418 = arith.constant 0 : i32
      %add3A_419 = arith.addi %add3A_287, %add3A_418 : i32
      %dma_wait3A_420 = arith.constant 0 : i32
      %dma_wait3A_421 = arith.constant 0 : i32
      %dma_wait3A_422 = arith.constant 0 : i32
      %dma_wait3A_423 = tpu.memref_slice %arg8[%dma_wait3A_420, %dma_wait3A_421, %dma_wait3A_422] : memref<5x400x8xf32, #tpu.memory_space<vmem>> -> memref<1x400x8xf32, #tpu.memory_space<vmem>>
      %dma_wait3A_424 = tpu.memref_squeeze %dma_wait3A_423 : memref<1x400x8xf32, #tpu.memory_space<vmem>> -> memref<400x8xf32, #tpu.memory_space<vmem>>
      %dma_wait3A_425 = arith.constant 0 : i32
      %dma_wait3A_426 = tpu.memref_slice %arg7[%add3A_419, %dma_wait3A_425] : memref<25x400xi32, #tpu.memory_space<vmem>> -> memref<1x400xi32, #tpu.memory_space<vmem>>
      %dma_wait3A_427 = tpu.memref_squeeze %dma_wait3A_426 : memref<1x400xi32, #tpu.memory_space<vmem>> -> memref<400xi32, #tpu.memory_space<vmem>>
      %dma_wait3A_428 = arith.constant 0 : i32
      %dma_wait3A_429 = arith.constant 0 : i32
      %dma_wait3A_430 = tpu.memref_slice %arg9[%dma_wait3A_428, %dma_wait3A_429] : memref<10000x8xf32, #tpu.memory_space<vmem_shared>> -> memref<10000x8xf32, #tpu.memory_space<vmem_shared>>
      tpu.wait_indirect_dma semaphore(%arg16 : memref<!tpu.dma_semaphore, #tpu.memory_space<semaphore_mem>>) src(%dma_wait3A_424 : memref<400x8xf32, #tpu.memory_space<vmem>>) dst(%dma_wait3A_430 : memref<10000x8xf32, #tpu.memory_space<vmem_shared>>)
      %add3A_431 = arith.constant 0 : i32
      %add3A_432 = arith.addi %add3A_287, %add3A_431 : i32
      %add3A_433 = arith.constant 5 : i32
      %add3A_434 = arith.addi %add3A_432, %add3A_433 : i32
      %dma_start3A_435 = arith.constant 0 : i32
      %dma_start3A_436 = arith.constant 0 : i32
      %dma_start3A_437 = arith.constant 0 : i32
      %dma_start3A_438 = tpu.memref_slice %arg8[%dma_start3A_435, %dma_start3A_436, %dma_start3A_437] : memref<5x400x8xf32, #tpu.memory_space<vmem>> -> memref<1x400x8xf32, #tpu.memory_space<vmem>>
      %dma_start3A_439 = tpu.memref_squeeze %dma_start3A_438 : memref<1x400x8xf32, #tpu.memory_space<vmem>> -> memref<400x8xf32, #tpu.memory_space<vmem>>
      %dma_start3A_440 = arith.constant 0 : i32
      %dma_start3A_441 = tpu.memref_slice %arg6[%add3A_434, %dma_start3A_440] : memref<25x400xi32, #tpu.memory_space<vmem>> -> memref<1x400xi32, #tpu.memory_space<vmem>>
      %dma_start3A_442 = tpu.memref_squeeze %dma_start3A_441 : memref<1x400xi32, #tpu.memory_space<vmem>> -> memref<400xi32, #tpu.memory_space<vmem>>
      %dma_start3A_443 = arith.constant 0 : i32
      %dma_start3A_444 = arith.constant 0 : i32
      %dma_start3A_445 = tpu.memref_slice %arg10[%dma_start3A_443, %dma_start3A_444] : memref<10000x8xf32, #tpu.memory_space<vmem_shared>> -> memref<10000x8xf32, #tpu.memory_space<vmem_shared>>
      tpu.enqueue_indirect_dma source(%dma_start3A_445 : memref<10000x8xf32, #tpu.memory_space<vmem_shared>>) target(%dma_start3A_439 : memref<400x8xf32, #tpu.memory_space<vmem>>) offsets(%dma_start3A_442 : memref<400xi32, #tpu.memory_space<vmem>>) semaphore(%arg11 : memref<!tpu.dma_semaphore, #tpu.memory_space<semaphore_mem>>)
      %add3A_446 = arith.constant 1 : i32
      %add3A_447 = arith.addi %add3A_287, %add3A_446 : i32
      %dma_wait3A_448 = arith.constant 1 : i32
      %dma_wait3A_449 = arith.constant 0 : i32
      %dma_wait3A_450 = arith.constant 0 : i32
      %dma_wait3A_451 = tpu.memref_slice %arg8[%dma_wait3A_448, %dma_wait3A_449, %dma_wait3A_450] : memref<5x400x8xf32, #tpu.memory_space<vmem>> -> memref<1x400x8xf32, #tpu.memory_space<vmem>>
      %dma_wait3A_452 = tpu.memref_squeeze %dma_wait3A_451 : memref<1x400x8xf32, #tpu.memory_space<vmem>> -> memref<400x8xf32, #tpu.memory_space<vmem>>
      %dma_wait3A_453 = arith.constant 0 : i32
      %dma_wait3A_454 = tpu.memref_slice %arg7[%add3A_447, %dma_wait3A_453] : memref<25x400xi32, #tpu.memory_space<vmem>> -> memref<1x400xi32, #tpu.memory_space<vmem>>
      %dma_wait3A_455 = tpu.memref_squeeze %dma_wait3A_454 : memref<1x400xi32, #tpu.memory_space<vmem>> -> memref<400xi32, #tpu.memory_space<vmem>>
      %dma_wait3A_456 = arith.constant 0 : i32
      %dma_wait3A_457 = arith.constant 0 : i32
      %dma_wait3A_458 = tpu.memref_slice %arg9[%dma_wait3A_456, %dma_wait3A_457] : memref<10000x8xf32, #tpu.memory_space<vmem_shared>> -> memref<10000x8xf32, #tpu.memory_space<vmem_shared>>
      tpu.wait_indirect_dma semaphore(%arg17 : memref<!tpu.dma_semaphore, #tpu.memory_space<semaphore_mem>>) src(%dma_wait3A_452 : memref<400x8xf32, #tpu.memory_space<vmem>>) dst(%dma_wait3A_458 : memref<10000x8xf32, #tpu.memory_space<vmem_shared>>)
      %add3A_459 = arith.constant 1 : i32
      %add3A_460 = arith.addi %add3A_287, %add3A_459 : i32
      %add3A_461 = arith.constant 5 : i32
      %add3A_462 = arith.addi %add3A_460, %add3A_461 : i32
      %dma_start3A_463 = arith.constant 1 : i32
      %dma_start3A_464 = arith.constant 0 : i32
      %dma_start3A_465 = arith.constant 0 : i32
      %dma_start3A_466 = tpu.memref_slice %arg8[%dma_start3A_463, %dma_start3A_464, %dma_start3A_465] : memref<5x400x8xf32, #tpu.memory_space<vmem>> -> memref<1x400x8xf32, #tpu.memory_space<vmem>>
      %dma_start3A_467 = tpu.memref_squeeze %dma_start3A_466 : memref<1x400x8xf32, #tpu.memory_space<vmem>> -> memref<400x8xf32, #tpu.memory_space<vmem>>
      %dma_start3A_468 = arith.constant 0 : i32
      %dma_start3A_469 = tpu.memref_slice %arg6[%add3A_462, %dma_start3A_468] : memref<25x400xi32, #tpu.memory_space<vmem>> -> memref<1x400xi32, #tpu.memory_space<vmem>>
      %dma_start3A_470 = tpu.memref_squeeze %dma_start3A_469 : memref<1x400xi32, #tpu.memory_space<vmem>> -> memref<400xi32, #tpu.memory_space<vmem>>
      %dma_start3A_471 = arith.constant 0 : i32
      %dma_start3A_472 = arith.constant 0 : i32
      %dma_start3A_473 = tpu.memref_slice %arg10[%dma_start3A_471, %dma_start3A_472] : memref<10000x8xf32, #tpu.memory_space<vmem_shared>> -> memref<10000x8xf32, #tpu.memory_space<vmem_shared>>
      tpu.enqueue_indirect_dma source(%dma_start3A_473 : memref<10000x8xf32, #tpu.memory_space<vmem_shared>>) target(%dma_start3A_467 : memref<400x8xf32, #tpu.memory_space<vmem>>) offsets(%dma_start3A_470 : memref<400xi32, #tpu.memory_space<vmem>>) semaphore(%arg12 : memref<!tpu.dma_semaphore, #tpu.memory_space<semaphore_mem>>)
      %add3A_474 = arith.constant 2 : i32
      %add3A_475 = arith.addi %add3A_287, %add3A_474 : i32
      %dma_wait3A_476 = arith.constant 2 : i32
      %dma_wait3A_477 = arith.constant 0 : i32
      %dma_wait3A_478 = arith.constant 0 : i32
      %dma_wait3A_479 = tpu.memref_slice %arg8[%dma_wait3A_476, %dma_wait3A_477, %dma_wait3A_478] : memref<5x400x8xf32, #tpu.memory_space<vmem>> -> memref<1x400x8xf32, #tpu.memory_space<vmem>>
      %dma_wait3A_480 = tpu.memref_squeeze %dma_wait3A_479 : memref<1x400x8xf32, #tpu.memory_space<vmem>> -> memref<400x8xf32, #tpu.memory_space<vmem>>
      %dma_wait3A_481 = arith.constant 0 : i32
      %dma_wait3A_482 = tpu.memref_slice %arg7[%add3A_475, %dma_wait3A_481] : memref<25x400xi32, #tpu.memory_space<vmem>> -> memref<1x400xi32, #tpu.memory_space<vmem>>
      %dma_wait3A_483 = tpu.memref_squeeze %dma_wait3A_482 : memref<1x400xi32, #tpu.memory_space<vmem>> -> memref<400xi32, #tpu.memory_space<vmem>>
      %dma_wait3A_484 = arith.constant 0 : i32
      %dma_wait3A_485 = arith.constant 0 : i32
      %dma_wait3A_486 = tpu.memref_slice %arg9[%dma_wait3A_484, %dma_wait3A_485] : memref<10000x8xf32, #tpu.memory_space<vmem_shared>> -> memref<10000x8xf32, #tpu.memory_space<vmem_shared>>
      tpu.wait_indirect_dma semaphore(%arg18 : memref<!tpu.dma_semaphore, #tpu.memory_space<semaphore_mem>>) src(%dma_wait3A_480 : memref<400x8xf32, #tpu.memory_space<vmem>>) dst(%dma_wait3A_486 : memref<10000x8xf32, #tpu.memory_space<vmem_shared>>)
      %add3A_487 = arith.constant 2 : i32
      %add3A_488 = arith.addi %add3A_287, %add3A_487 : i32
      %add3A_489 = arith.constant 5 : i32
      %add3A_490 = arith.addi %add3A_488, %add3A_489 : i32
      %dma_start3A_491 = arith.constant 2 : i32
      %dma_start3A_492 = arith.constant 0 : i32
      %dma_start3A_493 = arith.constant 0 : i32
      %dma_start3A_494 = tpu.memref_slice %arg8[%dma_start3A_491, %dma_start3A_492, %dma_start3A_493] : memref<5x400x8xf32, #tpu.memory_space<vmem>> -> memref<1x400x8xf32, #tpu.memory_space<vmem>>
      %dma_start3A_495 = tpu.memref_squeeze %dma_start3A_494 : memref<1x400x8xf32, #tpu.memory_space<vmem>> -> memref<400x8xf32, #tpu.memory_space<vmem>>
      %dma_start3A_496 = arith.constant 0 : i32
      %dma_start3A_497 = tpu.memref_slice %arg6[%add3A_490, %dma_start3A_496] : memref<25x400xi32, #tpu.memory_space<vmem>> -> memref<1x400xi32, #tpu.memory_space<vmem>>
      %dma_start3A_498 = tpu.memref_squeeze %dma_start3A_497 : memref<1x400xi32, #tpu.memory_space<vmem>> -> memref<400xi32, #tpu.memory_space<vmem>>
      %dma_start3A_499 = arith.constant 0 : i32
      %dma_start3A_500 = arith.constant 0 : i32
      %dma_start3A_501 = tpu.memref_slice %arg10[%dma_start3A_499, %dma_start3A_500] : memref<10000x8xf32, #tpu.memory_space<vmem_shared>> -> memref<10000x8xf32, #tpu.memory_space<vmem_shared>>
      tpu.enqueue_indirect_dma source(%dma_start3A_501 : memref<10000x8xf32, #tpu.memory_space<vmem_shared>>) target(%dma_start3A_495 : memref<400x8xf32, #tpu.memory_space<vmem>>) offsets(%dma_start3A_498 : memref<400xi32, #tpu.memory_space<vmem>>) semaphore(%arg13 : memref<!tpu.dma_semaphore, #tpu.memory_space<semaphore_mem>>)
      %add3A_502 = arith.constant 3 : i32
      %add3A_503 = arith.addi %add3A_287, %add3A_502 : i32
      %dma_wait3A_504 = arith.constant 3 : i32
      %dma_wait3A_505 = arith.constant 0 : i32
      %dma_wait3A_506 = arith.constant 0 : i32
      %dma_wait3A_507 = tpu.memref_slice %arg8[%dma_wait3A_504, %dma_wait3A_505, %dma_wait3A_506] : memref<5x400x8xf32, #tpu.memory_space<vmem>> -> memref<1x400x8xf32, #tpu.memory_space<vmem>>
      %dma_wait3A_508 = tpu.memref_squeeze %dma_wait3A_507 : memref<1x400x8xf32, #tpu.memory_space<vmem>> -> memref<400x8xf32, #tpu.memory_space<vmem>>
      %dma_wait3A_509 = arith.constant 0 : i32
      %dma_wait3A_510 = tpu.memref_slice %arg7[%add3A_503, %dma_wait3A_509] : memref<25x400xi32, #tpu.memory_space<vmem>> -> memref<1x400xi32, #tpu.memory_space<vmem>>
      %dma_wait3A_511 = tpu.memref_squeeze %dma_wait3A_510 : memref<1x400xi32, #tpu.memory_space<vmem>> -> memref<400xi32, #tpu.memory_space<vmem>>
      %dma_wait3A_512 = arith.constant 0 : i32
      %dma_wait3A_513 = arith.constant 0 : i32
      %dma_wait3A_514 = tpu.memref_slice %arg9[%dma_wait3A_512, %dma_wait3A_513] : memref<10000x8xf32, #tpu.memory_space<vmem_shared>> -> memref<10000x8xf32, #tpu.memory_space<vmem_shared>>
      tpu.wait_indirect_dma semaphore(%arg19 : memref<!tpu.dma_semaphore, #tpu.memory_space<semaphore_mem>>) src(%dma_wait3A_508 : memref<400x8xf32, #tpu.memory_space<vmem>>) dst(%dma_wait3A_514 : memref<10000x8xf32, #tpu.memory_space<vmem_shared>>)
      %add3A_515 = arith.constant 3 : i32
      %add3A_516 = arith.addi %add3A_287, %add3A_515 : i32
      %add3A_517 = arith.constant 5 : i32
      %add3A_518 = arith.addi %add3A_516, %add3A_517 : i32
      %dma_start3A_519 = arith.constant 3 : i32
      %dma_start3A_520 = arith.constant 0 : i32
      %dma_start3A_521 = arith.constant 0 : i32
      %dma_start3A_522 = tpu.memref_slice %arg8[%dma_start3A_519, %dma_start3A_520, %dma_start3A_521] : memref<5x400x8xf32, #tpu.memory_space<vmem>> -> memref<1x400x8xf32, #tpu.memory_space<vmem>>
      %dma_start3A_523 = tpu.memref_squeeze %dma_start3A_522 : memref<1x400x8xf32, #tpu.memory_space<vmem>> -> memref<400x8xf32, #tpu.memory_space<vmem>>
      %dma_start3A_524 = arith.constant 0 : i32
      %dma_start3A_525 = tpu.memref_slice %arg6[%add3A_518, %dma_start3A_524] : memref<25x400xi32, #tpu.memory_space<vmem>> -> memref<1x400xi32, #tpu.memory_space<vmem>>
      %dma_start3A_526 = tpu.memref_squeeze %dma_start3A_525 : memref<1x400xi32, #tpu.memory_space<vmem>> -> memref<400xi32, #tpu.memory_space<vmem>>
      %dma_start3A_527 = arith.constant 0 : i32
      %dma_start3A_528 = arith.constant 0 : i32
      %dma_start3A_529 = tpu.memref_slice %arg10[%dma_start3A_527, %dma_start3A_528] : memref<10000x8xf32, #tpu.memory_space<vmem_shared>> -> memref<10000x8xf32, #tpu.memory_space<vmem_shared>>
      tpu.enqueue_indirect_dma source(%dma_start3A_529 : memref<10000x8xf32, #tpu.memory_space<vmem_shared>>) target(%dma_start3A_523 : memref<400x8xf32, #tpu.memory_space<vmem>>) offsets(%dma_start3A_526 : memref<400xi32, #tpu.memory_space<vmem>>) semaphore(%arg14 : memref<!tpu.dma_semaphore, #tpu.memory_space<semaphore_mem>>)
      %add3A_530 = arith.constant 4 : i32
      %add3A_531 = arith.addi %add3A_287, %add3A_530 : i32
      %dma_wait3A_532 = arith.constant 4 : i32
      %dma_wait3A_533 = arith.constant 0 : i32
      %dma_wait3A_534 = arith.constant 0 : i32
      %dma_wait3A_535 = tpu.memref_slice %arg8[%dma_wait3A_532, %dma_wait3A_533, %dma_wait3A_534] : memref<5x400x8xf32, #tpu.memory_space<vmem>> -> memref<1x400x8xf32, #tpu.memory_space<vmem>>
      %dma_wait3A_536 = tpu.memref_squeeze %dma_wait3A_535 : memref<1x400x8xf32, #tpu.memory_space<vmem>> -> memref<400x8xf32, #tpu.memory_space<vmem>>
      %dma_wait3A_537 = arith.constant 0 : i32
      %dma_wait3A_538 = tpu.memref_slice %arg7[%add3A_531, %dma_wait3A_537] : memref<25x400xi32, #tpu.memory_space<vmem>> -> memref<1x400xi32, #tpu.memory_space<vmem>>
      %dma_wait3A_539 = tpu.memref_squeeze %dma_wait3A_538 : memref<1x400xi32, #tpu.memory_space<vmem>> -> memref<400xi32, #tpu.memory_space<vmem>>
      %dma_wait3A_540 = arith.constant 0 : i32
      %dma_wait3A_541 = arith.constant 0 : i32
      %dma_wait3A_542 = tpu.memref_slice %arg9[%dma_wait3A_540, %dma_wait3A_541] : memref<10000x8xf32, #tpu.memory_space<vmem_shared>> -> memref<10000x8xf32, #tpu.memory_space<vmem_shared>>
      tpu.wait_indirect_dma semaphore(%arg20 : memref<!tpu.dma_semaphore, #tpu.memory_space<semaphore_mem>>) src(%dma_wait3A_536 : memref<400x8xf32, #tpu.memory_space<vmem>>) dst(%dma_wait3A_542 : memref<10000x8xf32, #tpu.memory_space<vmem_shared>>)
      %add3A_543 = arith.constant 4 : i32
      %add3A_544 = arith.addi %add3A_287, %add3A_543 : i32
      %add3A_545 = arith.constant 5 : i32
      %add3A_546 = arith.addi %add3A_544, %add3A_545 : i32
      %dma_start3A_547 = arith.constant 4 : i32
      %dma_start3A_548 = arith.constant 0 : i32
      %dma_start3A_549 = arith.constant 0 : i32
      %dma_start3A_550 = tpu.memref_slice %arg8[%dma_start3A_547, %dma_start3A_548, %dma_start3A_549] : memref<5x400x8xf32, #tpu.memory_space<vmem>> -> memref<1x400x8xf32, #tpu.memory_space<vmem>>
      %dma_start3A_551 = tpu.memref_squeeze %dma_start3A_550 : memref<1x400x8xf32, #tpu.memory_space<vmem>> -> memref<400x8xf32, #tpu.memory_space<vmem>>
      %dma_start3A_552 = arith.constant 0 : i32
      %dma_start3A_553 = tpu.memref_slice %arg6[%add3A_546, %dma_start3A_552] : memref<25x400xi32, #tpu.memory_space<vmem>> -> memref<1x400xi32, #tpu.memory_space<vmem>>
      %dma_start3A_554 = tpu.memref_squeeze %dma_start3A_553 : memref<1x400xi32, #tpu.memory_space<vmem>> -> memref<400xi32, #tpu.memory_space<vmem>>
      %dma_start3A_555 = arith.constant 0 : i32
      %dma_start3A_556 = arith.constant 0 : i32
      %dma_start3A_557 = tpu.memref_slice %arg3[%dma_start3A_555, %dma_start3A_556] : memref<10000x8xf32, #tpu.memory_space<hbm>> -> memref<10000x8xf32, #tpu.memory_space<hbm>>
      tpu.enqueue_indirect_dma source(%dma_start3A_557 : memref<10000x8xf32, #tpu.memory_space<hbm>>) target(%dma_start3A_551 : memref<400x8xf32, #tpu.memory_space<vmem>>) offsets(%dma_start3A_554 : memref<400xi32, #tpu.memory_space<vmem>>) semaphore(%arg15 : memref<!tpu.dma_semaphore, #tpu.memory_space<semaphore_mem>>)
    }
    %scan3A_91 = arith.constant 4 : i32
    %dma_wait3A = arith.constant 20 : i32
    %dma_wait3A_92 = arith.constant 0 : i32
    %dma_wait3A_93 = arith.constant 0 : i32
    %dma_wait3A_94 = arith.constant 0 : i32
    %dma_wait3A_95 = tpu.memref_slice %arg8[%dma_wait3A_92, %dma_wait3A_93, %dma_wait3A_94] : memref<5x400x8xf32, #tpu.memory_space<vmem>> -> memref<1x400x8xf32, #tpu.memory_space<vmem>>
    %dma_wait3A_96 = tpu.memref_squeeze %dma_wait3A_95 : memref<1x400x8xf32, #tpu.memory_space<vmem>> -> memref<400x8xf32, #tpu.memory_space<vmem>>
    %dma_wait3A_97 = arith.constant 0 : i32
    %dma_wait3A_98 = tpu.memref_slice %arg6[%dma_wait3A, %dma_wait3A_97] : memref<25x400xi32, #tpu.memory_space<vmem>> -> memref<1x400xi32, #tpu.memory_space<vmem>>
    %dma_wait3A_99 = tpu.memref_squeeze %dma_wait3A_98 : memref<1x400xi32, #tpu.memory_space<vmem>> -> memref<400xi32, #tpu.memory_space<vmem>>
    %dma_wait3A_100 = arith.constant 0 : i32
    %dma_wait3A_101 = arith.constant 0 : i32
    %dma_wait3A_102 = tpu.memref_slice %arg10[%dma_wait3A_100, %dma_wait3A_101] : memref<10000x8xf32, #tpu.memory_space<vmem_shared>> -> memref<10000x8xf32, #tpu.memory_space<vmem_shared>>
    tpu.wait_indirect_dma semaphore(%arg11 : memref<!tpu.dma_semaphore, #tpu.memory_space<semaphore_mem>>) src(%dma_wait3A_102 : memref<10000x8xf32, #tpu.memory_space<vmem_shared>>) dst(%dma_wait3A_96 : memref<400x8xf32, #tpu.memory_space<vmem>>)
    %dma_start3A_103 = arith.constant 0 : i32
    %dma_start3A_104 = arith.constant 20 : i32
    %dma_start3A_105 = arith.constant 0 : i32
    %dma_start3A_106 = arith.constant 0 : i32
    %dma_start3A_107 = tpu.memref_slice %arg8[%dma_start3A_103, %dma_start3A_105, %dma_start3A_106] : memref<5x400x8xf32, #tpu.memory_space<vmem>> -> memref<1x400x8xf32, #tpu.memory_space<vmem>>
    %dma_start3A_108 = tpu.memref_squeeze %dma_start3A_107 : memref<1x400x8xf32, #tpu.memory_space<vmem>> -> memref<400x8xf32, #tpu.memory_space<vmem>>
    %dma_start3A_109 = arith.constant 0 : i32
    %dma_start3A_110 = tpu.memref_slice %arg7[%dma_start3A_104, %dma_start3A_109] : memref<25x400xi32, #tpu.memory_space<vmem>> -> memref<1x400xi32, #tpu.memory_space<vmem>>
    %dma_start3A_111 = tpu.memref_squeeze %dma_start3A_110 : memref<1x400xi32, #tpu.memory_space<vmem>> -> memref<400xi32, #tpu.memory_space<vmem>>
    %dma_start3A_112 = arith.constant 0 : i32
    %dma_start3A_113 = arith.constant 0 : i32
    %dma_start3A_114 = tpu.memref_slice %arg9[%dma_start3A_112, %dma_start3A_113] : memref<10000x8xf32, #tpu.memory_space<vmem_shared>> -> memref<10000x8xf32, #tpu.memory_space<vmem_shared>>
    tpu.enqueue_indirect_dma source(%dma_start3A_108 : memref<400x8xf32, #tpu.memory_space<vmem>>) target(%dma_start3A_114 : memref<10000x8xf32, #tpu.memory_space<vmem_shared>>) offsets(%dma_start3A_111 : memref<400xi32, #tpu.memory_space<vmem>>) semaphore(%arg16 : memref<!tpu.dma_semaphore, #tpu.memory_space<semaphore_mem>>) {add = true}
    %dma_wait3A_115 = arith.constant 21 : i32
    %dma_wait3A_116 = arith.constant 1 : i32
    %dma_wait3A_117 = arith.constant 0 : i32
    %dma_wait3A_118 = arith.constant 0 : i32
    %dma_wait3A_119 = tpu.memref_slice %arg8[%dma_wait3A_116, %dma_wait3A_117, %dma_wait3A_118] : memref<5x400x8xf32, #tpu.memory_space<vmem>> -> memref<1x400x8xf32, #tpu.memory_space<vmem>>
    %dma_wait3A_120 = tpu.memref_squeeze %dma_wait3A_119 : memref<1x400x8xf32, #tpu.memory_space<vmem>> -> memref<400x8xf32, #tpu.memory_space<vmem>>
    %dma_wait3A_121 = arith.constant 0 : i32
    %dma_wait3A_122 = tpu.memref_slice %arg6[%dma_wait3A_115, %dma_wait3A_121] : memref<25x400xi32, #tpu.memory_space<vmem>> -> memref<1x400xi32, #tpu.memory_space<vmem>>
    %dma_wait3A_123 = tpu.memref_squeeze %dma_wait3A_122 : memref<1x400xi32, #tpu.memory_space<vmem>> -> memref<400xi32, #tpu.memory_space<vmem>>
    %dma_wait3A_124 = arith.constant 0 : i32
    %dma_wait3A_125 = arith.constant 0 : i32
    %dma_wait3A_126 = tpu.memref_slice %arg10[%dma_wait3A_124, %dma_wait3A_125] : memref<10000x8xf32, #tpu.memory_space<vmem_shared>> -> memref<10000x8xf32, #tpu.memory_space<vmem_shared>>
    tpu.wait_indirect_dma semaphore(%arg12 : memref<!tpu.dma_semaphore, #tpu.memory_space<semaphore_mem>>) src(%dma_wait3A_126 : memref<10000x8xf32, #tpu.memory_space<vmem_shared>>) dst(%dma_wait3A_120 : memref<400x8xf32, #tpu.memory_space<vmem>>)
    %dma_start3A_127 = arith.constant 1 : i32
    %dma_start3A_128 = arith.constant 21 : i32
    %dma_start3A_129 = arith.constant 0 : i32
    %dma_start3A_130 = arith.constant 0 : i32
    %dma_start3A_131 = tpu.memref_slice %arg8[%dma_start3A_127, %dma_start3A_129, %dma_start3A_130] : memref<5x400x8xf32, #tpu.memory_space<vmem>> -> memref<1x400x8xf32, #tpu.memory_space<vmem>>
    %dma_start3A_132 = tpu.memref_squeeze %dma_start3A_131 : memref<1x400x8xf32, #tpu.memory_space<vmem>> -> memref<400x8xf32, #tpu.memory_space<vmem>>
    %dma_start3A_133 = arith.constant 0 : i32
    %dma_start3A_134 = tpu.memref_slice %arg7[%dma_start3A_128, %dma_start3A_133] : memref<25x400xi32, #tpu.memory_space<vmem>> -> memref<1x400xi32, #tpu.memory_space<vmem>>
    %dma_start3A_135 = tpu.memref_squeeze %dma_start3A_134 : memref<1x400xi32, #tpu.memory_space<vmem>> -> memref<400xi32, #tpu.memory_space<vmem>>
    %dma_start3A_136 = arith.constant 0 : i32
    %dma_start3A_137 = arith.constant 0 : i32
    %dma_start3A_138 = tpu.memref_slice %arg9[%dma_start3A_136, %dma_start3A_137] : memref<10000x8xf32, #tpu.memory_space<vmem_shared>> -> memref<10000x8xf32, #tpu.memory_space<vmem_shared>>
    tpu.enqueue_indirect_dma source(%dma_start3A_132 : memref<400x8xf32, #tpu.memory_space<vmem>>) target(%dma_start3A_138 : memref<10000x8xf32, #tpu.memory_space<vmem_shared>>) offsets(%dma_start3A_135 : memref<400xi32, #tpu.memory_space<vmem>>) semaphore(%arg17 : memref<!tpu.dma_semaphore, #tpu.memory_space<semaphore_mem>>) {add = true}
    %dma_wait3A_139 = arith.constant 22 : i32
    %dma_wait3A_140 = arith.constant 2 : i32
    %dma_wait3A_141 = arith.constant 0 : i32
    %dma_wait3A_142 = arith.constant 0 : i32
    %dma_wait3A_143 = tpu.memref_slice %arg8[%dma_wait3A_140, %dma_wait3A_141, %dma_wait3A_142] : memref<5x400x8xf32, #tpu.memory_space<vmem>> -> memref<1x400x8xf32, #tpu.memory_space<vmem>>
    %dma_wait3A_144 = tpu.memref_squeeze %dma_wait3A_143 : memref<1x400x8xf32, #tpu.memory_space<vmem>> -> memref<400x8xf32, #tpu.memory_space<vmem>>
    %dma_wait3A_145 = arith.constant 0 : i32
    %dma_wait3A_146 = tpu.memref_slice %arg6[%dma_wait3A_139, %dma_wait3A_145] : memref<25x400xi32, #tpu.memory_space<vmem>> -> memref<1x400xi32, #tpu.memory_space<vmem>>
    %dma_wait3A_147 = tpu.memref_squeeze %dma_wait3A_146 : memref<1x400xi32, #tpu.memory_space<vmem>> -> memref<400xi32, #tpu.memory_space<vmem>>
    %dma_wait3A_148 = arith.constant 0 : i32
    %dma_wait3A_149 = arith.constant 0 : i32
    %dma_wait3A_150 = tpu.memref_slice %arg10[%dma_wait3A_148, %dma_wait3A_149] : memref<10000x8xf32, #tpu.memory_space<vmem_shared>> -> memref<10000x8xf32, #tpu.memory_space<vmem_shared>>
    tpu.wait_indirect_dma semaphore(%arg13 : memref<!tpu.dma_semaphore, #tpu.memory_space<semaphore_mem>>) src(%dma_wait3A_150 : memref<10000x8xf32, #tpu.memory_space<vmem_shared>>) dst(%dma_wait3A_144 : memref<400x8xf32, #tpu.memory_space<vmem>>)
    %dma_start3A_151 = arith.constant 2 : i32
    %dma_start3A_152 = arith.constant 22 : i32
    %dma_start3A_153 = arith.constant 0 : i32
    %dma_start3A_154 = arith.constant 0 : i32
    %dma_start3A_155 = tpu.memref_slice %arg8[%dma_start3A_151, %dma_start3A_153, %dma_start3A_154] : memref<5x400x8xf32, #tpu.memory_space<vmem>> -> memref<1x400x8xf32, #tpu.memory_space<vmem>>
    %dma_start3A_156 = tpu.memref_squeeze %dma_start3A_155 : memref<1x400x8xf32, #tpu.memory_space<vmem>> -> memref<400x8xf32, #tpu.memory_space<vmem>>
    %dma_start3A_157 = arith.constant 0 : i32
    %dma_start3A_158 = tpu.memref_slice %arg7[%dma_start3A_152, %dma_start3A_157] : memref<25x400xi32, #tpu.memory_space<vmem>> -> memref<1x400xi32, #tpu.memory_space<vmem>>
    %dma_start3A_159 = tpu.memref_squeeze %dma_start3A_158 : memref<1x400xi32, #tpu.memory_space<vmem>> -> memref<400xi32, #tpu.memory_space<vmem>>
    %dma_start3A_160 = arith.constant 0 : i32
    %dma_start3A_161 = arith.constant 0 : i32
    %dma_start3A_162 = tpu.memref_slice %arg9[%dma_start3A_160, %dma_start3A_161] : memref<10000x8xf32, #tpu.memory_space<vmem_shared>> -> memref<10000x8xf32, #tpu.memory_space<vmem_shared>>
    tpu.enqueue_indirect_dma source(%dma_start3A_156 : memref<400x8xf32, #tpu.memory_space<vmem>>) target(%dma_start3A_162 : memref<10000x8xf32, #tpu.memory_space<vmem_shared>>) offsets(%dma_start3A_159 : memref<400xi32, #tpu.memory_space<vmem>>) semaphore(%arg18 : memref<!tpu.dma_semaphore, #tpu.memory_space<semaphore_mem>>) {add = true}
    %dma_wait3A_163 = arith.constant 23 : i32
    %dma_wait3A_164 = arith.constant 3 : i32
    %dma_wait3A_165 = arith.constant 0 : i32
    %dma_wait3A_166 = arith.constant 0 : i32
    %dma_wait3A_167 = tpu.memref_slice %arg8[%dma_wait3A_164, %dma_wait3A_165, %dma_wait3A_166] : memref<5x400x8xf32, #tpu.memory_space<vmem>> -> memref<1x400x8xf32, #tpu.memory_space<vmem>>
    %dma_wait3A_168 = tpu.memref_squeeze %dma_wait3A_167 : memref<1x400x8xf32, #tpu.memory_space<vmem>> -> memref<400x8xf32, #tpu.memory_space<vmem>>
    %dma_wait3A_169 = arith.constant 0 : i32
    %dma_wait3A_170 = tpu.memref_slice %arg6[%dma_wait3A_163, %dma_wait3A_169] : memref<25x400xi32, #tpu.memory_space<vmem>> -> memref<1x400xi32, #tpu.memory_space<vmem>>
    %dma_wait3A_171 = tpu.memref_squeeze %dma_wait3A_170 : memref<1x400xi32, #tpu.memory_space<vmem>> -> memref<400xi32, #tpu.memory_space<vmem>>
    %dma_wait3A_172 = arith.constant 0 : i32
    %dma_wait3A_173 = arith.constant 0 : i32
    %dma_wait3A_174 = tpu.memref_slice %arg10[%dma_wait3A_172, %dma_wait3A_173] : memref<10000x8xf32, #tpu.memory_space<vmem_shared>> -> memref<10000x8xf32, #tpu.memory_space<vmem_shared>>
    tpu.wait_indirect_dma semaphore(%arg14 : memref<!tpu.dma_semaphore, #tpu.memory_space<semaphore_mem>>) src(%dma_wait3A_174 : memref<10000x8xf32, #tpu.memory_space<vmem_shared>>) dst(%dma_wait3A_168 : memref<400x8xf32, #tpu.memory_space<vmem>>)
    %dma_start3A_175 = arith.constant 3 : i32
    %dma_start3A_176 = arith.constant 23 : i32
    %dma_start3A_177 = arith.constant 0 : i32
    %dma_start3A_178 = arith.constant 0 : i32
    %dma_start3A_179 = tpu.memref_slice %arg8[%dma_start3A_175, %dma_start3A_177, %dma_start3A_178] : memref<5x400x8xf32, #tpu.memory_space<vmem>> -> memref<1x400x8xf32, #tpu.memory_space<vmem>>
    %dma_start3A_180 = tpu.memref_squeeze %dma_start3A_179 : memref<1x400x8xf32, #tpu.memory_space<vmem>> -> memref<400x8xf32, #tpu.memory_space<vmem>>
    %dma_start3A_181 = arith.constant 0 : i32
    %dma_start3A_182 = tpu.memref_slice %arg7[%dma_start3A_176, %dma_start3A_181] : memref<25x400xi32, #tpu.memory_space<vmem>> -> memref<1x400xi32, #tpu.memory_space<vmem>>
    %dma_start3A_183 = tpu.memref_squeeze %dma_start3A_182 : memref<1x400xi32, #tpu.memory_space<vmem>> -> memref<400xi32, #tpu.memory_space<vmem>>
    %dma_start3A_184 = arith.constant 0 : i32
    %dma_start3A_185 = arith.constant 0 : i32
    %dma_start3A_186 = tpu.memref_slice %arg9[%dma_start3A_184, %dma_start3A_185] : memref<10000x8xf32, #tpu.memory_space<vmem_shared>> -> memref<10000x8xf32, #tpu.memory_space<vmem_shared>>
    tpu.enqueue_indirect_dma source(%dma_start3A_180 : memref<400x8xf32, #tpu.memory_space<vmem>>) target(%dma_start3A_186 : memref<10000x8xf32, #tpu.memory_space<vmem_shared>>) offsets(%dma_start3A_183 : memref<400xi32, #tpu.memory_space<vmem>>) semaphore(%arg19 : memref<!tpu.dma_semaphore, #tpu.memory_space<semaphore_mem>>) {add = true}
    %dma_wait3A_187 = arith.constant 24 : i32
    %dma_wait3A_188 = arith.constant 4 : i32
    %dma_wait3A_189 = arith.constant 0 : i32
    %dma_wait3A_190 = arith.constant 0 : i32
    %dma_wait3A_191 = tpu.memref_slice %arg8[%dma_wait3A_188, %dma_wait3A_189, %dma_wait3A_190] : memref<5x400x8xf32, #tpu.memory_space<vmem>> -> memref<1x400x8xf32, #tpu.memory_space<vmem>>
    %dma_wait3A_192 = tpu.memref_squeeze %dma_wait3A_191 : memref<1x400x8xf32, #tpu.memory_space<vmem>> -> memref<400x8xf32, #tpu.memory_space<vmem>>
    %dma_wait3A_193 = arith.constant 0 : i32
    %dma_wait3A_194 = tpu.memref_slice %arg6[%dma_wait3A_187, %dma_wait3A_193] : memref<25x400xi32, #tpu.memory_space<vmem>> -> memref<1x400xi32, #tpu.memory_space<vmem>>
    %dma_wait3A_195 = tpu.memref_squeeze %dma_wait3A_194 : memref<1x400xi32, #tpu.memory_space<vmem>> -> memref<400xi32, #tpu.memory_space<vmem>>
    %dma_wait3A_196 = arith.constant 0 : i32
    %dma_wait3A_197 = arith.constant 0 : i32
    %dma_wait3A_198 = tpu.memref_slice %arg3[%dma_wait3A_196, %dma_wait3A_197] : memref<10000x8xf32, #tpu.memory_space<hbm>> -> memref<10000x8xf32, #tpu.memory_space<hbm>>
    tpu.wait_indirect_dma semaphore(%arg15 : memref<!tpu.dma_semaphore, #tpu.memory_space<semaphore_mem>>) src(%dma_wait3A_198 : memref<10000x8xf32, #tpu.memory_space<hbm>>) dst(%dma_wait3A_192 : memref<400x8xf32, #tpu.memory_space<vmem>>)
    %dma_start3A_199 = arith.constant 4 : i32
    %dma_start3A_200 = arith.constant 24 : i32
    %dma_start3A_201 = arith.constant 0 : i32
    %dma_start3A_202 = arith.constant 0 : i32
    %dma_start3A_203 = tpu.memref_slice %arg8[%dma_start3A_199, %dma_start3A_201, %dma_start3A_202] : memref<5x400x8xf32, #tpu.memory_space<vmem>> -> memref<1x400x8xf32, #tpu.memory_space<vmem>>
    %dma_start3A_204 = tpu.memref_squeeze %dma_start3A_203 : memref<1x400x8xf32, #tpu.memory_space<vmem>> -> memref<400x8xf32, #tpu.memory_space<vmem>>
    %dma_start3A_205 = arith.constant 0 : i32
    %dma_start3A_206 = tpu.memref_slice %arg7[%dma_start3A_200, %dma_start3A_205] : memref<25x400xi32, #tpu.memory_space<vmem>> -> memref<1x400xi32, #tpu.memory_space<vmem>>
    %dma_start3A_207 = tpu.memref_squeeze %dma_start3A_206 : memref<1x400xi32, #tpu.memory_space<vmem>> -> memref<400xi32, #tpu.memory_space<vmem>>
    %dma_start3A_208 = arith.constant 0 : i32
    %dma_start3A_209 = arith.constant 0 : i32
    %dma_start3A_210 = tpu.memref_slice %arg9[%dma_start3A_208, %dma_start3A_209] : memref<10000x8xf32, #tpu.memory_space<vmem_shared>> -> memref<10000x8xf32, #tpu.memory_space<vmem_shared>>
    tpu.enqueue_indirect_dma source(%dma_start3A_204 : memref<400x8xf32, #tpu.memory_space<vmem>>) target(%dma_start3A_210 : memref<10000x8xf32, #tpu.memory_space<vmem_shared>>) offsets(%dma_start3A_207 : memref<400xi32, #tpu.memory_space<vmem>>) semaphore(%arg20 : memref<!tpu.dma_semaphore, #tpu.memory_space<semaphore_mem>>) {add = true}
    %dma_wait3A_211 = arith.constant 0 : i32
    %dma_wait3A_212 = arith.constant 20 : i32
    %dma_wait3A_213 = arith.constant 0 : i32
    %dma_wait3A_214 = arith.constant 0 : i32
    %dma_wait3A_215 = tpu.memref_slice %arg8[%dma_wait3A_211, %dma_wait3A_213, %dma_wait3A_214] : memref<5x400x8xf32, #tpu.memory_space<vmem>> -> memref<1x400x8xf32, #tpu.memory_space<vmem>>
    %dma_wait3A_216 = tpu.memref_squeeze %dma_wait3A_215 : memref<1x400x8xf32, #tpu.memory_space<vmem>> -> memref<400x8xf32, #tpu.memory_space<vmem>>
    %dma_wait3A_217 = arith.constant 0 : i32
    %dma_wait3A_218 = tpu.memref_slice %arg7[%dma_wait3A_212, %dma_wait3A_217] : memref<25x400xi32, #tpu.memory_space<vmem>> -> memref<1x400xi32, #tpu.memory_space<vmem>>
    %dma_wait3A_219 = tpu.memref_squeeze %dma_wait3A_218 : memref<1x400xi32, #tpu.memory_space<vmem>> -> memref<400xi32, #tpu.memory_space<vmem>>
    %dma_wait3A_220 = arith.constant 0 : i32
    %dma_wait3A_221 = arith.constant 0 : i32
    %dma_wait3A_222 = tpu.memref_slice %arg9[%dma_wait3A_220, %dma_wait3A_221] : memref<10000x8xf32, #tpu.memory_space<vmem_shared>> -> memref<10000x8xf32, #tpu.memory_space<vmem_shared>>
    tpu.wait_indirect_dma semaphore(%arg16 : memref<!tpu.dma_semaphore, #tpu.memory_space<semaphore_mem>>) src(%dma_wait3A_216 : memref<400x8xf32, #tpu.memory_space<vmem>>) dst(%dma_wait3A_222 : memref<10000x8xf32, #tpu.memory_space<vmem_shared>>)
    %dma_wait3A_223 = arith.constant 1 : i32
    %dma_wait3A_224 = arith.constant 21 : i32
    %dma_wait3A_225 = arith.constant 0 : i32
    %dma_wait3A_226 = arith.constant 0 : i32
    %dma_wait3A_227 = tpu.memref_slice %arg8[%dma_wait3A_223, %dma_wait3A_225, %dma_wait3A_226] : memref<5x400x8xf32, #tpu.memory_space<vmem>> -> memref<1x400x8xf32, #tpu.memory_space<vmem>>
    %dma_wait3A_228 = tpu.memref_squeeze %dma_wait3A_227 : memref<1x400x8xf32, #tpu.memory_space<vmem>> -> memref<400x8xf32, #tpu.memory_space<vmem>>
    %dma_wait3A_229 = arith.constant 0 : i32
    %dma_wait3A_230 = tpu.memref_slice %arg7[%dma_wait3A_224, %dma_wait3A_229] : memref<25x400xi32, #tpu.memory_space<vmem>> -> memref<1x400xi32, #tpu.memory_space<vmem>>
    %dma_wait3A_231 = tpu.memref_squeeze %dma_wait3A_230 : memref<1x400xi32, #tpu.memory_space<vmem>> -> memref<400xi32, #tpu.memory_space<vmem>>
    %dma_wait3A_232 = arith.constant 0 : i32
    %dma_wait3A_233 = arith.constant 0 : i32
    %dma_wait3A_234 = tpu.memref_slice %arg9[%dma_wait3A_232, %dma_wait3A_233] : memref<10000x8xf32, #tpu.memory_space<vmem_shared>> -> memref<10000x8xf32, #tpu.memory_space<vmem_shared>>
    tpu.wait_indirect_dma semaphore(%arg17 : memref<!tpu.dma_semaphore, #tpu.memory_space<semaphore_mem>>) src(%dma_wait3A_228 : memref<400x8xf32, #tpu.memory_space<vmem>>) dst(%dma_wait3A_234 : memref<10000x8xf32, #tpu.memory_space<vmem_shared>>)
    %dma_wait3A_235 = arith.constant 2 : i32
    %dma_wait3A_236 = arith.constant 22 : i32
    %dma_wait3A_237 = arith.constant 0 : i32
    %dma_wait3A_238 = arith.constant 0 : i32
    %dma_wait3A_239 = tpu.memref_slice %arg8[%dma_wait3A_235, %dma_wait3A_237, %dma_wait3A_238] : memref<5x400x8xf32, #tpu.memory_space<vmem>> -> memref<1x400x8xf32, #tpu.memory_space<vmem>>
    %dma_wait3A_240 = tpu.memref_squeeze %dma_wait3A_239 : memref<1x400x8xf32, #tpu.memory_space<vmem>> -> memref<400x8xf32, #tpu.memory_space<vmem>>
    %dma_wait3A_241 = arith.constant 0 : i32
    %dma_wait3A_242 = tpu.memref_slice %arg7[%dma_wait3A_236, %dma_wait3A_241] : memref<25x400xi32, #tpu.memory_space<vmem>> -> memref<1x400xi32, #tpu.memory_space<vmem>>
    %dma_wait3A_243 = tpu.memref_squeeze %dma_wait3A_242 : memref<1x400xi32, #tpu.memory_space<vmem>> -> memref<400xi32, #tpu.memory_space<vmem>>
    %dma_wait3A_244 = arith.constant 0 : i32
    %dma_wait3A_245 = arith.constant 0 : i32
    %dma_wait3A_246 = tpu.memref_slice %arg9[%dma_wait3A_244, %dma_wait3A_245] : memref<10000x8xf32, #tpu.memory_space<vmem_shared>> -> memref<10000x8xf32, #tpu.memory_space<vmem_shared>>
    tpu.wait_indirect_dma semaphore(%arg18 : memref<!tpu.dma_semaphore, #tpu.memory_space<semaphore_mem>>) src(%dma_wait3A_240 : memref<400x8xf32, #tpu.memory_space<vmem>>) dst(%dma_wait3A_246 : memref<10000x8xf32, #tpu.memory_space<vmem_shared>>)
    %dma_wait3A_247 = arith.constant 3 : i32
    %dma_wait3A_248 = arith.constant 23 : i32
    %dma_wait3A_249 = arith.constant 0 : i32
    %dma_wait3A_250 = arith.constant 0 : i32
    %dma_wait3A_251 = tpu.memref_slice %arg8[%dma_wait3A_247, %dma_wait3A_249, %dma_wait3A_250] : memref<5x400x8xf32, #tpu.memory_space<vmem>> -> memref<1x400x8xf32, #tpu.memory_space<vmem>>
    %dma_wait3A_252 = tpu.memref_squeeze %dma_wait3A_251 : memref<1x400x8xf32, #tpu.memory_space<vmem>> -> memref<400x8xf32, #tpu.memory_space<vmem>>
    %dma_wait3A_253 = arith.constant 0 : i32
    %dma_wait3A_254 = tpu.memref_slice %arg7[%dma_wait3A_248, %dma_wait3A_253] : memref<25x400xi32, #tpu.memory_space<vmem>> -> memref<1x400xi32, #tpu.memory_space<vmem>>
    %dma_wait3A_255 = tpu.memref_squeeze %dma_wait3A_254 : memref<1x400xi32, #tpu.memory_space<vmem>> -> memref<400xi32, #tpu.memory_space<vmem>>
    %dma_wait3A_256 = arith.constant 0 : i32
    %dma_wait3A_257 = arith.constant 0 : i32
    %dma_wait3A_258 = tpu.memref_slice %arg9[%dma_wait3A_256, %dma_wait3A_257] : memref<10000x8xf32, #tpu.memory_space<vmem_shared>> -> memref<10000x8xf32, #tpu.memory_space<vmem_shared>>
    tpu.wait_indirect_dma semaphore(%arg19 : memref<!tpu.dma_semaphore, #tpu.memory_space<semaphore_mem>>) src(%dma_wait3A_252 : memref<400x8xf32, #tpu.memory_space<vmem>>) dst(%dma_wait3A_258 : memref<10000x8xf32, #tpu.memory_space<vmem_shared>>)
    %dma_wait3A_259 = arith.constant 4 : i32
    %dma_wait3A_260 = arith.constant 24 : i32
    %dma_wait3A_261 = arith.constant 0 : i32
    %dma_wait3A_262 = arith.constant 0 : i32
    %dma_wait3A_263 = tpu.memref_slice %arg8[%dma_wait3A_259, %dma_wait3A_261, %dma_wait3A_262] : memref<5x400x8xf32, #tpu.memory_space<vmem>> -> memref<1x400x8xf32, #tpu.memory_space<vmem>>
    %dma_wait3A_264 = tpu.memref_squeeze %dma_wait3A_263 : memref<1x400x8xf32, #tpu.memory_space<vmem>> -> memref<400x8xf32, #tpu.memory_space<vmem>>
    %dma_wait3A_265 = arith.constant 0 : i32
    %dma_wait3A_266 = tpu.memref_slice %arg7[%dma_wait3A_260, %dma_wait3A_265] : memref<25x400xi32, #tpu.memory_space<vmem>> -> memref<1x400xi32, #tpu.memory_space<vmem>>
    %dma_wait3A_267 = tpu.memref_squeeze %dma_wait3A_266 : memref<1x400xi32, #tpu.memory_space<vmem>> -> memref<400xi32, #tpu.memory_space<vmem>>
    %dma_wait3A_268 = arith.constant 0 : i32
    %dma_wait3A_269 = arith.constant 0 : i32
    %dma_wait3A_270 = tpu.memref_slice %arg9[%dma_wait3A_268, %dma_wait3A_269] : memref<10000x8xf32, #tpu.memory_space<vmem_shared>> -> memref<10000x8xf32, #tpu.memory_space<vmem_shared>>
    tpu.wait_indirect_dma semaphore(%arg20 : memref<!tpu.dma_semaphore, #tpu.memory_space<semaphore_mem>>) src(%dma_wait3A_264 : memref<400x8xf32, #tpu.memory_space<vmem>>) dst(%dma_wait3A_270 : memref<10000x8xf32, #tpu.memory_space<vmem_shared>>)
    %barrier3A_271 = arith.constant 0 : index
    tpu.barrier barrier_id(%barrier3A_271)
    %scan3A_272 = arith.constant 0 : i32
    %mul3A_273 = arith.constant 1 : i32
    %mul3A_274 = arith.muli %scan3A_272, %mul3A_273 : i32
    %add3A_275 = arith.constant 0 : i32
    %add3A_276 = arith.addi %add3A_275, %mul3A_274 : i32
    %mul3A_277 = arith.constant 400 : i32
    %mul3A_278 = arith.muli %add3A_276, %mul3A_277 : i32
    %add3A_279 = arith.addi %mul3A_2, %mul3A_278 : i32
    "tpu.region"() ({
      %run_scoped3A_283 = tpu.sem_alloc : memref<!tpu.dma_semaphore, #tpu.memory_space<semaphore_mem>>
      %dma_start3A_284 = arith.constant 0 : i32
      %dma_start3A_285 = arith.constant 0 : i32
      %dma_start3A_286 = tpu.memref_slice %arg5[%arg0, %dma_start3A_284, %dma_start3A_285] : memref<2x10000x8xf32, #tpu.memory_space<hbm>> -> memref<1x10000x8xf32, #tpu.memory_space<hbm>>
      %dma_start3A_287 = tpu.memref_squeeze %dma_start3A_286 : memref<1x10000x8xf32, #tpu.memory_space<hbm>> -> memref<10000x8xf32, #tpu.memory_space<hbm>>
      %dma_start3A_288 = arith.constant 0 : i32
      %dma_start3A_289 = tpu.memref_slice %dma_start3A_287[%add3A_279, %dma_start3A_288] : memref<10000x8xf32, #tpu.memory_space<hbm>> -> memref<400x8xf32, #tpu.memory_space<hbm>>
      %dma_start3A_290 = arith.constant 0 : i32
      %dma_start3A_291 = tpu.memref_slice %arg9[%add3A_279, %dma_start3A_290] : memref<10000x8xf32, #tpu.memory_space<vmem_shared>> -> memref<400x8xf32, #tpu.memory_space<vmem_shared>>
      tpu.enqueue_dma source(%dma_start3A_291 : memref<400x8xf32, #tpu.memory_space<vmem_shared>>) target(%dma_start3A_289 : memref<400x8xf32, #tpu.memory_space<hbm>>) target_semaphore(%run_scoped3A_283 : memref<!tpu.dma_semaphore, #tpu.memory_space<semaphore_mem>>)
      %dma_wait3A_292 = arith.constant 0 : i32
      %dma_wait3A_293 = arith.constant 0 : i32
      %dma_wait3A_294 = tpu.memref_slice %arg5[%arg0, %dma_wait3A_292, %dma_wait3A_293] : memref<2x10000x8xf32, #tpu.memory_space<hbm>> -> memref<1x10000x8xf32, #tpu.memory_space<hbm>>
      %dma_wait3A_295 = tpu.memref_squeeze %dma_wait3A_294 : memref<1x10000x8xf32, #tpu.memory_space<hbm>> -> memref<10000x8xf32, #tpu.memory_space<hbm>>
      %dma_wait3A_296 = arith.constant 0 : i32
      %dma_wait3A_297 = tpu.memref_slice %dma_wait3A_295[%add3A_279, %dma_wait3A_296] : memref<10000x8xf32, #tpu.memory_space<hbm>> -> memref<400x8xf32, #tpu.memory_space<hbm>>
      %dma_wait3A_298 = arith.constant 0 : i32
      %dma_wait3A_299 = tpu.memref_slice %arg9[%add3A_279, %dma_wait3A_298] : memref<10000x8xf32, #tpu.memory_space<vmem_shared>> -> memref<400x8xf32, #tpu.memory_space<vmem_shared>>
      tpu.wait_dma2 semaphore(%run_scoped3A_283 : memref<!tpu.dma_semaphore, #tpu.memory_space<semaphore_mem>>) src(%dma_wait3A_299 : memref<400x8xf32, #tpu.memory_space<vmem_shared>>) dst(%dma_wait3A_297 : memref<400x8xf32, #tpu.memory_space<hbm>>)
      tpu.yield
    }) : () -> ()
    %scan3A_280 = arith.constant 1 : i32
    %add3A_281 = arith.constant 400 : i32
    %add3A_282 = arith.addi %mul3A_2, %add3A_281 : i32
    "tpu.region"() ({
      %run_scoped3A_283 = tpu.sem_alloc : memref<!tpu.dma_semaphore, #tpu.memory_space<semaphore_mem>>
      %dma_start3A_284 = arith.constant 0 : i32
      %dma_start3A_285 = arith.constant 0 : i32
      %dma_start3A_286 = tpu.memref_slice %arg5[%arg0, %dma_start3A_284, %dma_start3A_285] : memref<2x10000x8xf32, #tpu.memory_space<hbm>> -> memref<1x10000x8xf32, #tpu.memory_space<hbm>>
      %dma_start3A_287 = tpu.memref_squeeze %dma_start3A_286 : memref<1x10000x8xf32, #tpu.memory_space<hbm>> -> memref<10000x8xf32, #tpu.memory_space<hbm>>
      %dma_start3A_288 = arith.constant 0 : i32
      %dma_start3A_289 = tpu.memref_slice %dma_start3A_287[%add3A_282, %dma_start3A_288] : memref<10000x8xf32, #tpu.memory_space<hbm>> -> memref<225x8xf32, #tpu.memory_space<hbm>>
      %dma_start3A_290 = arith.constant 0 : i32
      %dma_start3A_291 = tpu.memref_slice %arg9[%add3A_282, %dma_start3A_290] : memref<10000x8xf32, #tpu.memory_space<vmem_shared>> -> memref<225x8xf32, #tpu.memory_space<vmem_shared>>
      tpu.enqueue_dma source(%dma_start3A_291 : memref<225x8xf32, #tpu.memory_space<vmem_shared>>) target(%dma_start3A_289 : memref<225x8xf32, #tpu.memory_space<hbm>>) target_semaphore(%run_scoped3A_283 : memref<!tpu.dma_semaphore, #tpu.memory_space<semaphore_mem>>)
      %dma_wait3A_292 = arith.constant 0 : i32
      %dma_wait3A_293 = arith.constant 0 : i32
      %dma_wait3A_294 = tpu.memref_slice %arg5[%arg0, %dma_wait3A_292, %dma_wait3A_293] : memref<2x10000x8xf32, #tpu.memory_space<hbm>> -> memref<1x10000x8xf32, #tpu.memory_space<hbm>>
      %dma_wait3A_295 = tpu.memref_squeeze %dma_wait3A_294 : memref<1x10000x8xf32, #tpu.memory_space<hbm>> -> memref<10000x8xf32, #tpu.memory_space<hbm>>
      %dma_wait3A_296 = arith.constant 0 : i32
      %dma_wait3A_297 = tpu.memref_slice %dma_wait3A_295[%add3A_282, %dma_wait3A_296] : memref<10000x8xf32, #tpu.memory_space<hbm>> -> memref<225x8xf32, #tpu.memory_space<hbm>>
      %dma_wait3A_298 = arith.constant 0 : i32
      %dma_wait3A_299 = tpu.memref_slice %arg9[%add3A_282, %dma_wait3A_298] : memref<10000x8xf32, #tpu.memory_space<vmem_shared>> -> memref<225x8xf32, #tpu.memory_space<vmem_shared>>
      tpu.wait_dma2 semaphore(%run_scoped3A_283 : memref<!tpu.dma_semaphore, #tpu.memory_space<semaphore_mem>>) src(%dma_wait3A_299 : memref<225x8xf32, #tpu.memory_space<vmem_shared>>) dst(%dma_wait3A_297 : memref<225x8xf32, #tpu.memory_space<hbm>>)
      tpu.yield
    }) : () -> ()
    return
  }
}

#map = affine_map<(d0, d1) -> (0, 0, 0, 0)>
#map1 = affine_map<(d0, d1) -> (0, 0)>
#map2 = affine_map<(d0, d1) -> (0, 0, 0)>
module attributes {stable_mosaic.version = 14 : i64} {
  func.func @edge_pass(%arg0: i32, %arg1: i32, %arg2: memref<2x32x25x400xi32, #tpu.memory_space<hbm>>, %arg3: memref<10000x32xf32, #tpu.memory_space<hbm>>, %arg4: memref<400x32xf32, #tpu.memory_space<hbm>>, %arg5: memref<2x10000x32xf32, #tpu.memory_space<hbm>>, %arg6: memref<25x400xi32, #tpu.memory_space<vmem>>, %arg7: memref<25x400xi32, #tpu.memory_space<vmem>>, %arg8: memref<5x400x32xf32, #tpu.memory_space<vmem>>, %arg9: memref<10000x32xf32, #tpu.memory_space<vmem_shared>>, %arg10: memref<10000x32xf32, #tpu.memory_space<vmem_shared>>, %arg11: memref<!tpu.dma_semaphore, #tpu.memory_space<semaphore_mem>>, %arg12: memref<!tpu.dma_semaphore, #tpu.memory_space<semaphore_mem>>, %arg13: memref<!tpu.dma_semaphore, #tpu.memory_space<semaphore_mem>>, %arg14: memref<!tpu.dma_semaphore, #tpu.memory_space<semaphore_mem>>, %arg15: memref<!tpu.dma_semaphore, #tpu.memory_space<semaphore_mem>>, %arg16: memref<!tpu.dma_semaphore, #tpu.memory_space<semaphore_mem>>, %arg17: memref<!tpu.dma_semaphore, #tpu.memory_space<semaphore_mem>>, %arg18: memref<!tpu.dma_semaphore, #tpu.memory_space<semaphore_mem>>, %arg19: memref<!tpu.dma_semaphore, #tpu.memory_space<semaphore_mem>>, %arg20: memref<!tpu.dma_semaphore, #tpu.memory_space<semaphore_mem>>) attributes {dimension_semantics = [#tpu.dimension_semantics<core_parallel>, #tpu.dimension_semantics<subcore_parallel>], iteration_bounds = array<i64: 2, 16>, scalar_prefetch = 0 : i64, scratch_operands = 15 : i64, tpu.core_type = #tpu.core_type<sc_vector_subcore>, window_params = [{transform_indices = #map}, {transform_indices = #map1}, {transform_indices = #map1}, {transform_indices = #map2}]} {
    %mul3A = arith.constant 16 : i32
    %mul3A_0 = arith.muli %arg0, %mul3A : i32
    %add3A = arith.addi %mul3A_0, %arg1 : i32
    %run_scoped3A = arith.constant 0 : i32
    "tpu.region"() ({
      %run_scoped3A_283 = tpu.sem_alloc : memref<!tpu.dma_semaphore, #tpu.memory_space<semaphore_mem>>
      %dma_start3A_284 = arith.constant 0 : i32
      %dma_start3A_285 = arith.constant 0 : i32
      %dma_start3A_286 = tpu.memref_slice %arg8[%run_scoped3A, %dma_start3A_284, %dma_start3A_285] : memref<5x400x32xf32, #tpu.memory_space<vmem>> -> memref<1x400x32xf32, #tpu.memory_space<vmem>>
      %dma_start3A_287 = tpu.memref_squeeze %dma_start3A_286 : memref<1x400x32xf32, #tpu.memory_space<vmem>> -> memref<400x32xf32, #tpu.memory_space<vmem>>
      %dma_start3A_288 = arith.constant 0 : i32
      %dma_start3A_289 = arith.constant 0 : i32
      %dma_start3A_290 = tpu.memref_slice %arg8[%run_scoped3A, %dma_start3A_288, %dma_start3A_289] : memref<5x400x32xf32, #tpu.memory_space<vmem>> -> memref<1x400x32xf32, #tpu.memory_space<vmem>>
      %dma_start3A_291 = tpu.memref_squeeze %dma_start3A_290 : memref<1x400x32xf32, #tpu.memory_space<vmem>> -> memref<400x32xf32, #tpu.memory_space<vmem>>
      tpu.enqueue_dma source(%arg4 : memref<400x32xf32, #tpu.memory_space<hbm>>) target(%dma_start3A_291 : memref<400x32xf32, #tpu.memory_space<vmem>>) target_semaphore(%run_scoped3A_283 : memref<!tpu.dma_semaphore, #tpu.memory_space<semaphore_mem>>)
      %dma_wait3A_292 = arith.constant 0 : i32
      %dma_wait3A_293 = arith.constant 0 : i32
      %dma_wait3A_294 = tpu.memref_slice %arg8[%run_scoped3A, %dma_wait3A_292, %dma_wait3A_293] : memref<5x400x32xf32, #tpu.memory_space<vmem>> -> memref<1x400x32xf32, #tpu.memory_space<vmem>>
      %dma_wait3A_295 = tpu.memref_squeeze %dma_wait3A_294 : memref<1x400x32xf32, #tpu.memory_space<vmem>> -> memref<400x32xf32, #tpu.memory_space<vmem>>
      %dma_wait3A_296 = arith.constant 0 : i32
      %dma_wait3A_297 = arith.constant 0 : i32
      %dma_wait3A_298 = tpu.memref_slice %arg8[%run_scoped3A, %dma_wait3A_296, %dma_wait3A_297] : memref<5x400x32xf32, #tpu.memory_space<vmem>> -> memref<1x400x32xf32, #tpu.memory_space<vmem>>
      %dma_wait3A_299 = tpu.memref_squeeze %dma_wait3A_298 : memref<1x400x32xf32, #tpu.memory_space<vmem>> -> memref<400x32xf32, #tpu.memory_space<vmem>>
      tpu.wait_dma2 semaphore(%run_scoped3A_283 : memref<!tpu.dma_semaphore, #tpu.memory_space<semaphore_mem>>) src(%arg4 : memref<400x32xf32, #tpu.memory_space<hbm>>) dst(%dma_wait3A_299 : memref<400x32xf32, #tpu.memory_space<vmem>>)
      tpu.yield
    }) : () -> ()
    %mul3A_1 = arith.constant 625 : i32
    %mul3A_2 = arith.muli %arg1, %mul3A_1 : i32
    %scan3A = arith.constant 0 : i32
    %mul3A_3 = arith.constant 1 : i32
    %mul3A_4 = arith.muli %scan3A, %mul3A_3 : i32
    %add3A_5 = arith.constant 0 : i32
    %add3A_6 = arith.addi %add3A_5, %mul3A_4 : i32
    %mul3A_7 = arith.constant 400 : i32
    %mul3A_8 = arith.muli %add3A_6, %mul3A_7 : i32
    %add3A_9 = arith.addi %mul3A_2, %mul3A_8 : i32
    %run_scoped3A_10 = arith.constant 0 : i32
    "tpu.region"() ({
      %run_scoped3A_283 = tpu.sem_alloc : memref<!tpu.dma_semaphore, #tpu.memory_space<semaphore_mem>>
      %dma_start3A_284 = arith.constant 0 : i32
      %dma_start3A_285 = arith.constant 0 : i32
      %dma_start3A_286 = tpu.memref_slice %arg8[%run_scoped3A_10, %dma_start3A_284, %dma_start3A_285] : memref<5x400x32xf32, #tpu.memory_space<vmem>> -> memref<1x400x32xf32, #tpu.memory_space<vmem>>
      %dma_start3A_287 = tpu.memref_squeeze %dma_start3A_286 : memref<1x400x32xf32, #tpu.memory_space<vmem>> -> memref<400x32xf32, #tpu.memory_space<vmem>>
      %dma_start3A_288 = arith.constant 0 : i32
      %dma_start3A_289 = arith.constant 0 : i32
      %dma_start3A_290 = tpu.memref_slice %dma_start3A_287[%dma_start3A_288, %dma_start3A_289] : memref<400x32xf32, #tpu.memory_space<vmem>> -> memref<400x32xf32, #tpu.memory_space<vmem>>
      %dma_start3A_291 = arith.constant 0 : i32
      %dma_start3A_292 = tpu.memref_slice %arg9[%add3A_9, %dma_start3A_291] : memref<10000x32xf32, #tpu.memory_space<vmem_shared>> -> memref<400x32xf32, #tpu.memory_space<vmem_shared>>
      %dma_start3A_293 = arith.constant 0 : i32
      %dma_start3A_294 = tpu.memref_slice %arg9[%add3A_9, %dma_start3A_293] : memref<10000x32xf32, #tpu.memory_space<vmem_shared>> -> memref<400x32xf32, #tpu.memory_space<vmem_shared>>
      %dma_start3A_295 = arith.constant 0 : i32
      %dma_start3A_296 = arith.constant 0 : i32
      %dma_start3A_297 = tpu.memref_slice %arg8[%run_scoped3A_10, %dma_start3A_295, %dma_start3A_296] : memref<5x400x32xf32, #tpu.memory_space<vmem>> -> memref<1x400x32xf32, #tpu.memory_space<vmem>>
      %dma_start3A_298 = tpu.memref_squeeze %dma_start3A_297 : memref<1x400x32xf32, #tpu.memory_space<vmem>> -> memref<400x32xf32, #tpu.memory_space<vmem>>
      %dma_start3A_299 = arith.constant 0 : i32
      %dma_start3A_300 = arith.constant 0 : i32
      %dma_start3A_301 = tpu.memref_slice %dma_start3A_298[%dma_start3A_299, %dma_start3A_300] : memref<400x32xf32, #tpu.memory_space<vmem>> -> memref<400x32xf32, #tpu.memory_space<vmem>>
      tpu.enqueue_dma source(%dma_start3A_301 : memref<400x32xf32, #tpu.memory_space<vmem>>) target(%dma_start3A_294 : memref<400x32xf32, #tpu.memory_space<vmem_shared>>) target_semaphore(%run_scoped3A_283 : memref<!tpu.dma_semaphore, #tpu.memory_space<semaphore_mem>>)
      %dma_wait3A_302 = arith.constant 0 : i32
      %dma_wait3A_303 = arith.constant 0 : i32
      %dma_wait3A_304 = tpu.memref_slice %arg8[%run_scoped3A_10, %dma_wait3A_302, %dma_wait3A_303] : memref<5x400x32xf32, #tpu.memory_space<vmem>> -> memref<1x400x32xf32, #tpu.memory_space<vmem>>
      %dma_wait3A_305 = tpu.memref_squeeze %dma_wait3A_304 : memref<1x400x32xf32, #tpu.memory_space<vmem>> -> memref<400x32xf32, #tpu.memory_space<vmem>>
      %dma_wait3A_306 = arith.constant 0 : i32
      %dma_wait3A_307 = arith.constant 0 : i32
      %dma_wait3A_308 = tpu.memref_slice %dma_wait3A_305[%dma_wait3A_306, %dma_wait3A_307] : memref<400x32xf32, #tpu.memory_space<vmem>> -> memref<400x32xf32, #tpu.memory_space<vmem>>
      %dma_wait3A_309 = arith.constant 0 : i32
      %dma_wait3A_310 = tpu.memref_slice %arg9[%add3A_9, %dma_wait3A_309] : memref<10000x32xf32, #tpu.memory_space<vmem_shared>> -> memref<400x32xf32, #tpu.memory_space<vmem_shared>>
      %dma_wait3A_311 = arith.constant 0 : i32
      %dma_wait3A_312 = tpu.memref_slice %arg9[%add3A_9, %dma_wait3A_311] : memref<10000x32xf32, #tpu.memory_space<vmem_shared>> -> memref<400x32xf32, #tpu.memory_space<vmem_shared>>
      %dma_wait3A_313 = arith.constant 0 : i32
      %dma_wait3A_314 = arith.constant 0 : i32
      %dma_wait3A_315 = tpu.memref_slice %arg8[%run_scoped3A_10, %dma_wait3A_313, %dma_wait3A_314] : memref<5x400x32xf32, #tpu.memory_space<vmem>> -> memref<1x400x32xf32, #tpu.memory_space<vmem>>
      %dma_wait3A_316 = tpu.memref_squeeze %dma_wait3A_315 : memref<1x400x32xf32, #tpu.memory_space<vmem>> -> memref<400x32xf32, #tpu.memory_space<vmem>>
      %dma_wait3A_317 = arith.constant 0 : i32
      %dma_wait3A_318 = arith.constant 0 : i32
      %dma_wait3A_319 = tpu.memref_slice %dma_wait3A_316[%dma_wait3A_317, %dma_wait3A_318] : memref<400x32xf32, #tpu.memory_space<vmem>> -> memref<400x32xf32, #tpu.memory_space<vmem>>
      tpu.wait_dma2 semaphore(%run_scoped3A_283 : memref<!tpu.dma_semaphore, #tpu.memory_space<semaphore_mem>>) src(%dma_wait3A_319 : memref<400x32xf32, #tpu.memory_space<vmem>>) dst(%dma_wait3A_312 : memref<400x32xf32, #tpu.memory_space<vmem_shared>>)
      tpu.yield
    }) : () -> ()
    %scan3A_11 = arith.constant 1 : i32
    %add3A_12 = arith.constant 400 : i32
    %add3A_13 = arith.addi %mul3A_2, %add3A_12 : i32
    %run_scoped3A_14 = arith.constant 0 : i32
    "tpu.region"() ({
      %run_scoped3A_283 = tpu.sem_alloc : memref<!tpu.dma_semaphore, #tpu.memory_space<semaphore_mem>>
      %dma_start3A_284 = arith.constant 0 : i32
      %dma_start3A_285 = arith.constant 0 : i32
      %dma_start3A_286 = tpu.memref_slice %arg8[%run_scoped3A_14, %dma_start3A_284, %dma_start3A_285] : memref<5x400x32xf32, #tpu.memory_space<vmem>> -> memref<1x400x32xf32, #tpu.memory_space<vmem>>
      %dma_start3A_287 = tpu.memref_squeeze %dma_start3A_286 : memref<1x400x32xf32, #tpu.memory_space<vmem>> -> memref<400x32xf32, #tpu.memory_space<vmem>>
      %dma_start3A_288 = arith.constant 0 : i32
      %dma_start3A_289 = arith.constant 0 : i32
      %dma_start3A_290 = tpu.memref_slice %dma_start3A_287[%dma_start3A_288, %dma_start3A_289] : memref<400x32xf32, #tpu.memory_space<vmem>> -> memref<225x32xf32, #tpu.memory_space<vmem>>
      %dma_start3A_291 = arith.constant 0 : i32
      %dma_start3A_292 = tpu.memref_slice %arg9[%add3A_13, %dma_start3A_291] : memref<10000x32xf32, #tpu.memory_space<vmem_shared>> -> memref<225x32xf32, #tpu.memory_space<vmem_shared>>
      %dma_start3A_293 = arith.constant 0 : i32
      %dma_start3A_294 = tpu.memref_slice %arg9[%add3A_13, %dma_start3A_293] : memref<10000x32xf32, #tpu.memory_space<vmem_shared>> -> memref<225x32xf32, #tpu.memory_space<vmem_shared>>
      %dma_start3A_295 = arith.constant 0 : i32
      %dma_start3A_296 = arith.constant 0 : i32
      %dma_start3A_297 = tpu.memref_slice %arg8[%run_scoped3A_14, %dma_start3A_295, %dma_start3A_296] : memref<5x400x32xf32, #tpu.memory_space<vmem>> -> memref<1x400x32xf32, #tpu.memory_space<vmem>>
      %dma_start3A_298 = tpu.memref_squeeze %dma_start3A_297 : memref<1x400x32xf32, #tpu.memory_space<vmem>> -> memref<400x32xf32, #tpu.memory_space<vmem>>
      %dma_start3A_299 = arith.constant 0 : i32
      %dma_start3A_300 = arith.constant 0 : i32
      %dma_start3A_301 = tpu.memref_slice %dma_start3A_298[%dma_start3A_299, %dma_start3A_300] : memref<400x32xf32, #tpu.memory_space<vmem>> -> memref<225x32xf32, #tpu.memory_space<vmem>>
      tpu.enqueue_dma source(%dma_start3A_301 : memref<225x32xf32, #tpu.memory_space<vmem>>) target(%dma_start3A_294 : memref<225x32xf32, #tpu.memory_space<vmem_shared>>) target_semaphore(%run_scoped3A_283 : memref<!tpu.dma_semaphore, #tpu.memory_space<semaphore_mem>>)
      %dma_wait3A_302 = arith.constant 0 : i32
      %dma_wait3A_303 = arith.constant 0 : i32
      %dma_wait3A_304 = tpu.memref_slice %arg8[%run_scoped3A_14, %dma_wait3A_302, %dma_wait3A_303] : memref<5x400x32xf32, #tpu.memory_space<vmem>> -> memref<1x400x32xf32, #tpu.memory_space<vmem>>
      %dma_wait3A_305 = tpu.memref_squeeze %dma_wait3A_304 : memref<1x400x32xf32, #tpu.memory_space<vmem>> -> memref<400x32xf32, #tpu.memory_space<vmem>>
      %dma_wait3A_306 = arith.constant 0 : i32
      %dma_wait3A_307 = arith.constant 0 : i32
      %dma_wait3A_308 = tpu.memref_slice %dma_wait3A_305[%dma_wait3A_306, %dma_wait3A_307] : memref<400x32xf32, #tpu.memory_space<vmem>> -> memref<225x32xf32, #tpu.memory_space<vmem>>
      %dma_wait3A_309 = arith.constant 0 : i32
      %dma_wait3A_310 = tpu.memref_slice %arg9[%add3A_13, %dma_wait3A_309] : memref<10000x32xf32, #tpu.memory_space<vmem_shared>> -> memref<225x32xf32, #tpu.memory_space<vmem_shared>>
      %dma_wait3A_311 = arith.constant 0 : i32
      %dma_wait3A_312 = tpu.memref_slice %arg9[%add3A_13, %dma_wait3A_311] : memref<10000x32xf32, #tpu.memory_space<vmem_shared>> -> memref<225x32xf32, #tpu.memory_space<vmem_shared>>
      %dma_wait3A_313 = arith.constant 0 : i32
      %dma_wait3A_314 = arith.constant 0 : i32
      %dma_wait3A_315 = tpu.memref_slice %arg8[%run_scoped3A_14, %dma_wait3A_313, %dma_wait3A_314] : memref<5x400x32xf32, #tpu.memory_space<vmem>> -> memref<1x400x32xf32, #tpu.memory_space<vmem>>
      %dma_wait3A_316 = tpu.memref_squeeze %dma_wait3A_315 : memref<1x400x32xf32, #tpu.memory_space<vmem>> -> memref<400x32xf32, #tpu.memory_space<vmem>>
      %dma_wait3A_317 = arith.constant 0 : i32
      %dma_wait3A_318 = arith.constant 0 : i32
      %dma_wait3A_319 = tpu.memref_slice %dma_wait3A_316[%dma_wait3A_317, %dma_wait3A_318] : memref<400x32xf32, #tpu.memory_space<vmem>> -> memref<225x32xf32, #tpu.memory_space<vmem>>
      tpu.wait_dma2 semaphore(%run_scoped3A_283 : memref<!tpu.dma_semaphore, #tpu.memory_space<semaphore_mem>>) src(%dma_wait3A_319 : memref<225x32xf32, #tpu.memory_space<vmem>>) dst(%dma_wait3A_312 : memref<225x32xf32, #tpu.memory_space<vmem_shared>>)
      tpu.yield
    }) : () -> ()
    %scan3A_15 = arith.constant 0 : i32
    %mul3A_16 = arith.constant 1 : i32
    %mul3A_17 = arith.muli %scan3A_15, %mul3A_16 : i32
    %add3A_18 = arith.constant 0 : i32
    %add3A_19 = arith.addi %add3A_18, %mul3A_17 : i32
    %mul3A_20 = arith.constant 400 : i32
    %mul3A_21 = arith.muli %add3A_19, %mul3A_20 : i32
    %add3A_22 = arith.addi %mul3A_2, %mul3A_21 : i32
    "tpu.region"() ({
      %run_scoped3A_283 = tpu.sem_alloc : memref<!tpu.dma_semaphore, #tpu.memory_space<semaphore_mem>>
      %dma_start3A_284 = arith.constant 0 : i32
      %dma_start3A_285 = tpu.memref_slice %arg10[%add3A_22, %dma_start3A_284] : memref<10000x32xf32, #tpu.memory_space<vmem_shared>> -> memref<400x32xf32, #tpu.memory_space<vmem_shared>>
      %dma_start3A_286 = arith.constant 0 : i32
      %dma_start3A_287 = tpu.memref_slice %arg3[%add3A_22, %dma_start3A_286] : memref<10000x32xf32, #tpu.memory_space<hbm>> -> memref<400x32xf32, #tpu.memory_space<hbm>>
      tpu.enqueue_dma source(%dma_start3A_287 : memref<400x32xf32, #tpu.memory_space<hbm>>) target(%dma_start3A_285 : memref<400x32xf32, #tpu.memory_space<vmem_shared>>) target_semaphore(%run_scoped3A_283 : memref<!tpu.dma_semaphore, #tpu.memory_space<semaphore_mem>>)
      %dma_wait3A_288 = arith.constant 0 : i32
      %dma_wait3A_289 = tpu.memref_slice %arg10[%add3A_22, %dma_wait3A_288] : memref<10000x32xf32, #tpu.memory_space<vmem_shared>> -> memref<400x32xf32, #tpu.memory_space<vmem_shared>>
      %dma_wait3A_290 = arith.constant 0 : i32
      %dma_wait3A_291 = tpu.memref_slice %arg3[%add3A_22, %dma_wait3A_290] : memref<10000x32xf32, #tpu.memory_space<hbm>> -> memref<400x32xf32, #tpu.memory_space<hbm>>
      tpu.wait_dma2 semaphore(%run_scoped3A_283 : memref<!tpu.dma_semaphore, #tpu.memory_space<semaphore_mem>>) src(%dma_wait3A_291 : memref<400x32xf32, #tpu.memory_space<hbm>>) dst(%dma_wait3A_289 : memref<400x32xf32, #tpu.memory_space<vmem_shared>>)
      tpu.yield
    }) : () -> ()
    %scan3A_23 = arith.constant 1 : i32
    %add3A_24 = arith.constant 400 : i32
    %add3A_25 = arith.addi %mul3A_2, %add3A_24 : i32
    "tpu.region"() ({
      %run_scoped3A_283 = tpu.sem_alloc : memref<!tpu.dma_semaphore, #tpu.memory_space<semaphore_mem>>
      %dma_start3A_284 = arith.constant 0 : i32
      %dma_start3A_285 = tpu.memref_slice %arg10[%add3A_25, %dma_start3A_284] : memref<10000x32xf32, #tpu.memory_space<vmem_shared>> -> memref<225x32xf32, #tpu.memory_space<vmem_shared>>
      %dma_start3A_286 = arith.constant 0 : i32
      %dma_start3A_287 = tpu.memref_slice %arg3[%add3A_25, %dma_start3A_286] : memref<10000x32xf32, #tpu.memory_space<hbm>> -> memref<225x32xf32, #tpu.memory_space<hbm>>
      tpu.enqueue_dma source(%dma_start3A_287 : memref<225x32xf32, #tpu.memory_space<hbm>>) target(%dma_start3A_285 : memref<225x32xf32, #tpu.memory_space<vmem_shared>>) target_semaphore(%run_scoped3A_283 : memref<!tpu.dma_semaphore, #tpu.memory_space<semaphore_mem>>)
      %dma_wait3A_288 = arith.constant 0 : i32
      %dma_wait3A_289 = tpu.memref_slice %arg10[%add3A_25, %dma_wait3A_288] : memref<10000x32xf32, #tpu.memory_space<vmem_shared>> -> memref<225x32xf32, #tpu.memory_space<vmem_shared>>
      %dma_wait3A_290 = arith.constant 0 : i32
      %dma_wait3A_291 = tpu.memref_slice %arg3[%add3A_25, %dma_wait3A_290] : memref<10000x32xf32, #tpu.memory_space<hbm>> -> memref<225x32xf32, #tpu.memory_space<hbm>>
      tpu.wait_dma2 semaphore(%run_scoped3A_283 : memref<!tpu.dma_semaphore, #tpu.memory_space<semaphore_mem>>) src(%dma_wait3A_291 : memref<225x32xf32, #tpu.memory_space<hbm>>) dst(%dma_wait3A_289 : memref<225x32xf32, #tpu.memory_space<vmem_shared>>)
      tpu.yield
    }) : () -> ()
    %run_scoped3A_26 = arith.constant 0 : i32
    "tpu.region"() ({
      %run_scoped3A_283 = tpu.sem_alloc : memref<!tpu.dma_semaphore, #tpu.memory_space<semaphore_mem>>
      %dma_start3A_284 = arith.constant 0 : i32
      %dma_start3A_285 = arith.constant 0 : i32
      %dma_start3A_286 = tpu.memref_slice %arg2[%run_scoped3A_26, %add3A, %dma_start3A_284, %dma_start3A_285] : memref<2x32x25x400xi32, #tpu.memory_space<hbm>> -> memref<1x1x25x400xi32, #tpu.memory_space<hbm>>
      %dma_start3A_287 = tpu.memref_squeeze %dma_start3A_286 : memref<1x1x25x400xi32, #tpu.memory_space<hbm>> -> memref<25x400xi32, #tpu.memory_space<hbm>>
      %dma_start3A_288 = arith.constant 0 : i32
      %dma_start3A_289 = arith.constant 0 : i32
      %dma_start3A_290 = tpu.memref_slice %arg2[%run_scoped3A_26, %add3A, %dma_start3A_288, %dma_start3A_289] : memref<2x32x25x400xi32, #tpu.memory_space<hbm>> -> memref<1x1x25x400xi32, #tpu.memory_space<hbm>>
      %dma_start3A_291 = tpu.memref_squeeze %dma_start3A_290 : memref<1x1x25x400xi32, #tpu.memory_space<hbm>> -> memref<25x400xi32, #tpu.memory_space<hbm>>
      tpu.enqueue_dma source(%dma_start3A_291 : memref<25x400xi32, #tpu.memory_space<hbm>>) target(%arg6 : memref<25x400xi32, #tpu.memory_space<vmem>>) target_semaphore(%run_scoped3A_283 : memref<!tpu.dma_semaphore, #tpu.memory_space<semaphore_mem>>)
      %dma_wait3A_292 = arith.constant 0 : i32
      %dma_wait3A_293 = arith.constant 0 : i32
      %dma_wait3A_294 = tpu.memref_slice %arg2[%run_scoped3A_26, %add3A, %dma_wait3A_292, %dma_wait3A_293] : memref<2x32x25x400xi32, #tpu.memory_space<hbm>> -> memref<1x1x25x400xi32, #tpu.memory_space<hbm>>
      %dma_wait3A_295 = tpu.memref_squeeze %dma_wait3A_294 : memref<1x1x25x400xi32, #tpu.memory_space<hbm>> -> memref<25x400xi32, #tpu.memory_space<hbm>>
      %dma_wait3A_296 = arith.constant 0 : i32
      %dma_wait3A_297 = arith.constant 0 : i32
      %dma_wait3A_298 = tpu.memref_slice %arg2[%run_scoped3A_26, %add3A, %dma_wait3A_296, %dma_wait3A_297] : memref<2x32x25x400xi32, #tpu.memory_space<hbm>> -> memref<1x1x25x400xi32, #tpu.memory_space<hbm>>
      %dma_wait3A_299 = tpu.memref_squeeze %dma_wait3A_298 : memref<1x1x25x400xi32, #tpu.memory_space<hbm>> -> memref<25x400xi32, #tpu.memory_space<hbm>>
      tpu.wait_dma2 semaphore(%run_scoped3A_283 : memref<!tpu.dma_semaphore, #tpu.memory_space<semaphore_mem>>) src(%dma_wait3A_299 : memref<25x400xi32, #tpu.memory_space<hbm>>) dst(%arg6 : memref<25x400xi32, #tpu.memory_space<vmem>>)
      tpu.yield
    }) : () -> ()
    %run_scoped3A_27 = arith.constant 1 : i32
    "tpu.region"() ({
      %run_scoped3A_283 = tpu.sem_alloc : memref<!tpu.dma_semaphore, #tpu.memory_space<semaphore_mem>>
      %dma_start3A_284 = arith.constant 0 : i32
      %dma_start3A_285 = arith.constant 0 : i32
      %dma_start3A_286 = tpu.memref_slice %arg2[%run_scoped3A_27, %add3A, %dma_start3A_284, %dma_start3A_285] : memref<2x32x25x400xi32, #tpu.memory_space<hbm>> -> memref<1x1x25x400xi32, #tpu.memory_space<hbm>>
      %dma_start3A_287 = tpu.memref_squeeze %dma_start3A_286 : memref<1x1x25x400xi32, #tpu.memory_space<hbm>> -> memref<25x400xi32, #tpu.memory_space<hbm>>
      %dma_start3A_288 = arith.constant 0 : i32
      %dma_start3A_289 = arith.constant 0 : i32
      %dma_start3A_290 = tpu.memref_slice %arg2[%run_scoped3A_27, %add3A, %dma_start3A_288, %dma_start3A_289] : memref<2x32x25x400xi32, #tpu.memory_space<hbm>> -> memref<1x1x25x400xi32, #tpu.memory_space<hbm>>
      %dma_start3A_291 = tpu.memref_squeeze %dma_start3A_290 : memref<1x1x25x400xi32, #tpu.memory_space<hbm>> -> memref<25x400xi32, #tpu.memory_space<hbm>>
      tpu.enqueue_dma source(%dma_start3A_291 : memref<25x400xi32, #tpu.memory_space<hbm>>) target(%arg7 : memref<25x400xi32, #tpu.memory_space<vmem>>) target_semaphore(%run_scoped3A_283 : memref<!tpu.dma_semaphore, #tpu.memory_space<semaphore_mem>>)
      %dma_wait3A_292 = arith.constant 0 : i32
      %dma_wait3A_293 = arith.constant 0 : i32
      %dma_wait3A_294 = tpu.memref_slice %arg2[%run_scoped3A_27, %add3A, %dma_wait3A_292, %dma_wait3A_293] : memref<2x32x25x400xi32, #tpu.memory_space<hbm>> -> memref<1x1x25x400xi32, #tpu.memory_space<hbm>>
      %dma_wait3A_295 = tpu.memref_squeeze %dma_wait3A_294 : memref<1x1x25x400xi32, #tpu.memory_space<hbm>> -> memref<25x400xi32, #tpu.memory_space<hbm>>
      %dma_wait3A_296 = arith.constant 0 : i32
      %dma_wait3A_297 = arith.constant 0 : i32
      %dma_wait3A_298 = tpu.memref_slice %arg2[%run_scoped3A_27, %add3A, %dma_wait3A_296, %dma_wait3A_297] : memref<2x32x25x400xi32, #tpu.memory_space<hbm>> -> memref<1x1x25x400xi32, #tpu.memory_space<hbm>>
      %dma_wait3A_299 = tpu.memref_squeeze %dma_wait3A_298 : memref<1x1x25x400xi32, #tpu.memory_space<hbm>> -> memref<25x400xi32, #tpu.memory_space<hbm>>
      tpu.wait_dma2 semaphore(%run_scoped3A_283 : memref<!tpu.dma_semaphore, #tpu.memory_space<semaphore_mem>>) src(%dma_wait3A_299 : memref<25x400xi32, #tpu.memory_space<hbm>>) dst(%arg7 : memref<25x400xi32, #tpu.memory_space<vmem>>)
      tpu.yield
    }) : () -> ()
    %barrier3A = arith.constant 0 : index
    tpu.barrier barrier_id(%barrier3A)
    %dma_start3A = arith.constant 0 : i32
    %dma_start3A_28 = arith.constant 0 : i32
    %dma_start3A_29 = arith.constant 0 : i32
    %dma_start3A_30 = arith.constant 0 : i32
    %dma_start3A_31 = tpu.memref_slice %arg8[%dma_start3A_28, %dma_start3A_29, %dma_start3A_30] : memref<5x400x32xf32, #tpu.memory_space<vmem>> -> memref<1x400x32xf32, #tpu.memory_space<vmem>>
    %dma_start3A_32 = tpu.memref_squeeze %dma_start3A_31 : memref<1x400x32xf32, #tpu.memory_space<vmem>> -> memref<400x32xf32, #tpu.memory_space<vmem>>
    %dma_start3A_33 = arith.constant 0 : i32
    %dma_start3A_34 = tpu.memref_slice %arg6[%dma_start3A, %dma_start3A_33] : memref<25x400xi32, #tpu.memory_space<vmem>> -> memref<1x400xi32, #tpu.memory_space<vmem>>
    %dma_start3A_35 = tpu.memref_squeeze %dma_start3A_34 : memref<1x400xi32, #tpu.memory_space<vmem>> -> memref<400xi32, #tpu.memory_space<vmem>>
    %dma_start3A_36 = arith.constant 0 : i32
    %dma_start3A_37 = arith.constant 0 : i32
    %dma_start3A_38 = tpu.memref_slice %arg10[%dma_start3A_36, %dma_start3A_37] : memref<10000x32xf32, #tpu.memory_space<vmem_shared>> -> memref<10000x32xf32, #tpu.memory_space<vmem_shared>>
    tpu.enqueue_indirect_dma source(%dma_start3A_38 : memref<10000x32xf32, #tpu.memory_space<vmem_shared>>) target(%dma_start3A_32 : memref<400x32xf32, #tpu.memory_space<vmem>>) offsets(%dma_start3A_35 : memref<400xi32, #tpu.memory_space<vmem>>) semaphore(%arg11 : memref<!tpu.dma_semaphore, #tpu.memory_space<semaphore_mem>>)
    %dma_start3A_39 = arith.constant 1 : i32
    %dma_start3A_40 = arith.constant 1 : i32
    %dma_start3A_41 = arith.constant 0 : i32
    %dma_start3A_42 = arith.constant 0 : i32
    %dma_start3A_43 = tpu.memref_slice %arg8[%dma_start3A_40, %dma_start3A_41, %dma_start3A_42] : memref<5x400x32xf32, #tpu.memory_space<vmem>> -> memref<1x400x32xf32, #tpu.memory_space<vmem>>
    %dma_start3A_44 = tpu.memref_squeeze %dma_start3A_43 : memref<1x400x32xf32, #tpu.memory_space<vmem>> -> memref<400x32xf32, #tpu.memory_space<vmem>>
    %dma_start3A_45 = arith.constant 0 : i32
    %dma_start3A_46 = tpu.memref_slice %arg6[%dma_start3A_39, %dma_start3A_45] : memref<25x400xi32, #tpu.memory_space<vmem>> -> memref<1x400xi32, #tpu.memory_space<vmem>>
    %dma_start3A_47 = tpu.memref_squeeze %dma_start3A_46 : memref<1x400xi32, #tpu.memory_space<vmem>> -> memref<400xi32, #tpu.memory_space<vmem>>
    %dma_start3A_48 = arith.constant 0 : i32
    %dma_start3A_49 = arith.constant 0 : i32
    %dma_start3A_50 = tpu.memref_slice %arg10[%dma_start3A_48, %dma_start3A_49] : memref<10000x32xf32, #tpu.memory_space<vmem_shared>> -> memref<10000x32xf32, #tpu.memory_space<vmem_shared>>
    tpu.enqueue_indirect_dma source(%dma_start3A_50 : memref<10000x32xf32, #tpu.memory_space<vmem_shared>>) target(%dma_start3A_44 : memref<400x32xf32, #tpu.memory_space<vmem>>) offsets(%dma_start3A_47 : memref<400xi32, #tpu.memory_space<vmem>>) semaphore(%arg12 : memref<!tpu.dma_semaphore, #tpu.memory_space<semaphore_mem>>)
    %dma_start3A_51 = arith.constant 2 : i32
    %dma_start3A_52 = arith.constant 2 : i32
    %dma_start3A_53 = arith.constant 0 : i32
    %dma_start3A_54 = arith.constant 0 : i32
    %dma_start3A_55 = tpu.memref_slice %arg8[%dma_start3A_52, %dma_start3A_53, %dma_start3A_54] : memref<5x400x32xf32, #tpu.memory_space<vmem>> -> memref<1x400x32xf32, #tpu.memory_space<vmem>>
    %dma_start3A_56 = tpu.memref_squeeze %dma_start3A_55 : memref<1x400x32xf32, #tpu.memory_space<vmem>> -> memref<400x32xf32, #tpu.memory_space<vmem>>
    %dma_start3A_57 = arith.constant 0 : i32
    %dma_start3A_58 = tpu.memref_slice %arg6[%dma_start3A_51, %dma_start3A_57] : memref<25x400xi32, #tpu.memory_space<vmem>> -> memref<1x400xi32, #tpu.memory_space<vmem>>
    %dma_start3A_59 = tpu.memref_squeeze %dma_start3A_58 : memref<1x400xi32, #tpu.memory_space<vmem>> -> memref<400xi32, #tpu.memory_space<vmem>>
    %dma_start3A_60 = arith.constant 0 : i32
    %dma_start3A_61 = arith.constant 0 : i32
    %dma_start3A_62 = tpu.memref_slice %arg10[%dma_start3A_60, %dma_start3A_61] : memref<10000x32xf32, #tpu.memory_space<vmem_shared>> -> memref<10000x32xf32, #tpu.memory_space<vmem_shared>>
    tpu.enqueue_indirect_dma source(%dma_start3A_62 : memref<10000x32xf32, #tpu.memory_space<vmem_shared>>) target(%dma_start3A_56 : memref<400x32xf32, #tpu.memory_space<vmem>>) offsets(%dma_start3A_59 : memref<400xi32, #tpu.memory_space<vmem>>) semaphore(%arg13 : memref<!tpu.dma_semaphore, #tpu.memory_space<semaphore_mem>>)
    %dma_start3A_63 = arith.constant 3 : i32
    %dma_start3A_64 = arith.constant 3 : i32
    %dma_start3A_65 = arith.constant 0 : i32
    %dma_start3A_66 = arith.constant 0 : i32
    %dma_start3A_67 = tpu.memref_slice %arg8[%dma_start3A_64, %dma_start3A_65, %dma_start3A_66] : memref<5x400x32xf32, #tpu.memory_space<vmem>> -> memref<1x400x32xf32, #tpu.memory_space<vmem>>
    %dma_start3A_68 = tpu.memref_squeeze %dma_start3A_67 : memref<1x400x32xf32, #tpu.memory_space<vmem>> -> memref<400x32xf32, #tpu.memory_space<vmem>>
    %dma_start3A_69 = arith.constant 0 : i32
    %dma_start3A_70 = tpu.memref_slice %arg6[%dma_start3A_63, %dma_start3A_69] : memref<25x400xi32, #tpu.memory_space<vmem>> -> memref<1x400xi32, #tpu.memory_space<vmem>>
    %dma_start3A_71 = tpu.memref_squeeze %dma_start3A_70 : memref<1x400xi32, #tpu.memory_space<vmem>> -> memref<400xi32, #tpu.memory_space<vmem>>
    %dma_start3A_72 = arith.constant 0 : i32
    %dma_start3A_73 = arith.constant 0 : i32
    %dma_start3A_74 = tpu.memref_slice %arg10[%dma_start3A_72, %dma_start3A_73] : memref<10000x32xf32, #tpu.memory_space<vmem_shared>> -> memref<10000x32xf32, #tpu.memory_space<vmem_shared>>
    tpu.enqueue_indirect_dma source(%dma_start3A_74 : memref<10000x32xf32, #tpu.memory_space<vmem_shared>>) target(%dma_start3A_68 : memref<400x32xf32, #tpu.memory_space<vmem>>) offsets(%dma_start3A_71 : memref<400xi32, #tpu.memory_space<vmem>>) semaphore(%arg14 : memref<!tpu.dma_semaphore, #tpu.memory_space<semaphore_mem>>)
    %dma_start3A_75 = arith.constant 4 : i32
    %dma_start3A_76 = arith.constant 4 : i32
    %dma_start3A_77 = arith.constant 0 : i32
    %dma_start3A_78 = arith.constant 0 : i32
    %dma_start3A_79 = tpu.memref_slice %arg8[%dma_start3A_76, %dma_start3A_77, %dma_start3A_78] : memref<5x400x32xf32, #tpu.memory_space<vmem>> -> memref<1x400x32xf32, #tpu.memory_space<vmem>>
    %dma_start3A_80 = tpu.memref_squeeze %dma_start3A_79 : memref<1x400x32xf32, #tpu.memory_space<vmem>> -> memref<400x32xf32, #tpu.memory_space<vmem>>
    %dma_start3A_81 = arith.constant 0 : i32
    %dma_start3A_82 = tpu.memref_slice %arg6[%dma_start3A_75, %dma_start3A_81] : memref<25x400xi32, #tpu.memory_space<vmem>> -> memref<1x400xi32, #tpu.memory_space<vmem>>
    %dma_start3A_83 = tpu.memref_squeeze %dma_start3A_82 : memref<1x400xi32, #tpu.memory_space<vmem>> -> memref<400xi32, #tpu.memory_space<vmem>>
    %dma_start3A_84 = arith.constant 0 : i32
    %dma_start3A_85 = arith.constant 0 : i32
    %dma_start3A_86 = tpu.memref_slice %arg3[%dma_start3A_84, %dma_start3A_85] : memref<10000x32xf32, #tpu.memory_space<hbm>> -> memref<10000x32xf32, #tpu.memory_space<hbm>>
    tpu.enqueue_indirect_dma source(%dma_start3A_86 : memref<10000x32xf32, #tpu.memory_space<hbm>>) target(%dma_start3A_80 : memref<400x32xf32, #tpu.memory_space<vmem>>) offsets(%dma_start3A_83 : memref<400xi32, #tpu.memory_space<vmem>>) semaphore(%arg15 : memref<!tpu.dma_semaphore, #tpu.memory_space<semaphore_mem>>)
    %scan3A_87 = arith.constant 0 : i32
    %scan3A_88 = arith.constant 4 : i32
    %scan3A_89 = arith.addi %scan3A_87, %scan3A_88 : i32
    %scan3A_90 = arith.constant 1 : i32
    scf.for %scan3A_283 = %scan3A_87 to %scan3A_89 step %scan3A_90  : i32 {
      %mul3A_284 = arith.constant 5 : i32
      %mul3A_285 = arith.muli %scan3A_283, %mul3A_284 : i32
      %add3A_286 = arith.constant 0 : i32
      %add3A_287 = arith.addi %add3A_286, %mul3A_285 : i32
      %add3A_288 = arith.constant 0 : i32
      %add3A_289 = arith.addi %add3A_287, %add3A_288 : i32
      %dma_wait3A_290 = arith.constant 0 : i32
      %dma_wait3A_291 = arith.constant 0 : i32
      %dma_wait3A_292 = arith.constant 0 : i32
      %dma_wait3A_293 = tpu.memref_slice %arg8[%dma_wait3A_290, %dma_wait3A_291, %dma_wait3A_292] : memref<5x400x32xf32, #tpu.memory_space<vmem>> -> memref<1x400x32xf32, #tpu.memory_space<vmem>>
      %dma_wait3A_294 = tpu.memref_squeeze %dma_wait3A_293 : memref<1x400x32xf32, #tpu.memory_space<vmem>> -> memref<400x32xf32, #tpu.memory_space<vmem>>
      %dma_wait3A_295 = arith.constant 0 : i32
      %dma_wait3A_296 = tpu.memref_slice %arg6[%add3A_289, %dma_wait3A_295] : memref<25x400xi32, #tpu.memory_space<vmem>> -> memref<1x400xi32, #tpu.memory_space<vmem>>
      %dma_wait3A_297 = tpu.memref_squeeze %dma_wait3A_296 : memref<1x400xi32, #tpu.memory_space<vmem>> -> memref<400xi32, #tpu.memory_space<vmem>>
      %dma_wait3A_298 = arith.constant 0 : i32
      %dma_wait3A_299 = arith.constant 0 : i32
      %dma_wait3A_300 = tpu.memref_slice %arg10[%dma_wait3A_298, %dma_wait3A_299] : memref<10000x32xf32, #tpu.memory_space<vmem_shared>> -> memref<10000x32xf32, #tpu.memory_space<vmem_shared>>
      tpu.wait_indirect_dma semaphore(%arg11 : memref<!tpu.dma_semaphore, #tpu.memory_space<semaphore_mem>>) src(%dma_wait3A_300 : memref<10000x32xf32, #tpu.memory_space<vmem_shared>>) dst(%dma_wait3A_294 : memref<400x32xf32, #tpu.memory_space<vmem>>)
      %add3A_301 = arith.constant 0 : i32
      %add3A_302 = arith.addi %add3A_287, %add3A_301 : i32
      %dma_start3A_303 = arith.constant 0 : i32
      %dma_start3A_304 = arith.constant 0 : i32
      %dma_start3A_305 = arith.constant 0 : i32
      %dma_start3A_306 = tpu.memref_slice %arg8[%dma_start3A_303, %dma_start3A_304, %dma_start3A_305] : memref<5x400x32xf32, #tpu.memory_space<vmem>> -> memref<1x400x32xf32, #tpu.memory_space<vmem>>
      %dma_start3A_307 = tpu.memref_squeeze %dma_start3A_306 : memref<1x400x32xf32, #tpu.memory_space<vmem>> -> memref<400x32xf32, #tpu.memory_space<vmem>>
      %dma_start3A_308 = arith.constant 0 : i32
      %dma_start3A_309 = tpu.memref_slice %arg7[%add3A_302, %dma_start3A_308] : memref<25x400xi32, #tpu.memory_space<vmem>> -> memref<1x400xi32, #tpu.memory_space<vmem>>
      %dma_start3A_310 = tpu.memref_squeeze %dma_start3A_309 : memref<1x400xi32, #tpu.memory_space<vmem>> -> memref<400xi32, #tpu.memory_space<vmem>>
      %dma_start3A_311 = arith.constant 0 : i32
      %dma_start3A_312 = arith.constant 0 : i32
      %dma_start3A_313 = tpu.memref_slice %arg9[%dma_start3A_311, %dma_start3A_312] : memref<10000x32xf32, #tpu.memory_space<vmem_shared>> -> memref<10000x32xf32, #tpu.memory_space<vmem_shared>>
      tpu.enqueue_indirect_dma source(%dma_start3A_307 : memref<400x32xf32, #tpu.memory_space<vmem>>) target(%dma_start3A_313 : memref<10000x32xf32, #tpu.memory_space<vmem_shared>>) offsets(%dma_start3A_310 : memref<400xi32, #tpu.memory_space<vmem>>) semaphore(%arg16 : memref<!tpu.dma_semaphore, #tpu.memory_space<semaphore_mem>>) {add = true}
      %add3A_314 = arith.constant 1 : i32
      %add3A_315 = arith.addi %add3A_287, %add3A_314 : i32
      %dma_wait3A_316 = arith.constant 1 : i32
      %dma_wait3A_317 = arith.constant 0 : i32
      %dma_wait3A_318 = arith.constant 0 : i32
      %dma_wait3A_319 = tpu.memref_slice %arg8[%dma_wait3A_316, %dma_wait3A_317, %dma_wait3A_318] : memref<5x400x32xf32, #tpu.memory_space<vmem>> -> memref<1x400x32xf32, #tpu.memory_space<vmem>>
      %dma_wait3A_320 = tpu.memref_squeeze %dma_wait3A_319 : memref<1x400x32xf32, #tpu.memory_space<vmem>> -> memref<400x32xf32, #tpu.memory_space<vmem>>
      %dma_wait3A_321 = arith.constant 0 : i32
      %dma_wait3A_322 = tpu.memref_slice %arg6[%add3A_315, %dma_wait3A_321] : memref<25x400xi32, #tpu.memory_space<vmem>> -> memref<1x400xi32, #tpu.memory_space<vmem>>
      %dma_wait3A_323 = tpu.memref_squeeze %dma_wait3A_322 : memref<1x400xi32, #tpu.memory_space<vmem>> -> memref<400xi32, #tpu.memory_space<vmem>>
      %dma_wait3A_324 = arith.constant 0 : i32
      %dma_wait3A_325 = arith.constant 0 : i32
      %dma_wait3A_326 = tpu.memref_slice %arg10[%dma_wait3A_324, %dma_wait3A_325] : memref<10000x32xf32, #tpu.memory_space<vmem_shared>> -> memref<10000x32xf32, #tpu.memory_space<vmem_shared>>
      tpu.wait_indirect_dma semaphore(%arg12 : memref<!tpu.dma_semaphore, #tpu.memory_space<semaphore_mem>>) src(%dma_wait3A_326 : memref<10000x32xf32, #tpu.memory_space<vmem_shared>>) dst(%dma_wait3A_320 : memref<400x32xf32, #tpu.memory_space<vmem>>)
      %add3A_327 = arith.constant 1 : i32
      %add3A_328 = arith.addi %add3A_287, %add3A_327 : i32
      %dma_start3A_329 = arith.constant 1 : i32
      %dma_start3A_330 = arith.constant 0 : i32
      %dma_start3A_331 = arith.constant 0 : i32
      %dma_start3A_332 = tpu.memref_slice %arg8[%dma_start3A_329, %dma_start3A_330, %dma_start3A_331] : memref<5x400x32xf32, #tpu.memory_space<vmem>> -> memref<1x400x32xf32, #tpu.memory_space<vmem>>
      %dma_start3A_333 = tpu.memref_squeeze %dma_start3A_332 : memref<1x400x32xf32, #tpu.memory_space<vmem>> -> memref<400x32xf32, #tpu.memory_space<vmem>>
      %dma_start3A_334 = arith.constant 0 : i32
      %dma_start3A_335 = tpu.memref_slice %arg7[%add3A_328, %dma_start3A_334] : memref<25x400xi32, #tpu.memory_space<vmem>> -> memref<1x400xi32, #tpu.memory_space<vmem>>
      %dma_start3A_336 = tpu.memref_squeeze %dma_start3A_335 : memref<1x400xi32, #tpu.memory_space<vmem>> -> memref<400xi32, #tpu.memory_space<vmem>>
      %dma_start3A_337 = arith.constant 0 : i32
      %dma_start3A_338 = arith.constant 0 : i32
      %dma_start3A_339 = tpu.memref_slice %arg9[%dma_start3A_337, %dma_start3A_338] : memref<10000x32xf32, #tpu.memory_space<vmem_shared>> -> memref<10000x32xf32, #tpu.memory_space<vmem_shared>>
      tpu.enqueue_indirect_dma source(%dma_start3A_333 : memref<400x32xf32, #tpu.memory_space<vmem>>) target(%dma_start3A_339 : memref<10000x32xf32, #tpu.memory_space<vmem_shared>>) offsets(%dma_start3A_336 : memref<400xi32, #tpu.memory_space<vmem>>) semaphore(%arg17 : memref<!tpu.dma_semaphore, #tpu.memory_space<semaphore_mem>>) {add = true}
      %add3A_340 = arith.constant 2 : i32
      %add3A_341 = arith.addi %add3A_287, %add3A_340 : i32
      %dma_wait3A_342 = arith.constant 2 : i32
      %dma_wait3A_343 = arith.constant 0 : i32
      %dma_wait3A_344 = arith.constant 0 : i32
      %dma_wait3A_345 = tpu.memref_slice %arg8[%dma_wait3A_342, %dma_wait3A_343, %dma_wait3A_344] : memref<5x400x32xf32, #tpu.memory_space<vmem>> -> memref<1x400x32xf32, #tpu.memory_space<vmem>>
      %dma_wait3A_346 = tpu.memref_squeeze %dma_wait3A_345 : memref<1x400x32xf32, #tpu.memory_space<vmem>> -> memref<400x32xf32, #tpu.memory_space<vmem>>
      %dma_wait3A_347 = arith.constant 0 : i32
      %dma_wait3A_348 = tpu.memref_slice %arg6[%add3A_341, %dma_wait3A_347] : memref<25x400xi32, #tpu.memory_space<vmem>> -> memref<1x400xi32, #tpu.memory_space<vmem>>
      %dma_wait3A_349 = tpu.memref_squeeze %dma_wait3A_348 : memref<1x400xi32, #tpu.memory_space<vmem>> -> memref<400xi32, #tpu.memory_space<vmem>>
      %dma_wait3A_350 = arith.constant 0 : i32
      %dma_wait3A_351 = arith.constant 0 : i32
      %dma_wait3A_352 = tpu.memref_slice %arg10[%dma_wait3A_350, %dma_wait3A_351] : memref<10000x32xf32, #tpu.memory_space<vmem_shared>> -> memref<10000x32xf32, #tpu.memory_space<vmem_shared>>
      tpu.wait_indirect_dma semaphore(%arg13 : memref<!tpu.dma_semaphore, #tpu.memory_space<semaphore_mem>>) src(%dma_wait3A_352 : memref<10000x32xf32, #tpu.memory_space<vmem_shared>>) dst(%dma_wait3A_346 : memref<400x32xf32, #tpu.memory_space<vmem>>)
      %add3A_353 = arith.constant 2 : i32
      %add3A_354 = arith.addi %add3A_287, %add3A_353 : i32
      %dma_start3A_355 = arith.constant 2 : i32
      %dma_start3A_356 = arith.constant 0 : i32
      %dma_start3A_357 = arith.constant 0 : i32
      %dma_start3A_358 = tpu.memref_slice %arg8[%dma_start3A_355, %dma_start3A_356, %dma_start3A_357] : memref<5x400x32xf32, #tpu.memory_space<vmem>> -> memref<1x400x32xf32, #tpu.memory_space<vmem>>
      %dma_start3A_359 = tpu.memref_squeeze %dma_start3A_358 : memref<1x400x32xf32, #tpu.memory_space<vmem>> -> memref<400x32xf32, #tpu.memory_space<vmem>>
      %dma_start3A_360 = arith.constant 0 : i32
      %dma_start3A_361 = tpu.memref_slice %arg7[%add3A_354, %dma_start3A_360] : memref<25x400xi32, #tpu.memory_space<vmem>> -> memref<1x400xi32, #tpu.memory_space<vmem>>
      %dma_start3A_362 = tpu.memref_squeeze %dma_start3A_361 : memref<1x400xi32, #tpu.memory_space<vmem>> -> memref<400xi32, #tpu.memory_space<vmem>>
      %dma_start3A_363 = arith.constant 0 : i32
      %dma_start3A_364 = arith.constant 0 : i32
      %dma_start3A_365 = tpu.memref_slice %arg9[%dma_start3A_363, %dma_start3A_364] : memref<10000x32xf32, #tpu.memory_space<vmem_shared>> -> memref<10000x32xf32, #tpu.memory_space<vmem_shared>>
      tpu.enqueue_indirect_dma source(%dma_start3A_359 : memref<400x32xf32, #tpu.memory_space<vmem>>) target(%dma_start3A_365 : memref<10000x32xf32, #tpu.memory_space<vmem_shared>>) offsets(%dma_start3A_362 : memref<400xi32, #tpu.memory_space<vmem>>) semaphore(%arg18 : memref<!tpu.dma_semaphore, #tpu.memory_space<semaphore_mem>>) {add = true}
      %add3A_366 = arith.constant 3 : i32
      %add3A_367 = arith.addi %add3A_287, %add3A_366 : i32
      %dma_wait3A_368 = arith.constant 3 : i32
      %dma_wait3A_369 = arith.constant 0 : i32
      %dma_wait3A_370 = arith.constant 0 : i32
      %dma_wait3A_371 = tpu.memref_slice %arg8[%dma_wait3A_368, %dma_wait3A_369, %dma_wait3A_370] : memref<5x400x32xf32, #tpu.memory_space<vmem>> -> memref<1x400x32xf32, #tpu.memory_space<vmem>>
      %dma_wait3A_372 = tpu.memref_squeeze %dma_wait3A_371 : memref<1x400x32xf32, #tpu.memory_space<vmem>> -> memref<400x32xf32, #tpu.memory_space<vmem>>
      %dma_wait3A_373 = arith.constant 0 : i32
      %dma_wait3A_374 = tpu.memref_slice %arg6[%add3A_367, %dma_wait3A_373] : memref<25x400xi32, #tpu.memory_space<vmem>> -> memref<1x400xi32, #tpu.memory_space<vmem>>
      %dma_wait3A_375 = tpu.memref_squeeze %dma_wait3A_374 : memref<1x400xi32, #tpu.memory_space<vmem>> -> memref<400xi32, #tpu.memory_space<vmem>>
      %dma_wait3A_376 = arith.constant 0 : i32
      %dma_wait3A_377 = arith.constant 0 : i32
      %dma_wait3A_378 = tpu.memref_slice %arg10[%dma_wait3A_376, %dma_wait3A_377] : memref<10000x32xf32, #tpu.memory_space<vmem_shared>> -> memref<10000x32xf32, #tpu.memory_space<vmem_shared>>
      tpu.wait_indirect_dma semaphore(%arg14 : memref<!tpu.dma_semaphore, #tpu.memory_space<semaphore_mem>>) src(%dma_wait3A_378 : memref<10000x32xf32, #tpu.memory_space<vmem_shared>>) dst(%dma_wait3A_372 : memref<400x32xf32, #tpu.memory_space<vmem>>)
      %add3A_379 = arith.constant 3 : i32
      %add3A_380 = arith.addi %add3A_287, %add3A_379 : i32
      %dma_start3A_381 = arith.constant 3 : i32
      %dma_start3A_382 = arith.constant 0 : i32
      %dma_start3A_383 = arith.constant 0 : i32
      %dma_start3A_384 = tpu.memref_slice %arg8[%dma_start3A_381, %dma_start3A_382, %dma_start3A_383] : memref<5x400x32xf32, #tpu.memory_space<vmem>> -> memref<1x400x32xf32, #tpu.memory_space<vmem>>
      %dma_start3A_385 = tpu.memref_squeeze %dma_start3A_384 : memref<1x400x32xf32, #tpu.memory_space<vmem>> -> memref<400x32xf32, #tpu.memory_space<vmem>>
      %dma_start3A_386 = arith.constant 0 : i32
      %dma_start3A_387 = tpu.memref_slice %arg7[%add3A_380, %dma_start3A_386] : memref<25x400xi32, #tpu.memory_space<vmem>> -> memref<1x400xi32, #tpu.memory_space<vmem>>
      %dma_start3A_388 = tpu.memref_squeeze %dma_start3A_387 : memref<1x400xi32, #tpu.memory_space<vmem>> -> memref<400xi32, #tpu.memory_space<vmem>>
      %dma_start3A_389 = arith.constant 0 : i32
      %dma_start3A_390 = arith.constant 0 : i32
      %dma_start3A_391 = tpu.memref_slice %arg9[%dma_start3A_389, %dma_start3A_390] : memref<10000x32xf32, #tpu.memory_space<vmem_shared>> -> memref<10000x32xf32, #tpu.memory_space<vmem_shared>>
      tpu.enqueue_indirect_dma source(%dma_start3A_385 : memref<400x32xf32, #tpu.memory_space<vmem>>) target(%dma_start3A_391 : memref<10000x32xf32, #tpu.memory_space<vmem_shared>>) offsets(%dma_start3A_388 : memref<400xi32, #tpu.memory_space<vmem>>) semaphore(%arg19 : memref<!tpu.dma_semaphore, #tpu.memory_space<semaphore_mem>>) {add = true}
      %add3A_392 = arith.constant 4 : i32
      %add3A_393 = arith.addi %add3A_287, %add3A_392 : i32
      %dma_wait3A_394 = arith.constant 4 : i32
      %dma_wait3A_395 = arith.constant 0 : i32
      %dma_wait3A_396 = arith.constant 0 : i32
      %dma_wait3A_397 = tpu.memref_slice %arg8[%dma_wait3A_394, %dma_wait3A_395, %dma_wait3A_396] : memref<5x400x32xf32, #tpu.memory_space<vmem>> -> memref<1x400x32xf32, #tpu.memory_space<vmem>>
      %dma_wait3A_398 = tpu.memref_squeeze %dma_wait3A_397 : memref<1x400x32xf32, #tpu.memory_space<vmem>> -> memref<400x32xf32, #tpu.memory_space<vmem>>
      %dma_wait3A_399 = arith.constant 0 : i32
      %dma_wait3A_400 = tpu.memref_slice %arg6[%add3A_393, %dma_wait3A_399] : memref<25x400xi32, #tpu.memory_space<vmem>> -> memref<1x400xi32, #tpu.memory_space<vmem>>
      %dma_wait3A_401 = tpu.memref_squeeze %dma_wait3A_400 : memref<1x400xi32, #tpu.memory_space<vmem>> -> memref<400xi32, #tpu.memory_space<vmem>>
      %dma_wait3A_402 = arith.constant 0 : i32
      %dma_wait3A_403 = arith.constant 0 : i32
      %dma_wait3A_404 = tpu.memref_slice %arg3[%dma_wait3A_402, %dma_wait3A_403] : memref<10000x32xf32, #tpu.memory_space<hbm>> -> memref<10000x32xf32, #tpu.memory_space<hbm>>
      tpu.wait_indirect_dma semaphore(%arg15 : memref<!tpu.dma_semaphore, #tpu.memory_space<semaphore_mem>>) src(%dma_wait3A_404 : memref<10000x32xf32, #tpu.memory_space<hbm>>) dst(%dma_wait3A_398 : memref<400x32xf32, #tpu.memory_space<vmem>>)
      %add3A_405 = arith.constant 4 : i32
      %add3A_406 = arith.addi %add3A_287, %add3A_405 : i32
      %dma_start3A_407 = arith.constant 4 : i32
      %dma_start3A_408 = arith.constant 0 : i32
      %dma_start3A_409 = arith.constant 0 : i32
      %dma_start3A_410 = tpu.memref_slice %arg8[%dma_start3A_407, %dma_start3A_408, %dma_start3A_409] : memref<5x400x32xf32, #tpu.memory_space<vmem>> -> memref<1x400x32xf32, #tpu.memory_space<vmem>>
      %dma_start3A_411 = tpu.memref_squeeze %dma_start3A_410 : memref<1x400x32xf32, #tpu.memory_space<vmem>> -> memref<400x32xf32, #tpu.memory_space<vmem>>
      %dma_start3A_412 = arith.constant 0 : i32
      %dma_start3A_413 = tpu.memref_slice %arg7[%add3A_406, %dma_start3A_412] : memref<25x400xi32, #tpu.memory_space<vmem>> -> memref<1x400xi32, #tpu.memory_space<vmem>>
      %dma_start3A_414 = tpu.memref_squeeze %dma_start3A_413 : memref<1x400xi32, #tpu.memory_space<vmem>> -> memref<400xi32, #tpu.memory_space<vmem>>
      %dma_start3A_415 = arith.constant 0 : i32
      %dma_start3A_416 = arith.constant 0 : i32
      %dma_start3A_417 = tpu.memref_slice %arg9[%dma_start3A_415, %dma_start3A_416] : memref<10000x32xf32, #tpu.memory_space<vmem_shared>> -> memref<10000x32xf32, #tpu.memory_space<vmem_shared>>
      tpu.enqueue_indirect_dma source(%dma_start3A_411 : memref<400x32xf32, #tpu.memory_space<vmem>>) target(%dma_start3A_417 : memref<10000x32xf32, #tpu.memory_space<vmem_shared>>) offsets(%dma_start3A_414 : memref<400xi32, #tpu.memory_space<vmem>>) semaphore(%arg20 : memref<!tpu.dma_semaphore, #tpu.memory_space<semaphore_mem>>) {add = true}
      %add3A_418 = arith.constant 0 : i32
      %add3A_419 = arith.addi %add3A_287, %add3A_418 : i32
      %dma_wait3A_420 = arith.constant 0 : i32
      %dma_wait3A_421 = arith.constant 0 : i32
      %dma_wait3A_422 = arith.constant 0 : i32
      %dma_wait3A_423 = tpu.memref_slice %arg8[%dma_wait3A_420, %dma_wait3A_421, %dma_wait3A_422] : memref<5x400x32xf32, #tpu.memory_space<vmem>> -> memref<1x400x32xf32, #tpu.memory_space<vmem>>
      %dma_wait3A_424 = tpu.memref_squeeze %dma_wait3A_423 : memref<1x400x32xf32, #tpu.memory_space<vmem>> -> memref<400x32xf32, #tpu.memory_space<vmem>>
      %dma_wait3A_425 = arith.constant 0 : i32
      %dma_wait3A_426 = tpu.memref_slice %arg7[%add3A_419, %dma_wait3A_425] : memref<25x400xi32, #tpu.memory_space<vmem>> -> memref<1x400xi32, #tpu.memory_space<vmem>>
      %dma_wait3A_427 = tpu.memref_squeeze %dma_wait3A_426 : memref<1x400xi32, #tpu.memory_space<vmem>> -> memref<400xi32, #tpu.memory_space<vmem>>
      %dma_wait3A_428 = arith.constant 0 : i32
      %dma_wait3A_429 = arith.constant 0 : i32
      %dma_wait3A_430 = tpu.memref_slice %arg9[%dma_wait3A_428, %dma_wait3A_429] : memref<10000x32xf32, #tpu.memory_space<vmem_shared>> -> memref<10000x32xf32, #tpu.memory_space<vmem_shared>>
      tpu.wait_indirect_dma semaphore(%arg16 : memref<!tpu.dma_semaphore, #tpu.memory_space<semaphore_mem>>) src(%dma_wait3A_424 : memref<400x32xf32, #tpu.memory_space<vmem>>) dst(%dma_wait3A_430 : memref<10000x32xf32, #tpu.memory_space<vmem_shared>>)
      %add3A_431 = arith.constant 0 : i32
      %add3A_432 = arith.addi %add3A_287, %add3A_431 : i32
      %add3A_433 = arith.constant 5 : i32
      %add3A_434 = arith.addi %add3A_432, %add3A_433 : i32
      %dma_start3A_435 = arith.constant 0 : i32
      %dma_start3A_436 = arith.constant 0 : i32
      %dma_start3A_437 = arith.constant 0 : i32
      %dma_start3A_438 = tpu.memref_slice %arg8[%dma_start3A_435, %dma_start3A_436, %dma_start3A_437] : memref<5x400x32xf32, #tpu.memory_space<vmem>> -> memref<1x400x32xf32, #tpu.memory_space<vmem>>
      %dma_start3A_439 = tpu.memref_squeeze %dma_start3A_438 : memref<1x400x32xf32, #tpu.memory_space<vmem>> -> memref<400x32xf32, #tpu.memory_space<vmem>>
      %dma_start3A_440 = arith.constant 0 : i32
      %dma_start3A_441 = tpu.memref_slice %arg6[%add3A_434, %dma_start3A_440] : memref<25x400xi32, #tpu.memory_space<vmem>> -> memref<1x400xi32, #tpu.memory_space<vmem>>
      %dma_start3A_442 = tpu.memref_squeeze %dma_start3A_441 : memref<1x400xi32, #tpu.memory_space<vmem>> -> memref<400xi32, #tpu.memory_space<vmem>>
      %dma_start3A_443 = arith.constant 0 : i32
      %dma_start3A_444 = arith.constant 0 : i32
      %dma_start3A_445 = tpu.memref_slice %arg10[%dma_start3A_443, %dma_start3A_444] : memref<10000x32xf32, #tpu.memory_space<vmem_shared>> -> memref<10000x32xf32, #tpu.memory_space<vmem_shared>>
      tpu.enqueue_indirect_dma source(%dma_start3A_445 : memref<10000x32xf32, #tpu.memory_space<vmem_shared>>) target(%dma_start3A_439 : memref<400x32xf32, #tpu.memory_space<vmem>>) offsets(%dma_start3A_442 : memref<400xi32, #tpu.memory_space<vmem>>) semaphore(%arg11 : memref<!tpu.dma_semaphore, #tpu.memory_space<semaphore_mem>>)
      %add3A_446 = arith.constant 1 : i32
      %add3A_447 = arith.addi %add3A_287, %add3A_446 : i32
      %dma_wait3A_448 = arith.constant 1 : i32
      %dma_wait3A_449 = arith.constant 0 : i32
      %dma_wait3A_450 = arith.constant 0 : i32
      %dma_wait3A_451 = tpu.memref_slice %arg8[%dma_wait3A_448, %dma_wait3A_449, %dma_wait3A_450] : memref<5x400x32xf32, #tpu.memory_space<vmem>> -> memref<1x400x32xf32, #tpu.memory_space<vmem>>
      %dma_wait3A_452 = tpu.memref_squeeze %dma_wait3A_451 : memref<1x400x32xf32, #tpu.memory_space<vmem>> -> memref<400x32xf32, #tpu.memory_space<vmem>>
      %dma_wait3A_453 = arith.constant 0 : i32
      %dma_wait3A_454 = tpu.memref_slice %arg7[%add3A_447, %dma_wait3A_453] : memref<25x400xi32, #tpu.memory_space<vmem>> -> memref<1x400xi32, #tpu.memory_space<vmem>>
      %dma_wait3A_455 = tpu.memref_squeeze %dma_wait3A_454 : memref<1x400xi32, #tpu.memory_space<vmem>> -> memref<400xi32, #tpu.memory_space<vmem>>
      %dma_wait3A_456 = arith.constant 0 : i32
      %dma_wait3A_457 = arith.constant 0 : i32
      %dma_wait3A_458 = tpu.memref_slice %arg9[%dma_wait3A_456, %dma_wait3A_457] : memref<10000x32xf32, #tpu.memory_space<vmem_shared>> -> memref<10000x32xf32, #tpu.memory_space<vmem_shared>>
      tpu.wait_indirect_dma semaphore(%arg17 : memref<!tpu.dma_semaphore, #tpu.memory_space<semaphore_mem>>) src(%dma_wait3A_452 : memref<400x32xf32, #tpu.memory_space<vmem>>) dst(%dma_wait3A_458 : memref<10000x32xf32, #tpu.memory_space<vmem_shared>>)
      %add3A_459 = arith.constant 1 : i32
      %add3A_460 = arith.addi %add3A_287, %add3A_459 : i32
      %add3A_461 = arith.constant 5 : i32
      %add3A_462 = arith.addi %add3A_460, %add3A_461 : i32
      %dma_start3A_463 = arith.constant 1 : i32
      %dma_start3A_464 = arith.constant 0 : i32
      %dma_start3A_465 = arith.constant 0 : i32
      %dma_start3A_466 = tpu.memref_slice %arg8[%dma_start3A_463, %dma_start3A_464, %dma_start3A_465] : memref<5x400x32xf32, #tpu.memory_space<vmem>> -> memref<1x400x32xf32, #tpu.memory_space<vmem>>
      %dma_start3A_467 = tpu.memref_squeeze %dma_start3A_466 : memref<1x400x32xf32, #tpu.memory_space<vmem>> -> memref<400x32xf32, #tpu.memory_space<vmem>>
      %dma_start3A_468 = arith.constant 0 : i32
      %dma_start3A_469 = tpu.memref_slice %arg6[%add3A_462, %dma_start3A_468] : memref<25x400xi32, #tpu.memory_space<vmem>> -> memref<1x400xi32, #tpu.memory_space<vmem>>
      %dma_start3A_470 = tpu.memref_squeeze %dma_start3A_469 : memref<1x400xi32, #tpu.memory_space<vmem>> -> memref<400xi32, #tpu.memory_space<vmem>>
      %dma_start3A_471 = arith.constant 0 : i32
      %dma_start3A_472 = arith.constant 0 : i32
      %dma_start3A_473 = tpu.memref_slice %arg10[%dma_start3A_471, %dma_start3A_472] : memref<10000x32xf32, #tpu.memory_space<vmem_shared>> -> memref<10000x32xf32, #tpu.memory_space<vmem_shared>>
      tpu.enqueue_indirect_dma source(%dma_start3A_473 : memref<10000x32xf32, #tpu.memory_space<vmem_shared>>) target(%dma_start3A_467 : memref<400x32xf32, #tpu.memory_space<vmem>>) offsets(%dma_start3A_470 : memref<400xi32, #tpu.memory_space<vmem>>) semaphore(%arg12 : memref<!tpu.dma_semaphore, #tpu.memory_space<semaphore_mem>>)
      %add3A_474 = arith.constant 2 : i32
      %add3A_475 = arith.addi %add3A_287, %add3A_474 : i32
      %dma_wait3A_476 = arith.constant 2 : i32
      %dma_wait3A_477 = arith.constant 0 : i32
      %dma_wait3A_478 = arith.constant 0 : i32
      %dma_wait3A_479 = tpu.memref_slice %arg8[%dma_wait3A_476, %dma_wait3A_477, %dma_wait3A_478] : memref<5x400x32xf32, #tpu.memory_space<vmem>> -> memref<1x400x32xf32, #tpu.memory_space<vmem>>
      %dma_wait3A_480 = tpu.memref_squeeze %dma_wait3A_479 : memref<1x400x32xf32, #tpu.memory_space<vmem>> -> memref<400x32xf32, #tpu.memory_space<vmem>>
      %dma_wait3A_481 = arith.constant 0 : i32
      %dma_wait3A_482 = tpu.memref_slice %arg7[%add3A_475, %dma_wait3A_481] : memref<25x400xi32, #tpu.memory_space<vmem>> -> memref<1x400xi32, #tpu.memory_space<vmem>>
      %dma_wait3A_483 = tpu.memref_squeeze %dma_wait3A_482 : memref<1x400xi32, #tpu.memory_space<vmem>> -> memref<400xi32, #tpu.memory_space<vmem>>
      %dma_wait3A_484 = arith.constant 0 : i32
      %dma_wait3A_485 = arith.constant 0 : i32
      %dma_wait3A_486 = tpu.memref_slice %arg9[%dma_wait3A_484, %dma_wait3A_485] : memref<10000x32xf32, #tpu.memory_space<vmem_shared>> -> memref<10000x32xf32, #tpu.memory_space<vmem_shared>>
      tpu.wait_indirect_dma semaphore(%arg18 : memref<!tpu.dma_semaphore, #tpu.memory_space<semaphore_mem>>) src(%dma_wait3A_480 : memref<400x32xf32, #tpu.memory_space<vmem>>) dst(%dma_wait3A_486 : memref<10000x32xf32, #tpu.memory_space<vmem_shared>>)
      %add3A_487 = arith.constant 2 : i32
      %add3A_488 = arith.addi %add3A_287, %add3A_487 : i32
      %add3A_489 = arith.constant 5 : i32
      %add3A_490 = arith.addi %add3A_488, %add3A_489 : i32
      %dma_start3A_491 = arith.constant 2 : i32
      %dma_start3A_492 = arith.constant 0 : i32
      %dma_start3A_493 = arith.constant 0 : i32
      %dma_start3A_494 = tpu.memref_slice %arg8[%dma_start3A_491, %dma_start3A_492, %dma_start3A_493] : memref<5x400x32xf32, #tpu.memory_space<vmem>> -> memref<1x400x32xf32, #tpu.memory_space<vmem>>
      %dma_start3A_495 = tpu.memref_squeeze %dma_start3A_494 : memref<1x400x32xf32, #tpu.memory_space<vmem>> -> memref<400x32xf32, #tpu.memory_space<vmem>>
      %dma_start3A_496 = arith.constant 0 : i32
      %dma_start3A_497 = tpu.memref_slice %arg6[%add3A_490, %dma_start3A_496] : memref<25x400xi32, #tpu.memory_space<vmem>> -> memref<1x400xi32, #tpu.memory_space<vmem>>
      %dma_start3A_498 = tpu.memref_squeeze %dma_start3A_497 : memref<1x400xi32, #tpu.memory_space<vmem>> -> memref<400xi32, #tpu.memory_space<vmem>>
      %dma_start3A_499 = arith.constant 0 : i32
      %dma_start3A_500 = arith.constant 0 : i32
      %dma_start3A_501 = tpu.memref_slice %arg10[%dma_start3A_499, %dma_start3A_500] : memref<10000x32xf32, #tpu.memory_space<vmem_shared>> -> memref<10000x32xf32, #tpu.memory_space<vmem_shared>>
      tpu.enqueue_indirect_dma source(%dma_start3A_501 : memref<10000x32xf32, #tpu.memory_space<vmem_shared>>) target(%dma_start3A_495 : memref<400x32xf32, #tpu.memory_space<vmem>>) offsets(%dma_start3A_498 : memref<400xi32, #tpu.memory_space<vmem>>) semaphore(%arg13 : memref<!tpu.dma_semaphore, #tpu.memory_space<semaphore_mem>>)
      %add3A_502 = arith.constant 3 : i32
      %add3A_503 = arith.addi %add3A_287, %add3A_502 : i32
      %dma_wait3A_504 = arith.constant 3 : i32
      %dma_wait3A_505 = arith.constant 0 : i32
      %dma_wait3A_506 = arith.constant 0 : i32
      %dma_wait3A_507 = tpu.memref_slice %arg8[%dma_wait3A_504, %dma_wait3A_505, %dma_wait3A_506] : memref<5x400x32xf32, #tpu.memory_space<vmem>> -> memref<1x400x32xf32, #tpu.memory_space<vmem>>
      %dma_wait3A_508 = tpu.memref_squeeze %dma_wait3A_507 : memref<1x400x32xf32, #tpu.memory_space<vmem>> -> memref<400x32xf32, #tpu.memory_space<vmem>>
      %dma_wait3A_509 = arith.constant 0 : i32
      %dma_wait3A_510 = tpu.memref_slice %arg7[%add3A_503, %dma_wait3A_509] : memref<25x400xi32, #tpu.memory_space<vmem>> -> memref<1x400xi32, #tpu.memory_space<vmem>>
      %dma_wait3A_511 = tpu.memref_squeeze %dma_wait3A_510 : memref<1x400xi32, #tpu.memory_space<vmem>> -> memref<400xi32, #tpu.memory_space<vmem>>
      %dma_wait3A_512 = arith.constant 0 : i32
      %dma_wait3A_513 = arith.constant 0 : i32
      %dma_wait3A_514 = tpu.memref_slice %arg9[%dma_wait3A_512, %dma_wait3A_513] : memref<10000x32xf32, #tpu.memory_space<vmem_shared>> -> memref<10000x32xf32, #tpu.memory_space<vmem_shared>>
      tpu.wait_indirect_dma semaphore(%arg19 : memref<!tpu.dma_semaphore, #tpu.memory_space<semaphore_mem>>) src(%dma_wait3A_508 : memref<400x32xf32, #tpu.memory_space<vmem>>) dst(%dma_wait3A_514 : memref<10000x32xf32, #tpu.memory_space<vmem_shared>>)
      %add3A_515 = arith.constant 3 : i32
      %add3A_516 = arith.addi %add3A_287, %add3A_515 : i32
      %add3A_517 = arith.constant 5 : i32
      %add3A_518 = arith.addi %add3A_516, %add3A_517 : i32
      %dma_start3A_519 = arith.constant 3 : i32
      %dma_start3A_520 = arith.constant 0 : i32
      %dma_start3A_521 = arith.constant 0 : i32
      %dma_start3A_522 = tpu.memref_slice %arg8[%dma_start3A_519, %dma_start3A_520, %dma_start3A_521] : memref<5x400x32xf32, #tpu.memory_space<vmem>> -> memref<1x400x32xf32, #tpu.memory_space<vmem>>
      %dma_start3A_523 = tpu.memref_squeeze %dma_start3A_522 : memref<1x400x32xf32, #tpu.memory_space<vmem>> -> memref<400x32xf32, #tpu.memory_space<vmem>>
      %dma_start3A_524 = arith.constant 0 : i32
      %dma_start3A_525 = tpu.memref_slice %arg6[%add3A_518, %dma_start3A_524] : memref<25x400xi32, #tpu.memory_space<vmem>> -> memref<1x400xi32, #tpu.memory_space<vmem>>
      %dma_start3A_526 = tpu.memref_squeeze %dma_start3A_525 : memref<1x400xi32, #tpu.memory_space<vmem>> -> memref<400xi32, #tpu.memory_space<vmem>>
      %dma_start3A_527 = arith.constant 0 : i32
      %dma_start3A_528 = arith.constant 0 : i32
      %dma_start3A_529 = tpu.memref_slice %arg10[%dma_start3A_527, %dma_start3A_528] : memref<10000x32xf32, #tpu.memory_space<vmem_shared>> -> memref<10000x32xf32, #tpu.memory_space<vmem_shared>>
      tpu.enqueue_indirect_dma source(%dma_start3A_529 : memref<10000x32xf32, #tpu.memory_space<vmem_shared>>) target(%dma_start3A_523 : memref<400x32xf32, #tpu.memory_space<vmem>>) offsets(%dma_start3A_526 : memref<400xi32, #tpu.memory_space<vmem>>) semaphore(%arg14 : memref<!tpu.dma_semaphore, #tpu.memory_space<semaphore_mem>>)
      %add3A_530 = arith.constant 4 : i32
      %add3A_531 = arith.addi %add3A_287, %add3A_530 : i32
      %dma_wait3A_532 = arith.constant 4 : i32
      %dma_wait3A_533 = arith.constant 0 : i32
      %dma_wait3A_534 = arith.constant 0 : i32
      %dma_wait3A_535 = tpu.memref_slice %arg8[%dma_wait3A_532, %dma_wait3A_533, %dma_wait3A_534] : memref<5x400x32xf32, #tpu.memory_space<vmem>> -> memref<1x400x32xf32, #tpu.memory_space<vmem>>
      %dma_wait3A_536 = tpu.memref_squeeze %dma_wait3A_535 : memref<1x400x32xf32, #tpu.memory_space<vmem>> -> memref<400x32xf32, #tpu.memory_space<vmem>>
      %dma_wait3A_537 = arith.constant 0 : i32
      %dma_wait3A_538 = tpu.memref_slice %arg7[%add3A_531, %dma_wait3A_537] : memref<25x400xi32, #tpu.memory_space<vmem>> -> memref<1x400xi32, #tpu.memory_space<vmem>>
      %dma_wait3A_539 = tpu.memref_squeeze %dma_wait3A_538 : memref<1x400xi32, #tpu.memory_space<vmem>> -> memref<400xi32, #tpu.memory_space<vmem>>
      %dma_wait3A_540 = arith.constant 0 : i32
      %dma_wait3A_541 = arith.constant 0 : i32
      %dma_wait3A_542 = tpu.memref_slice %arg9[%dma_wait3A_540, %dma_wait3A_541] : memref<10000x32xf32, #tpu.memory_space<vmem_shared>> -> memref<10000x32xf32, #tpu.memory_space<vmem_shared>>
      tpu.wait_indirect_dma semaphore(%arg20 : memref<!tpu.dma_semaphore, #tpu.memory_space<semaphore_mem>>) src(%dma_wait3A_536 : memref<400x32xf32, #tpu.memory_space<vmem>>) dst(%dma_wait3A_542 : memref<10000x32xf32, #tpu.memory_space<vmem_shared>>)
      %add3A_543 = arith.constant 4 : i32
      %add3A_544 = arith.addi %add3A_287, %add3A_543 : i32
      %add3A_545 = arith.constant 5 : i32
      %add3A_546 = arith.addi %add3A_544, %add3A_545 : i32
      %dma_start3A_547 = arith.constant 4 : i32
      %dma_start3A_548 = arith.constant 0 : i32
      %dma_start3A_549 = arith.constant 0 : i32
      %dma_start3A_550 = tpu.memref_slice %arg8[%dma_start3A_547, %dma_start3A_548, %dma_start3A_549] : memref<5x400x32xf32, #tpu.memory_space<vmem>> -> memref<1x400x32xf32, #tpu.memory_space<vmem>>
      %dma_start3A_551 = tpu.memref_squeeze %dma_start3A_550 : memref<1x400x32xf32, #tpu.memory_space<vmem>> -> memref<400x32xf32, #tpu.memory_space<vmem>>
      %dma_start3A_552 = arith.constant 0 : i32
      %dma_start3A_553 = tpu.memref_slice %arg6[%add3A_546, %dma_start3A_552] : memref<25x400xi32, #tpu.memory_space<vmem>> -> memref<1x400xi32, #tpu.memory_space<vmem>>
      %dma_start3A_554 = tpu.memref_squeeze %dma_start3A_553 : memref<1x400xi32, #tpu.memory_space<vmem>> -> memref<400xi32, #tpu.memory_space<vmem>>
      %dma_start3A_555 = arith.constant 0 : i32
      %dma_start3A_556 = arith.constant 0 : i32
      %dma_start3A_557 = tpu.memref_slice %arg3[%dma_start3A_555, %dma_start3A_556] : memref<10000x32xf32, #tpu.memory_space<hbm>> -> memref<10000x32xf32, #tpu.memory_space<hbm>>
      tpu.enqueue_indirect_dma source(%dma_start3A_557 : memref<10000x32xf32, #tpu.memory_space<hbm>>) target(%dma_start3A_551 : memref<400x32xf32, #tpu.memory_space<vmem>>) offsets(%dma_start3A_554 : memref<400xi32, #tpu.memory_space<vmem>>) semaphore(%arg15 : memref<!tpu.dma_semaphore, #tpu.memory_space<semaphore_mem>>)
    }
    %scan3A_91 = arith.constant 4 : i32
    %dma_wait3A = arith.constant 20 : i32
    %dma_wait3A_92 = arith.constant 0 : i32
    %dma_wait3A_93 = arith.constant 0 : i32
    %dma_wait3A_94 = arith.constant 0 : i32
    %dma_wait3A_95 = tpu.memref_slice %arg8[%dma_wait3A_92, %dma_wait3A_93, %dma_wait3A_94] : memref<5x400x32xf32, #tpu.memory_space<vmem>> -> memref<1x400x32xf32, #tpu.memory_space<vmem>>
    %dma_wait3A_96 = tpu.memref_squeeze %dma_wait3A_95 : memref<1x400x32xf32, #tpu.memory_space<vmem>> -> memref<400x32xf32, #tpu.memory_space<vmem>>
    %dma_wait3A_97 = arith.constant 0 : i32
    %dma_wait3A_98 = tpu.memref_slice %arg6[%dma_wait3A, %dma_wait3A_97] : memref<25x400xi32, #tpu.memory_space<vmem>> -> memref<1x400xi32, #tpu.memory_space<vmem>>
    %dma_wait3A_99 = tpu.memref_squeeze %dma_wait3A_98 : memref<1x400xi32, #tpu.memory_space<vmem>> -> memref<400xi32, #tpu.memory_space<vmem>>
    %dma_wait3A_100 = arith.constant 0 : i32
    %dma_wait3A_101 = arith.constant 0 : i32
    %dma_wait3A_102 = tpu.memref_slice %arg10[%dma_wait3A_100, %dma_wait3A_101] : memref<10000x32xf32, #tpu.memory_space<vmem_shared>> -> memref<10000x32xf32, #tpu.memory_space<vmem_shared>>
    tpu.wait_indirect_dma semaphore(%arg11 : memref<!tpu.dma_semaphore, #tpu.memory_space<semaphore_mem>>) src(%dma_wait3A_102 : memref<10000x32xf32, #tpu.memory_space<vmem_shared>>) dst(%dma_wait3A_96 : memref<400x32xf32, #tpu.memory_space<vmem>>)
    %dma_start3A_103 = arith.constant 0 : i32
    %dma_start3A_104 = arith.constant 20 : i32
    %dma_start3A_105 = arith.constant 0 : i32
    %dma_start3A_106 = arith.constant 0 : i32
    %dma_start3A_107 = tpu.memref_slice %arg8[%dma_start3A_103, %dma_start3A_105, %dma_start3A_106] : memref<5x400x32xf32, #tpu.memory_space<vmem>> -> memref<1x400x32xf32, #tpu.memory_space<vmem>>
    %dma_start3A_108 = tpu.memref_squeeze %dma_start3A_107 : memref<1x400x32xf32, #tpu.memory_space<vmem>> -> memref<400x32xf32, #tpu.memory_space<vmem>>
    %dma_start3A_109 = arith.constant 0 : i32
    %dma_start3A_110 = tpu.memref_slice %arg7[%dma_start3A_104, %dma_start3A_109] : memref<25x400xi32, #tpu.memory_space<vmem>> -> memref<1x400xi32, #tpu.memory_space<vmem>>
    %dma_start3A_111 = tpu.memref_squeeze %dma_start3A_110 : memref<1x400xi32, #tpu.memory_space<vmem>> -> memref<400xi32, #tpu.memory_space<vmem>>
    %dma_start3A_112 = arith.constant 0 : i32
    %dma_start3A_113 = arith.constant 0 : i32
    %dma_start3A_114 = tpu.memref_slice %arg9[%dma_start3A_112, %dma_start3A_113] : memref<10000x32xf32, #tpu.memory_space<vmem_shared>> -> memref<10000x32xf32, #tpu.memory_space<vmem_shared>>
    tpu.enqueue_indirect_dma source(%dma_start3A_108 : memref<400x32xf32, #tpu.memory_space<vmem>>) target(%dma_start3A_114 : memref<10000x32xf32, #tpu.memory_space<vmem_shared>>) offsets(%dma_start3A_111 : memref<400xi32, #tpu.memory_space<vmem>>) semaphore(%arg16 : memref<!tpu.dma_semaphore, #tpu.memory_space<semaphore_mem>>) {add = true}
    %dma_wait3A_115 = arith.constant 21 : i32
    %dma_wait3A_116 = arith.constant 1 : i32
    %dma_wait3A_117 = arith.constant 0 : i32
    %dma_wait3A_118 = arith.constant 0 : i32
    %dma_wait3A_119 = tpu.memref_slice %arg8[%dma_wait3A_116, %dma_wait3A_117, %dma_wait3A_118] : memref<5x400x32xf32, #tpu.memory_space<vmem>> -> memref<1x400x32xf32, #tpu.memory_space<vmem>>
    %dma_wait3A_120 = tpu.memref_squeeze %dma_wait3A_119 : memref<1x400x32xf32, #tpu.memory_space<vmem>> -> memref<400x32xf32, #tpu.memory_space<vmem>>
    %dma_wait3A_121 = arith.constant 0 : i32
    %dma_wait3A_122 = tpu.memref_slice %arg6[%dma_wait3A_115, %dma_wait3A_121] : memref<25x400xi32, #tpu.memory_space<vmem>> -> memref<1x400xi32, #tpu.memory_space<vmem>>
    %dma_wait3A_123 = tpu.memref_squeeze %dma_wait3A_122 : memref<1x400xi32, #tpu.memory_space<vmem>> -> memref<400xi32, #tpu.memory_space<vmem>>
    %dma_wait3A_124 = arith.constant 0 : i32
    %dma_wait3A_125 = arith.constant 0 : i32
    %dma_wait3A_126 = tpu.memref_slice %arg10[%dma_wait3A_124, %dma_wait3A_125] : memref<10000x32xf32, #tpu.memory_space<vmem_shared>> -> memref<10000x32xf32, #tpu.memory_space<vmem_shared>>
    tpu.wait_indirect_dma semaphore(%arg12 : memref<!tpu.dma_semaphore, #tpu.memory_space<semaphore_mem>>) src(%dma_wait3A_126 : memref<10000x32xf32, #tpu.memory_space<vmem_shared>>) dst(%dma_wait3A_120 : memref<400x32xf32, #tpu.memory_space<vmem>>)
    %dma_start3A_127 = arith.constant 1 : i32
    %dma_start3A_128 = arith.constant 21 : i32
    %dma_start3A_129 = arith.constant 0 : i32
    %dma_start3A_130 = arith.constant 0 : i32
    %dma_start3A_131 = tpu.memref_slice %arg8[%dma_start3A_127, %dma_start3A_129, %dma_start3A_130] : memref<5x400x32xf32, #tpu.memory_space<vmem>> -> memref<1x400x32xf32, #tpu.memory_space<vmem>>
    %dma_start3A_132 = tpu.memref_squeeze %dma_start3A_131 : memref<1x400x32xf32, #tpu.memory_space<vmem>> -> memref<400x32xf32, #tpu.memory_space<vmem>>
    %dma_start3A_133 = arith.constant 0 : i32
    %dma_start3A_134 = tpu.memref_slice %arg7[%dma_start3A_128, %dma_start3A_133] : memref<25x400xi32, #tpu.memory_space<vmem>> -> memref<1x400xi32, #tpu.memory_space<vmem>>
    %dma_start3A_135 = tpu.memref_squeeze %dma_start3A_134 : memref<1x400xi32, #tpu.memory_space<vmem>> -> memref<400xi32, #tpu.memory_space<vmem>>
    %dma_start3A_136 = arith.constant 0 : i32
    %dma_start3A_137 = arith.constant 0 : i32
    %dma_start3A_138 = tpu.memref_slice %arg9[%dma_start3A_136, %dma_start3A_137] : memref<10000x32xf32, #tpu.memory_space<vmem_shared>> -> memref<10000x32xf32, #tpu.memory_space<vmem_shared>>
    tpu.enqueue_indirect_dma source(%dma_start3A_132 : memref<400x32xf32, #tpu.memory_space<vmem>>) target(%dma_start3A_138 : memref<10000x32xf32, #tpu.memory_space<vmem_shared>>) offsets(%dma_start3A_135 : memref<400xi32, #tpu.memory_space<vmem>>) semaphore(%arg17 : memref<!tpu.dma_semaphore, #tpu.memory_space<semaphore_mem>>) {add = true}
    %dma_wait3A_139 = arith.constant 22 : i32
    %dma_wait3A_140 = arith.constant 2 : i32
    %dma_wait3A_141 = arith.constant 0 : i32
    %dma_wait3A_142 = arith.constant 0 : i32
    %dma_wait3A_143 = tpu.memref_slice %arg8[%dma_wait3A_140, %dma_wait3A_141, %dma_wait3A_142] : memref<5x400x32xf32, #tpu.memory_space<vmem>> -> memref<1x400x32xf32, #tpu.memory_space<vmem>>
    %dma_wait3A_144 = tpu.memref_squeeze %dma_wait3A_143 : memref<1x400x32xf32, #tpu.memory_space<vmem>> -> memref<400x32xf32, #tpu.memory_space<vmem>>
    %dma_wait3A_145 = arith.constant 0 : i32
    %dma_wait3A_146 = tpu.memref_slice %arg6[%dma_wait3A_139, %dma_wait3A_145] : memref<25x400xi32, #tpu.memory_space<vmem>> -> memref<1x400xi32, #tpu.memory_space<vmem>>
    %dma_wait3A_147 = tpu.memref_squeeze %dma_wait3A_146 : memref<1x400xi32, #tpu.memory_space<vmem>> -> memref<400xi32, #tpu.memory_space<vmem>>
    %dma_wait3A_148 = arith.constant 0 : i32
    %dma_wait3A_149 = arith.constant 0 : i32
    %dma_wait3A_150 = tpu.memref_slice %arg10[%dma_wait3A_148, %dma_wait3A_149] : memref<10000x32xf32, #tpu.memory_space<vmem_shared>> -> memref<10000x32xf32, #tpu.memory_space<vmem_shared>>
    tpu.wait_indirect_dma semaphore(%arg13 : memref<!tpu.dma_semaphore, #tpu.memory_space<semaphore_mem>>) src(%dma_wait3A_150 : memref<10000x32xf32, #tpu.memory_space<vmem_shared>>) dst(%dma_wait3A_144 : memref<400x32xf32, #tpu.memory_space<vmem>>)
    %dma_start3A_151 = arith.constant 2 : i32
    %dma_start3A_152 = arith.constant 22 : i32
    %dma_start3A_153 = arith.constant 0 : i32
    %dma_start3A_154 = arith.constant 0 : i32
    %dma_start3A_155 = tpu.memref_slice %arg8[%dma_start3A_151, %dma_start3A_153, %dma_start3A_154] : memref<5x400x32xf32, #tpu.memory_space<vmem>> -> memref<1x400x32xf32, #tpu.memory_space<vmem>>
    %dma_start3A_156 = tpu.memref_squeeze %dma_start3A_155 : memref<1x400x32xf32, #tpu.memory_space<vmem>> -> memref<400x32xf32, #tpu.memory_space<vmem>>
    %dma_start3A_157 = arith.constant 0 : i32
    %dma_start3A_158 = tpu.memref_slice %arg7[%dma_start3A_152, %dma_start3A_157] : memref<25x400xi32, #tpu.memory_space<vmem>> -> memref<1x400xi32, #tpu.memory_space<vmem>>
    %dma_start3A_159 = tpu.memref_squeeze %dma_start3A_158 : memref<1x400xi32, #tpu.memory_space<vmem>> -> memref<400xi32, #tpu.memory_space<vmem>>
    %dma_start3A_160 = arith.constant 0 : i32
    %dma_start3A_161 = arith.constant 0 : i32
    %dma_start3A_162 = tpu.memref_slice %arg9[%dma_start3A_160, %dma_start3A_161] : memref<10000x32xf32, #tpu.memory_space<vmem_shared>> -> memref<10000x32xf32, #tpu.memory_space<vmem_shared>>
    tpu.enqueue_indirect_dma source(%dma_start3A_156 : memref<400x32xf32, #tpu.memory_space<vmem>>) target(%dma_start3A_162 : memref<10000x32xf32, #tpu.memory_space<vmem_shared>>) offsets(%dma_start3A_159 : memref<400xi32, #tpu.memory_space<vmem>>) semaphore(%arg18 : memref<!tpu.dma_semaphore, #tpu.memory_space<semaphore_mem>>) {add = true}
    %dma_wait3A_163 = arith.constant 23 : i32
    %dma_wait3A_164 = arith.constant 3 : i32
    %dma_wait3A_165 = arith.constant 0 : i32
    %dma_wait3A_166 = arith.constant 0 : i32
    %dma_wait3A_167 = tpu.memref_slice %arg8[%dma_wait3A_164, %dma_wait3A_165, %dma_wait3A_166] : memref<5x400x32xf32, #tpu.memory_space<vmem>> -> memref<1x400x32xf32, #tpu.memory_space<vmem>>
    %dma_wait3A_168 = tpu.memref_squeeze %dma_wait3A_167 : memref<1x400x32xf32, #tpu.memory_space<vmem>> -> memref<400x32xf32, #tpu.memory_space<vmem>>
    %dma_wait3A_169 = arith.constant 0 : i32
    %dma_wait3A_170 = tpu.memref_slice %arg6[%dma_wait3A_163, %dma_wait3A_169] : memref<25x400xi32, #tpu.memory_space<vmem>> -> memref<1x400xi32, #tpu.memory_space<vmem>>
    %dma_wait3A_171 = tpu.memref_squeeze %dma_wait3A_170 : memref<1x400xi32, #tpu.memory_space<vmem>> -> memref<400xi32, #tpu.memory_space<vmem>>
    %dma_wait3A_172 = arith.constant 0 : i32
    %dma_wait3A_173 = arith.constant 0 : i32
    %dma_wait3A_174 = tpu.memref_slice %arg10[%dma_wait3A_172, %dma_wait3A_173] : memref<10000x32xf32, #tpu.memory_space<vmem_shared>> -> memref<10000x32xf32, #tpu.memory_space<vmem_shared>>
    tpu.wait_indirect_dma semaphore(%arg14 : memref<!tpu.dma_semaphore, #tpu.memory_space<semaphore_mem>>) src(%dma_wait3A_174 : memref<10000x32xf32, #tpu.memory_space<vmem_shared>>) dst(%dma_wait3A_168 : memref<400x32xf32, #tpu.memory_space<vmem>>)
    %dma_start3A_175 = arith.constant 3 : i32
    %dma_start3A_176 = arith.constant 23 : i32
    %dma_start3A_177 = arith.constant 0 : i32
    %dma_start3A_178 = arith.constant 0 : i32
    %dma_start3A_179 = tpu.memref_slice %arg8[%dma_start3A_175, %dma_start3A_177, %dma_start3A_178] : memref<5x400x32xf32, #tpu.memory_space<vmem>> -> memref<1x400x32xf32, #tpu.memory_space<vmem>>
    %dma_start3A_180 = tpu.memref_squeeze %dma_start3A_179 : memref<1x400x32xf32, #tpu.memory_space<vmem>> -> memref<400x32xf32, #tpu.memory_space<vmem>>
    %dma_start3A_181 = arith.constant 0 : i32
    %dma_start3A_182 = tpu.memref_slice %arg7[%dma_start3A_176, %dma_start3A_181] : memref<25x400xi32, #tpu.memory_space<vmem>> -> memref<1x400xi32, #tpu.memory_space<vmem>>
    %dma_start3A_183 = tpu.memref_squeeze %dma_start3A_182 : memref<1x400xi32, #tpu.memory_space<vmem>> -> memref<400xi32, #tpu.memory_space<vmem>>
    %dma_start3A_184 = arith.constant 0 : i32
    %dma_start3A_185 = arith.constant 0 : i32
    %dma_start3A_186 = tpu.memref_slice %arg9[%dma_start3A_184, %dma_start3A_185] : memref<10000x32xf32, #tpu.memory_space<vmem_shared>> -> memref<10000x32xf32, #tpu.memory_space<vmem_shared>>
    tpu.enqueue_indirect_dma source(%dma_start3A_180 : memref<400x32xf32, #tpu.memory_space<vmem>>) target(%dma_start3A_186 : memref<10000x32xf32, #tpu.memory_space<vmem_shared>>) offsets(%dma_start3A_183 : memref<400xi32, #tpu.memory_space<vmem>>) semaphore(%arg19 : memref<!tpu.dma_semaphore, #tpu.memory_space<semaphore_mem>>) {add = true}
    %dma_wait3A_187 = arith.constant 24 : i32
    %dma_wait3A_188 = arith.constant 4 : i32
    %dma_wait3A_189 = arith.constant 0 : i32
    %dma_wait3A_190 = arith.constant 0 : i32
    %dma_wait3A_191 = tpu.memref_slice %arg8[%dma_wait3A_188, %dma_wait3A_189, %dma_wait3A_190] : memref<5x400x32xf32, #tpu.memory_space<vmem>> -> memref<1x400x32xf32, #tpu.memory_space<vmem>>
    %dma_wait3A_192 = tpu.memref_squeeze %dma_wait3A_191 : memref<1x400x32xf32, #tpu.memory_space<vmem>> -> memref<400x32xf32, #tpu.memory_space<vmem>>
    %dma_wait3A_193 = arith.constant 0 : i32
    %dma_wait3A_194 = tpu.memref_slice %arg6[%dma_wait3A_187, %dma_wait3A_193] : memref<25x400xi32, #tpu.memory_space<vmem>> -> memref<1x400xi32, #tpu.memory_space<vmem>>
    %dma_wait3A_195 = tpu.memref_squeeze %dma_wait3A_194 : memref<1x400xi32, #tpu.memory_space<vmem>> -> memref<400xi32, #tpu.memory_space<vmem>>
    %dma_wait3A_196 = arith.constant 0 : i32
    %dma_wait3A_197 = arith.constant 0 : i32
    %dma_wait3A_198 = tpu.memref_slice %arg3[%dma_wait3A_196, %dma_wait3A_197] : memref<10000x32xf32, #tpu.memory_space<hbm>> -> memref<10000x32xf32, #tpu.memory_space<hbm>>
    tpu.wait_indirect_dma semaphore(%arg15 : memref<!tpu.dma_semaphore, #tpu.memory_space<semaphore_mem>>) src(%dma_wait3A_198 : memref<10000x32xf32, #tpu.memory_space<hbm>>) dst(%dma_wait3A_192 : memref<400x32xf32, #tpu.memory_space<vmem>>)
    %dma_start3A_199 = arith.constant 4 : i32
    %dma_start3A_200 = arith.constant 24 : i32
    %dma_start3A_201 = arith.constant 0 : i32
    %dma_start3A_202 = arith.constant 0 : i32
    %dma_start3A_203 = tpu.memref_slice %arg8[%dma_start3A_199, %dma_start3A_201, %dma_start3A_202] : memref<5x400x32xf32, #tpu.memory_space<vmem>> -> memref<1x400x32xf32, #tpu.memory_space<vmem>>
    %dma_start3A_204 = tpu.memref_squeeze %dma_start3A_203 : memref<1x400x32xf32, #tpu.memory_space<vmem>> -> memref<400x32xf32, #tpu.memory_space<vmem>>
    %dma_start3A_205 = arith.constant 0 : i32
    %dma_start3A_206 = tpu.memref_slice %arg7[%dma_start3A_200, %dma_start3A_205] : memref<25x400xi32, #tpu.memory_space<vmem>> -> memref<1x400xi32, #tpu.memory_space<vmem>>
    %dma_start3A_207 = tpu.memref_squeeze %dma_start3A_206 : memref<1x400xi32, #tpu.memory_space<vmem>> -> memref<400xi32, #tpu.memory_space<vmem>>
    %dma_start3A_208 = arith.constant 0 : i32
    %dma_start3A_209 = arith.constant 0 : i32
    %dma_start3A_210 = tpu.memref_slice %arg9[%dma_start3A_208, %dma_start3A_209] : memref<10000x32xf32, #tpu.memory_space<vmem_shared>> -> memref<10000x32xf32, #tpu.memory_space<vmem_shared>>
    tpu.enqueue_indirect_dma source(%dma_start3A_204 : memref<400x32xf32, #tpu.memory_space<vmem>>) target(%dma_start3A_210 : memref<10000x32xf32, #tpu.memory_space<vmem_shared>>) offsets(%dma_start3A_207 : memref<400xi32, #tpu.memory_space<vmem>>) semaphore(%arg20 : memref<!tpu.dma_semaphore, #tpu.memory_space<semaphore_mem>>) {add = true}
    %dma_wait3A_211 = arith.constant 0 : i32
    %dma_wait3A_212 = arith.constant 20 : i32
    %dma_wait3A_213 = arith.constant 0 : i32
    %dma_wait3A_214 = arith.constant 0 : i32
    %dma_wait3A_215 = tpu.memref_slice %arg8[%dma_wait3A_211, %dma_wait3A_213, %dma_wait3A_214] : memref<5x400x32xf32, #tpu.memory_space<vmem>> -> memref<1x400x32xf32, #tpu.memory_space<vmem>>
    %dma_wait3A_216 = tpu.memref_squeeze %dma_wait3A_215 : memref<1x400x32xf32, #tpu.memory_space<vmem>> -> memref<400x32xf32, #tpu.memory_space<vmem>>
    %dma_wait3A_217 = arith.constant 0 : i32
    %dma_wait3A_218 = tpu.memref_slice %arg7[%dma_wait3A_212, %dma_wait3A_217] : memref<25x400xi32, #tpu.memory_space<vmem>> -> memref<1x400xi32, #tpu.memory_space<vmem>>
    %dma_wait3A_219 = tpu.memref_squeeze %dma_wait3A_218 : memref<1x400xi32, #tpu.memory_space<vmem>> -> memref<400xi32, #tpu.memory_space<vmem>>
    %dma_wait3A_220 = arith.constant 0 : i32
    %dma_wait3A_221 = arith.constant 0 : i32
    %dma_wait3A_222 = tpu.memref_slice %arg9[%dma_wait3A_220, %dma_wait3A_221] : memref<10000x32xf32, #tpu.memory_space<vmem_shared>> -> memref<10000x32xf32, #tpu.memory_space<vmem_shared>>
    tpu.wait_indirect_dma semaphore(%arg16 : memref<!tpu.dma_semaphore, #tpu.memory_space<semaphore_mem>>) src(%dma_wait3A_216 : memref<400x32xf32, #tpu.memory_space<vmem>>) dst(%dma_wait3A_222 : memref<10000x32xf32, #tpu.memory_space<vmem_shared>>)
    %dma_wait3A_223 = arith.constant 1 : i32
    %dma_wait3A_224 = arith.constant 21 : i32
    %dma_wait3A_225 = arith.constant 0 : i32
    %dma_wait3A_226 = arith.constant 0 : i32
    %dma_wait3A_227 = tpu.memref_slice %arg8[%dma_wait3A_223, %dma_wait3A_225, %dma_wait3A_226] : memref<5x400x32xf32, #tpu.memory_space<vmem>> -> memref<1x400x32xf32, #tpu.memory_space<vmem>>
    %dma_wait3A_228 = tpu.memref_squeeze %dma_wait3A_227 : memref<1x400x32xf32, #tpu.memory_space<vmem>> -> memref<400x32xf32, #tpu.memory_space<vmem>>
    %dma_wait3A_229 = arith.constant 0 : i32
    %dma_wait3A_230 = tpu.memref_slice %arg7[%dma_wait3A_224, %dma_wait3A_229] : memref<25x400xi32, #tpu.memory_space<vmem>> -> memref<1x400xi32, #tpu.memory_space<vmem>>
    %dma_wait3A_231 = tpu.memref_squeeze %dma_wait3A_230 : memref<1x400xi32, #tpu.memory_space<vmem>> -> memref<400xi32, #tpu.memory_space<vmem>>
    %dma_wait3A_232 = arith.constant 0 : i32
    %dma_wait3A_233 = arith.constant 0 : i32
    %dma_wait3A_234 = tpu.memref_slice %arg9[%dma_wait3A_232, %dma_wait3A_233] : memref<10000x32xf32, #tpu.memory_space<vmem_shared>> -> memref<10000x32xf32, #tpu.memory_space<vmem_shared>>
    tpu.wait_indirect_dma semaphore(%arg17 : memref<!tpu.dma_semaphore, #tpu.memory_space<semaphore_mem>>) src(%dma_wait3A_228 : memref<400x32xf32, #tpu.memory_space<vmem>>) dst(%dma_wait3A_234 : memref<10000x32xf32, #tpu.memory_space<vmem_shared>>)
    %dma_wait3A_235 = arith.constant 2 : i32
    %dma_wait3A_236 = arith.constant 22 : i32
    %dma_wait3A_237 = arith.constant 0 : i32
    %dma_wait3A_238 = arith.constant 0 : i32
    %dma_wait3A_239 = tpu.memref_slice %arg8[%dma_wait3A_235, %dma_wait3A_237, %dma_wait3A_238] : memref<5x400x32xf32, #tpu.memory_space<vmem>> -> memref<1x400x32xf32, #tpu.memory_space<vmem>>
    %dma_wait3A_240 = tpu.memref_squeeze %dma_wait3A_239 : memref<1x400x32xf32, #tpu.memory_space<vmem>> -> memref<400x32xf32, #tpu.memory_space<vmem>>
    %dma_wait3A_241 = arith.constant 0 : i32
    %dma_wait3A_242 = tpu.memref_slice %arg7[%dma_wait3A_236, %dma_wait3A_241] : memref<25x400xi32, #tpu.memory_space<vmem>> -> memref<1x400xi32, #tpu.memory_space<vmem>>
    %dma_wait3A_243 = tpu.memref_squeeze %dma_wait3A_242 : memref<1x400xi32, #tpu.memory_space<vmem>> -> memref<400xi32, #tpu.memory_space<vmem>>
    %dma_wait3A_244 = arith.constant 0 : i32
    %dma_wait3A_245 = arith.constant 0 : i32
    %dma_wait3A_246 = tpu.memref_slice %arg9[%dma_wait3A_244, %dma_wait3A_245] : memref<10000x32xf32, #tpu.memory_space<vmem_shared>> -> memref<10000x32xf32, #tpu.memory_space<vmem_shared>>
    tpu.wait_indirect_dma semaphore(%arg18 : memref<!tpu.dma_semaphore, #tpu.memory_space<semaphore_mem>>) src(%dma_wait3A_240 : memref<400x32xf32, #tpu.memory_space<vmem>>) dst(%dma_wait3A_246 : memref<10000x32xf32, #tpu.memory_space<vmem_shared>>)
    %dma_wait3A_247 = arith.constant 3 : i32
    %dma_wait3A_248 = arith.constant 23 : i32
    %dma_wait3A_249 = arith.constant 0 : i32
    %dma_wait3A_250 = arith.constant 0 : i32
    %dma_wait3A_251 = tpu.memref_slice %arg8[%dma_wait3A_247, %dma_wait3A_249, %dma_wait3A_250] : memref<5x400x32xf32, #tpu.memory_space<vmem>> -> memref<1x400x32xf32, #tpu.memory_space<vmem>>
    %dma_wait3A_252 = tpu.memref_squeeze %dma_wait3A_251 : memref<1x400x32xf32, #tpu.memory_space<vmem>> -> memref<400x32xf32, #tpu.memory_space<vmem>>
    %dma_wait3A_253 = arith.constant 0 : i32
    %dma_wait3A_254 = tpu.memref_slice %arg7[%dma_wait3A_248, %dma_wait3A_253] : memref<25x400xi32, #tpu.memory_space<vmem>> -> memref<1x400xi32, #tpu.memory_space<vmem>>
    %dma_wait3A_255 = tpu.memref_squeeze %dma_wait3A_254 : memref<1x400xi32, #tpu.memory_space<vmem>> -> memref<400xi32, #tpu.memory_space<vmem>>
    %dma_wait3A_256 = arith.constant 0 : i32
    %dma_wait3A_257 = arith.constant 0 : i32
    %dma_wait3A_258 = tpu.memref_slice %arg9[%dma_wait3A_256, %dma_wait3A_257] : memref<10000x32xf32, #tpu.memory_space<vmem_shared>> -> memref<10000x32xf32, #tpu.memory_space<vmem_shared>>
    tpu.wait_indirect_dma semaphore(%arg19 : memref<!tpu.dma_semaphore, #tpu.memory_space<semaphore_mem>>) src(%dma_wait3A_252 : memref<400x32xf32, #tpu.memory_space<vmem>>) dst(%dma_wait3A_258 : memref<10000x32xf32, #tpu.memory_space<vmem_shared>>)
    %dma_wait3A_259 = arith.constant 4 : i32
    %dma_wait3A_260 = arith.constant 24 : i32
    %dma_wait3A_261 = arith.constant 0 : i32
    %dma_wait3A_262 = arith.constant 0 : i32
    %dma_wait3A_263 = tpu.memref_slice %arg8[%dma_wait3A_259, %dma_wait3A_261, %dma_wait3A_262] : memref<5x400x32xf32, #tpu.memory_space<vmem>> -> memref<1x400x32xf32, #tpu.memory_space<vmem>>
    %dma_wait3A_264 = tpu.memref_squeeze %dma_wait3A_263 : memref<1x400x32xf32, #tpu.memory_space<vmem>> -> memref<400x32xf32, #tpu.memory_space<vmem>>
    %dma_wait3A_265 = arith.constant 0 : i32
    %dma_wait3A_266 = tpu.memref_slice %arg7[%dma_wait3A_260, %dma_wait3A_265] : memref<25x400xi32, #tpu.memory_space<vmem>> -> memref<1x400xi32, #tpu.memory_space<vmem>>
    %dma_wait3A_267 = tpu.memref_squeeze %dma_wait3A_266 : memref<1x400xi32, #tpu.memory_space<vmem>> -> memref<400xi32, #tpu.memory_space<vmem>>
    %dma_wait3A_268 = arith.constant 0 : i32
    %dma_wait3A_269 = arith.constant 0 : i32
    %dma_wait3A_270 = tpu.memref_slice %arg9[%dma_wait3A_268, %dma_wait3A_269] : memref<10000x32xf32, #tpu.memory_space<vmem_shared>> -> memref<10000x32xf32, #tpu.memory_space<vmem_shared>>
    tpu.wait_indirect_dma semaphore(%arg20 : memref<!tpu.dma_semaphore, #tpu.memory_space<semaphore_mem>>) src(%dma_wait3A_264 : memref<400x32xf32, #tpu.memory_space<vmem>>) dst(%dma_wait3A_270 : memref<10000x32xf32, #tpu.memory_space<vmem_shared>>)
    %barrier3A_271 = arith.constant 0 : index
    tpu.barrier barrier_id(%barrier3A_271)
    %scan3A_272 = arith.constant 0 : i32
    %mul3A_273 = arith.constant 1 : i32
    %mul3A_274 = arith.muli %scan3A_272, %mul3A_273 : i32
    %add3A_275 = arith.constant 0 : i32
    %add3A_276 = arith.addi %add3A_275, %mul3A_274 : i32
    %mul3A_277 = arith.constant 400 : i32
    %mul3A_278 = arith.muli %add3A_276, %mul3A_277 : i32
    %add3A_279 = arith.addi %mul3A_2, %mul3A_278 : i32
    "tpu.region"() ({
      %run_scoped3A_283 = tpu.sem_alloc : memref<!tpu.dma_semaphore, #tpu.memory_space<semaphore_mem>>
      %dma_start3A_284 = arith.constant 0 : i32
      %dma_start3A_285 = arith.constant 0 : i32
      %dma_start3A_286 = tpu.memref_slice %arg5[%arg0, %dma_start3A_284, %dma_start3A_285] : memref<2x10000x32xf32, #tpu.memory_space<hbm>> -> memref<1x10000x32xf32, #tpu.memory_space<hbm>>
      %dma_start3A_287 = tpu.memref_squeeze %dma_start3A_286 : memref<1x10000x32xf32, #tpu.memory_space<hbm>> -> memref<10000x32xf32, #tpu.memory_space<hbm>>
      %dma_start3A_288 = arith.constant 0 : i32
      %dma_start3A_289 = tpu.memref_slice %dma_start3A_287[%add3A_279, %dma_start3A_288] : memref<10000x32xf32, #tpu.memory_space<hbm>> -> memref<400x32xf32, #tpu.memory_space<hbm>>
      %dma_start3A_290 = arith.constant 0 : i32
      %dma_start3A_291 = tpu.memref_slice %arg9[%add3A_279, %dma_start3A_290] : memref<10000x32xf32, #tpu.memory_space<vmem_shared>> -> memref<400x32xf32, #tpu.memory_space<vmem_shared>>
      tpu.enqueue_dma source(%dma_start3A_291 : memref<400x32xf32, #tpu.memory_space<vmem_shared>>) target(%dma_start3A_289 : memref<400x32xf32, #tpu.memory_space<hbm>>) target_semaphore(%run_scoped3A_283 : memref<!tpu.dma_semaphore, #tpu.memory_space<semaphore_mem>>)
      %dma_wait3A_292 = arith.constant 0 : i32
      %dma_wait3A_293 = arith.constant 0 : i32
      %dma_wait3A_294 = tpu.memref_slice %arg5[%arg0, %dma_wait3A_292, %dma_wait3A_293] : memref<2x10000x32xf32, #tpu.memory_space<hbm>> -> memref<1x10000x32xf32, #tpu.memory_space<hbm>>
      %dma_wait3A_295 = tpu.memref_squeeze %dma_wait3A_294 : memref<1x10000x32xf32, #tpu.memory_space<hbm>> -> memref<10000x32xf32, #tpu.memory_space<hbm>>
      %dma_wait3A_296 = arith.constant 0 : i32
      %dma_wait3A_297 = tpu.memref_slice %dma_wait3A_295[%add3A_279, %dma_wait3A_296] : memref<10000x32xf32, #tpu.memory_space<hbm>> -> memref<400x32xf32, #tpu.memory_space<hbm>>
      %dma_wait3A_298 = arith.constant 0 : i32
      %dma_wait3A_299 = tpu.memref_slice %arg9[%add3A_279, %dma_wait3A_298] : memref<10000x32xf32, #tpu.memory_space<vmem_shared>> -> memref<400x32xf32, #tpu.memory_space<vmem_shared>>
      tpu.wait_dma2 semaphore(%run_scoped3A_283 : memref<!tpu.dma_semaphore, #tpu.memory_space<semaphore_mem>>) src(%dma_wait3A_299 : memref<400x32xf32, #tpu.memory_space<vmem_shared>>) dst(%dma_wait3A_297 : memref<400x32xf32, #tpu.memory_space<hbm>>)
      tpu.yield
    }) : () -> ()
    %scan3A_280 = arith.constant 1 : i32
    %add3A_281 = arith.constant 400 : i32
    %add3A_282 = arith.addi %mul3A_2, %add3A_281 : i32
    "tpu.region"() ({
      %run_scoped3A_283 = tpu.sem_alloc : memref<!tpu.dma_semaphore, #tpu.memory_space<semaphore_mem>>
      %dma_start3A_284 = arith.constant 0 : i32
      %dma_start3A_285 = arith.constant 0 : i32
      %dma_start3A_286 = tpu.memref_slice %arg5[%arg0, %dma_start3A_284, %dma_start3A_285] : memref<2x10000x32xf32, #tpu.memory_space<hbm>> -> memref<1x10000x32xf32, #tpu.memory_space<hbm>>
      %dma_start3A_287 = tpu.memref_squeeze %dma_start3A_286 : memref<1x10000x32xf32, #tpu.memory_space<hbm>> -> memref<10000x32xf32, #tpu.memory_space<hbm>>
      %dma_start3A_288 = arith.constant 0 : i32
      %dma_start3A_289 = tpu.memref_slice %dma_start3A_287[%add3A_282, %dma_start3A_288] : memref<10000x32xf32, #tpu.memory_space<hbm>> -> memref<225x32xf32, #tpu.memory_space<hbm>>
      %dma_start3A_290 = arith.constant 0 : i32
      %dma_start3A_291 = tpu.memref_slice %arg9[%add3A_282, %dma_start3A_290] : memref<10000x32xf32, #tpu.memory_space<vmem_shared>> -> memref<225x32xf32, #tpu.memory_space<vmem_shared>>
      tpu.enqueue_dma source(%dma_start3A_291 : memref<225x32xf32, #tpu.memory_space<vmem_shared>>) target(%dma_start3A_289 : memref<225x32xf32, #tpu.memory_space<hbm>>) target_semaphore(%run_scoped3A_283 : memref<!tpu.dma_semaphore, #tpu.memory_space<semaphore_mem>>)
      %dma_wait3A_292 = arith.constant 0 : i32
      %dma_wait3A_293 = arith.constant 0 : i32
      %dma_wait3A_294 = tpu.memref_slice %arg5[%arg0, %dma_wait3A_292, %dma_wait3A_293] : memref<2x10000x32xf32, #tpu.memory_space<hbm>> -> memref<1x10000x32xf32, #tpu.memory_space<hbm>>
      %dma_wait3A_295 = tpu.memref_squeeze %dma_wait3A_294 : memref<1x10000x32xf32, #tpu.memory_space<hbm>> -> memref<10000x32xf32, #tpu.memory_space<hbm>>
      %dma_wait3A_296 = arith.constant 0 : i32
      %dma_wait3A_297 = tpu.memref_slice %dma_wait3A_295[%add3A_282, %dma_wait3A_296] : memref<10000x32xf32, #tpu.memory_space<hbm>> -> memref<225x32xf32, #tpu.memory_space<hbm>>
      %dma_wait3A_298 = arith.constant 0 : i32
      %dma_wait3A_299 = tpu.memref_slice %arg9[%add3A_282, %dma_wait3A_298] : memref<10000x32xf32, #tpu.memory_space<vmem_shared>> -> memref<225x32xf32, #tpu.memory_space<vmem_shared>>
      tpu.wait_dma2 semaphore(%run_scoped3A_283 : memref<!tpu.dma_semaphore, #tpu.memory_space<semaphore_mem>>) src(%dma_wait3A_299 : memref<225x32xf32, #tpu.memory_space<vmem_shared>>) dst(%dma_wait3A_297 : memref<225x32xf32, #tpu.memory_space<hbm>>)
      tpu.yield
    }) : () -> ()
    return
  }
}

#map = affine_map<(d0, d1) -> (0, 0, 0, 0)>
#map1 = affine_map<(d0, d1) -> (0, 0)>
module attributes {stable_mosaic.version = 14 : i64} {
  func.func @_deg_pass(%arg0: i32, %arg1: i32, %arg2: memref<2x32x25x400xi32, #tpu.memory_space<hbm>>, %arg3: memref<2x10000xf32, #tpu.memory_space<hbm>>, %arg4: memref<25x400xi32, #tpu.memory_space<vmem>>, %arg5: memref<400xf32, #tpu.memory_space<vmem>>, %arg6: memref<640xf32, #tpu.memory_space<vmem>>, %arg7: memref<10000xf32, #tpu.memory_space<vmem_shared>>, %arg8: memref<!tpu.dma_semaphore, #tpu.memory_space<semaphore_mem>>) attributes {dimension_semantics = [#tpu.dimension_semantics<core_parallel>, #tpu.dimension_semantics<subcore_parallel>], iteration_bounds = array<i64: 2, 16>, scalar_prefetch = 0 : i64, scratch_operands = 5 : i64, tpu.core_type = #tpu.core_type<sc_vector_subcore>, window_params = [{transform_indices = #map}, {transform_indices = #map1}]} {
    %mul3A = arith.constant 16 : i32
    %mul3A_0 = arith.muli %arg0, %mul3A : i32
    %add3A = arith.addi %mul3A_0, %arg1 : i32
    %broadcast_in_dim3A = arith.constant 1.000000e+00 : f32
    %broadcast_in_dim3A_1 = vector.broadcast %broadcast_in_dim3A : f32 to vector<16xf32>
    %swap3A = arith.constant 0 : index
    %swap3A_2 = tpu.vector_load %arg5[%swap3A] {strides = array<i32>} : memref<400xf32, #tpu.memory_space<vmem>>, vector<16xf32>,
    %swap3A_3 = vector.shape_cast %swap3A_2 : vector<16xf32> to vector<16xf32>
    %swap3A_4 = vector.shape_cast %broadcast_in_dim3A_1 : vector<16xf32> to vector<16xf32>
    tpu.vector_store %arg5[%swap3A], %swap3A_4 {strides = array<i32>} : memref<400xf32, #tpu.memory_space<vmem>>, vector<16xf32>,
    %broadcast_in_dim3A_5 = arith.constant 1.000000e+00 : f32
    %broadcast_in_dim3A_6 = vector.broadcast %broadcast_in_dim3A_5 : f32 to vector<16xf32>
    %swap3A_7 = arith.constant 16 : index
    %swap3A_8 = tpu.vector_load %arg5[%swap3A_7] {strides = array<i32>} : memref<400xf32, #tpu.memory_space<vmem>>, vector<16xf32>,
    %swap3A_9 = vector.shape_cast %swap3A_8 : vector<16xf32> to vector<16xf32>
    %swap3A_10 = vector.shape_cast %broadcast_in_dim3A_6 : vector<16xf32> to vector<16xf32>
    tpu.vector_store %arg5[%swap3A_7], %swap3A_10 {strides = array<i32>} : memref<400xf32, #tpu.memory_space<vmem>>, vector<16xf32>,
    %broadcast_in_dim3A_11 = arith.constant 1.000000e+00 : f32
    %broadcast_in_dim3A_12 = vector.broadcast %broadcast_in_dim3A_11 : f32 to vector<16xf32>
    %swap3A_13 = arith.constant 32 : index
    %swap3A_14 = tpu.vector_load %arg5[%swap3A_13] {strides = array<i32>} : memref<400xf32, #tpu.memory_space<vmem>>, vector<16xf32>,
    %swap3A_15 = vector.shape_cast %swap3A_14 : vector<16xf32> to vector<16xf32>
    %swap3A_16 = vector.shape_cast %broadcast_in_dim3A_12 : vector<16xf32> to vector<16xf32>
    tpu.vector_store %arg5[%swap3A_13], %swap3A_16 {strides = array<i32>} : memref<400xf32, #tpu.memory_space<vmem>>, vector<16xf32>,
    %broadcast_in_dim3A_17 = arith.constant 1.000000e+00 : f32
    %broadcast_in_dim3A_18 = vector.broadcast %broadcast_in_dim3A_17 : f32 to vector<16xf32>
    %swap3A_19 = arith.constant 48 : index
    %swap3A_20 = tpu.vector_load %arg5[%swap3A_19] {strides = array<i32>} : memref<400xf32, #tpu.memory_space<vmem>>, vector<16xf32>,
    %swap3A_21 = vector.shape_cast %swap3A_20 : vector<16xf32> to vector<16xf32>
    %swap3A_22 = vector.shape_cast %broadcast_in_dim3A_18 : vector<16xf32> to vector<16xf32>
    tpu.vector_store %arg5[%swap3A_19], %swap3A_22 {strides = array<i32>} : memref<400xf32, #tpu.memory_space<vmem>>, vector<16xf32>,
    %broadcast_in_dim3A_23 = arith.constant 1.000000e+00 : f32
    %broadcast_in_dim3A_24 = vector.broadcast %broadcast_in_dim3A_23 : f32 to vector<16xf32>
    %swap3A_25 = arith.constant 64 : index
    %swap3A_26 = tpu.vector_load %arg5[%swap3A_25] {strides = array<i32>} : memref<400xf32, #tpu.memory_space<vmem>>, vector<16xf32>,
    %swap3A_27 = vector.shape_cast %swap3A_26 : vector<16xf32> to vector<16xf32>
    %swap3A_28 = vector.shape_cast %broadcast_in_dim3A_24 : vector<16xf32> to vector<16xf32>
    tpu.vector_store %arg5[%swap3A_25], %swap3A_28 {strides = array<i32>} : memref<400xf32, #tpu.memory_space<vmem>>, vector<16xf32>,
    %broadcast_in_dim3A_29 = arith.constant 1.000000e+00 : f32
    %broadcast_in_dim3A_30 = vector.broadcast %broadcast_in_dim3A_29 : f32 to vector<16xf32>
    %swap3A_31 = arith.constant 80 : index
    %swap3A_32 = tpu.vector_load %arg5[%swap3A_31] {strides = array<i32>} : memref<400xf32, #tpu.memory_space<vmem>>, vector<16xf32>,
    %swap3A_33 = vector.shape_cast %swap3A_32 : vector<16xf32> to vector<16xf32>
    %swap3A_34 = vector.shape_cast %broadcast_in_dim3A_30 : vector<16xf32> to vector<16xf32>
    tpu.vector_store %arg5[%swap3A_31], %swap3A_34 {strides = array<i32>} : memref<400xf32, #tpu.memory_space<vmem>>, vector<16xf32>,
    %broadcast_in_dim3A_35 = arith.constant 1.000000e+00 : f32
    %broadcast_in_dim3A_36 = vector.broadcast %broadcast_in_dim3A_35 : f32 to vector<16xf32>
    %swap3A_37 = arith.constant 96 : index
    %swap3A_38 = tpu.vector_load %arg5[%swap3A_37] {strides = array<i32>} : memref<400xf32, #tpu.memory_space<vmem>>, vector<16xf32>,
    %swap3A_39 = vector.shape_cast %swap3A_38 : vector<16xf32> to vector<16xf32>
    %swap3A_40 = vector.shape_cast %broadcast_in_dim3A_36 : vector<16xf32> to vector<16xf32>
    tpu.vector_store %arg5[%swap3A_37], %swap3A_40 {strides = array<i32>} : memref<400xf32, #tpu.memory_space<vmem>>, vector<16xf32>,
    %broadcast_in_dim3A_41 = arith.constant 1.000000e+00 : f32
    %broadcast_in_dim3A_42 = vector.broadcast %broadcast_in_dim3A_41 : f32 to vector<16xf32>
    %swap3A_43 = arith.constant 112 : index
    %swap3A_44 = tpu.vector_load %arg5[%swap3A_43] {strides = array<i32>} : memref<400xf32, #tpu.memory_space<vmem>>, vector<16xf32>,
    %swap3A_45 = vector.shape_cast %swap3A_44 : vector<16xf32> to vector<16xf32>
    %swap3A_46 = vector.shape_cast %broadcast_in_dim3A_42 : vector<16xf32> to vector<16xf32>
    tpu.vector_store %arg5[%swap3A_43], %swap3A_46 {strides = array<i32>} : memref<400xf32, #tpu.memory_space<vmem>>, vector<16xf32>,
    %broadcast_in_dim3A_47 = arith.constant 1.000000e+00 : f32
    %broadcast_in_dim3A_48 = vector.broadcast %broadcast_in_dim3A_47 : f32 to vector<16xf32>
    %swap3A_49 = arith.constant 128 : index
    %swap3A_50 = tpu.vector_load %arg5[%swap3A_49] {strides = array<i32>} : memref<400xf32, #tpu.memory_space<vmem>>, vector<16xf32>,
    %swap3A_51 = vector.shape_cast %swap3A_50 : vector<16xf32> to vector<16xf32>
    %swap3A_52 = vector.shape_cast %broadcast_in_dim3A_48 : vector<16xf32> to vector<16xf32>
    tpu.vector_store %arg5[%swap3A_49], %swap3A_52 {strides = array<i32>} : memref<400xf32, #tpu.memory_space<vmem>>, vector<16xf32>,
    %broadcast_in_dim3A_53 = arith.constant 1.000000e+00 : f32
    %broadcast_in_dim3A_54 = vector.broadcast %broadcast_in_dim3A_53 : f32 to vector<16xf32>
    %swap3A_55 = arith.constant 144 : index
    %swap3A_56 = tpu.vector_load %arg5[%swap3A_55] {strides = array<i32>} : memref<400xf32, #tpu.memory_space<vmem>>, vector<16xf32>,
    %swap3A_57 = vector.shape_cast %swap3A_56 : vector<16xf32> to vector<16xf32>
    %swap3A_58 = vector.shape_cast %broadcast_in_dim3A_54 : vector<16xf32> to vector<16xf32>
    tpu.vector_store %arg5[%swap3A_55], %swap3A_58 {strides = array<i32>} : memref<400xf32, #tpu.memory_space<vmem>>, vector<16xf32>,
    %broadcast_in_dim3A_59 = arith.constant 1.000000e+00 : f32
    %broadcast_in_dim3A_60 = vector.broadcast %broadcast_in_dim3A_59 : f32 to vector<16xf32>
    %swap3A_61 = arith.constant 160 : index
    %swap3A_62 = tpu.vector_load %arg5[%swap3A_61] {strides = array<i32>} : memref<400xf32, #tpu.memory_space<vmem>>, vector<16xf32>,
    %swap3A_63 = vector.shape_cast %swap3A_62 : vector<16xf32> to vector<16xf32>
    %swap3A_64 = vector.shape_cast %broadcast_in_dim3A_60 : vector<16xf32> to vector<16xf32>
    tpu.vector_store %arg5[%swap3A_61], %swap3A_64 {strides = array<i32>} : memref<400xf32, #tpu.memory_space<vmem>>, vector<16xf32>,
    %broadcast_in_dim3A_65 = arith.constant 1.000000e+00 : f32
    %broadcast_in_dim3A_66 = vector.broadcast %broadcast_in_dim3A_65 : f32 to vector<16xf32>
    %swap3A_67 = arith.constant 176 : index
    %swap3A_68 = tpu.vector_load %arg5[%swap3A_67] {strides = array<i32>} : memref<400xf32, #tpu.memory_space<vmem>>, vector<16xf32>,
    %swap3A_69 = vector.shape_cast %swap3A_68 : vector<16xf32> to vector<16xf32>
    %swap3A_70 = vector.shape_cast %broadcast_in_dim3A_66 : vector<16xf32> to vector<16xf32>
    tpu.vector_store %arg5[%swap3A_67], %swap3A_70 {strides = array<i32>} : memref<400xf32, #tpu.memory_space<vmem>>, vector<16xf32>,
    %broadcast_in_dim3A_71 = arith.constant 1.000000e+00 : f32
    %broadcast_in_dim3A_72 = vector.broadcast %broadcast_in_dim3A_71 : f32 to vector<16xf32>
    %swap3A_73 = arith.constant 192 : index
    %swap3A_74 = tpu.vector_load %arg5[%swap3A_73] {strides = array<i32>} : memref<400xf32, #tpu.memory_space<vmem>>, vector<16xf32>,
    %swap3A_75 = vector.shape_cast %swap3A_74 : vector<16xf32> to vector<16xf32>
    %swap3A_76 = vector.shape_cast %broadcast_in_dim3A_72 : vector<16xf32> to vector<16xf32>
    tpu.vector_store %arg5[%swap3A_73], %swap3A_76 {strides = array<i32>} : memref<400xf32, #tpu.memory_space<vmem>>, vector<16xf32>,
    %broadcast_in_dim3A_77 = arith.constant 1.000000e+00 : f32
    %broadcast_in_dim3A_78 = vector.broadcast %broadcast_in_dim3A_77 : f32 to vector<16xf32>
    %swap3A_79 = arith.constant 208 : index
    %swap3A_80 = tpu.vector_load %arg5[%swap3A_79] {strides = array<i32>} : memref<400xf32, #tpu.memory_space<vmem>>, vector<16xf32>,
    %swap3A_81 = vector.shape_cast %swap3A_80 : vector<16xf32> to vector<16xf32>
    %swap3A_82 = vector.shape_cast %broadcast_in_dim3A_78 : vector<16xf32> to vector<16xf32>
    tpu.vector_store %arg5[%swap3A_79], %swap3A_82 {strides = array<i32>} : memref<400xf32, #tpu.memory_space<vmem>>, vector<16xf32>,
    %broadcast_in_dim3A_83 = arith.constant 1.000000e+00 : f32
    %broadcast_in_dim3A_84 = vector.broadcast %broadcast_in_dim3A_83 : f32 to vector<16xf32>
    %swap3A_85 = arith.constant 224 : index
    %swap3A_86 = tpu.vector_load %arg5[%swap3A_85] {strides = array<i32>} : memref<400xf32, #tpu.memory_space<vmem>>, vector<16xf32>,
    %swap3A_87 = vector.shape_cast %swap3A_86 : vector<16xf32> to vector<16xf32>
    %swap3A_88 = vector.shape_cast %broadcast_in_dim3A_84 : vector<16xf32> to vector<16xf32>
    tpu.vector_store %arg5[%swap3A_85], %swap3A_88 {strides = array<i32>} : memref<400xf32, #tpu.memory_space<vmem>>, vector<16xf32>,
    %broadcast_in_dim3A_89 = arith.constant 1.000000e+00 : f32
    %broadcast_in_dim3A_90 = vector.broadcast %broadcast_in_dim3A_89 : f32 to vector<16xf32>
    %swap3A_91 = arith.constant 240 : index
    %swap3A_92 = tpu.vector_load %arg5[%swap3A_91] {strides = array<i32>} : memref<400xf32, #tpu.memory_space<vmem>>, vector<16xf32>,
    %swap3A_93 = vector.shape_cast %swap3A_92 : vector<16xf32> to vector<16xf32>
    %swap3A_94 = vector.shape_cast %broadcast_in_dim3A_90 : vector<16xf32> to vector<16xf32>
    tpu.vector_store %arg5[%swap3A_91], %swap3A_94 {strides = array<i32>} : memref<400xf32, #tpu.memory_space<vmem>>, vector<16xf32>,
    %broadcast_in_dim3A_95 = arith.constant 1.000000e+00 : f32
    %broadcast_in_dim3A_96 = vector.broadcast %broadcast_in_dim3A_95 : f32 to vector<16xf32>
    %swap3A_97 = arith.constant 256 : index
    %swap3A_98 = tpu.vector_load %arg5[%swap3A_97] {strides = array<i32>} : memref<400xf32, #tpu.memory_space<vmem>>, vector<16xf32>,
    %swap3A_99 = vector.shape_cast %swap3A_98 : vector<16xf32> to vector<16xf32>
    %swap3A_100 = vector.shape_cast %broadcast_in_dim3A_96 : vector<16xf32> to vector<16xf32>
    tpu.vector_store %arg5[%swap3A_97], %swap3A_100 {strides = array<i32>} : memref<400xf32, #tpu.memory_space<vmem>>, vector<16xf32>,
    %broadcast_in_dim3A_101 = arith.constant 1.000000e+00 : f32
    %broadcast_in_dim3A_102 = vector.broadcast %broadcast_in_dim3A_101 : f32 to vector<16xf32>
    %swap3A_103 = arith.constant 272 : index
    %swap3A_104 = tpu.vector_load %arg5[%swap3A_103] {strides = array<i32>} : memref<400xf32, #tpu.memory_space<vmem>>, vector<16xf32>,
    %swap3A_105 = vector.shape_cast %swap3A_104 : vector<16xf32> to vector<16xf32>
    %swap3A_106 = vector.shape_cast %broadcast_in_dim3A_102 : vector<16xf32> to vector<16xf32>
    tpu.vector_store %arg5[%swap3A_103], %swap3A_106 {strides = array<i32>} : memref<400xf32, #tpu.memory_space<vmem>>, vector<16xf32>,
    %broadcast_in_dim3A_107 = arith.constant 1.000000e+00 : f32
    %broadcast_in_dim3A_108 = vector.broadcast %broadcast_in_dim3A_107 : f32 to vector<16xf32>
    %swap3A_109 = arith.constant 288 : index
    %swap3A_110 = tpu.vector_load %arg5[%swap3A_109] {strides = array<i32>} : memref<400xf32, #tpu.memory_space<vmem>>, vector<16xf32>,
    %swap3A_111 = vector.shape_cast %swap3A_110 : vector<16xf32> to vector<16xf32>
    %swap3A_112 = vector.shape_cast %broadcast_in_dim3A_108 : vector<16xf32> to vector<16xf32>
    tpu.vector_store %arg5[%swap3A_109], %swap3A_112 {strides = array<i32>} : memref<400xf32, #tpu.memory_space<vmem>>, vector<16xf32>,
    %broadcast_in_dim3A_113 = arith.constant 1.000000e+00 : f32
    %broadcast_in_dim3A_114 = vector.broadcast %broadcast_in_dim3A_113 : f32 to vector<16xf32>
    %swap3A_115 = arith.constant 304 : index
    %swap3A_116 = tpu.vector_load %arg5[%swap3A_115] {strides = array<i32>} : memref<400xf32, #tpu.memory_space<vmem>>, vector<16xf32>,
    %swap3A_117 = vector.shape_cast %swap3A_116 : vector<16xf32> to vector<16xf32>
    %swap3A_118 = vector.shape_cast %broadcast_in_dim3A_114 : vector<16xf32> to vector<16xf32>
    tpu.vector_store %arg5[%swap3A_115], %swap3A_118 {strides = array<i32>} : memref<400xf32, #tpu.memory_space<vmem>>, vector<16xf32>,
    %broadcast_in_dim3A_119 = arith.constant 1.000000e+00 : f32
    %broadcast_in_dim3A_120 = vector.broadcast %broadcast_in_dim3A_119 : f32 to vector<16xf32>
    %swap3A_121 = arith.constant 320 : index
    %swap3A_122 = tpu.vector_load %arg5[%swap3A_121] {strides = array<i32>} : memref<400xf32, #tpu.memory_space<vmem>>, vector<16xf32>,
    %swap3A_123 = vector.shape_cast %swap3A_122 : vector<16xf32> to vector<16xf32>
    %swap3A_124 = vector.shape_cast %broadcast_in_dim3A_120 : vector<16xf32> to vector<16xf32>
    tpu.vector_store %arg5[%swap3A_121], %swap3A_124 {strides = array<i32>} : memref<400xf32, #tpu.memory_space<vmem>>, vector<16xf32>,
    %broadcast_in_dim3A_125 = arith.constant 1.000000e+00 : f32
    %broadcast_in_dim3A_126 = vector.broadcast %broadcast_in_dim3A_125 : f32 to vector<16xf32>
    %swap3A_127 = arith.constant 336 : index
    %swap3A_128 = tpu.vector_load %arg5[%swap3A_127] {strides = array<i32>} : memref<400xf32, #tpu.memory_space<vmem>>, vector<16xf32>,
    %swap3A_129 = vector.shape_cast %swap3A_128 : vector<16xf32> to vector<16xf32>
    %swap3A_130 = vector.shape_cast %broadcast_in_dim3A_126 : vector<16xf32> to vector<16xf32>
    tpu.vector_store %arg5[%swap3A_127], %swap3A_130 {strides = array<i32>} : memref<400xf32, #tpu.memory_space<vmem>>, vector<16xf32>,
    %broadcast_in_dim3A_131 = arith.constant 1.000000e+00 : f32
    %broadcast_in_dim3A_132 = vector.broadcast %broadcast_in_dim3A_131 : f32 to vector<16xf32>
    %swap3A_133 = arith.constant 352 : index
    %swap3A_134 = tpu.vector_load %arg5[%swap3A_133] {strides = array<i32>} : memref<400xf32, #tpu.memory_space<vmem>>, vector<16xf32>,
    %swap3A_135 = vector.shape_cast %swap3A_134 : vector<16xf32> to vector<16xf32>
    %swap3A_136 = vector.shape_cast %broadcast_in_dim3A_132 : vector<16xf32> to vector<16xf32>
    tpu.vector_store %arg5[%swap3A_133], %swap3A_136 {strides = array<i32>} : memref<400xf32, #tpu.memory_space<vmem>>, vector<16xf32>,
    %broadcast_in_dim3A_137 = arith.constant 1.000000e+00 : f32
    %broadcast_in_dim3A_138 = vector.broadcast %broadcast_in_dim3A_137 : f32 to vector<16xf32>
    %swap3A_139 = arith.constant 368 : index
    %swap3A_140 = tpu.vector_load %arg5[%swap3A_139] {strides = array<i32>} : memref<400xf32, #tpu.memory_space<vmem>>, vector<16xf32>,
    %swap3A_141 = vector.shape_cast %swap3A_140 : vector<16xf32> to vector<16xf32>
    %swap3A_142 = vector.shape_cast %broadcast_in_dim3A_138 : vector<16xf32> to vector<16xf32>
    tpu.vector_store %arg5[%swap3A_139], %swap3A_142 {strides = array<i32>} : memref<400xf32, #tpu.memory_space<vmem>>, vector<16xf32>,
    %broadcast_in_dim3A_143 = arith.constant 1.000000e+00 : f32
    %broadcast_in_dim3A_144 = vector.broadcast %broadcast_in_dim3A_143 : f32 to vector<16xf32>
    %swap3A_145 = arith.constant 384 : index
    %swap3A_146 = tpu.vector_load %arg5[%swap3A_145] {strides = array<i32>} : memref<400xf32, #tpu.memory_space<vmem>>, vector<16xf32>,
    %swap3A_147 = vector.shape_cast %swap3A_146 : vector<16xf32> to vector<16xf32>
    %swap3A_148 = vector.shape_cast %broadcast_in_dim3A_144 : vector<16xf32> to vector<16xf32>
    tpu.vector_store %arg5[%swap3A_145], %swap3A_148 {strides = array<i32>} : memref<400xf32, #tpu.memory_space<vmem>>, vector<16xf32>,
    %scan3A = arith.constant 0 : i32
    %scan3A_149 = arith.constant 40 : i32
    %scan3A_150 = arith.addi %scan3A, %scan3A_149 : i32
    %scan3A_151 = arith.constant 1 : i32
    scf.for %scan3A_182 = %scan3A to %scan3A_150 step %scan3A_151  : i32 {
      %mul3A_183 = arith.constant 1 : i32
      %mul3A_184 = arith.muli %scan3A_182, %mul3A_183 : i32
      %add3A_185 = arith.constant 0 : i32
      %add3A_186 = arith.addi %add3A_185, %mul3A_184 : i32
      %broadcast_in_dim3A_187 = arith.constant 0.000000e+00 : f32
      %broadcast_in_dim3A_188 = vector.broadcast %broadcast_in_dim3A_187 : f32 to vector<16xf32>
      %mul3A_189 = arith.constant 16 : i32
      %mul3A_190 = arith.muli %add3A_186, %mul3A_189 : i32
      %swap3A_191 = arith.index_cast %mul3A_190 : i32 to index
      %swap3A_192 = tpu.vector_load %arg6[%swap3A_191] {strides = array<i32>} : memref<640xf32, #tpu.memory_space<vmem>>, vector<16xf32>,
      %swap3A_193 = vector.shape_cast %swap3A_192 : vector<16xf32> to vector<16xf32>
      %swap3A_194 = vector.shape_cast %broadcast_in_dim3A_188 : vector<16xf32> to vector<16xf32>
      tpu.vector_store %arg6[%swap3A_191], %swap3A_194 {strides = array<i32>} : memref<640xf32, #tpu.memory_space<vmem>>, vector<16xf32>,
    }
    %scan3A_152 = arith.constant 40 : i32
    %mul3A_153 = arith.constant 624 : i32
    %mul3A_154 = arith.muli %arg1, %mul3A_153 : i32
    %lt3A = arith.constant 15 : i32
    %lt3A_155 = arith.cmpi slt, %arg1, %lt3A : i32
    %convert_element_type3A = arith.extui %lt3A_155 : i1 to i32
    %cond3A = arith.constant 0 : i32
    %cond3A_156 = arith.cmpi ne, %convert_element_type3A, %cond3A : i32
    scf.if %cond3A_156 {
      "tpu.region"() ({
        %run_scoped3A_182 = tpu.sem_alloc : memref<!tpu.dma_semaphore, #tpu.memory_space<semaphore_mem>>
        %dma_start3A = arith.constant 0 : i32
        %dma_start3A_183 = tpu.memref_slice %arg6[%dma_start3A] : memref<640xf32, #tpu.memory_space<vmem>> -> memref<624xf32, #tpu.memory_space<vmem>>
        %dma_start3A_184 = tpu.memref_slice %arg7[%mul3A_154] : memref<10000xf32, #tpu.memory_space<vmem_shared>> -> memref<624xf32, #tpu.memory_space<vmem_shared>>
        %dma_start3A_185 = tpu.memref_slice %arg7[%mul3A_154] : memref<10000xf32, #tpu.memory_space<vmem_shared>> -> memref<624xf32, #tpu.memory_space<vmem_shared>>
        %dma_start3A_186 = arith.constant 0 : i32
        %dma_start3A_187 = tpu.memref_slice %arg6[%dma_start3A_186] : memref<640xf32, #tpu.memory_space<vmem>> -> memref<624xf32, #tpu.memory_space<vmem>>
        tpu.enqueue_dma source(%dma_start3A_187 : memref<624xf32, #tpu.memory_space<vmem>>) target(%dma_start3A_185 : memref<624xf32, #tpu.memory_space<vmem_shared>>) target_semaphore(%run_scoped3A_182 : memref<!tpu.dma_semaphore, #tpu.memory_space<semaphore_mem>>)
        %dma_wait3A = arith.constant 0 : i32
        %dma_wait3A_188 = tpu.memref_slice %arg6[%dma_wait3A] : memref<640xf32, #tpu.memory_space<vmem>> -> memref<624xf32, #tpu.memory_space<vmem>>
        %dma_wait3A_189 = tpu.memref_slice %arg7[%mul3A_154] : memref<10000xf32, #tpu.memory_space<vmem_shared>> -> memref<624xf32, #tpu.memory_space<vmem_shared>>
        %dma_wait3A_190 = tpu.memref_slice %arg7[%mul3A_154] : memref<10000xf32, #tpu.memory_space<vmem_shared>> -> memref<624xf32, #tpu.memory_space<vmem_shared>>
        %dma_wait3A_191 = arith.constant 0 : i32
        %dma_wait3A_192 = tpu.memref_slice %arg6[%dma_wait3A_191] : memref<640xf32, #tpu.memory_space<vmem>> -> memref<624xf32, #tpu.memory_space<vmem>>
        tpu.wait_dma2 semaphore(%run_scoped3A_182 : memref<!tpu.dma_semaphore, #tpu.memory_space<semaphore_mem>>) src(%dma_wait3A_192 : memref<624xf32, #tpu.memory_space<vmem>>) dst(%dma_wait3A_190 : memref<624xf32, #tpu.memory_space<vmem_shared>>)
        tpu.yield
      }) : () -> ()
    } else {
    }
    %eq3A = arith.constant 15 : i32
    %eq3A_157 = arith.cmpi eq, %arg1, %eq3A : i32
    %convert_element_type3A_158 = arith.extui %eq3A_157 : i1 to i32
    %cond3A_159 = arith.constant 0 : i32
    %cond3A_160 = arith.cmpi ne, %convert_element_type3A_158, %cond3A_159 : i32
    scf.if %cond3A_160 {
      "tpu.region"() ({
        %run_scoped3A_182 = tpu.sem_alloc : memref<!tpu.dma_semaphore, #tpu.memory_space<semaphore_mem>>
        %dma_start3A = arith.constant 9360 : i32
        %dma_start3A_183 = tpu.memref_slice %arg7[%dma_start3A] : memref<10000xf32, #tpu.memory_space<vmem_shared>> -> memref<640xf32, #tpu.memory_space<vmem_shared>>
        %dma_start3A_184 = arith.constant 9360 : i32
        %dma_start3A_185 = tpu.memref_slice %arg7[%dma_start3A_184] : memref<10000xf32, #tpu.memory_space<vmem_shared>> -> memref<640xf32, #tpu.memory_space<vmem_shared>>
        tpu.enqueue_dma source(%arg6 : memref<640xf32, #tpu.memory_space<vmem>>) target(%dma_start3A_185 : memref<640xf32, #tpu.memory_space<vmem_shared>>) target_semaphore(%run_scoped3A_182 : memref<!tpu.dma_semaphore, #tpu.memory_space<semaphore_mem>>)
        %dma_wait3A = arith.constant 9360 : i32
        %dma_wait3A_186 = tpu.memref_slice %arg7[%dma_wait3A] : memref<10000xf32, #tpu.memory_space<vmem_shared>> -> memref<640xf32, #tpu.memory_space<vmem_shared>>
        %dma_wait3A_187 = arith.constant 9360 : i32
        %dma_wait3A_188 = tpu.memref_slice %arg7[%dma_wait3A_187] : memref<10000xf32, #tpu.memory_space<vmem_shared>> -> memref<640xf32, #tpu.memory_space<vmem_shared>>
        tpu.wait_dma2 semaphore(%run_scoped3A_182 : memref<!tpu.dma_semaphore, #tpu.memory_space<semaphore_mem>>) src(%arg6 : memref<640xf32, #tpu.memory_space<vmem>>) dst(%dma_wait3A_188 : memref<640xf32, #tpu.memory_space<vmem_shared>>)
        tpu.yield
      }) : () -> ()
    } else {
    }
    %run_scoped3A = arith.constant 1 : i32
    "tpu.region"() ({
      %run_scoped3A_182 = tpu.sem_alloc : memref<!tpu.dma_semaphore, #tpu.memory_space<semaphore_mem>>
      %dma_start3A = arith.constant 0 : i32
      %dma_start3A_183 = arith.constant 0 : i32
      %dma_start3A_184 = tpu.memref_slice %arg2[%run_scoped3A, %add3A, %dma_start3A, %dma_start3A_183] : memref<2x32x25x400xi32, #tpu.memory_space<hbm>> -> memref<1x1x25x400xi32, #tpu.memory_space<hbm>>
      %dma_start3A_185 = tpu.memref_squeeze %dma_start3A_184 : memref<1x1x25x400xi32, #tpu.memory_space<hbm>> -> memref<25x400xi32, #tpu.memory_space<hbm>>
      %dma_start3A_186 = arith.constant 0 : i32
      %dma_start3A_187 = arith.constant 0 : i32
      %dma_start3A_188 = tpu.memref_slice %arg2[%run_scoped3A, %add3A, %dma_start3A_186, %dma_start3A_187] : memref<2x32x25x400xi32, #tpu.memory_space<hbm>> -> memref<1x1x25x400xi32, #tpu.memory_space<hbm>>
      %dma_start3A_189 = tpu.memref_squeeze %dma_start3A_188 : memref<1x1x25x400xi32, #tpu.memory_space<hbm>> -> memref<25x400xi32, #tpu.memory_space<hbm>>
      tpu.enqueue_dma source(%dma_start3A_189 : memref<25x400xi32, #tpu.memory_space<hbm>>) target(%arg4 : memref<25x400xi32, #tpu.memory_space<vmem>>) target_semaphore(%run_scoped3A_182 : memref<!tpu.dma_semaphore, #tpu.memory_space<semaphore_mem>>)
      %dma_wait3A = arith.constant 0 : i32
      %dma_wait3A_190 = arith.constant 0 : i32
      %dma_wait3A_191 = tpu.memref_slice %arg2[%run_scoped3A, %add3A, %dma_wait3A, %dma_wait3A_190] : memref<2x32x25x400xi32, #tpu.memory_space<hbm>> -> memref<1x1x25x400xi32, #tpu.memory_space<hbm>>
      %dma_wait3A_192 = tpu.memref_squeeze %dma_wait3A_191 : memref<1x1x25x400xi32, #tpu.memory_space<hbm>> -> memref<25x400xi32, #tpu.memory_space<hbm>>
      %dma_wait3A_193 = arith.constant 0 : i32
      %dma_wait3A_194 = arith.constant 0 : i32
      %dma_wait3A_195 = tpu.memref_slice %arg2[%run_scoped3A, %add3A, %dma_wait3A_193, %dma_wait3A_194] : memref<2x32x25x400xi32, #tpu.memory_space<hbm>> -> memref<1x1x25x400xi32, #tpu.memory_space<hbm>>
      %dma_wait3A_196 = tpu.memref_squeeze %dma_wait3A_195 : memref<1x1x25x400xi32, #tpu.memory_space<hbm>> -> memref<25x400xi32, #tpu.memory_space<hbm>>
      tpu.wait_dma2 semaphore(%run_scoped3A_182 : memref<!tpu.dma_semaphore, #tpu.memory_space<semaphore_mem>>) src(%dma_wait3A_196 : memref<25x400xi32, #tpu.memory_space<hbm>>) dst(%arg4 : memref<25x400xi32, #tpu.memory_space<vmem>>)
      tpu.yield
    }) : () -> ()
    %barrier3A = arith.constant 0 : index
    tpu.barrier barrier_id(%barrier3A)
    %scan3A_161 = arith.constant 0 : i32
    %scan3A_162 = arith.constant 25 : i32
    %scan3A_163 = arith.addi %scan3A_161, %scan3A_162 : i32
    %scan3A_164 = arith.constant 1 : i32
    scf.for %scan3A_182 = %scan3A_161 to %scan3A_163 step %scan3A_164  : i32 {
      %mul3A_183 = arith.constant 1 : i32
      %mul3A_184 = arith.muli %scan3A_182, %mul3A_183 : i32
      %add3A_185 = arith.constant 0 : i32
      %add3A_186 = arith.addi %add3A_185, %mul3A_184 : i32
      %dma_start3A = arith.constant 0 : i32
      %dma_start3A_187 = tpu.memref_slice %arg4[%add3A_186, %dma_start3A] : memref<25x400xi32, #tpu.memory_space<vmem>> -> memref<1x400xi32, #tpu.memory_space<vmem>>
      %dma_start3A_188 = tpu.memref_squeeze %dma_start3A_187 : memref<1x400xi32, #tpu.memory_space<vmem>> -> memref<400xi32, #tpu.memory_space<vmem>>
      %dma_start3A_189 = arith.constant 0 : i32
      %dma_start3A_190 = tpu.memref_slice %arg7[%dma_start3A_189] : memref<10000xf32, #tpu.memory_space<vmem_shared>> -> memref<10000xf32, #tpu.memory_space<vmem_shared>>
      tpu.enqueue_indirect_dma source(%arg5 : memref<400xf32, #tpu.memory_space<vmem>>) target(%dma_start3A_190 : memref<10000xf32, #tpu.memory_space<vmem_shared>>) offsets(%dma_start3A_188 : memref<400xi32, #tpu.memory_space<vmem>>) semaphore(%arg8 : memref<!tpu.dma_semaphore, #tpu.memory_space<semaphore_mem>>) {add = true}
    }
    %scan3A_165 = arith.constant 25 : i32
    %scan3A_166 = arith.constant 0 : i32
    %scan3A_167 = arith.constant 25 : i32
    %scan3A_168 = arith.addi %scan3A_166, %scan3A_167 : i32
    %scan3A_169 = arith.constant 1 : i32
    scf.for %scan3A_182 = %scan3A_166 to %scan3A_168 step %scan3A_169  : i32 {
      %mul3A_183 = arith.constant 1 : i32
      %mul3A_184 = arith.muli %scan3A_182, %mul3A_183 : i32
      %add3A_185 = arith.constant 0 : i32
      %add3A_186 = arith.addi %add3A_185, %mul3A_184 : i32
      %dma_wait3A = arith.constant 0 : i32
      %dma_wait3A_187 = tpu.memref_slice %arg4[%add3A_186, %dma_wait3A] : memref<25x400xi32, #tpu.memory_space<vmem>> -> memref<1x400xi32, #tpu.memory_space<vmem>>
      %dma_wait3A_188 = tpu.memref_squeeze %dma_wait3A_187 : memref<1x400xi32, #tpu.memory_space<vmem>> -> memref<400xi32, #tpu.memory_space<vmem>>
      %dma_wait3A_189 = arith.constant 0 : i32
      %dma_wait3A_190 = tpu.memref_slice %arg7[%dma_wait3A_189] : memref<10000xf32, #tpu.memory_space<vmem_shared>> -> memref<10000xf32, #tpu.memory_space<vmem_shared>>
      tpu.wait_indirect_dma semaphore(%arg8 : memref<!tpu.dma_semaphore, #tpu.memory_space<semaphore_mem>>) src(%arg5 : memref<400xf32, #tpu.memory_space<vmem>>) dst(%dma_wait3A_190 : memref<10000xf32, #tpu.memory_space<vmem_shared>>)
    }
    %scan3A_170 = arith.constant 25 : i32
    %barrier3A_171 = arith.constant 0 : index
    tpu.barrier barrier_id(%barrier3A_171)
    %lt3A_172 = arith.constant 15 : i32
    %lt3A_173 = arith.cmpi slt, %arg1, %lt3A_172 : i32
    %convert_element_type3A_174 = arith.extui %lt3A_173 : i1 to i32
    %cond3A_175 = arith.constant 0 : i32
    %cond3A_176 = arith.cmpi ne, %convert_element_type3A_174, %cond3A_175 : i32
    scf.if %cond3A_176 {
      "tpu.region"() ({
        %run_scoped3A_182 = tpu.sem_alloc : memref<!tpu.dma_semaphore, #tpu.memory_space<semaphore_mem>>
        %dma_start3A = arith.constant 0 : i32
        %dma_start3A_183 = tpu.memref_slice %arg3[%arg0, %dma_start3A] : memref<2x10000xf32, #tpu.memory_space<hbm>> -> memref<1x10000xf32, #tpu.memory_space<hbm>>
        %dma_start3A_184 = tpu.memref_squeeze %dma_start3A_183 : memref<1x10000xf32, #tpu.memory_space<hbm>> -> memref<10000xf32, #tpu.memory_space<hbm>>
        %dma_start3A_185 = tpu.memref_slice %dma_start3A_184[%mul3A_154] : memref<10000xf32, #tpu.memory_space<hbm>> -> memref<624xf32, #tpu.memory_space<hbm>>
        %dma_start3A_186 = tpu.memref_slice %arg7[%mul3A_154] : memref<10000xf32, #tpu.memory_space<vmem_shared>> -> memref<624xf32, #tpu.memory_space<vmem_shared>>
        tpu.enqueue_dma source(%dma_start3A_186 : memref<624xf32, #tpu.memory_space<vmem_shared>>) target(%dma_start3A_185 : memref<624xf32, #tpu.memory_space<hbm>>) target_semaphore(%run_scoped3A_182 : memref<!tpu.dma_semaphore, #tpu.memory_space<semaphore_mem>>)
        %dma_wait3A = arith.constant 0 : i32
        %dma_wait3A_187 = tpu.memref_slice %arg3[%arg0, %dma_wait3A] : memref<2x10000xf32, #tpu.memory_space<hbm>> -> memref<1x10000xf32, #tpu.memory_space<hbm>>
        %dma_wait3A_188 = tpu.memref_squeeze %dma_wait3A_187 : memref<1x10000xf32, #tpu.memory_space<hbm>> -> memref<10000xf32, #tpu.memory_space<hbm>>
        %dma_wait3A_189 = tpu.memref_slice %dma_wait3A_188[%mul3A_154] : memref<10000xf32, #tpu.memory_space<hbm>> -> memref<624xf32, #tpu.memory_space<hbm>>
        %dma_wait3A_190 = tpu.memref_slice %arg7[%mul3A_154] : memref<10000xf32, #tpu.memory_space<vmem_shared>> -> memref<624xf32, #tpu.memory_space<vmem_shared>>
        tpu.wait_dma2 semaphore(%run_scoped3A_182 : memref<!tpu.dma_semaphore, #tpu.memory_space<semaphore_mem>>) src(%dma_wait3A_190 : memref<624xf32, #tpu.memory_space<vmem_shared>>) dst(%dma_wait3A_189 : memref<624xf32, #tpu.memory_space<hbm>>)
        tpu.yield
      }) : () -> ()
    } else {
    }
    %eq3A_177 = arith.constant 15 : i32
    %eq3A_178 = arith.cmpi eq, %arg1, %eq3A_177 : i32
    %convert_element_type3A_179 = arith.extui %eq3A_178 : i1 to i32
    %cond3A_180 = arith.constant 0 : i32
    %cond3A_181 = arith.cmpi ne, %convert_element_type3A_179, %cond3A_180 : i32
    scf.if %cond3A_181 {
      "tpu.region"() ({
        %run_scoped3A_182 = tpu.sem_alloc : memref<!tpu.dma_semaphore, #tpu.memory_space<semaphore_mem>>
        %dma_start3A = arith.constant 0 : i32
        %dma_start3A_183 = tpu.memref_slice %arg3[%arg0, %dma_start3A] : memref<2x10000xf32, #tpu.memory_space<hbm>> -> memref<1x10000xf32, #tpu.memory_space<hbm>>
        %dma_start3A_184 = tpu.memref_squeeze %dma_start3A_183 : memref<1x10000xf32, #tpu.memory_space<hbm>> -> memref<10000xf32, #tpu.memory_space<hbm>>
        %dma_start3A_185 = arith.constant 9360 : i32
        %dma_start3A_186 = tpu.memref_slice %dma_start3A_184[%dma_start3A_185] : memref<10000xf32, #tpu.memory_space<hbm>> -> memref<640xf32, #tpu.memory_space<hbm>>
        %dma_start3A_187 = arith.constant 9360 : i32
        %dma_start3A_188 = tpu.memref_slice %arg7[%dma_start3A_187] : memref<10000xf32, #tpu.memory_space<vmem_shared>> -> memref<640xf32, #tpu.memory_space<vmem_shared>>
        tpu.enqueue_dma source(%dma_start3A_188 : memref<640xf32, #tpu.memory_space<vmem_shared>>) target(%dma_start3A_186 : memref<640xf32, #tpu.memory_space<hbm>>) target_semaphore(%run_scoped3A_182 : memref<!tpu.dma_semaphore, #tpu.memory_space<semaphore_mem>>)
        %dma_wait3A = arith.constant 0 : i32
        %dma_wait3A_189 = tpu.memref_slice %arg3[%arg0, %dma_wait3A] : memref<2x10000xf32, #tpu.memory_space<hbm>> -> memref<1x10000xf32, #tpu.memory_space<hbm>>
        %dma_wait3A_190 = tpu.memref_squeeze %dma_wait3A_189 : memref<1x10000xf32, #tpu.memory_space<hbm>> -> memref<10000xf32, #tpu.memory_space<hbm>>
        %dma_wait3A_191 = arith.constant 9360 : i32
        %dma_wait3A_192 = tpu.memref_slice %dma_wait3A_190[%dma_wait3A_191] : memref<10000xf32, #tpu.memory_space<hbm>> -> memref<640xf32, #tpu.memory_space<hbm>>
        %dma_wait3A_193 = arith.constant 9360 : i32
        %dma_wait3A_194 = tpu.memref_slice %arg7[%dma_wait3A_193] : memref<10000xf32, #tpu.memory_space<vmem_shared>> -> memref<640xf32, #tpu.memory_space<vmem_shared>>
        tpu.wait_dma2 semaphore(%run_scoped3A_182 : memref<!tpu.dma_semaphore, #tpu.memory_space<semaphore_mem>>) src(%dma_wait3A_194 : memref<640xf32, #tpu.memory_space<vmem_shared>>) dst(%dma_wait3A_192 : memref<640xf32, #tpu.memory_space<hbm>>)
        tpu.yield
      }) : () -> ()
    } else {
    }
    return
  }
}

module attributes {stable_mosaic.version = 14 : i64} {
  func.func @_tc_front(%arg0: memref<10000x128xf32, #tpu.memory_space<vmem>>, %arg1: memref<128x32xf32, #tpu.memory_space<vmem>>, %arg2: memref<2x10000xf32, #tpu.memory_space<vmem>>, %arg3: memref<10000x32xf32, #tpu.memory_space<vmem>>, %arg4: memref<10000x1xf32, #tpu.memory_space<vmem>>) attributes {dimension_semantics = [], scalar_prefetch = 0 : i64, scratch_operands = 0 : i64, tpu.core_type = #tpu.core_type<tc>} {
    %get3A = arith.constant 0 : index
    %get3A_0 = arith.constant 0 : index
    %get3A_1 = vector.load %arg2[%get3A, %get3A_0] : memref<2x10000xf32, #tpu.memory_space<vmem>>, vector<1x10000xf32>
    %get3A_2 = vector.shape_cast %get3A_1 : vector<1x10000xf32> to vector<10000xf32>
    %get3A_3 = arith.constant 1 : index
    %get3A_4 = arith.constant 0 : index
    %get3A_5 = vector.load %arg2[%get3A_3, %get3A_4] : memref<2x10000xf32, #tpu.memory_space<vmem>>, vector<1x10000xf32>
    %get3A_6 = vector.shape_cast %get3A_5 : vector<1x10000xf32> to vector<10000xf32>
    %add3A = arith.addf %get3A_2, %get3A_6 : vector<10000xf32>
    %add3A_7 = arith.constant 1.000000e+00 : f32
    %add3A_8 = vector.broadcast %add3A_7 : f32 to vector<10000xf32>
    %add3A_9 = arith.addf %add3A, %add3A_8 : vector<10000xf32>
    %rsqrt3A = math.rsqrt %add3A_9 : vector<10000xf32>
    %broadcast_in_dim3A = vector.shape_cast %rsqrt3A : vector<10000xf32> to vector<10000x1xf32>
    %swap3A = arith.constant 0 : index
    %swap3A_10 = arith.constant 0 : index
    %swap3A_11 = vector.load %arg4[%swap3A, %swap3A_10] : memref<10000x1xf32, #tpu.memory_space<vmem>>, vector<10000x1xf32>
    tpu.vector_store %arg4[%swap3A, %swap3A_10], %broadcast_in_dim3A {strides = array<i32>} : memref<10000x1xf32, #tpu.memory_space<vmem>>, vector<10000x1xf32>,
    %get3A_12 = arith.constant 0 : index
    %get3A_13 = arith.constant 0 : index
    %get3A_14 = vector.load %arg0[%get3A_12, %get3A_13] : memref<10000x128xf32, #tpu.memory_space<vmem>>, vector<10000x128xf32>
    %get3A_15 = arith.constant 0 : index
    %get3A_16 = arith.constant 0 : index
    %get3A_17 = vector.load %arg1[%get3A_15, %get3A_16] : memref<128x32xf32, #tpu.memory_space<vmem>>, vector<128x32xf32>
    %dot_general3A = arith.constant dense<0.000000e+00> : vector<10000x32xf32>
    %dot_general3A_18 = tpu.matmul %get3A_14, %get3A_17, %dot_general3A {dimension_numbers = #tpu.dot_dimension_numbers<[1], [0], [0], [1], [0, 0, 1, 1], [], []>, transpose_lhs_hint = false} : vector<10000x128xf32>, vector<128x32xf32>, vector<10000x32xf32> -> vector<10000x32xf32>
    %mul3A = vector.broadcast %broadcast_in_dim3A : vector<10000x1xf32> to vector<10000x32xf32>
    %mul3A_19 = arith.mulf %mul3A, %dot_general3A_18 : vector<10000x32xf32>
    %swap3A_20 = arith.constant 0 : index
    %swap3A_21 = arith.constant 0 : index
    %swap3A_22 = vector.load %arg3[%swap3A_20, %swap3A_21] : memref<10000x32xf32, #tpu.memory_space<vmem>>, vector<10000x32xf32>
    tpu.vector_store %arg3[%swap3A_20, %swap3A_21], %mul3A_19 {strides = array<i32>} : memref<10000x32xf32, #tpu.memory_space<vmem>>, vector<10000x32xf32>,
    return
  }
}

module attributes {stable_mosaic.version = 14 : i64} {
  func.func @_tc_mid(%arg0: memref<2x10000x32xf32, #tpu.memory_space<vmem>>, %arg1: memref<10000x32xf32, #tpu.memory_space<vmem>>, %arg2: memref<10000x1xf32, #tpu.memory_space<vmem>>, %arg3: memref<1x32xf32, #tpu.memory_space<vmem>>, %arg4: memref<32x8xf32, #tpu.memory_space<vmem>>, %arg5: memref<10000x8xf32, #tpu.memory_space<vmem>>) attributes {dimension_semantics = [], scalar_prefetch = 0 : i64, scratch_operands = 0 : i64, tpu.core_type = #tpu.core_type<tc>} {
    %get3A = arith.constant 0 : index
    %get3A_0 = arith.constant 0 : index
    %get3A_1 = vector.load %arg2[%get3A, %get3A_0] : memref<10000x1xf32, #tpu.memory_space<vmem>>, vector<10000x1xf32>
    %get3A_2 = arith.constant 0 : index
    %get3A_3 = arith.constant 0 : index
    %get3A_4 = arith.constant 0 : index
    %get3A_5 = vector.load %arg0[%get3A_2, %get3A_3, %get3A_4] : memref<2x10000x32xf32, #tpu.memory_space<vmem>>, vector<1x10000x32xf32>
    %get3A_6 = vector.shape_cast %get3A_5 : vector<1x10000x32xf32> to vector<10000x32xf32>
    %get3A_7 = arith.constant 1 : index
    %get3A_8 = arith.constant 0 : index
    %get3A_9 = arith.constant 0 : index
    %get3A_10 = vector.load %arg0[%get3A_7, %get3A_8, %get3A_9] : memref<2x10000x32xf32, #tpu.memory_space<vmem>>, vector<1x10000x32xf32>
    %get3A_11 = vector.shape_cast %get3A_10 : vector<1x10000x32xf32> to vector<10000x32xf32>
    %add3A = arith.addf %get3A_6, %get3A_11 : vector<10000x32xf32>
    %get3A_12 = arith.constant 0 : index
    %get3A_13 = arith.constant 0 : index
    %get3A_14 = vector.load %arg1[%get3A_12, %get3A_13] : memref<10000x32xf32, #tpu.memory_space<vmem>>, vector<10000x32xf32>
    %add3A_15 = arith.addf %add3A, %get3A_14 : vector<10000x32xf32>
    %mul3A = vector.broadcast %get3A_1 : vector<10000x1xf32> to vector<10000x32xf32>
    %mul3A_16 = arith.mulf %mul3A, %add3A_15 : vector<10000x32xf32>
    %get3A_17 = arith.constant 0 : index
    %get3A_18 = arith.constant 0 : index
    %get3A_19 = vector.load %arg3[%get3A_17, %get3A_18] : memref<1x32xf32, #tpu.memory_space<vmem>>, vector<1x32xf32>
    %add3A_20 = vector.broadcast %get3A_19 : vector<1x32xf32> to vector<10000x32xf32>
    %add3A_21 = arith.addf %mul3A_16, %add3A_20 : vector<10000x32xf32>
    %max3A = arith.constant 0.000000e+00 : f32
    %max3A_22 = vector.broadcast %max3A : f32 to vector<10000x32xf32>
    %max3A_23 = arith.maximumf %add3A_21, %max3A_22 : vector<10000x32xf32>
    %get3A_24 = arith.constant 0 : index
    %get3A_25 = arith.constant 0 : index
    %get3A_26 = vector.load %arg4[%get3A_24, %get3A_25] : memref<32x8xf32, #tpu.memory_space<vmem>>, vector<32x8xf32>
    %dot_general3A = arith.constant dense<0.000000e+00> : vector<10000x8xf32>
    %dot_general3A_27 = tpu.matmul %max3A_23, %get3A_26, %dot_general3A {dimension_numbers = #tpu.dot_dimension_numbers<[1], [0], [0], [1], [0, 0, 1, 1], [], []>, transpose_lhs_hint = false} : vector<10000x32xf32>, vector<32x8xf32>, vector<10000x8xf32> -> vector<10000x8xf32>
    %mul3A_28 = vector.broadcast %get3A_1 : vector<10000x1xf32> to vector<10000x8xf32>
    %mul3A_29 = arith.mulf %mul3A_28, %dot_general3A_27 : vector<10000x8xf32>
    %swap3A = arith.constant 0 : index
    %swap3A_30 = arith.constant 0 : index
    %swap3A_31 = vector.load %arg5[%swap3A, %swap3A_30] : memref<10000x8xf32, #tpu.memory_space<vmem>>, vector<10000x8xf32>
    tpu.vector_store %arg5[%swap3A, %swap3A_30], %mul3A_29 {strides = array<i32>} : memref<10000x8xf32, #tpu.memory_space<vmem>>, vector<10000x8xf32>,
    return
  }
}

module attributes {stable_mosaic.version = 14 : i64} {
  func.func @_tc_final(%arg0: memref<2x10000x8xf32, #tpu.memory_space<vmem>>, %arg1: memref<10000x8xf32, #tpu.memory_space<vmem>>, %arg2: memref<10000x1xf32, #tpu.memory_space<vmem>>, %arg3: memref<1x2xf32, #tpu.memory_space<vmem>>, %arg4: memref<10000x2xf32, #tpu.memory_space<vmem>>) attributes {dimension_semantics = [], scalar_prefetch = 0 : i64, scratch_operands = 0 : i64, tpu.core_type = #tpu.core_type<tc>} {
    %get3A = arith.constant 0 : index
    %get3A_0 = arith.constant 0 : index
    %get3A_1 = vector.load %arg2[%get3A, %get3A_0] : memref<10000x1xf32, #tpu.memory_space<vmem>>, vector<10000x1xf32>
    %get3A_2 = arith.constant 0 : index
    %get3A_3 = arith.constant 0 : index
    %get3A_4 = arith.constant 0 : index
    %get3A_5 = vector.load %arg0[%get3A_2, %get3A_3, %get3A_4] : memref<2x10000x8xf32, #tpu.memory_space<vmem>>, vector<1x10000x8xf32>
    %get3A_6 = vector.shape_cast %get3A_5 : vector<1x10000x8xf32> to vector<10000x8xf32>
    %get3A_7 = arith.constant 1 : index
    %get3A_8 = arith.constant 0 : index
    %get3A_9 = arith.constant 0 : index
    %get3A_10 = vector.load %arg0[%get3A_7, %get3A_8, %get3A_9] : memref<2x10000x8xf32, #tpu.memory_space<vmem>>, vector<1x10000x8xf32>
    %get3A_11 = vector.shape_cast %get3A_10 : vector<1x10000x8xf32> to vector<10000x8xf32>
    %add3A = arith.addf %get3A_6, %get3A_11 : vector<10000x8xf32>
    %get3A_12 = arith.constant 0 : index
    %get3A_13 = arith.constant 0 : index
    %get3A_14 = vector.load %arg1[%get3A_12, %get3A_13] : memref<10000x8xf32, #tpu.memory_space<vmem>>, vector<10000x8xf32>
    %add3A_15 = arith.addf %add3A, %get3A_14 : vector<10000x8xf32>
    %mul3A = vector.broadcast %get3A_1 : vector<10000x1xf32> to vector<10000x8xf32>
    %mul3A_16 = arith.mulf %mul3A, %add3A_15 : vector<10000x8xf32>
    %slice3A = vector.extract_strided_slice %mul3A_16 {offsets = [0, 0], sizes = [10000, 2], strides = [1, 1]} : vector<10000x8xf32> to vector<10000x2xf32>
    %get3A_17 = arith.constant 0 : index
    %get3A_18 = arith.constant 0 : index
    %get3A_19 = vector.load %arg3[%get3A_17, %get3A_18] : memref<1x2xf32, #tpu.memory_space<vmem>>, vector<1x2xf32>
    %add3A_20 = vector.broadcast %get3A_19 : vector<1x2xf32> to vector<10000x2xf32>
    %add3A_21 = arith.addf %slice3A, %add3A_20 : vector<10000x2xf32>
    %swap3A = arith.constant 0 : index
    %swap3A_22 = arith.constant 0 : index
    %swap3A_23 = vector.load %arg4[%swap3A, %swap3A_22] : memref<10000x2xf32, #tpu.memory_space<vmem>>, vector<10000x2xf32>
    tpu.vector_store %arg4[%swap3A, %swap3A_22], %add3A_21 {strides = array<i32>} : memref<10000x2xf32, #tpu.memory_space<vmem>>, vector<10000x2xf32>,
    return
  }
}

</mosaic_0001>

<sc_bundles>
// kernel: kernel.11.cloned.1.call-start
scs
__scs_entry_jumppad:
0x0: {  	(pc) =	sbr.rel $0x88, $3  }
0x1: {  	(tag) =	ssettag $0x0;
	lr =	simm.s32 $0x1  }
0x2: {  	[smem:$0x3F9B] =	sst lr;
	_ =	strace $0xD0000000  }
0x3: {  	_ = 	snop  }
0x4: {  	_ = 	snop  }
0x5: {  	_ = 	snop  }
0x6: {  	_ = 	snop  }
0x7: {  	_ = 	snop  }
__scs_overlays_trampoline_lowered:
0x8: {  	[smem:$0x3FAA] =	sst s0  }
0x9: {  	[smem:$0x3FAB] =	sst s1  }
0xa: {  	[smem:$0x3FAC] =	sst s2  }
0xb: {  	[smem:$0x3FAD] =	sst s3  }
0xc: {  	[smem:$0x3FAE] =	sst s4  }
0xd: {  	[smem:$0x3FAF] =	sst s5  }
0xe: {  	[smem:$0x3FB0] =	sst s6  }
0xf: {  	[smem:$0x3FB1] =	sst s7  }
0x10: {  	[smem:$0x3FB2] =	sst s8  }
0x11: {  	[smem:$0x3FB3] =	sst s9;
	s0 =	simm.s32 @!p0 $0x0  }
0x12: {  	s1 =	sld [smem:$0x3F99];
	s0 =	simm.s32 @p0 $0x1  }
0x13: {  	[smem:$0x3FB4] =	sst s0;
	s0 =	simm.s32 @!p1 $0x0  }
0x14: {  	s2 =	sld [smem:$0x3F98];
	s0 =	simm.s32 @p1 $0x1  }
0x15: {  	[smem:$0x3FB5] =	sst s0;
	s0 =	simm.s32 @!p2 $0x0  }
0x16: {  	s3 =	sld [smem:$0x3FDB];
	s0 =	simm.s32 @p2 $0x1  }
0x17: {  	s4 =	simm.s32 $0x1BF5;
	[smem:$0x3FB7] =	sst s0  }
0x18: {  	s0 =	sld [smem:$0x3F9A];
	_ =	swait.ge [sflag:s4], $0x0  }
0x19: {  	s7 =	sld [smem:$0x3F9B]  }
0x1a: {  	s8 =	sadd.s32 $0xFFFFE003, lr  }
0x1b: {  	s9 =	sadd.s32 $0xFFFFFEF7, lr;
	s5 =	simm.s32 $0xFFFFFFFF;
	p2 =	slt.u32 s8, $0xFFFFF086  }
0x1c: {  	p1 =	slt.u32 s9, $0xF7A;
	s5 =	simm.s32 @!p2 $0x0  }
0x1d: {  	s5 =	simm.s32 @p1 $0x1;
	p0 =	seq.s32 s7, s2  }
0x1e: {  	s7 =	smul.u32 @!p0 $0xF7A, s2;
	p2 =	seq.s32 @!p0 s5, $0x0  }
0x1f: {  	s9 =	smul.u32 $0xF7A, s1;
	s8 =	simm.s32 @!p0 $0x1BF5;
	p2 =	por !p2, p0  }
0x20: {  	[sflag:s8] =	ssyncset.s32 @!p0 $0xFFFFF086;
	s6 =	sadd.s32 @!p0 s3, s7;
	s7 =	simm.s32 @!p0 $0x108  }
0x21: {  	s3 =	sadd.s32 s3, s9;
	s6 =	sadd.s32 @!p0 $0x88, s6;
	s7 =	simm.s32 @p2 $0x1082  }
0x22: {  	[simem:s7], [sflag:s8] =	dma.local @!p0 [hbm:s6], $0xF7A  }
0x23: {  	s9 =	sor.u32 $0xD0000000, s2;
	s6 =	simm.s32 $0x108;
	_ =	swait.ge @!p0 [sflag:s8], $0x0  }
0x24: {  	s3 =	sadd.s32 $0x88, s3;
	s6 =	simm.s32 @!p1 $0x1082;
	[sflag:s4] =	ssyncset.s32 $0xFFFFF086  }
0x25: {  	[simem:s6], [sflag:s4] =	dma.local [hbm:s3], $0xF7A  }
0x26: {  	[smem:$0x3F9B] =	sst s1;
	(tag) =	ssettag s2;
	_ =	strace s9  }
0x27: {  	s1 =	sld [smem:$0x3FAB]  }
0x28: {  	s2 =	sld [smem:$0x3FAC]  }
0x29: {  	s4 =	sld [smem:$0x3FAE]  }
0x2a: {  	p0 =	seq.s32 s5, $0x0;
	s5 =	sld [smem:$0x3FAF]  }
0x2b: {  	s6 =	sld [smem:$0x3FB0]  }
0x2c: {  	s7 =	sld [smem:$0x3FB1]  }
0x2d: {  	s3 =	simm.s32 $0x108;
	s8 =	sld [smem:$0x3FB2]  }
0x2e: {  	s3 =	simm.s32 @!p0 $0x1082;
	s9 =	sld [smem:$0x3FB3]  }
0x2f: {  	lr =	sadd.s32 s0, s3;
	s0 =	sld [smem:$0x3FAA]  }
0x30: {  	s3 =	sld [smem:$0x3FAD]  }
0x31: {  	[smem:$0x3FB6] =	sst s10  }
0x32: {  	s10 =	sld [smem:$0x3FB4];
	_ =	sdelay $0x3  }
0x33: {  	p0 =	seq.s32 s10, $0x1;
	s10 =	sld [smem:$0x3FB6];
	_ =	sdelay $0x3  }
0x34: {  	[smem:$0x3FB6] =	sst s10  }
0x35: {  	s10 =	sld [smem:$0x3FB5];
	_ =	sdelay $0x3  }
0x36: {  	p1 =	seq.s32 s10, $0x1;
	s10 =	sld [smem:$0x3FB6];
	_ =	sdelay $0x3  }
0x37: {  	[smem:$0x3FB6] =	sst s10  }
0x38: {  	s10 =	sld [smem:$0x3FB7]  }
0x39: {  	_ = 	snop;
	(pc) =	sbr.ind lr, $3  }
0x3a: {  	_ = 	snop  }
0x3b: {  	_ = 	snop  }
0x3c: {  	p2 =	seq.s32 s10, $0x1;
	s10 =	sld [smem:$0x3FB6]  }
0x3d: {  	_ =	shalt  }
0x3e: {  	_ =	shalt  }
0x3f: {  	_ =	shalt  }
0x40: {  	_ =	shalt  }
0x41: {  	_ =	shalt  }
0x42: {  	_ =	shalt  }
0x43: {  	_ =	shalt  }
0x44: {  	_ =	shalt  }
0x45: {  	_ =	shalt  }
0x46: {  	_ =	shalt  }
0x47: {  	_ =	shalt  }
0x48: {  	_ =	shalt  }
0x49: {  	_ =	shalt  }
0x4a: {  	_ =	shalt  }
0x4b: {  	_ =	shalt  }
0x4c: {  	_ =	shalt  }
0x4d: {  	_ =	shalt  }
0x4e: {  	_ =	shalt  }
0x4f: {  	_ =	shalt  }
0x50: {  	_ =	shalt  }
0x51: {  	_ =	shalt  }
0x52: {  	_ =	shalt  }
0x53: {  	_ =	shalt  }
0x54: {  	_ =	shalt  }
0x55: {  	_ =	shalt  }
0x56: {  	_ =	shalt  }
0x57: {  	_ =	shalt  }
0x58: {  	_ =	shalt  }
0x59: {  	_ =	shalt  }
0x5a: {  	_ =	shalt  }
0x5b: {  	_ =	shalt  }
0x5c: {  	_ =	shalt  }
0x5d: {  	_ =	shalt  }
0x5e: {  	_ =	shalt  }
0x5f: {  	_ =	shalt  }
0x60: {  	_ =	shalt  }
0x61: {  	_ =	shalt  }
0x62: {  	_ =	shalt  }
0x63: {  	_ =	shalt  }
0x64: {  	_ =	shalt  }
0x65: {  	_ =	shalt  }
0x66: {  	_ =	shalt  }
0x67: {  	_ =	shalt  }
0x68: {  	_ =	shalt  }
0x69: {  	_ =	shalt  }
0x6a: {  	_ =	shalt  }
0x6b: {  	_ =	shalt  }
0x6c: {  	_ =	shalt  }
0x6d: {  	_ =	shalt  }
0x6e: {  	_ =	shalt  }
0x6f: {  	_ =	shalt  }
0x70: {  	_ =	shalt  }
0x71: {  	_ =	shalt  }
0x72: {  	_ =	shalt  }
0x73: {  	_ =	shalt  }
0x74: {  	_ =	shalt  }
0x75: {  	_ =	shalt  }
0x76: {  	_ =	shalt  }
0x77: {  	_ =	shalt  }
0x78: {  	_ =	shalt  }
0x79: {  	_ =	shalt  }
0x7a: {  	_ =	shalt  }
0x7b: {  	_ =	shalt  }
0x7c: {  	_ =	shalt  }
0x7d: {  	_ =	shalt  }
0x7e: {  	_ =	shalt  }
0x7f: {  	_ =	shalt  }
0x80: {  	_ =	shalt  }
0x81: {  	_ =	shalt  }
0x82: {  	_ =	shalt  }
0x83: {  	_ =	shalt  }
0x84: {  	_ =	shalt  }
0x85: {  	_ =	shalt  }
0x86: {  	_ =	shalt  }
0x87: {  	_ =	shalt  }
.Lfunc_end0:
.L_simem_size_0:
called_computation.1_lowered:
.L_overlay_start_0:
0x88: {  	s2 =	sld [smem:$0x3FD9]  }
0x89: {  	s3 =	sld [smem:$0x3FFE];
	_ =	sdelay $0x1  }
0x8a: {  	s1 =	srdreg.scid  }
0x8b: {  	s0 =	sand.u32 $0x1, s1  }
0x8c: {  	s17 =	sshll.u32 s0, $0xA;
	s2 =	sadd.s32 s3, s2  }
0x8d: {  	s2 =	sadd.s32 s2, s17  }
0x8e: {  	[smem:$0x3FC2] =	sst s2  }
0x8f: {  	_ = 	snop  }
0x90: {  	s2 =	sld [smem:$0x3FD0];
	(tm) =	ssettm $0x1  }
0x91: {  	s18 =	sld [smem:$0x3FFB];
	_ =	sdelay $0x3  }
0x92: {  	_ =	strace s18  }
0x93: {  	s3 =	sld [smem:$0x3FFC];
	_ =	sdelay $0x3  }
0x94: {  	_ =	strace s3  }
0x95: {  	s3 =	sld [smem:$0x3FFD];
	_ =	sdelay $0x3  }
0x96: {  	_ =	strace s3  }
0x97: {  	_ =	strace $0x8FFFFFFF  }
0x98: {  	s19 =	sld [smem:$0x3FDB];
	_ =	sdelay $0x1  }
0x99: {  	s4 =	simm.s32 $_scs_section_size  }
0x9a: {  	s5 =	simm.s32 $_size__tile_overlayer_lowered;
	s6 =	simm.s32 $_tile_overlayer_lowered  }
0x9b: {  	s22 =	simm.s32 $0x1BFF;
	s21 =	sshll.u32 s6, $0x1;
	s3 =	sadd.s32 s4, s19  }
0x9c: {  	s7 =	simm.s32 $0x0;
	s20 =	sshll.u32 s5, $0x1;
	s5 =	sadd.s32 s21, s3  }
0x9d: {  	[timem:s7], [sflag:s22] =	dma.local [hbm:s5], s20  }
0x9e: {  	_ =	swait.ge [sflag:s22], s20  }
0x9f: {  	s4 =	ssub.s32 $0x0, s20;
	[sflag:s22] =	ssyncset.done $0x0  }
0xa0: {  	[sflag:s22] =	ssyncadd.s32 s4;
	_ =	sdelay $0x1  }
0xa1: {  	s23 =	simm.s32 $0x1B8B  }
0xa2: {  	_ =	swait.ge [sflag:s23], $0x1  }
0xa3: {  	[sflag:s23] =	ssyncset.done $0x0  }
0xa4: {  	s25 =	simm.s32 $0x1B8E;
	s24 =	sld [smem:$0x3FFE];
	[sflag:s23] =	ssyncadd.s32 $0xFFFFFFFF  }
0xa5: {  	s26 =	simm.s32 $execute0_lowered;
	[smem:$0x3FD2] =	sst s25  }
0xa6: {  	s5 =	sshll.u32 s26, $0x1;
	_ =	strace $0x80000049;
	[dreg:$0x1] =	wrdreg $0xFFFFFFFF  }
0xa7: {  	s28 =	simm.s32 $_size_execute0_lowered;
	s3 =	sadd.s32 s3, s5;
	[dreg:$0x0] =	wrdreg $0x0  }
0xa8: {  	s5 =	sshll.u32 s28, $0x1;
	[dreg:$0x2] =	wrdreg s3  }
0xa9: {  	[dreg:$0x3] =	wrdreg s5  }
0xaa: {  	[dreg:$0x4] =	wrdreg $0xC0  }
0xab: {  	_ =	task [dreg:s7], $0x5FFFF  }
0xac: {  	[dreg:$0x1] =	wrdreg $0xFFFFFFFF  }
0xad: {  	[dreg:$0x0] =	wrdreg $0x60  }
0xae: {  	[dreg:$0x2] =	wrdreg s24  }
0xaf: {  	[dreg:$0x3] =	wrdreg s2  }
0xb0: {  	[dreg:$0x4] =	wrdreg $0x148200  }
0xb1: {  	[dreg:$0x5] =	wrdreg $0x196400  }
0xb2: {  	[dreg:$0x6] =	wrdreg $0x9  }
0xb3: {  	_ =	task.clear_ibuf [dreg:s7], $0x7FFFF;
	_ =	strace $0x90000049  }
0xb4: {  	s29 =	simm.s32 $0x9;
	_ =	strace $0x8000004B  }
0xb5: {  	_ =	swait.ge [sflag:s29], $0x1  }
0xb6: {  	[sflag:s29] =	ssyncadd.s32 $0xFFFFFFFF  }
0xb7: {  	_ =	strace $0x9000004B  }
0xb8: {  	_ =	sfence  }
0xb9: {  	s30 =	sld [smem:$0x0];
	_ =	sdelay $0x2  }
0xba: {  	s31 =	sshll.u32 s1, $0xD;
	s1 =	sshrl.u32 s1, $0x2  }
0xbb: {  	s3 =	sand.u32 $0x4000, s31;
	s1 =	sadd.s32 s1, s30  }
0xbc: {  	s0 =	sor.u32 s3, s0;
	s1 =	sshll.u32 s1, $0x11  }
0xbd: {  	s0 =	sor.u32 s1, s0  }
0xbe: {  	s0 =	sadd.s32 $0x8F2B, s0  }
0xbf: {  	[sflag:s0] =	ssyncadd.remote.s32 $0x1  }
0xc0: {  	_ =	sfence.sel $0xFFFF  }
0xc1: {  	[dreg:$0x0] =	wrdreg $0xFFFFFFFF;
	(pc) =	sbr.abs _section_cstart, $3  }
0xc2: {  	[dreg:$0x1] =	wrdreg $0xFFFFFFFF  }
0xc3: {  	_ =	task.clear_ibuf [dreg:s7], $0x2FFFF;
	_ =	strace $0x9FFFFFFF  }
0xc4: {  	(tm) =	ssettm $0x7FFFFFFF  }
0xc5: {  	_ =	shalt  }
tec
execute0_lowered:
.L_overlay_start_1:
0x0: {  	(tag) =	ssettag $0x1  }
0x1: {  	s0 =	rddreg [dreg:$0x0]  }
0x2: {  	s1 =	rddreg [dreg:$0x1]  }
0x3: {  	s2 =	rddreg [dreg:$0x2]  }
0x4: {  	s3 =	rddreg [dreg:$0x3]  }
0x5: {  	s4 =	simm.s32 $0x0;
	[dreg:$0x5] =	wrdreg s1  }
0x6: {  	s26 =	simm.s32 $0x320;
	[smem:$0x7FF] =	sst s4  }
0x7: {  	s11 =	simm.s32 $0x28A0;
	_ =	strace $0x8000004A;
	[dreg:$0xc] =	wrdreg s26  }
0x8: {  	s12 =	simm.s32 $0x2A30;
	[dreg:$0xf] =	wrdreg s11  }
0x9: {  	s13 =	simm.s32 $0x2BC0;
	[dreg:$0x10] =	wrdreg s12  }
0xa: {  	s14 =	simm.s32 $0x2D50;
	[dreg:$0x11] =	wrdreg s13  }
0xb: {  	s15 =	simm.s32 $0x7D0;
	[dreg:$0x12] =	wrdreg s14  }
0xc: {  	s16 =	simm.s32 $0x960;
	[dreg:$0x13] =	wrdreg s15  }
0xd: {  	s17 =	simm.s32 $0xAF0;
	[dreg:$0x14] =	wrdreg s16  }
0xe: {  	s19 =	srdreg.scid;
	s18 =	simm.s32 $0xC80;
	[dreg:$0x15] =	wrdreg s17  }
0xf: {  	s28 =	sand.u32 $0x1, s19;
	s19 =	simm.s32 $0xE10;
	[dreg:$0x16] =	wrdreg s18  }
0x10: {  	[dreg:$0x17] =	wrdreg s19;
	s26 =	simm.s32 $0x1130  }
0x11: {  	s11 =	simm.s32 $0x15E0;
	[dreg:$0x1e] =	wrdreg s26  }
0x12: {  	s12 =	simm.s32 $0x36B0;
	[smem:$0x7E2] =	sst s11  }
0x13: {  	s13 =	simm.s32 $0x3840;
	[smem:$0x7E3] =	sst s12  }
0x14: {  	s14 =	simm.s32 $0x39D0;
	[smem:$0x7E4] =	sst s13  }
0x15: {  	s15 =	simm.s32 $0x3B60;
	[smem:$0x7E5] =	sst s14  }
0x16: {  	s16 =	simm.s32 $0x3CF0;
	[smem:$0x7E6] =	sst s15  }
0x17: {  	s17 =	simm.s32 $0x1770;
	[smem:$0x7E7] =	sst s16  }
0x18: {  	s18 =	simm.s32 $0x1900;
	[smem:$0x7E8] =	sst s17  }
0x19: {  	s19 =	simm.s32 $0x1A90;
	[smem:$0x7E9] =	sst s18  }
0x1a: {  	[smem:$0x7EA] =	sst s19  }
0x1b: {  	s26 =	simm.s32 $0x44C0;
	s18 =	rddreg [dreg:$0x5]  }
0x1c: {  	s11 =	simm.s32 $0x2260;
	[smem:$0x7F1] =	sst s26  }
0x1d: {  	s1 =	stileid.u32;
	s12 =	simm.s32 $0x23F0;
	[smem:$0x7F4] =	sst s11  }
0x1e: {  	s5 =	sshll.u32 s28, $0x4;
	s13 =	simm.s32 $0x2580;
	[smem:$0x7F5] =	sst s12  }
0x1f: {  	s8 =	smul.u32 $0x4E20, s1;
	s14 =	simm.s32 $0x4650;
	[smem:$0x7F6] =	sst s13  }
0x20: {  	s5 =	sor.u32 s1, s5;
	s15 =	simm.s32 $0x47E0;
	[smem:$0x7F7] =	sst s14  }
0x21: {  	s16 =	simm.s32 $0x4970;
	s17 =	simm.s32 $0x4B00;
	[smem:$0x7F8] =	sst s15  }
0x22: {  	s6 =	smul.u32 $0x2710, s5;
	s5 =	sadd.s32 $0x15800, s0;
	[smem:$0x7F9] =	sst s16  }
0x23: {  	s9 =	sadd.s32 $0x3200, s8;
	[smem:$0x7FA] =	sst s17;
	s11 =	simm.s32 $0x4C90  }
0x24: {  	s30 =	sshrl.u32 s8, $0x3;
	s10 =	sshrl.u32 s9, $0x3;
	[smem:$0x7FB] =	sst s11  }
0x25: {  	s22 =	sadd.s32 s8, s3;
	s7 =	sadd.s32 s5, s30;
	[smem:$0x7FD] =	sst s10  }
0x26: {  	s24 =	sshrl.u32 s22, $0x3;
	[dreg:$0x6] =	wrdreg s7  }
0x27: {  	s22 =	simm.s32 $0x3200;
	[dreg:$0xa] =	wrdreg s24  }
0x28: {  	s23 =	sadd.s32 s9, s3;
	s20 =	sadd.s32 s5, s10;
	[dreg:$0x1a] =	wrdreg s22  }
0x29: {  	s25 =	sshrl.u32 s23, $0x3;
	[dreg:$0x7] =	wrdreg s20  }
0x2a: {  	s7 =	simm.s32 $0x4B0;
	[dreg:$0xb] =	wrdreg s25  }
0x2b: {  	s10 =	simm.s32 $0x640;
	[dreg:$0xd] =	wrdreg s7  }
0x2c: {  	s23 =	simm.s32 $0x3390;
	[dreg:$0xe] =	wrdreg s10  }
0x2d: {  	s24 =	simm.s32 $0x3520;
	[dreg:$0x1b] =	wrdreg s23  }
0x2e: {  	s22 =	simm.s32 $0x3E80;
	[dreg:$0x1c] =	wrdreg s24  }
0x2f: {  	s20 =	simm.s32 $0x2EE0;
	[smem:$0x7ED] =	sst s22  }
0x30: {  	s25 =	simm.s32 $0xFA0;
	[dreg:$0x18] =	wrdreg s20  }
0x31: {  	s7 =	simm.s32 $0x12C0;
	[dreg:$0x1d] =	wrdreg s25  }
0x32: {  	s10 =	simm.s32 $0x1450;
	[dreg:$0x1f] =	wrdreg s7  }
0x33: {  	s6 =	sshrl.u32 s6, $0x3;
	s23 =	simm.s32 $0x4010;
	[smem:$0x7E1] =	sst s10  }
0x34: {  	s6 =	sadd.s32 s6, s0;
	s24 =	simm.s32 $0x41A0;
	[smem:$0x7EE] =	sst s23  }
0x35: {  	s21 =	sadd.s32 $0x1E00, s6;
	[smem:$0x7EF] =	sst s24  }
0x36: {  	s6 =	sadd.s32 $0xBA40, s6;
	[dreg:$0x8] =	wrdreg s21  }
0x37: {  	s20 =	simm.s32 $0x1C20;
	[dreg:$0x9] =	wrdreg s6  }
0x38: {  	s25 =	simm.s32 $0x4330;
	[smem:$0x7EB] =	sst s20  }
0x39: {  	s7 =	simm.s32 $0x1F40;
	[smem:$0x7F0] =	sst s25  }
0x3a: {  	s10 =	simm.s32 $0x20D0;
	[smem:$0x7F2] =	sst s7  }
0x3b: {  	s21 =	simm.s32 $0x3070;
	[smem:$0x7F3] =	sst s10  }
0x3c: {  	s7 =	simm.s32 $0x4E20;
	[dreg:$0x19] =	wrdreg s21;
	s21 =	simm.s32 $0x1DB0  }
0x3d: {  	[tilespmem:s7], [sflag:$0xB] =	stream.linear.gather [hbm4b:s18+s4], $0x3200, $0x38;
	[tilespmem:$0x1E460] =	vst v63  }
0x3e: {  	s6 =	simm.s32 $0xB;
	[smem:$0x7EC] =	sst s21  }
0x3f: {  	_ =	swait.ge [sflag:s6], $0x3200  }
0x40: {  	[sflag:s6] =	ssyncset.done $0x0  }
0x41: {  	s8 =	sadd.s32 s8, s2;
	[sflag:s6] =	ssyncadd.s32 $0xFFFFCE00  }
0x42: {  	[spmem:s8] =	stream.linear.scatter [tilespmem:s7], [sflag:$0xB], $0x3200, $0x38;
	[tilespmem:$0x1E460] =	vst v63  }
0x43: {  	_ =	swait.ge [sflag:s6], $0x3200  }
0x44: {  	[sflag:s6] =	ssyncset.done $0x0  }
0x45: {  	s9 =	sadd.s32 s9, s2;
	[sflag:s6] =	ssyncadd.s32 $0xFFFFCE00  }
0x46: {  	[spmem:s9] =	stream.linear.scatter [tilespmem:s7], [sflag:$0xB], $0x1C20, $0x38;
	[tilespmem:$0x1E460] =	vst v63  }
0x47: {  	_ =	swait.ge [sflag:s6], $0x1C20  }
0x48: {  	s20 =	sshll.u32 s1, $0x6;
	s19 =	rddreg [dreg:$0x6];
	[sflag:s6] =	ssyncset.done $0x0  }
0x49: {  	s10 =	sor.u32 $0x1C0B, s20;
	s12 =	rddreg [dreg:$0xa];
	[sflag:s6] =	ssyncadd.s32 $0xFFFFE3E0  }
0x4a: {  	[spmem:s12], [sflag:s10] =	dma.local [hbm:s19], $0x640  }
0x4b: {  	_ =	swait.ge [sflag:s6], $0x640  }
0x4c: {  	s21 =	rddreg [dreg:$0x7];
	[sflag:s6] =	ssyncset.done $0x0  }
0x4d: {  	s22 =	rddreg [dreg:$0xb];
	[sflag:s6] =	ssyncadd.s32 $0xFFFFF9C0  }
0x4e: {  	[spmem:s22], [sflag:s10] =	dma.local [hbm:s21], $0x384  }
0x4f: {  	_ =	swait.ge [sflag:s6], $0x384  }
0x50: {  	[sflag:s6] =	ssyncset.done $0x0  }
0x51: {  	s23 =	rddreg [dreg:$0x8];
	[sflag:s6] =	ssyncadd.s32 $0xFFFFFC7C  }
0x52: {  	[tilespmem:s4], [sflag:$0xB] =	stream.linear.gather [hbm4b:s23+s4], $0x2710, $0x38;
	[tilespmem:$0x1E460] =	vst v63  }
0x53: {  	_ =	swait.ge [sflag:s6], $0x2710  }
0x54: {  	[sflag:s6] =	ssyncset.done $0x0  }
0x55: {  	s25 =	simm.s32 $0x2710;
	s24 =	rddreg [dreg:$0x9];
	[sflag:s6] =	ssyncadd.s32 $0xFFFFD8F0  }
0x56: {  	[tilespmem:s25], [sflag:$0xB] =	stream.linear.gather [hbm4b:s24+s4], $0x2710, $0x38;
	[tilespmem:$0x1E460] =	vst v63  }
0x57: {  	_ =	swait.ge [sflag:s6], $0x2710  }
0x58: {  	[sflag:s6] =	ssyncset.done $0x0  }
0x59: {  	[sflag:s6] =	ssyncadd.s32 $0xFFFFD8F0  }
0x5a: {  	s12 =	simm.s32 $0x190;
	[bflag:$0x0] =	sbarrier.arrive $0xFFFF  }
0x5b: {  	[tilespmem:s7], [sflag:$0x1] =	stream.indirect.gather [spmem:s3], $0x20, s4, s12, $0xb8;
	[tilespmem:$0x1E460] =	vst v63  }
0x5c: {  	s13 =	simm.s32 $0x8020  }
0x5d: {  	[tilespmem:s13], [sflag:$0x2] =	stream.indirect.gather [spmem:s3], $0x20, s12, s12, $0xb8;
	[tilespmem:$0x1E460] =	vst v63  }
0x5e: {  	s14 =	simm.s32 $0xB220;
	s15 =	rddreg [dreg:$0xc]  }
0x5f: {  	[tilespmem:s14], [sflag:$0x3] =	stream.indirect.gather [spmem:s3], $0x20, s15, s12, $0xb8;
	[tilespmem:$0x1E460] =	vst v63  }
0x60: {  	s16 =	rddreg [dreg:$0xd];
	s15 =	simm.s32 $0xE420  }
0x61: {  	[tilespmem:s15], [sflag:$0x4] =	stream.indirect.gather [spmem:s3], $0x20, s16, s12, $0xb8;
	[tilespmem:$0x1E460] =	vst v63  }
0x62: {  	s17 =	simm.s32 $0x1;
	s18 =	rddreg [dreg:$0xe];
	s16 =	simm.s32 $0x11620  }
0x63: {  	[tilespmem:s16], [sflag:$0x5] =	stream.indirect.gather [hbm4b:s5+s12], $0x20, s18, s12, $0xb8;
	[tilespmem:$0x1E460] =	vst v63  }
0x64: {  	_ =	swait.ge [sflag:s17], $0x3200  }
0x65: {  	[sflag:s17] =	ssyncset.done $0x0  }
0x66: {  	s18 =	simm.s32 $0x2;
	[sflag:s17] =	ssyncadd.s32 $0xFFFFCE00  }
0x67: {  	[spmem:s2] =	stream.indirect.scatter.add.f32 [tilespmem:s7], [sflag:$0x6], $0x20, s25, s12, $0xb8;
	[tilespmem:$0x1E460] =	vst v63  }
0x68: {  	_ =	swait.ge [sflag:s18], $0x3200  }
0x69: {  	[sflag:s18] =	ssyncset.done $0x0  }
0x6a: {  	s19 =	simm.s32 $0x3;
	s20 =	rddreg [dreg:$0xf];
	[sflag:s18] =	ssyncadd.s32 $0xFFFFCE00  }
0x6b: {  	[spmem:s2] =	stream.indirect.scatter.add.f32 [tilespmem:s13], [sflag:$0x7], $0x20, s20, s12, $0xb8;
	[tilespmem:$0x1E460] =	vst v63  }
0x6c: {  	_ =	swait.ge [sflag:s19], $0x3200  }
0x6d: {  	[sflag:s19] =	ssyncset.done $0x0  }
0x6e: {  	s20 =	simm.s32 $0x4;
	s21 =	rddreg [dreg:$0x10];
	[sflag:s19] =	ssyncadd.s32 $0xFFFFCE00  }
0x6f: {  	[spmem:s2] =	stream.indirect.scatter.add.f32 [tilespmem:s14], [sflag:$0x8], $0x20, s21, s12, $0xb8;
	[tilespmem:$0x1E460] =	vst v63  }
0x70: {  	_ =	swait.ge [sflag:s20], $0x3200  }
0x71: {  	[sflag:s20] =	ssyncset.done $0x0  }
0x72: {  	s21 =	simm.s32 $0x5;
	s26 =	rddreg [dreg:$0x11];
	[sflag:s20] =	ssyncadd.s32 $0xFFFFCE00  }
0x73: {  	[spmem:s2] =	stream.indirect.scatter.add.f32 [tilespmem:s15], [sflag:$0x9], $0x20, s26, s12, $0xb8;
	[tilespmem:$0x1E460] =	vst v63  }
0x74: {  	_ =	swait.ge [sflag:s21], $0x3200  }
0x75: {  	[sflag:s21] =	ssyncset.done $0x0  }
0x76: {  	s22 =	rddreg [dreg:$0x12];
	[sflag:s21] =	ssyncadd.s32 $0xFFFFCE00  }
0x77: {  	[spmem:s2] =	stream.indirect.scatter.add.f32 [tilespmem:s16], [sflag:$0xA], $0x20, s22, s12, $0xb8;
	[tilespmem:$0x1E460] =	vst v63  }
0x78: {  	s22 =	simm.s32 $0x6  }
0x79: {  	_ =	swait.ge [sflag:s22], $0x3200  }
0x7a: {  	[sflag:s22] =	ssyncset.done $0x0  }
0x7b: {  	s23 =	rddreg [dreg:$0x13];
	[sflag:s22] =	ssyncadd.s32 $0xFFFFCE00  }
0x7c: {  	[tilespmem:s7], [sflag:$0x1] =	stream.indirect.gather [spmem:s3], $0x20, s23, s12, $0xb8;
	[tilespmem:$0x1E460] =	vst v63  }
0x7d: {  	s23 =	simm.s32 $0x7  }
0x7e: {  	_ =	swait.ge [sflag:s23], $0x3200  }
0x7f: {  	[sflag:s23] =	ssyncset.done $0x0  }
0x80: {  	s24 =	rddreg [dreg:$0x14];
	[sflag:s23] =	ssyncadd.s32 $0xFFFFCE00  }
0x81: {  	[tilespmem:s13], [sflag:$0x2] =	stream.indirect.gather [spmem:s3], $0x20, s24, s12, $0xb8;
	[tilespmem:$0x1E460] =	vst v63  }
0x82: {  	s24 =	simm.s32 $0x8  }
0x83: {  	_ =	swait.ge [sflag:s24], $0x3200  }
0x84: {  	[sflag:s24] =	ssyncset.done $0x0  }
0x85: {  	s25 =	rddreg [dreg:$0x15];
	[sflag:s24] =	ssyncadd.s32 $0xFFFFCE00  }
0x86: {  	[tilespmem:s14], [sflag:$0x3] =	stream.indirect.gather [spmem:s3], $0x20, s25, s12, $0xb8;
	[tilespmem:$0x1E460] =	vst v63  }
0x87: {  	s25 =	simm.s32 $0x9  }
0x88: {  	_ =	swait.ge [sflag:s25], $0x3200  }
0x89: {  	[sflag:s25] =	ssyncset.done $0x0  }
0x8a: {  	s26 =	rddreg [dreg:$0x16];
	[sflag:s25] =	ssyncadd.s32 $0xFFFFCE00  }
0x8b: {  	[tilespmem:s15], [sflag:$0x4] =	stream.indirect.gather [spmem:s3], $0x20, s26, s12, $0xb8;
	[tilespmem:$0x1E460] =	vst v63  }
0x8c: {  	s26 =	simm.s32 $0xA  }
0x8d: {  	_ =	swait.ge [sflag:s26], $0x3200  }
0x8e: {  	[sflag:s26] =	ssyncset.done $0x0  }
0x8f: {  	s31 =	rddreg [dreg:$0x17];
	[sflag:s26] =	ssyncadd.s32 $0xFFFFCE00  }
0x90: {  	[tilespmem:s16], [sflag:$0x5] =	stream.indirect.gather [hbm4b:s5+s12], $0x20, s31, s12, $0xb8;
	[tilespmem:$0x1E460] =	vst v63  }
0x91: {  	_ =	swait.ge [sflag:s17], $0x3200  }
0x92: {  	[sflag:s17] =	ssyncset.done $0x0  }
0x93: {  	s31 =	rddreg [dreg:$0x18];
	[sflag:s17] =	ssyncadd.s32 $0xFFFFCE00  }
0x94: {  	[spmem:s2] =	stream.indirect.scatter.add.f32 [tilespmem:s7], [sflag:$0x6], $0x20, s31, s12, $0xb8;
	[tilespmem:$0x1E460] =	vst v63  }
0x95: {  	_ =	swait.ge [sflag:s18], $0x3200  }
0x96: {  	[sflag:s18] =	ssyncset.done $0x0  }
0x97: {  	s31 =	rddreg [dreg:$0x19];
	[sflag:s18] =	ssyncadd.s32 $0xFFFFCE00  }
0x98: {  	[spmem:s2] =	stream.indirect.scatter.add.f32 [tilespmem:s13], [sflag:$0x7], $0x20, s31, s12, $0xb8;
	[tilespmem:$0x1E460] =	vst v63  }
0x99: {  	_ =	swait.ge [sflag:s19], $0x3200  }
0x9a: {  	[sflag:s19] =	ssyncset.done $0x0  }
0x9b: {  	s31 =	rddreg [dreg:$0x1a];
	[sflag:s19] =	ssyncadd.s32 $0xFFFFCE00  }
0x9c: {  	[spmem:s2] =	stream.indirect.scatter.add.f32 [tilespmem:s14], [sflag:$0x8], $0x20, s31, s12, $0xb8;
	[tilespmem:$0x1E460] =	vst v63  }
0x9d: {  	_ =	swait.ge [sflag:s20], $0x3200  }
0x9e: {  	[sflag:s20] =	ssyncset.done $0x0  }
0x9f: {  	s31 =	rddreg [dreg:$0x1b];
	[sflag:s20] =	ssyncadd.s32 $0xFFFFCE00  }
0xa0: {  	[spmem:s2] =	stream.indirect.scatter.add.f32 [tilespmem:s15], [sflag:$0x9], $0x20, s31, s12, $0xb8;
	[tilespmem:$0x1E460] =	vst v63  }
0xa1: {  	_ =	swait.ge [sflag:s21], $0x3200  }
0xa2: {  	[sflag:s21] =	ssyncset.done $0x0  }
0xa3: {  	s31 =	rddreg [dreg:$0x1c];
	[sflag:s21] =	ssyncadd.s32 $0xFFFFCE00  }
0xa4: {  	[spmem:s2] =	stream.indirect.scatter.add.f32 [tilespmem:s16], [sflag:$0xA], $0x20, s31, s12, $0xb8;
	[tilespmem:$0x1E460] =	vst v63  }
0xa5: {  	_ =	swait.ge [sflag:s22], $0x3200  }
0xa6: {  	[sflag:s22] =	ssyncset.done $0x0  }
0xa7: {  	s31 =	rddreg [dreg:$0x1d];
	[sflag:s22] =	ssyncadd.s32 $0xFFFFCE00  }
0xa8: {  	[tilespmem:s7], [sflag:$0x1] =	stream.indirect.gather [spmem:s3], $0x20, s31, s12, $0xb8;
	[tilespmem:$0x1E460] =	vst v63  }
0xa9: {  	_ =	swait.ge [sflag:s23], $0x3200  }
0xaa: {  	[sflag:s23] =	ssyncset.done $0x0  }
0xab: {  	s31 =	rddreg [dreg:$0x1e];
	[sflag:s23] =	ssyncadd.s32 $0xFFFFCE00  }
0xac: {  	[tilespmem:s13], [sflag:$0x2] =	stream.indirect.gather [spmem:s3], $0x20, s31, s12, $0xb8;
	[tilespmem:$0x1E460] =	vst v63  }
0xad: {  	_ =	swait.ge [sflag:s24], $0x3200  }
0xae: {  	[sflag:s24] =	ssyncset.done $0x0  }
0xaf: {  	s31 =	rddreg [dreg:$0x1f];
	[sflag:s24] =	ssyncadd.s32 $0xFFFFCE00  }
0xb0: {  	[tilespmem:s14], [sflag:$0x3] =	stream.indirect.gather [spmem:s3], $0x20, s31, s12, $0xb8;
	[tilespmem:$0x1E460] =	vst v63  }
0xb1: {  	_ =	swait.ge [sflag:s25], $0x3200  }
0xb2: {  	s31 =	sld [smem:$0x7E1]  }
0xb3: {  	[sflag:s25] =	ssyncset.done $0x0  }
0xb4: {  	[sflag:s25] =	ssyncadd.s32 $0xFFFFCE00  }
0xb5: {  	[tilespmem:s15], [sflag:$0x4] =	stream.indirect.gather [spmem:s3], $0x20, s31, s12, $0xb8;
	[tilespmem:$0x1E460] =	vst v63  }
0xb6: {  	_ =	swait.ge [sflag:s26], $0x3200  }
0xb7: {  	s31 =	sld [smem:$0x7E2]  }
0xb8: {  	[sflag:s26] =	ssyncset.done $0x0  }
0xb9: {  	[sflag:s26] =	ssyncadd.s32 $0xFFFFCE00  }
0xba: {  	[tilespmem:s16], [sflag:$0x5] =	stream.indirect.gather [hbm4b:s5+s12], $0x20, s31, s12, $0xb8;
	[tilespmem:$0x1E460] =	vst v63  }
0xbb: {  	_ =	swait.ge [sflag:s17], $0x3200  }
0xbc: {  	s31 =	sld [smem:$0x7E3]  }
0xbd: {  	[sflag:s17] =	ssyncset.done $0x0  }
0xbe: {  	[sflag:s17] =	ssyncadd.s32 $0xFFFFCE00  }
0xbf: {  	[spmem:s2] =	stream.indirect.scatter.add.f32 [tilespmem:s7], [sflag:$0x6], $0x20, s31, s12, $0xb8;
	[tilespmem:$0x1E460] =	vst v63  }
0xc0: {  	_ =	swait.ge [sflag:s18], $0x3200  }
0xc1: {  	s31 =	sld [smem:$0x7E4]  }
0xc2: {  	[sflag:s18] =	ssyncset.done $0x0  }
0xc3: {  	[sflag:s18] =	ssyncadd.s32 $0xFFFFCE00  }
0xc4: {  	[spmem:s2] =	stream.indirect.scatter.add.f32 [tilespmem:s13], [sflag:$0x7], $0x20, s31, s12, $0xb8;
	[tilespmem:$0x1E460] =	vst v63  }
0xc5: {  	_ =	swait.ge [sflag:s19], $0x3200  }
0xc6: {  	s31 =	sld [smem:$0x7E5]  }
0xc7: {  	[sflag:s19] =	ssyncset.done $0x0  }
0xc8: {  	[sflag:s19] =	ssyncadd.s32 $0xFFFFCE00  }
0xc9: {  	[spmem:s2] =	stream.indirect.scatter.add.f32 [tilespmem:s14], [sflag:$0x8], $0x20, s31, s12, $0xb8;
	[tilespmem:$0x1E460] =	vst v63  }
0xca: {  	_ =	swait.ge [sflag:s20], $0x3200  }
0xcb: {  	s31 =	sld [smem:$0x7E6]  }
0xcc: {  	[sflag:s20] =	ssyncset.done $0x0  }
0xcd: {  	[sflag:s20] =	ssyncadd.s32 $0xFFFFCE00  }
0xce: {  	[spmem:s2] =	stream.indirect.scatter.add.f32 [tilespmem:s15], [sflag:$0x9], $0x20, s31, s12, $0xb8;
	[tilespmem:$0x1E460] =	vst v63  }
0xcf: {  	_ =	swait.ge [sflag:s21], $0x3200  }
0xd0: {  	s31 =	sld [smem:$0x7E7]  }
0xd1: {  	[sflag:s21] =	ssyncset.done $0x0  }
0xd2: {  	[sflag:s21] =	ssyncadd.s32 $0xFFFFCE00  }
0xd3: {  	[spmem:s2] =	stream.indirect.scatter.add.f32 [tilespmem:s16], [sflag:$0xA], $0x20, s31, s12, $0xb8;
	[tilespmem:$0x1E460] =	vst v63  }
0xd4: {  	_ =	swait.ge [sflag:s22], $0x3200  }
0xd5: {  	s31 =	sld [smem:$0x7E8]  }
0xd6: {  	[sflag:s22] =	ssyncset.done $0x0  }
0xd7: {  	[sflag:s22] =	ssyncadd.s32 $0xFFFFCE00  }
0xd8: {  	[tilespmem:s7], [sflag:$0x1] =	stream.indirect.gather [spmem:s3], $0x20, s31, s12, $0xb8;
	[tilespmem:$0x1E460] =	vst v63  }
0xd9: {  	_ =	swait.ge [sflag:s23], $0x3200  }
0xda: {  	s31 =	sld [smem:$0x7E9]  }
0xdb: {  	[sflag:s23] =	ssyncset.done $0x0  }
0xdc: {  	[sflag:s23] =	ssyncadd.s32 $0xFFFFCE00  }
0xdd: {  	[tilespmem:s13], [sflag:$0x2] =	stream.indirect.gather [spmem:s3], $0x20, s31, s12, $0xb8;
	[tilespmem:$0x1E460] =	vst v63  }
0xde: {  	_ =	swait.ge [sflag:s24], $0x3200  }
0xdf: {  	s31 =	sld [smem:$0x7EA]  }
0xe0: {  	[sflag:s24] =	ssyncset.done $0x0  }
0xe1: {  	[sflag:s24] =	ssyncadd.s32 $0xFFFFCE00  }
0xe2: {  	[tilespmem:s14], [sflag:$0x3] =	stream.indirect.gather [spmem:s3], $0x20, s31, s12, $0xb8;
	[tilespmem:$0x1E460] =	vst v63  }
0xe3: {  	_ =	swait.ge [sflag:s25], $0x3200  }
0xe4: {  	s31 =	sld [smem:$0x7EB]  }
0xe5: {  	[sflag:s25] =	ssyncset.done $0x0  }
0xe6: {  	[sflag:s25] =	ssyncadd.s32 $0xFFFFCE00  }
0xe7: {  	[tilespmem:s15], [sflag:$0x4] =	stream.indirect.gather [spmem:s3], $0x20, s31, s12, $0xb8;
	[tilespmem:$0x1E460] =	vst v63  }
0xe8: {  	_ =	swait.ge [sflag:s26], $0x3200  }
0xe9: {  	s31 =	sld [smem:$0x7EC]  }
0xea: {  	[sflag:s26] =	ssyncset.done $0x0  }
0xeb: {  	[sflag:s26] =	ssyncadd.s32 $0xFFFFCE00  }
0xec: {  	[tilespmem:s16], [sflag:$0x5] =	stream.indirect.gather [hbm4b:s5+s12], $0x20, s31, s12, $0xb8;
	[tilespmem:$0x1E460] =	vst v63  }
0xed: {  	_ =	swait.ge [sflag:s17], $0x3200  }
0xee: {  	s31 =	sld [smem:$0x7ED]  }
0xef: {  	[sflag:s17] =	ssyncset.done $0x0  }
0xf0: {  	[sflag:s17] =	ssyncadd.s32 $0xFFFFCE00  }
0xf1: {  	[spmem:s2] =	stream.indirect.scatter.add.f32 [tilespmem:s7], [sflag:$0x6], $0x20, s31, s12, $0xb8;
	[tilespmem:$0x1E460] =	vst v63  }
0xf2: {  	_ =	swait.ge [sflag:s18], $0x3200  }
0xf3: {  	s31 =	sld [smem:$0x7EE]  }
0xf4: {  	[sflag:s18] =	ssyncset.done $0x0  }
0xf5: {  	[sflag:s18] =	ssyncadd.s32 $0xFFFFCE00  }
0xf6: {  	[spmem:s2] =	stream.indirect.scatter.add.f32 [tilespmem:s13], [sflag:$0x7], $0x20, s31, s12, $0xb8;
	[tilespmem:$0x1E460] =	vst v63  }
0xf7: {  	_ =	swait.ge [sflag:s19], $0x3200  }
0xf8: {  	s31 =	sld [smem:$0x7EF]  }
0xf9: {  	[sflag:s19] =	ssyncset.done $0x0  }
0xfa: {  	[sflag:s19] =	ssyncadd.s32 $0xFFFFCE00  }
0xfb: {  	[spmem:s2] =	stream.indirect.scatter.add.f32 [tilespmem:s14], [sflag:$0x8], $0x20, s31, s12, $0xb8;
	[tilespmem:$0x1E460] =	vst v63  }
0xfc: {  	_ =	swait.ge [sflag:s20], $0x3200  }
0xfd: {  	s31 =	sld [smem:$0x7F0]  }
0xfe: {  	[sflag:s20] =	ssyncset.done $0x0  }
0xff: {  	[sflag:s20] =	ssyncadd.s32 $0xFFFFCE00  }
0x100: {  	[spmem:s2] =	stream.indirect.scatter.add.f32 [tilespmem:s15], [sflag:$0x9], $0x20, s31, s12, $0xb8;
	[tilespmem:$0x1E460] =	vst v63  }
0x101: {  	_ =	swait.ge [sflag:s21], $0x3200  }
0x102: {  	s31 =	sld [smem:$0x7F1]  }
0x103: {  	[sflag:s21] =	ssyncset.done $0x0  }
0x104: {  	[sflag:s21] =	ssyncadd.s32 $0xFFFFCE00  }
0x105: {  	[spmem:s2] =	stream.indirect.scatter.add.f32 [tilespmem:s16], [sflag:$0xA], $0x20, s31, s12, $0xb8;
	[tilespmem:$0x1E460] =	vst v63  }
0x106: {  	_ =	swait.ge [sflag:s22], $0x3200  }
0x107: {  	s31 =	sld [smem:$0x7F2]  }
0x108: {  	[sflag:s22] =	ssyncset.done $0x0  }
0x109: {  	[sflag:s22] =	ssyncadd.s32 $0xFFFFCE00  }
0x10a: {  	[tilespmem:s7], [sflag:$0x1] =	stream.indirect.gather [spmem:s3], $0x20, s31, s12, $0xb8;
	[tilespmem:$0x1E460] =	vst v63  }
0x10b: {  	_ =	swait.ge [sflag:s23], $0x3200  }
0x10c: {  	s31 =	sld [smem:$0x7F3]  }
0x10d: {  	[sflag:s23] =	ssyncset.done $0x0  }
0x10e: {  	[sflag:s23] =	ssyncadd.s32 $0xFFFFCE00  }
0x10f: {  	[tilespmem:s13], [sflag:$0x2] =	stream.indirect.gather [spmem:s3], $0x20, s31, s12, $0xb8;
	[tilespmem:$0x1E460] =	vst v63  }
0x110: {  	_ =	swait.ge [sflag:s24], $0x3200  }
0x111: {  	s31 =	sld [smem:$0x7F4]  }
0x112: {  	[sflag:s24] =	ssyncset.done $0x0  }
0x113: {  	[sflag:s24] =	ssyncadd.s32 $0xFFFFCE00  }
0x114: {  	[tilespmem:s14], [sflag:$0x3] =	stream.indirect.gather [spmem:s3], $0x20, s31, s12, $0xb8;
	[tilespmem:$0x1E460] =	vst v63  }
0x115: {  	_ =	swait.ge [sflag:s25], $0x3200  }
0x116: {  	s31 =	sld [smem:$0x7F5]  }
0x117: {  	[sflag:s25] =	ssyncset.done $0x0  }
0x118: {  	[sflag:s25] =	ssyncadd.s32 $0xFFFFCE00  }
0x119: {  	[tilespmem:s15], [sflag:$0x4] =	stream.indirect.gather [spmem:s3], $0x20, s31, s12, $0xb8;
	[tilespmem:$0x1E460] =	vst v63  }
0x11a: {  	_ =	swait.ge [sflag:s26], $0x3200  }
0x11b: {  	s31 =	sld [smem:$0x7F6]  }
0x11c: {  	[sflag:s26] =	ssyncset.done $0x0  }
0x11d: {  	[sflag:s26] =	ssyncadd.s32 $0xFFFFCE00  }
0x11e: {  	[tilespmem:s16], [sflag:$0x5] =	stream.indirect.gather [hbm4b:s5+s12], $0x20, s31, s12, $0xb8;
	[tilespmem:$0x1E460] =	vst v63  }
0x11f: {  	_ =	swait.ge [sflag:s17], $0x3200  }
0x120: {  	s31 =	sld [smem:$0x7F7]  }
0x121: {  	[sflag:s17] =	ssyncset.done $0x0  }
0x122: {  	[sflag:s17] =	ssyncadd.s32 $0xFFFFCE00  }
0x123: {  	[spmem:s2] =	stream.indirect.scatter.add.f32 [tilespmem:s7], [sflag:$0x6], $0x20, s31, s12, $0xb8;
	[tilespmem:$0x1E460] =	vst v63  }
0x124: {  	_ =	swait.ge [sflag:s18], $0x3200  }
0x125: {  	s31 =	sld [smem:$0x7F8]  }
0x126: {  	[sflag:s18] =	ssyncset.done $0x0  }
0x127: {  	[sflag:s18] =	ssyncadd.s32 $0xFFFFCE00  }
0x128: {  	[spmem:s2] =	stream.indirect.scatter.add.f32 [tilespmem:s13], [sflag:$0x7], $0x20, s31, s12, $0xb8;
	[tilespmem:$0x1E460] =	vst v63  }
0x129: {  	_ =	swait.ge [sflag:s19], $0x3200  }
0x12a: {  	s31 =	sld [smem:$0x7F9]  }
0x12b: {  	[sflag:s19] =	ssyncset.done $0x0  }
0x12c: {  	[sflag:s19] =	ssyncadd.s32 $0xFFFFCE00  }
0x12d: {  	[spmem:s2] =	stream.indirect.scatter.add.f32 [tilespmem:s14], [sflag:$0x8], $0x20, s31, s12, $0xb8;
	[tilespmem:$0x1E460] =	vst v63  }
0x12e: {  	_ =	swait.ge [sflag:s20], $0x3200  }
0x12f: {  	s31 =	sld [smem:$0x7FA]  }
0x130: {  	[sflag:s20] =	ssyncset.done $0x0  }
0x131: {  	[sflag:s20] =	ssyncadd.s32 $0xFFFFCE00  }
0x132: {  	[spmem:s2] =	stream.indirect.scatter.add.f32 [tilespmem:s15], [sflag:$0x9], $0x20, s31, s12, $0xb8;
	[tilespmem:$0x1E460] =	vst v63  }
0x133: {  	_ =	swait.ge [sflag:s21], $0x3200  }
0x134: {  	s31 =	sld [smem:$0x7FB]  }
0x135: {  	[sflag:s21] =	ssyncset.done $0x0  }
0x136: {  	[sflag:s21] =	ssyncadd.s32 $0xFFFFCE00  }
0x137: {  	[spmem:s2] =	stream.indirect.scatter.add.f32 [tilespmem:s16], [sflag:$0xA], $0x20, s31, s12, $0xb8;
	[tilespmem:$0x1E460] =	vst v63  }
0x138: {  	_ =	swait.ge [sflag:s22], $0x3200  }
0x139: {  	[sflag:s22] =	ssyncset.done $0x0  }
0x13a: {  	[sflag:s22] =	ssyncadd.s32 $0xFFFFCE00  }
0x13b: {  	_ =	swait.ge [sflag:s23], $0x3200  }
0x13c: {  	[sflag:s23] =	ssyncset.done $0x0  }
0x13d: {  	[sflag:s23] =	ssyncadd.s32 $0xFFFFCE00  }
0x13e: {  	_ =	swait.ge [sflag:s24], $0x3200  }
0x13f: {  	[sflag:s24] =	ssyncset.done $0x0  }
0x140: {  	[sflag:s24] =	ssyncadd.s32 $0xFFFFCE00  }
0x141: {  	_ =	swait.ge [sflag:s25], $0x3200  }
0x142: {  	[sflag:s25] =	ssyncset.done $0x0  }
0x143: {  	s31 =	smul.u32 $0x9C40, s28;
	[sflag:s25] =	ssyncadd.s32 $0xFFFFCE00  }
0x144: {  	_ =	swait.ge [sflag:s26], $0x3200  }
0x145: {  	s28 =	ssub.s32 $0x2, s28;
	s0 =	sadd.s32 s31, s0;
	[sflag:s26] =	ssyncset.done $0x0  }
0x146: {  	s31 =	sshrl.u32 s28, $0x1;
	s0 =	sadd.s32 $0x1F600, s0;
	[sflag:s26] =	ssyncadd.s32 $0xFFFFCE00  }
0x147: {  	s11 =	ssub.s32 s28, s31;
	s28 =	sadd.s32 s30, s0;
	[bflag:$0x0] =	sbarrier.arrive $0xFFFF  }
0x148: {  	s11 =	smax.u32 s11, $0x1;
	[smem:$0x7FC] =	sst s8;
	s8 =	sshrl.u32 s8, $0x3  }
0x149: {  	[hbm:s28], [sflag:s10] =	dma.local [spmem:s8], $0x640  }
0x14a: {  	p0 =	sne.s32 s11, $0x1;
	_ =	swait.ge [sflag:s6], $0x640  }
.Ltmp0:
0x14b: {  	s29 =	smov.u32 s28;
	s28 =	sld [smem:$0x7FD];
	(pc) =	sbr.rel @!p0 .LBB2_3-.Ltmp0, $4  }
0x14c: {  	_ = 	snop  }
0x14d: {  	[sflag:s6] =	ssyncset.done $0x0  }
0x14e: {  	s31 =	smov.u32 s8;
	[sflag:s6] =	ssyncadd.s32 $0xFFFFF9C0;
	s30 =	sadd.s32 s28, s0  }
0x14f: {  	s0 =	sadd.s32 $0xFFFFFFFF, s11;
	s11 =	smov.u32 s9;
	s9 =	sshrl.u32 s9, $0x3  }
0x150: {  	s28 =	simm.s32 $0x2710  }
.LBB2_2:
0x151: {  	[hbm:s30], [sflag:s10] =	dma.local [spmem:s9], $0x384  }
0x152: {  	_ =	swait.ge [sflag:s6], $0x384  }
0x153: {  	[sflag:s6] =	ssyncset.done $0x0  }
0x154: {  	s1 =	rddreg [dreg:$0x5];
	[sflag:s6] =	ssyncadd.s32 $0xFFFFFC7C  }
0x155: {  	[tilespmem:s7], [sflag:$0xB] =	stream.linear.gather [hbm4b:s1+s4], $0x3200, $0x38;
	[tilespmem:$0x1E460] =	vst v63  }
0x156: {  	_ =	swait.ge [sflag:s6], $0x3200  }
0x157: {  	s8 =	sld [smem:$0x7FC]  }
0x158: {  	[sflag:s6] =	ssyncset.done $0x0  }
0x159: {  	[sflag:s6] =	ssyncadd.s32 $0xFFFFCE00  }
0x15a: {  	[spmem:s8] =	stream.linear.scatter [tilespmem:s7], [sflag:$0xB], $0x3200, $0x38;
	[tilespmem:$0x1E460] =	vst v63  }
0x15b: {  	_ =	swait.ge [sflag:s6], $0x3200  }
0x15c: {  	[sflag:s6] =	ssyncset.done $0x0  }
0x15d: {  	[sflag:s6] =	ssyncadd.s32 $0xFFFFCE00  }
0x15e: {  	[spmem:s11] =	stream.linear.scatter [tilespmem:s7], [sflag:$0xB], $0x1C20, $0x38;
	[tilespmem:$0x1E460] =	vst v63  }
0x15f: {  	_ =	swait.ge [sflag:s6], $0x1C20  }
0x160: {  	[sflag:s6] =	ssyncset.done $0x0;
	s1 =	rddreg [dreg:$0x6]  }
0x161: {  	s8 =	rddreg [dreg:$0xa];
	[sflag:s6] =	ssyncadd.s32 $0xFFFFE3E0  }
0x162: {  	[spmem:s8], [sflag:s10] =	dma.local [hbm:s1], $0x640  }
0x163: {  	_ =	swait.ge [sflag:s6], $0x640  }
0x164: {  	[sflag:s6] =	ssyncset.done $0x0;
	s1 =	rddreg [dreg:$0x7]  }
0x165: {  	s8 =	rddreg [dreg:$0xb];
	[sflag:s6] =	ssyncadd.s32 $0xFFFFF9C0  }
0x166: {  	[spmem:s8], [sflag:s10] =	dma.local [hbm:s1], $0x384  }
0x167: {  	_ =	swait.ge [sflag:s6], $0x384  }
0x168: {  	[sflag:s6] =	ssyncset.done $0x0  }
0x169: {  	s8 =	rddreg [dreg:$0x8];
	[sflag:s6] =	ssyncadd.s32 $0xFFFFFC7C  }
0x16a: {  	[tilespmem:s4], [sflag:$0xB] =	stream.linear.gather [hbm4b:s8+s4], $0x2710, $0x38;
	[tilespmem:$0x1E460] =	vst v63  }
0x16b: {  	_ =	swait.ge [sflag:s6], $0x2710  }
0x16c: {  	[sflag:s6] =	ssyncset.done $0x0  }
0x16d: {  	s8 =	rddreg [dreg:$0x9];
	[sflag:s6] =	ssyncadd.s32 $0xFFFFD8F0  }
0x16e: {  	[tilespmem:s28], [sflag:$0xB] =	stream.linear.gather [hbm4b:s8+s4], $0x2710, $0x38;
	[tilespmem:$0x1E460] =	vst v63  }
0x16f: {  	_ =	swait.ge [sflag:s6], $0x2710  }
0x170: {  	[sflag:s6] =	ssyncset.done $0x0  }
0x171: {  	[sflag:s6] =	ssyncadd.s32 $0xFFFFD8F0  }
0x172: {  	[bflag:$0x0] =	sbarrier.arrive $0xFFFF  }
0x173: {  	[tilespmem:s7], [sflag:$0x1] =	stream.indirect.gather [spmem:s3], $0x20, s4, s12, $0xb8;
	[tilespmem:$0x1E460] =	vst v63  }
0x174: {  	_ = 	snop  }
0x175: {  	[tilespmem:s13], [sflag:$0x2] =	stream.indirect.gather [spmem:s3], $0x20, s12, s12, $0xb8;
	[tilespmem:$0x1E460] =	vst v63  }
0x176: {  	s1 =	rddreg [dreg:$0xc]  }
0x177: {  	[tilespmem:s14], [sflag:$0x3] =	stream.indirect.gather [spmem:s3], $0x20, s1, s12, $0xb8;
	[tilespmem:$0x1E460] =	vst v63  }
0x178: {  	s8 =	rddreg [dreg:$0xd]  }
0x179: {  	[tilespmem:s15], [sflag:$0x4] =	stream.indirect.gather [spmem:s3], $0x20, s8, s12, $0xb8;
	[tilespmem:$0x1E460] =	vst v63  }
0x17a: {  	s1 =	rddreg [dreg:$0xe]  }
0x17b: {  	[tilespmem:s16], [sflag:$0x5] =	stream.indirect.gather [hbm4b:s5+s12], $0x20, s1, s12, $0xb8;
	[tilespmem:$0x1E460] =	vst v63  }
0x17c: {  	_ =	swait.ge [sflag:s17], $0x3200  }
0x17d: {  	[sflag:s17] =	ssyncset.done $0x0  }
0x17e: {  	[sflag:s17] =	ssyncadd.s32 $0xFFFFCE00  }
0x17f: {  	[spmem:s2] =	stream.indirect.scatter.add.f32 [tilespmem:s7], [sflag:$0x6], $0x20, s28, s12, $0xb8;
	[tilespmem:$0x1E460] =	vst v63  }
0x180: {  	_ =	swait.ge [sflag:s18], $0x3200  }
0x181: {  	[sflag:s18] =	ssyncset.done $0x0  }
0x182: {  	s8 =	rddreg [dreg:$0xf];
	[sflag:s18] =	ssyncadd.s32 $0xFFFFCE00  }
0x183: {  	[spmem:s2] =	stream.indirect.scatter.add.f32 [tilespmem:s13], [sflag:$0x7], $0x20, s8, s12, $0xb8;
	[tilespmem:$0x1E460] =	vst v63  }
0x184: {  	_ =	swait.ge [sflag:s19], $0x3200  }
0x185: {  	[sflag:s19] =	ssyncset.done $0x0  }
0x186: {  	s8 =	rddreg [dreg:$0x10];
	[sflag:s19] =	ssyncadd.s32 $0xFFFFCE00  }
0x187: {  	[spmem:s2] =	stream.indirect.scatter.add.f32 [tilespmem:s14], [sflag:$0x8], $0x20, s8, s12, $0xb8;
	[tilespmem:$0x1E460] =	vst v63  }
0x188: {  	_ =	swait.ge [sflag:s20], $0x3200  }
0x189: {  	[sflag:s20] =	ssyncset.done $0x0  }
0x18a: {  	s8 =	rddreg [dreg:$0x11];
	[sflag:s20] =	ssyncadd.s32 $0xFFFFCE00  }
0x18b: {  	[spmem:s2] =	stream.indirect.scatter.add.f32 [tilespmem:s15], [sflag:$0x9], $0x20, s8, s12, $0xb8;
	[tilespmem:$0x1E460] =	vst v63  }
0x18c: {  	_ =	swait.ge [sflag:s21], $0x3200  }
0x18d: {  	[sflag:s21] =	ssyncset.done $0x0  }
0x18e: {  	s8 =	rddreg [dreg:$0x12];
	[sflag:s21] =	ssyncadd.s32 $0xFFFFCE00  }
0x18f: {  	[spmem:s2] =	stream.indirect.scatter.add.f32 [tilespmem:s16], [sflag:$0xA], $0x20, s8, s12, $0xb8;
	[tilespmem:$0x1E460] =	vst v63  }
0x190: {  	_ =	swait.ge [sflag:s22], $0x3200  }
0x191: {  	[sflag:s22] =	ssyncset.done $0x0  }
0x192: {  	s8 =	rddreg [dreg:$0x13];
	[sflag:s22] =	ssyncadd.s32 $0xFFFFCE00  }
0x193: {  	[tilespmem:s7], [sflag:$0x1] =	stream.indirect.gather [spmem:s3], $0x20, s8, s12, $0xb8;
	[tilespmem:$0x1E460] =	vst v63  }
0x194: {  	_ =	swait.ge [sflag:s23], $0x3200  }
0x195: {  	[sflag:s23] =	ssyncset.done $0x0  }
0x196: {  	s8 =	rddreg [dreg:$0x14];
	[sflag:s23] =	ssyncadd.s32 $0xFFFFCE00  }
0x197: {  	[tilespmem:s13], [sflag:$0x2] =	stream.indirect.gather [spmem:s3], $0x20, s8, s12, $0xb8;
	[tilespmem:$0x1E460] =	vst v63  }
0x198: {  	_ =	swait.ge [sflag:s24], $0x3200  }
0x199: {  	[sflag:s24] =	ssyncset.done $0x0  }
0x19a: {  	s8 =	rddreg [dreg:$0x15];
	[sflag:s24] =	ssyncadd.s32 $0xFFFFCE00  }
0x19b: {  	[tilespmem:s14], [sflag:$0x3] =	stream.indirect.gather [spmem:s3], $0x20, s8, s12, $0xb8;
	[tilespmem:$0x1E460] =	vst v63  }
0x19c: {  	_ =	swait.ge [sflag:s25], $0x3200  }
0x19d: {  	[sflag:s25] =	ssyncset.done $0x0  }
0x19e: {  	s8 =	rddreg [dreg:$0x16];
	[sflag:s25] =	ssyncadd.s32 $0xFFFFCE00  }
0x19f: {  	[tilespmem:s15], [sflag:$0x4] =	stream.indirect.gather [spmem:s3], $0x20, s8, s12, $0xb8;
	[tilespmem:$0x1E460] =	vst v63  }
0x1a0: {  	_ =	swait.ge [sflag:s26], $0x3200  }
0x1a1: {  	[sflag:s26] =	ssyncset.done $0x0  }
0x1a2: {  	s8 =	rddreg [dreg:$0x17];
	[sflag:s26] =	ssyncadd.s32 $0xFFFFCE00  }
0x1a3: {  	[tilespmem:s16], [sflag:$0x5] =	stream.indirect.gather [hbm4b:s5+s12], $0x20, s8, s12, $0xb8;
	[tilespmem:$0x1E460] =	vst v63  }
0x1a4: {  	_ =	swait.ge [sflag:s17], $0x3200  }
0x1a5: {  	[sflag:s17] =	ssyncset.done $0x0  }
0x1a6: {  	s8 =	rddreg [dreg:$0x18];
	[sflag:s17] =	ssyncadd.s32 $0xFFFFCE00  }
0x1a7: {  	[spmem:s2] =	stream.indirect.scatter.add.f32 [tilespmem:s7], [sflag:$0x6], $0x20, s8, s12, $0xb8;
	[tilespmem:$0x1E460] =	vst v63  }
0x1a8: {  	_ =	swait.ge [sflag:s18], $0x3200  }
0x1a9: {  	[sflag:s18] =	ssyncset.done $0x0  }
0x1aa: {  	s8 =	rddreg [dreg:$0x19];
	[sflag:s18] =	ssyncadd.s32 $0xFFFFCE00  }
0x1ab: {  	[spmem:s2] =	stream.indirect.scatter.add.f32 [tilespmem:s13], [sflag:$0x7], $0x20, s8, s12, $0xb8;
	[tilespmem:$0x1E460] =	vst v63  }
0x1ac: {  	_ =	swait.ge [sflag:s19], $0x3200  }
0x1ad: {  	[sflag:s19] =	ssyncset.done $0x0  }
0x1ae: {  	s8 =	rddreg [dreg:$0x1a];
	[sflag:s19] =	ssyncadd.s32 $0xFFFFCE00  }
0x1af: {  	[spmem:s2] =	stream.indirect.scatter.add.f32 [tilespmem:s14], [sflag:$0x8], $0x20, s8, s12, $0xb8;
	[tilespmem:$0x1E460] =	vst v63  }
0x1b0: {  	_ =	swait.ge [sflag:s20], $0x3200  }
0x1b1: {  	[sflag:s20] =	ssyncset.done $0x0  }
0x1b2: {  	s8 =	rddreg [dreg:$0x1b];
	[sflag:s20] =	ssyncadd.s32 $0xFFFFCE00  }
0x1b3: {  	[spmem:s2] =	stream.indirect.scatter.add.f32 [tilespmem:s15], [sflag:$0x9], $0x20, s8, s12, $0xb8;
	[tilespmem:$0x1E460] =	vst v63  }
0x1b4: {  	_ =	swait.ge [sflag:s21], $0x3200  }
0x1b5: {  	[sflag:s21] =	ssyncset.done $0x0  }
0x1b6: {  	s8 =	rddreg [dreg:$0x1c];
	[sflag:s21] =	ssyncadd.s32 $0xFFFFCE00  }
0x1b7: {  	[spmem:s2] =	stream.indirect.scatter.add.f32 [tilespmem:s16], [sflag:$0xA], $0x20, s8, s12, $0xb8;
	[tilespmem:$0x1E460] =	vst v63  }
0x1b8: {  	_ =	swait.ge [sflag:s22], $0x3200  }
0x1b9: {  	[sflag:s22] =	ssyncset.done $0x0  }
0x1ba: {  	s8 =	rddreg [dreg:$0x1d];
	[sflag:s22] =	ssyncadd.s32 $0xFFFFCE00  }
0x1bb: {  	[tilespmem:s7], [sflag:$0x1] =	stream.indirect.gather [spmem:s3], $0x20, s8, s12, $0xb8;
	[tilespmem:$0x1E460] =	vst v63  }
0x1bc: {  	_ =	swait.ge [sflag:s23], $0x3200  }
0x1bd: {  	[sflag:s23] =	ssyncset.done $0x0  }
0x1be: {  	s8 =	rddreg [dreg:$0x1e];
	[sflag:s23] =	ssyncadd.s32 $0xFFFFCE00  }
0x1bf: {  	[tilespmem:s13], [sflag:$0x2] =	stream.indirect.gather [spmem:s3], $0x20, s8, s12, $0xb8;
	[tilespmem:$0x1E460] =	vst v63  }
0x1c0: {  	_ =	swait.ge [sflag:s24], $0x3200  }
0x1c1: {  	[sflag:s24] =	ssyncset.done $0x0  }
0x1c2: {  	s8 =	rddreg [dreg:$0x1f];
	[sflag:s24] =	ssyncadd.s32 $0xFFFFCE00  }
0x1c3: {  	[tilespmem:s14], [sflag:$0x3] =	stream.indirect.gather [spmem:s3], $0x20, s8, s12, $0xb8;
	[tilespmem:$0x1E460] =	vst v63  }
0x1c4: {  	_ =	swait.ge [sflag:s25], $0x3200  }
0x1c5: {  	s8 =	sld [smem:$0x7E1]  }
0x1c6: {  	[sflag:s25] =	ssyncset.done $0x0  }
0x1c7: {  	[sflag:s25] =	ssyncadd.s32 $0xFFFFCE00  }
0x1c8: {  	[tilespmem:s15], [sflag:$0x4] =	stream.indirect.gather [spmem:s3], $0x20, s8, s12, $0xb8;
	[tilespmem:$0x1E460] =	vst v63  }
0x1c9: {  	_ =	swait.ge [sflag:s26], $0x3200  }
0x1ca: {  	s8 =	sld [smem:$0x7E2]  }
0x1cb: {  	[sflag:s26] =	ssyncset.done $0x0  }
0x1cc: {  	[sflag:s26] =	ssyncadd.s32 $0xFFFFCE00  }
0x1cd: {  	[tilespmem:s16], [sflag:$0x5] =	stream.indirect.gather [hbm4b:s5+s12], $0x20, s8, s12, $0xb8;
	[tilespmem:$0x1E460] =	vst v63  }
0x1ce: {  	_ =	swait.ge [sflag:s17], $0x3200  }
0x1cf: {  	s8 =	sld [smem:$0x7E3]  }
0x1d0: {  	[sflag:s17] =	ssyncset.done $0x0  }
0x1d1: {  	[sflag:s17] =	ssyncadd.s32 $0xFFFFCE00  }
0x1d2: {  	[spmem:s2] =	stream.indirect.scatter.add.f32 [tilespmem:s7], [sflag:$0x6], $0x20, s8, s12, $0xb8;
	[tilespmem:$0x1E460] =	vst v63  }
0x1d3: {  	_ =	swait.ge [sflag:s18], $0x3200  }
0x1d4: {  	s8 =	sld [smem:$0x7E4]  }
0x1d5: {  	[sflag:s18] =	ssyncset.done $0x0  }
0x1d6: {  	[sflag:s18] =	ssyncadd.s32 $0xFFFFCE00  }
0x1d7: {  	[spmem:s2] =	stream.indirect.scatter.add.f32 [tilespmem:s13], [sflag:$0x7], $0x20, s8, s12, $0xb8;
	[tilespmem:$0x1E460] =	vst v63  }
0x1d8: {  	_ =	swait.ge [sflag:s19], $0x3200  }
0x1d9: {  	s8 =	sld [smem:$0x7E5]  }
0x1da: {  	[sflag:s19] =	ssyncset.done $0x0  }
0x1db: {  	[sflag:s19] =	ssyncadd.s32 $0xFFFFCE00  }
0x1dc: {  	[spmem:s2] =	stream.indirect.scatter.add.f32 [tilespmem:s14], [sflag:$0x8], $0x20, s8, s12, $0xb8;
	[tilespmem:$0x1E460] =	vst v63  }
0x1dd: {  	_ =	swait.ge [sflag:s20], $0x3200  }
0x1de: {  	s8 =	sld [smem:$0x7E6]  }
0x1df: {  	[sflag:s20] =	ssyncset.done $0x0  }
0x1e0: {  	[sflag:s20] =	ssyncadd.s32 $0xFFFFCE00  }
0x1e1: {  	[spmem:s2] =	stream.indirect.scatter.add.f32 [tilespmem:s15], [sflag:$0x9], $0x20, s8, s12, $0xb8;
	[tilespmem:$0x1E460] =	vst v63  }
0x1e2: {  	_ =	swait.ge [sflag:s21], $0x3200  }
0x1e3: {  	s8 =	sld [smem:$0x7E7]  }
0x1e4: {  	[sflag:s21] =	ssyncset.done $0x0  }
0x1e5: {  	[sflag:s21] =	ssyncadd.s32 $0xFFFFCE00  }
0x1e6: {  	[spmem:s2] =	stream.indirect.scatter.add.f32 [tilespmem:s16], [sflag:$0xA], $0x20, s8, s12, $0xb8;
	[tilespmem:$0x1E460] =	vst v63  }
0x1e7: {  	_ =	swait.ge [sflag:s22], $0x3200  }
0x1e8: {  	s8 =	sld [smem:$0x7E8]  }
0x1e9: {  	[sflag:s22] =	ssyncset.done $0x0  }
0x1ea: {  	[sflag:s22] =	ssyncadd.s32 $0xFFFFCE00  }
0x1eb: {  	[tilespmem:s7], [sflag:$0x1] =	stream.indirect.gather [spmem:s3], $0x20, s8, s12, $0xb8;
	[tilespmem:$0x1E460] =	vst v63  }
0x1ec: {  	_ =	swait.ge [sflag:s23], $0x3200  }
0x1ed: {  	s8 =	sld [smem:$0x7E9]  }
0x1ee: {  	[sflag:s23] =	ssyncset.done $0x0  }
0x1ef: {  	[sflag:s23] =	ssyncadd.s32 $0xFFFFCE00  }
0x1f0: {  	[tilespmem:s13], [sflag:$0x2] =	stream.indirect.gather [spmem:s3], $0x20, s8, s12, $0xb8;
	[tilespmem:$0x1E460] =	vst v63  }
0x1f1: {  	_ =	swait.ge [sflag:s24], $0x3200  }
0x1f2: {  	s8 =	sld [smem:$0x7EA]  }
0x1f3: {  	[sflag:s24] =	ssyncset.done $0x0  }
0x1f4: {  	[sflag:s24] =	ssyncadd.s32 $0xFFFFCE00  }
0x1f5: {  	[tilespmem:s14], [sflag:$0x3] =	stream.indirect.gather [spmem:s3], $0x20, s8, s12, $0xb8;
	[tilespmem:$0x1E460] =	vst v63  }
0x1f6: {  	_ =	swait.ge [sflag:s25], $0x3200  }
0x1f7: {  	s8 =	sld [smem:$0x7EB]  }
0x1f8: {  	[sflag:s25] =	ssyncset.done $0x0  }
0x1f9: {  	[sflag:s25] =	ssyncadd.s32 $0xFFFFCE00  }
0x1fa: {  	[tilespmem:s15], [sflag:$0x4] =	stream.indirect.gather [spmem:s3], $0x20, s8, s12, $0xb8;
	[tilespmem:$0x1E460] =	vst v63  }
0x1fb: {  	_ =	swait.ge [sflag:s26], $0x3200  }
0x1fc: {  	s8 =	sld [smem:$0x7EC]  }
0x1fd: {  	[sflag:s26] =	ssyncset.done $0x0  }
0x1fe: {  	[sflag:s26] =	ssyncadd.s32 $0xFFFFCE00  }
0x1ff: {  	[tilespmem:s16], [sflag:$0x5] =	stream.indirect.gather [hbm4b:s5+s12], $0x20, s8, s12, $0xb8;
	[tilespmem:$0x1E460] =	vst v63  }
0x200: {  	_ =	swait.ge [sflag:s17], $0x3200  }
0x201: {  	s8 =	sld [smem:$0x7ED]  }
0x202: {  	[sflag:s17] =	ssyncset.done $0x0  }
0x203: {  	[sflag:s17] =	ssyncadd.s32 $0xFFFFCE00  }
0x204: {  	[spmem:s2] =	stream.indirect.scatter.add.f32 [tilespmem:s7], [sflag:$0x6], $0x20, s8, s12, $0xb8;
	[tilespmem:$0x1E460] =	vst v63  }
0x205: {  	_ =	swait.ge [sflag:s18], $0x3200  }
0x206: {  	s8 =	sld [smem:$0x7EE]  }
0x207: {  	[sflag:s18] =	ssyncset.done $0x0  }
0x208: {  	[sflag:s18] =	ssyncadd.s32 $0xFFFFCE00  }
0x209: {  	[spmem:s2] =	stream.indirect.scatter.add.f32 [tilespmem:s13], [sflag:$0x7], $0x20, s8, s12, $0xb8;
	[tilespmem:$0x1E460] =	vst v63  }
0x20a: {  	_ =	swait.ge [sflag:s19], $0x3200  }
0x20b: {  	s8 =	sld [smem:$0x7EF]  }
0x20c: {  	[sflag:s19] =	ssyncset.done $0x0  }
0x20d: {  	[sflag:s19] =	ssyncadd.s32 $0xFFFFCE00  }
0x20e: {  	[spmem:s2] =	stream.indirect.scatter.add.f32 [tilespmem:s14], [sflag:$0x8], $0x20, s8, s12, $0xb8;
	[tilespmem:$0x1E460] =	vst v63  }
0x20f: {  	_ =	swait.ge [sflag:s20], $0x3200  }
0x210: {  	s8 =	sld [smem:$0x7F0]  }
0x211: {  	[sflag:s20] =	ssyncset.done $0x0  }
0x212: {  	[sflag:s20] =	ssyncadd.s32 $0xFFFFCE00  }
0x213: {  	[spmem:s2] =	stream.indirect.scatter.add.f32 [tilespmem:s15], [sflag:$0x9], $0x20, s8, s12, $0xb8;
	[tilespmem:$0x1E460] =	vst v63  }
0x214: {  	_ =	swait.ge [sflag:s21], $0x3200  }
0x215: {  	s8 =	sld [smem:$0x7F1]  }
0x216: {  	[sflag:s21] =	ssyncset.done $0x0  }
0x217: {  	[sflag:s21] =	ssyncadd.s32 $0xFFFFCE00  }
0x218: {  	[spmem:s2] =	stream.indirect.scatter.add.f32 [tilespmem:s16], [sflag:$0xA], $0x20, s8, s12, $0xb8;
	[tilespmem:$0x1E460] =	vst v63  }
0x219: {  	_ =	swait.ge [sflag:s22], $0x3200  }
0x21a: {  	s8 =	sld [smem:$0x7F2]  }
0x21b: {  	[sflag:s22] =	ssyncset.done $0x0  }
0x21c: {  	[sflag:s22] =	ssyncadd.s32 $0xFFFFCE00  }
0x21d: {  	[tilespmem:s7], [sflag:$0x1] =	stream.indirect.gather [spmem:s3], $0x20, s8, s12, $0xb8;
	[tilespmem:$0x1E460] =	vst v63  }
0x21e: {  	_ =	swait.ge [sflag:s23], $0x3200  }
0x21f: {  	s8 =	sld [smem:$0x7F3]  }
0x220: {  	[sflag:s23] =	ssyncset.done $0x0  }
0x221: {  	[sflag:s23] =	ssyncadd.s32 $0xFFFFCE00  }
0x222: {  	[tilespmem:s13], [sflag:$0x2] =	stream.indirect.gather [spmem:s3], $0x20, s8, s12, $0xb8;
	[tilespmem:$0x1E460] =	vst v63  }
0x223: {  	_ =	swait.ge [sflag:s24], $0x3200  }
0x224: {  	s8 =	sld [smem:$0x7F4]  }
0x225: {  	[sflag:s24] =	ssyncset.done $0x0  }
0x226: {  	[sflag:s24] =	ssyncadd.s32 $0xFFFFCE00  }
0x227: {  	[tilespmem:s14], [sflag:$0x3] =	stream.indirect.gather [spmem:s3], $0x20, s8, s12, $0xb8;
	[tilespmem:$0x1E460] =	vst v63  }
0x228: {  	_ =	swait.ge [sflag:s25], $0x3200  }
0x229: {  	s8 =	sld [smem:$0x7F5]  }
0x22a: {  	[sflag:s25] =	ssyncset.done $0x0  }
0x22b: {  	[sflag:s25] =	ssyncadd.s32 $0xFFFFCE00  }
0x22c: {  	[tilespmem:s15], [sflag:$0x4] =	stream.indirect.gather [spmem:s3], $0x20, s8, s12, $0xb8;
	[tilespmem:$0x1E460] =	vst v63  }
0x22d: {  	_ =	swait.ge [sflag:s26], $0x3200  }
0x22e: {  	s8 =	sld [smem:$0x7F6]  }
0x22f: {  	[sflag:s26] =	ssyncset.done $0x0  }
0x230: {  	[sflag:s26] =	ssyncadd.s32 $0xFFFFCE00  }
0x231: {  	[tilespmem:s16], [sflag:$0x5] =	stream.indirect.gather [hbm4b:s5+s12], $0x20, s8, s12, $0xb8;
	[tilespmem:$0x1E460] =	vst v63  }
0x232: {  	_ =	swait.ge [sflag:s17], $0x3200  }
0x233: {  	s8 =	sld [smem:$0x7F7]  }
0x234: {  	[sflag:s17] =	ssyncset.done $0x0  }
0x235: {  	[sflag:s17] =	ssyncadd.s32 $0xFFFFCE00  }
0x236: {  	[spmem:s2] =	stream.indirect.scatter.add.f32 [tilespmem:s7], [sflag:$0x6], $0x20, s8, s12, $0xb8;
	[tilespmem:$0x1E460] =	vst v63  }
0x237: {  	_ =	swait.ge [sflag:s18], $0x3200  }
0x238: {  	s8 =	sld [smem:$0x7F8]  }
0x239: {  	[sflag:s18] =	ssyncset.done $0x0  }
0x23a: {  	[sflag:s18] =	ssyncadd.s32 $0xFFFFCE00  }
0x23b: {  	[spmem:s2] =	stream.indirect.scatter.add.f32 [tilespmem:s13], [sflag:$0x7], $0x20, s8, s12, $0xb8;
	[tilespmem:$0x1E460] =	vst v63  }
0x23c: {  	_ =	swait.ge [sflag:s19], $0x3200  }
0x23d: {  	s8 =	sld [smem:$0x7F9]  }
0x23e: {  	[sflag:s19] =	ssyncset.done $0x0  }
0x23f: {  	[sflag:s19] =	ssyncadd.s32 $0xFFFFCE00  }
0x240: {  	[spmem:s2] =	stream.indirect.scatter.add.f32 [tilespmem:s14], [sflag:$0x8], $0x20, s8, s12, $0xb8;
	[tilespmem:$0x1E460] =	vst v63  }
0x241: {  	_ =	swait.ge [sflag:s20], $0x3200  }
0x242: {  	s8 =	sld [smem:$0x7FA]  }
0x243: {  	[sflag:s20] =	ssyncset.done $0x0  }
0x244: {  	[sflag:s20] =	ssyncadd.s32 $0xFFFFCE00  }
0x245: {  	[spmem:s2] =	stream.indirect.scatter.add.f32 [tilespmem:s15], [sflag:$0x9], $0x20, s8, s12, $0xb8;
	[tilespmem:$0x1E460] =	vst v63  }
0x246: {  	_ =	swait.ge [sflag:s21], $0x3200  }
0x247: {  	s8 =	sld [smem:$0x7FB]  }
0x248: {  	[sflag:s21] =	ssyncset.done $0x0  }
0x249: {  	[sflag:s21] =	ssyncadd.s32 $0xFFFFCE00  }
0x24a: {  	[spmem:s2] =	stream.indirect.scatter.add.f32 [tilespmem:s16], [sflag:$0xA], $0x20, s8, s12, $0xb8;
	[tilespmem:$0x1E460] =	vst v63  }
0x24b: {  	_ =	swait.ge [sflag:s22], $0x3200  }
0x24c: {  	[sflag:s22] =	ssyncset.done $0x0  }
0x24d: {  	[sflag:s22] =	ssyncadd.s32 $0xFFFFCE00  }
0x24e: {  	_ =	swait.ge [sflag:s23], $0x3200  }
0x24f: {  	[sflag:s23] =	ssyncset.done $0x0  }
0x250: {  	[sflag:s23] =	ssyncadd.s32 $0xFFFFCE00  }
0x251: {  	_ =	swait.ge [sflag:s24], $0x3200  }
0x252: {  	[sflag:s24] =	ssyncset.done $0x0  }
0x253: {  	[sflag:s24] =	ssyncadd.s32 $0xFFFFCE00  }
0x254: {  	_ =	swait.ge [sflag:s25], $0x3200  }
0x255: {  	[sflag:s25] =	ssyncset.done $0x0  }
0x256: {  	[sflag:s25] =	ssyncadd.s32 $0xFFFFCE00  }
0x257: {  	_ =	swait.ge [sflag:s26], $0x3200  }
0x258: {  	[sflag:s26] =	ssyncset.done $0x0  }
0x259: {  	p0 =	sne.s32 s0, $0x1;
	[sflag:s26] =	ssyncadd.s32 $0xFFFFCE00  }
.Ltmp1:
0x25a: {  	[bflag:$0x0] =	sbarrier.arrive $0xFFFF;
	(pc) =	sbr.rel @p0 .LBB2_2-.Ltmp1, $4  }
0x25b: {  	[hbm:s29], [sflag:s10] =	dma.local [spmem:s31], $0x640  }
0x25c: {  	_ =	swait.ge [sflag:s6], $0x640  }
0x25d: {  	[sflag:s6] =	ssyncset.done $0x0  }
0x25e: {  	s0 =	sadd.s32 $0xFFFFFFFF, s0;
	[sflag:s6] =	ssyncadd.s32 $0xFFFFF9C0  }
.LBB2_3:
0x25f: {  	[hbm:s30], [sflag:s10] =	dma.local [spmem:s9], $0x384  }
0x260: {  	_ =	swait.ge [sflag:s6], $0x384  }
0x261: {  	[sflag:s6] =	ssyncset.done $0x0  }
0x262: {  	[sflag:s6] =	ssyncadd.s32 $0xFFFFFC7C  }
0x263: {  	_ =	sfence.sel $0x180000  }
0x264: {  	[bflag:$0x0] =	sbarrier.arrive $0xFFFF  }
0x265: {  	_ =	strace $0x9000004A  }
0x266: {  	s0 =	stileid.u32;
	[bflag:$0x2] =	sbarrier.arrive $0xFFFF  }
0x267: {  	p0 =	sne.s32 s0, $0x0;
	s0 =	rddreg [dreg:$0x4]  }
0x268: {  	s0 =	sadd.s32 @!p0 $0x100000, s0  }
0x269: {  	[sflag:s0] =	ssyncadd.tile.s32 @!p0 $0x1;
	_ =	shalt  }
.Lfunc_end2:
_tile_overlayer_lowered:
.L_overlay_start_2:
0x26a: {  	(tag) =	ssettag $0x2  }
0x26b: {  	s0 =	rddreg [dreg:$0x0];
	s2 =	stileid.u32  }
0x26c: {  	s1 =	rddreg [dreg:$0x1];
	p0 =	sne.s32 s2, $0x0  }
0x26d: {  	s3 =	rddreg [dreg:$0x2];
	[bflag:$0x3] =	sbarrier.arrive $0xFFFF;
	s2 =	simm.s32 @!p0 $0x1C0B  }
0x26e: {  	[timem:s3], [sflag:s2] =	dma.local @!p0 [hbm:s0], s1  }
0x26f: {  	s0 =	simm.s32 @!p0 $0xB  }
0x270: {  	_ =	swait.ge @!p0 [sflag:s0], s1  }
0x271: {  	s1 =	ssub.s32 @!p0 $0x0, s1;
	[sflag:s0] =	ssyncset.done @!p0 $0x0  }
0x272: {  	[sflag:s0] =	ssyncadd.s32 @!p0 s1  }
0x273: {  	[bflag:$0x3] =	sbarrier.arrive $0xFFFF  }
0x274: {  	_ =	shalt  }

// kernel: kernel.14.cloned.1.call-start
scs
__scs_entry_jumppad:
0x0: {  	(pc) =	sbr.rel $0x88, $3  }
0x1: {  	(tag) =	ssettag $0x0;
	lr =	simm.s32 $0x1  }
0x2: {  	[smem:$0x3F9B] =	sst lr;
	_ =	strace $0xD0000000  }
0x3: {  	_ = 	snop  }
0x4: {  	_ = 	snop  }
0x5: {  	_ = 	snop  }
0x6: {  	_ = 	snop  }
0x7: {  	_ = 	snop  }
__scs_overlays_trampoline_lowered:
0x8: {  	[smem:$0x3FAA] =	sst s0  }
0x9: {  	[smem:$0x3FAB] =	sst s1  }
0xa: {  	[smem:$0x3FAC] =	sst s2  }
0xb: {  	[smem:$0x3FAD] =	sst s3  }
0xc: {  	[smem:$0x3FAE] =	sst s4  }
0xd: {  	[smem:$0x3FAF] =	sst s5  }
0xe: {  	[smem:$0x3FB0] =	sst s6  }
0xf: {  	[smem:$0x3FB1] =	sst s7  }
0x10: {  	[smem:$0x3FB2] =	sst s8  }
0x11: {  	[smem:$0x3FB3] =	sst s9;
	s0 =	simm.s32 @!p0 $0x0  }
0x12: {  	s1 =	sld [smem:$0x3F99];
	s0 =	simm.s32 @p0 $0x1  }
0x13: {  	[smem:$0x3FB4] =	sst s0;
	s0 =	simm.s32 @!p1 $0x0  }
0x14: {  	s2 =	sld [smem:$0x3F98];
	s0 =	simm.s32 @p1 $0x1  }
0x15: {  	[smem:$0x3FB5] =	sst s0;
	s0 =	simm.s32 @!p2 $0x0  }
0x16: {  	s3 =	sld [smem:$0x3FDB];
	s0 =	simm.s32 @p2 $0x1  }
0x17: {  	s4 =	simm.s32 $0x1BF5;
	[smem:$0x3FB7] =	sst s0  }
0x18: {  	s0 =	sld [smem:$0x3F9A];
	_ =	swait.ge [sflag:s4], $0x0  }
0x19: {  	s7 =	sld [smem:$0x3F9B]  }
0x1a: {  	s8 =	sadd.s32 $0xFFFFE003, lr  }
0x1b: {  	s9 =	sadd.s32 $0xFFFFFEF7, lr;
	s5 =	simm.s32 $0xFFFFFFFF;
	p2 =	slt.u32 s8, $0xFFFFF086  }
0x1c: {  	p1 =	slt.u32 s9, $0xF7A;
	s5 =	simm.s32 @!p2 $0x0  }
0x1d: {  	s5 =	simm.s32 @p1 $0x1;
	p0 =	seq.s32 s7, s2  }
0x1e: {  	s7 =	smul.u32 @!p0 $0xF7A, s2;
	p2 =	seq.s32 @!p0 s5, $0x0  }
0x1f: {  	s9 =	smul.u32 $0xF7A, s1;
	s8 =	simm.s32 @!p0 $0x1BF5;
	p2 =	por !p2, p0  }
0x20: {  	[sflag:s8] =	ssyncset.s32 @!p0 $0xFFFFF086;
	s6 =	sadd.s32 @!p0 s3, s7;
	s7 =	simm.s32 @!p0 $0x108  }
0x21: {  	s3 =	sadd.s32 s3, s9;
	s6 =	sadd.s32 @!p0 $0x88, s6;
	s7 =	simm.s32 @p2 $0x1082  }
0x22: {  	[simem:s7], [sflag:s8] =	dma.local @!p0 [hbm:s6], $0xF7A  }
0x23: {  	s9 =	sor.u32 $0xD0000000, s2;
	s6 =	simm.s32 $0x108;
	_ =	swait.ge @!p0 [sflag:s8], $0x0  }
0x24: {  	s3 =	sadd.s32 $0x88, s3;
	s6 =	simm.s32 @!p1 $0x1082;
	[sflag:s4] =	ssyncset.s32 $0xFFFFF086  }
0x25: {  	[simem:s6], [sflag:s4] =	dma.local [hbm:s3], $0xF7A  }
0x26: {  	[smem:$0x3F9B] =	sst s1;
	(tag) =	ssettag s2;
	_ =	strace s9  }
0x27: {  	s1 =	sld [smem:$0x3FAB]  }
0x28: {  	s2 =	sld [smem:$0x3FAC]  }
0x29: {  	s4 =	sld [smem:$0x3FAE]  }
0x2a: {  	p0 =	seq.s32 s5, $0x0;
	s5 =	sld [smem:$0x3FAF]  }
0x2b: {  	s6 =	sld [smem:$0x3FB0]  }
0x2c: {  	s7 =	sld [smem:$0x3FB1]  }
0x2d: {  	s3 =	simm.s32 $0x108;
	s8 =	sld [smem:$0x3FB2]  }
0x2e: {  	s3 =	simm.s32 @!p0 $0x1082;
	s9 =	sld [smem:$0x3FB3]  }
0x2f: {  	lr =	sadd.s32 s0, s3;
	s0 =	sld [smem:$0x3FAA]  }
0x30: {  	s3 =	sld [smem:$0x3FAD]  }
0x31: {  	[smem:$0x3FB6] =	sst s10  }
0x32: {  	s10 =	sld [smem:$0x3FB4];
	_ =	sdelay $0x3  }
0x33: {  	p0 =	seq.s32 s10, $0x1;
	s10 =	sld [smem:$0x3FB6];
	_ =	sdelay $0x3  }
0x34: {  	[smem:$0x3FB6] =	sst s10  }
0x35: {  	s10 =	sld [smem:$0x3FB5];
	_ =	sdelay $0x3  }
0x36: {  	p1 =	seq.s32 s10, $0x1;
	s10 =	sld [smem:$0x3FB6];
	_ =	sdelay $0x3  }
0x37: {  	[smem:$0x3FB6] =	sst s10  }
0x38: {  	s10 =	sld [smem:$0x3FB7]  }
0x39: {  	_ = 	snop;
	(pc) =	sbr.ind lr, $3  }
0x3a: {  	_ = 	snop  }
0x3b: {  	_ = 	snop  }
0x3c: {  	p2 =	seq.s32 s10, $0x1;
	s10 =	sld [smem:$0x3FB6]  }
0x3d: {  	_ =	shalt  }
0x3e: {  	_ =	shalt  }
0x3f: {  	_ =	shalt  }
0x40: {  	_ =	shalt  }
0x41: {  	_ =	shalt  }
0x42: {  	_ =	shalt  }
0x43: {  	_ =	shalt  }
0x44: {  	_ =	shalt  }
0x45: {  	_ =	shalt  }
0x46: {  	_ =	shalt  }
0x47: {  	_ =	shalt  }
0x48: {  	_ =	shalt  }
0x49: {  	_ =	shalt  }
0x4a: {  	_ =	shalt  }
0x4b: {  	_ =	shalt  }
0x4c: {  	_ =	shalt  }
0x4d: {  	_ =	shalt  }
0x4e: {  	_ =	shalt  }
0x4f: {  	_ =	shalt  }
0x50: {  	_ =	shalt  }
0x51: {  	_ =	shalt  }
0x52: {  	_ =	shalt  }
0x53: {  	_ =	shalt  }
0x54: {  	_ =	shalt  }
0x55: {  	_ =	shalt  }
0x56: {  	_ =	shalt  }
0x57: {  	_ =	shalt  }
0x58: {  	_ =	shalt  }
0x59: {  	_ =	shalt  }
0x5a: {  	_ =	shalt  }
0x5b: {  	_ =	shalt  }
0x5c: {  	_ =	shalt  }
0x5d: {  	_ =	shalt  }
0x5e: {  	_ =	shalt  }
0x5f: {  	_ =	shalt  }
0x60: {  	_ =	shalt  }
0x61: {  	_ =	shalt  }
0x62: {  	_ =	shalt  }
0x63: {  	_ =	shalt  }
0x64: {  	_ =	shalt  }
0x65: {  	_ =	shalt  }
0x66: {  	_ =	shalt  }
0x67: {  	_ =	shalt  }
0x68: {  	_ =	shalt  }
0x69: {  	_ =	shalt  }
0x6a: {  	_ =	shalt  }
0x6b: {  	_ =	shalt  }
0x6c: {  	_ =	shalt  }
0x6d: {  	_ =	shalt  }
0x6e: {  	_ =	shalt  }
0x6f: {  	_ =	shalt  }
0x70: {  	_ =	shalt  }
0x71: {  	_ =	shalt  }
0x72: {  	_ =	shalt  }
0x73: {  	_ =	shalt  }
0x74: {  	_ =	shalt  }
0x75: {  	_ =	shalt  }
0x76: {  	_ =	shalt  }
0x77: {  	_ =	shalt  }
0x78: {  	_ =	shalt  }
0x79: {  	_ =	shalt  }
0x7a: {  	_ =	shalt  }
0x7b: {  	_ =	shalt  }
0x7c: {  	_ =	shalt  }
0x7d: {  	_ =	shalt  }
0x7e: {  	_ =	shalt  }
0x7f: {  	_ =	shalt  }
0x80: {  	_ =	shalt  }
0x81: {  	_ =	shalt  }
0x82: {  	_ =	shalt  }
0x83: {  	_ =	shalt  }
0x84: {  	_ =	shalt  }
0x85: {  	_ =	shalt  }
0x86: {  	_ =	shalt  }
0x87: {  	_ =	shalt  }
.Lfunc_end0:
.L_simem_size_0:
called_computation.2_lowered:
.L_overlay_start_0:
0x88: {  	s2 =	sld [smem:$0x3FD9]  }
0x89: {  	s3 =	sld [smem:$0x3FFE];
	_ =	sdelay $0x1  }
0x8a: {  	s1 =	srdreg.scid  }
0x8b: {  	s0 =	sand.u32 $0x1, s1  }
0x8c: {  	s17 =	sshll.u32 s0, $0xA;
	s2 =	sadd.s32 s3, s2  }
0x8d: {  	s2 =	sadd.s32 s2, s17  }
0x8e: {  	[smem:$0x3FC2] =	sst s2  }
0x8f: {  	_ = 	snop  }
0x90: {  	s2 =	sld [smem:$0x3FD0];
	(tm) =	ssettm $0x1  }
0x91: {  	s18 =	sld [smem:$0x3FFB];
	_ =	sdelay $0x3  }
0x92: {  	_ =	strace s18  }
0x93: {  	s3 =	sld [smem:$0x3FFC];
	_ =	sdelay $0x3  }
0x94: {  	_ =	strace s3  }
0x95: {  	s3 =	sld [smem:$0x3FFD];
	_ =	sdelay $0x3  }
0x96: {  	_ =	strace s3  }
0x97: {  	_ =	strace $0x8FFFFFFF  }
0x98: {  	s19 =	sld [smem:$0x3FDB];
	_ =	sdelay $0x1  }
0x99: {  	s4 =	simm.s32 $_scs_section_size  }
0x9a: {  	s5 =	simm.s32 $_size__tile_overlayer_lowered;
	s6 =	simm.s32 $_tile_overlayer_lowered  }
0x9b: {  	s22 =	simm.s32 $0x1BFF;
	s21 =	sshll.u32 s6, $0x1;
	s3 =	sadd.s32 s4, s19  }
0x9c: {  	s7 =	simm.s32 $0x0;
	s20 =	sshll.u32 s5, $0x1;
	s5 =	sadd.s32 s21, s3  }
0x9d: {  	[timem:s7], [sflag:s22] =	dma.local [hbm:s5], s20  }
0x9e: {  	_ =	swait.ge [sflag:s22], s20  }
0x9f: {  	s4 =	ssub.s32 $0x0, s20;
	[sflag:s22] =	ssyncset.done $0x0  }
0xa0: {  	[sflag:s22] =	ssyncadd.s32 s4;
	_ =	sdelay $0x1  }
0xa1: {  	s23 =	simm.s32 $0x1B8B  }
0xa2: {  	_ =	swait.ge [sflag:s23], $0x1  }
0xa3: {  	[sflag:s23] =	ssyncset.done $0x0  }
0xa4: {  	s25 =	simm.s32 $0x1B8E;
	s24 =	sld [smem:$0x3FFE];
	[sflag:s23] =	ssyncadd.s32 $0xFFFFFFFF  }
0xa5: {  	s26 =	simm.s32 $execute0_lowered;
	[smem:$0x3FD2] =	sst s25  }
0xa6: {  	s5 =	sshll.u32 s26, $0x1;
	_ =	strace $0x8000004C;
	[dreg:$0x1] =	wrdreg $0xFFFFFFFF  }
0xa7: {  	s28 =	simm.s32 $_size_execute0_lowered;
	s3 =	sadd.s32 s3, s5;
	[dreg:$0x0] =	wrdreg $0x0  }
0xa8: {  	s5 =	sshll.u32 s28, $0x1;
	[dreg:$0x2] =	wrdreg s3  }
0xa9: {  	[dreg:$0x3] =	wrdreg s5  }
0xaa: {  	[dreg:$0x4] =	wrdreg $0xC0  }
0xab: {  	_ =	task [dreg:s7], $0x5FFFF  }
0xac: {  	[dreg:$0x1] =	wrdreg $0xFFFFFFFF  }
0xad: {  	[dreg:$0x0] =	wrdreg $0x60  }
0xae: {  	[dreg:$0x2] =	wrdreg s24  }
0xaf: {  	[dreg:$0x3] =	wrdreg s2  }
0xb0: {  	[dreg:$0x4] =	wrdreg $0x8CA00  }
0xb1: {  	[dreg:$0x5] =	wrdreg $0xA0280  }
0xb2: {  	[dreg:$0x6] =	wrdreg $0x9  }
0xb3: {  	_ =	task.clear_ibuf [dreg:s7], $0x7FFFF;
	_ =	strace $0x9000004C  }
0xb4: {  	s29 =	simm.s32 $0x9;
	_ =	strace $0x8000004E  }
0xb5: {  	_ =	swait.ge [sflag:s29], $0x1  }
0xb6: {  	[sflag:s29] =	ssyncadd.s32 $0xFFFFFFFF  }
0xb7: {  	_ =	strace $0x9000004E  }
0xb8: {  	_ =	sfence  }
0xb9: {  	s30 =	sld [smem:$0x0];
	_ =	sdelay $0x2  }
0xba: {  	s31 =	sshll.u32 s1, $0xD;
	s1 =	sshrl.u32 s1, $0x2  }
0xbb: {  	s3 =	sand.u32 $0x4000, s31;
	s1 =	sadd.s32 s1, s30  }
0xbc: {  	s0 =	sor.u32 s3, s0;
	s1 =	sshll.u32 s1, $0x11  }
0xbd: {  	s0 =	sor.u32 s1, s0  }
0xbe: {  	s0 =	sadd.s32 $0x8F2B, s0  }
0xbf: {  	[sflag:s0] =	ssyncadd.remote.s32 $0x1  }
0xc0: {  	_ =	sfence.sel $0xFFFF  }
0xc1: {  	[dreg:$0x0] =	wrdreg $0xFFFFFFFF;
	(pc) =	sbr.abs _section_cstart, $3  }
0xc2: {  	[dreg:$0x1] =	wrdreg $0xFFFFFFFF  }
0xc3: {  	_ =	task.clear_ibuf [dreg:s7], $0x2FFFF;
	_ =	strace $0x9FFFFFFF  }
0xc4: {  	(tm) =	ssettm $0x7FFFFFFF  }
0xc5: {  	_ =	shalt  }
tec
execute0_lowered:
.L_overlay_start_1:
0x0: {  	(tag) =	ssettag $0x1  }
0x1: {  	s0 =	rddreg [dreg:$0x0]  }
0x2: {  	s1 =	rddreg [dreg:$0x1]  }
0x3: {  	s2 =	rddreg [dreg:$0x2]  }
0x4: {  	s3 =	rddreg [dreg:$0x3]  }
0x5: {  	s4 =	simm.s32 $0x0;
	[dreg:$0x5] =	wrdreg s1  }
0x6: {  	s26 =	simm.s32 $0x320;
	[smem:$0x7FF] =	sst s4  }
0x7: {  	s11 =	simm.s32 $0x28A0;
	_ =	strace $0x8000004D;
	[dreg:$0xc] =	wrdreg s26  }
0x8: {  	s12 =	simm.s32 $0x2A30;
	[dreg:$0xf] =	wrdreg s11  }
0x9: {  	s13 =	simm.s32 $0x2BC0;
	[dreg:$0x10] =	wrdreg s12  }
0xa: {  	s14 =	simm.s32 $0x2D50;
	[dreg:$0x11] =	wrdreg s13  }
0xb: {  	s15 =	simm.s32 $0x7D0;
	[dreg:$0x12] =	wrdreg s14  }
0xc: {  	s16 =	simm.s32 $0x960;
	[dreg:$0x13] =	wrdreg s15  }
0xd: {  	s17 =	simm.s32 $0xAF0;
	[dreg:$0x14] =	wrdreg s16  }
0xe: {  	s19 =	srdreg.scid;
	s18 =	simm.s32 $0xC80;
	[dreg:$0x15] =	wrdreg s17  }
0xf: {  	s28 =	sand.u32 $0x1, s19;
	s19 =	simm.s32 $0xE10;
	[dreg:$0x16] =	wrdreg s18  }
0x10: {  	[dreg:$0x17] =	wrdreg s19;
	s26 =	simm.s32 $0x1130  }
0x11: {  	s11 =	simm.s32 $0x15E0;
	[dreg:$0x1e] =	wrdreg s26  }
0x12: {  	s12 =	simm.s32 $0x36B0;
	[smem:$0x7E2] =	sst s11  }
0x13: {  	s13 =	simm.s32 $0x3840;
	[smem:$0x7E3] =	sst s12  }
0x14: {  	s14 =	simm.s32 $0x39D0;
	[smem:$0x7E4] =	sst s13  }
0x15: {  	s15 =	simm.s32 $0x3B60;
	[smem:$0x7E5] =	sst s14  }
0x16: {  	s16 =	simm.s32 $0x3CF0;
	[smem:$0x7E6] =	sst s15  }
0x17: {  	s17 =	simm.s32 $0x1770;
	[smem:$0x7E7] =	sst s16  }
0x18: {  	s18 =	simm.s32 $0x1900;
	[smem:$0x7E8] =	sst s17  }
0x19: {  	s19 =	simm.s32 $0x1A90;
	[smem:$0x7E9] =	sst s18  }
0x1a: {  	[smem:$0x7EA] =	sst s19  }
0x1b: {  	s26 =	simm.s32 $0x44C0;
	s18 =	rddreg [dreg:$0x5]  }
0x1c: {  	s11 =	simm.s32 $0x2260;
	[smem:$0x7F1] =	sst s26  }
0x1d: {  	s1 =	stileid.u32;
	s12 =	simm.s32 $0x23F0;
	[smem:$0x7F4] =	sst s11  }
0x1e: {  	s5 =	sshll.u32 s28, $0x4;
	s13 =	simm.s32 $0x2580;
	[smem:$0x7F5] =	sst s12  }
0x1f: {  	s8 =	smul.u32 $0x1388, s1;
	s14 =	simm.s32 $0x4650;
	[smem:$0x7F6] =	sst s13  }
0x20: {  	s5 =	sor.u32 s1, s5;
	s15 =	simm.s32 $0x47E0;
	[smem:$0x7F7] =	sst s14  }
0x21: {  	s16 =	simm.s32 $0x4970;
	s17 =	simm.s32 $0x4B00;
	[smem:$0x7F8] =	sst s15  }
0x22: {  	s6 =	smul.u32 $0x2710, s5;
	s5 =	sadd.s32 $0x15800, s0;
	[smem:$0x7F9] =	sst s16  }
0x23: {  	s9 =	sadd.s32 $0xC80, s8;
	[smem:$0x7FA] =	sst s17;
	s11 =	simm.s32 $0x4C90  }
0x24: {  	s30 =	sshrl.u32 s8, $0x3;
	s10 =	sshrl.u32 s9, $0x3;
	[smem:$0x7FB] =	sst s11  }
0x25: {  	s22 =	sadd.s32 s8, s3;
	s7 =	sadd.s32 s5, s30;
	[smem:$0x7FD] =	sst s10  }
0x26: {  	s24 =	sshrl.u32 s22, $0x3;
	[dreg:$0x6] =	wrdreg s7  }
0x27: {  	s22 =	simm.s32 $0x3200;
	[dreg:$0xa] =	wrdreg s24  }
0x28: {  	s23 =	sadd.s32 s9, s3;
	s20 =	sadd.s32 s5, s10;
	[dreg:$0x1a] =	wrdreg s22  }
0x29: {  	s25 =	sshrl.u32 s23, $0x3;
	[dreg:$0x7] =	wrdreg s20  }
0x2a: {  	s7 =	simm.s32 $0x4B0;
	[dreg:$0xb] =	wrdreg s25  }
0x2b: {  	s10 =	simm.s32 $0x640;
	[dreg:$0xd] =	wrdreg s7  }
0x2c: {  	s23 =	simm.s32 $0x3390;
	[dreg:$0xe] =	wrdreg s10  }
0x2d: {  	s24 =	simm.s32 $0x3520;
	[dreg:$0x1b] =	wrdreg s23  }
0x2e: {  	s22 =	simm.s32 $0x3E80;
	[dreg:$0x1c] =	wrdreg s24  }
0x2f: {  	s20 =	simm.s32 $0x2EE0;
	[smem:$0x7ED] =	sst s22  }
0x30: {  	s25 =	simm.s32 $0xFA0;
	[dreg:$0x18] =	wrdreg s20  }
0x31: {  	s7 =	simm.s32 $0x12C0;
	[dreg:$0x1d] =	wrdreg s25  }
0x32: {  	s10 =	simm.s32 $0x1450;
	[dreg:$0x1f] =	wrdreg s7  }
0x33: {  	s6 =	sshrl.u32 s6, $0x3;
	s23 =	simm.s32 $0x4010;
	[smem:$0x7E1] =	sst s10  }
0x34: {  	s6 =	sadd.s32 s6, s0;
	s24 =	simm.s32 $0x41A0;
	[smem:$0x7EE] =	sst s23  }
0x35: {  	s21 =	sadd.s32 $0x1E00, s6;
	[smem:$0x7EF] =	sst s24  }
0x36: {  	s6 =	sadd.s32 $0xBA40, s6;
	[dreg:$0x8] =	wrdreg s21  }
0x37: {  	s20 =	simm.s32 $0x1C20;
	[dreg:$0x9] =	wrdreg s6  }
0x38: {  	s25 =	simm.s32 $0x4330;
	[smem:$0x7EB] =	sst s20  }
0x39: {  	s7 =	simm.s32 $0x1F40;
	[smem:$0x7F0] =	sst s25  }
0x3a: {  	s10 =	simm.s32 $0x20D0;
	[smem:$0x7F2] =	sst s7  }
0x3b: {  	s21 =	simm.s32 $0x3070;
	[smem:$0x7F3] =	sst s10  }
0x3c: {  	s7 =	simm.s32 $0x4E20;
	[dreg:$0x19] =	wrdreg s21;
	s21 =	simm.s32 $0x1DB0  }
0x3d: {  	[tilespmem:s7], [sflag:$0xB] =	stream.linear.gather [hbm4b:s18+s4], $0xC80, $0x38;
	[tilespmem:$0xB3B0] =	vst v63  }
0x3e: {  	s6 =	simm.s32 $0xB;
	[smem:$0x7EC] =	sst s21  }
0x3f: {  	_ =	swait.ge [sflag:s6], $0xC80  }
0x40: {  	[sflag:s6] =	ssyncset.done $0x0  }
0x41: {  	s8 =	sadd.s32 s8, s2;
	[sflag:s6] =	ssyncadd.s32 $0xFFFFF380  }
0x42: {  	[spmem:s8] =	stream.linear.scatter [tilespmem:s7], [sflag:$0xB], $0xC80, $0x38;
	[tilespmem:$0xB3B0] =	vst v63  }
0x43: {  	_ =	swait.ge [sflag:s6], $0xC80  }
0x44: {  	[sflag:s6] =	ssyncset.done $0x0  }
0x45: {  	s9 =	sadd.s32 s9, s2;
	[sflag:s6] =	ssyncadd.s32 $0xFFFFF380  }
0x46: {  	[spmem:s9] =	stream.linear.scatter [tilespmem:s7], [sflag:$0xB], $0x708, $0x38;
	[tilespmem:$0xB3B0] =	vst v63  }
0x47: {  	_ =	swait.ge [sflag:s6], $0x708  }
0x48: {  	s20 =	sshll.u32 s1, $0x6;
	s19 =	rddreg [dreg:$0x6];
	[sflag:s6] =	ssyncset.done $0x0  }
0x49: {  	s10 =	sor.u32 $0x1C0B, s20;
	s12 =	rddreg [dreg:$0xa];
	[sflag:s6] =	ssyncadd.s32 $0xFFFFF8F8  }
0x4a: {  	[spmem:s12], [sflag:s10] =	dma.local [hbm:s19], $0x190  }
0x4b: {  	_ =	swait.ge [sflag:s6], $0x190  }
0x4c: {  	s21 =	rddreg [dreg:$0x7];
	[sflag:s6] =	ssyncset.done $0x0  }
0x4d: {  	s22 =	rddreg [dreg:$0xb];
	[sflag:s6] =	ssyncadd.s32 $0xFFFFFE70  }
0x4e: {  	[spmem:s22], [sflag:s10] =	dma.local [hbm:s21], $0xE1  }
0x4f: {  	_ =	swait.ge [sflag:s6], $0xE1  }
0x50: {  	[sflag:s6] =	ssyncset.done $0x0  }
0x51: {  	s23 =	rddreg [dreg:$0x8];
	[sflag:s6] =	ssyncadd.s32 $0xFFFFFF1F  }
0x52: {  	[tilespmem:s4], [sflag:$0xB] =	stream.linear.gather [hbm4b:s23+s4], $0x2710, $0x38;
	[tilespmem:$0xB3B0] =	vst v63  }
0x53: {  	_ =	swait.ge [sflag:s6], $0x2710  }
0x54: {  	[sflag:s6] =	ssyncset.done $0x0  }
0x55: {  	s25 =	simm.s32 $0x2710;
	s24 =	rddreg [dreg:$0x9];
	[sflag:s6] =	ssyncadd.s32 $0xFFFFD8F0  }
0x56: {  	[tilespmem:s25], [sflag:$0xB] =	stream.linear.gather [hbm4b:s24+s4], $0x2710, $0x38;
	[tilespmem:$0xB3B0] =	vst v63  }
0x57: {  	_ =	swait.ge [sflag:s6], $0x2710  }
0x58: {  	[sflag:s6] =	ssyncset.done $0x0  }
0x59: {  	[sflag:s6] =	ssyncadd.s32 $0xFFFFD8F0  }
0x5a: {  	s12 =	simm.s32 $0x190;
	[bflag:$0x0] =	sbarrier.arrive $0xFFFF  }
0x5b: {  	[tilespmem:s7], [sflag:$0x1] =	stream.indirect.gather [spmem:s3], $0x8, s4, s12, $0xb8;
	[tilespmem:$0xB3B0] =	vst v63  }
0x5c: {  	s13 =	simm.s32 $0x5AA0  }
0x5d: {  	[tilespmem:s13], [sflag:$0x2] =	stream.indirect.gather [spmem:s3], $0x8, s12, s12, $0xb8;
	[tilespmem:$0xB3B0] =	vst v63  }
0x5e: {  	s14 =	simm.s32 $0x6720;
	s15 =	rddreg [dreg:$0xc]  }
0x5f: {  	[tilespmem:s14], [sflag:$0x3] =	stream.indirect.gather [spmem:s3], $0x8, s15, s12, $0xb8;
	[tilespmem:$0xB3B0] =	vst v63  }
0x60: {  	s16 =	rddreg [dreg:$0xd];
	s15 =	simm.s32 $0x73A0  }
0x61: {  	[tilespmem:s15], [sflag:$0x4] =	stream.indirect.gather [spmem:s3], $0x8, s16, s12, $0xb8;
	[tilespmem:$0xB3B0] =	vst v63  }
0x62: {  	s17 =	simm.s32 $0x1;
	s18 =	rddreg [dreg:$0xe];
	s16 =	simm.s32 $0x8020  }
0x63: {  	[tilespmem:s16], [sflag:$0x5] =	stream.indirect.gather [hbm4b:s5+s12], $0x8, s18, s12, $0xb8;
	[tilespmem:$0xB3B0] =	vst v63  }
0x64: {  	_ =	swait.ge [sflag:s17], $0xC80  }
0x65: {  	[sflag:s17] =	ssyncset.done $0x0  }
0x66: {  	s18 =	simm.s32 $0x2;
	[sflag:s17] =	ssyncadd.s32 $0xFFFFF380  }
0x67: {  	[spmem:s2] =	stream.indirect.scatter.add.f32 [tilespmem:s7], [sflag:$0x6], $0x8, s25, s12, $0xb8;
	[tilespmem:$0xB3B0] =	vst v63  }
0x68: {  	_ =	swait.ge [sflag:s18], $0xC80  }
0x69: {  	[sflag:s18] =	ssyncset.done $0x0  }
0x6a: {  	s19 =	simm.s32 $0x3;
	s20 =	rddreg [dreg:$0xf];
	[sflag:s18] =	ssyncadd.s32 $0xFFFFF380  }
0x6b: {  	[spmem:s2] =	stream.indirect.scatter.add.f32 [tilespmem:s13], [sflag:$0x7], $0x8, s20, s12, $0xb8;
	[tilespmem:$0xB3B0] =	vst v63  }
0x6c: {  	_ =	swait.ge [sflag:s19], $0xC80  }
0x6d: {  	[sflag:s19] =	ssyncset.done $0x0  }
0x6e: {  	s20 =	simm.s32 $0x4;
	s21 =	rddreg [dreg:$0x10];
	[sflag:s19] =	ssyncadd.s32 $0xFFFFF380  }
0x6f: {  	[spmem:s2] =	stream.indirect.scatter.add.f32 [tilespmem:s14], [sflag:$0x8], $0x8, s21, s12, $0xb8;
	[tilespmem:$0xB3B0] =	vst v63  }
0x70: {  	_ =	swait.ge [sflag:s20], $0xC80  }
0x71: {  	[sflag:s20] =	ssyncset.done $0x0  }
0x72: {  	s21 =	simm.s32 $0x5;
	s26 =	rddreg [dreg:$0x11];
	[sflag:s20] =	ssyncadd.s32 $0xFFFFF380  }
0x73: {  	[spmem:s2] =	stream.indirect.scatter.add.f32 [tilespmem:s15], [sflag:$0x9], $0x8, s26, s12, $0xb8;
	[tilespmem:$0xB3B0] =	vst v63  }
0x74: {  	_ =	swait.ge [sflag:s21], $0xC80  }
0x75: {  	[sflag:s21] =	ssyncset.done $0x0  }
0x76: {  	s22 =	rddreg [dreg:$0x12];
	[sflag:s21] =	ssyncadd.s32 $0xFFFFF380  }
0x77: {  	[spmem:s2] =	stream.indirect.scatter.add.f32 [tilespmem:s16], [sflag:$0xA], $0x8, s22, s12, $0xb8;
	[tilespmem:$0xB3B0] =	vst v63  }
0x78: {  	s22 =	simm.s32 $0x6  }
0x79: {  	_ =	swait.ge [sflag:s22], $0xC80  }
0x7a: {  	[sflag:s22] =	ssyncset.done $0x0  }
0x7b: {  	s23 =	rddreg [dreg:$0x13];
	[sflag:s22] =	ssyncadd.s32 $0xFFFFF380  }
0x7c: {  	[tilespmem:s7], [sflag:$0x1] =	stream.indirect.gather [spmem:s3], $0x8, s23, s12, $0xb8;
	[tilespmem:$0xB3B0] =	vst v63  }
0x7d: {  	s23 =	simm.s32 $0x7  }
0x7e: {  	_ =	swait.ge [sflag:s23], $0xC80  }
0x7f: {  	[sflag:s23] =	ssyncset.done $0x0  }
0x80: {  	s24 =	rddreg [dreg:$0x14];
	[sflag:s23] =	ssyncadd.s32 $0xFFFFF380  }
0x81: {  	[tilespmem:s13], [sflag:$0x2] =	stream.indirect.gather [spmem:s3], $0x8, s24, s12, $0xb8;
	[tilespmem:$0xB3B0] =	vst v63  }
0x82: {  	s24 =	simm.s32 $0x8  }
0x83: {  	_ =	swait.ge [sflag:s24], $0xC80  }
0x84: {  	[sflag:s24] =	ssyncset.done $0x0  }
0x85: {  	s25 =	rddreg [dreg:$0x15];
	[sflag:s24] =	ssyncadd.s32 $0xFFFFF380  }
0x86: {  	[tilespmem:s14], [sflag:$0x3] =	stream.indirect.gather [spmem:s3], $0x8, s25, s12, $0xb8;
	[tilespmem:$0xB3B0] =	vst v63  }
0x87: {  	s25 =	simm.s32 $0x9  }
0x88: {  	_ =	swait.ge [sflag:s25], $0xC80  }
0x89: {  	[sflag:s25] =	ssyncset.done $0x0  }
0x8a: {  	s26 =	rddreg [dreg:$0x16];
	[sflag:s25] =	ssyncadd.s32 $0xFFFFF380  }
0x8b: {  	[tilespmem:s15], [sflag:$0x4] =	stream.indirect.gather [spmem:s3], $0x8, s26, s12, $0xb8;
	[tilespmem:$0xB3B0] =	vst v63  }
0x8c: {  	s26 =	simm.s32 $0xA  }
0x8d: {  	_ =	swait.ge [sflag:s26], $0xC80  }
0x8e: {  	[sflag:s26] =	ssyncset.done $0x0  }
0x8f: {  	s31 =	rddreg [dreg:$0x17];
	[sflag:s26] =	ssyncadd.s32 $0xFFFFF380  }
0x90: {  	[tilespmem:s16], [sflag:$0x5] =	stream.indirect.gather [hbm4b:s5+s12], $0x8, s31, s12, $0xb8;
	[tilespmem:$0xB3B0] =	vst v63  }
0x91: {  	_ =	swait.ge [sflag:s17], $0xC80  }
0x92: {  	[sflag:s17] =	ssyncset.done $0x0  }
0x93: {  	s31 =	rddreg [dreg:$0x18];
	[sflag:s17] =	ssyncadd.s32 $0xFFFFF380  }
0x94: {  	[spmem:s2] =	stream.indirect.scatter.add.f32 [tilespmem:s7], [sflag:$0x6], $0x8, s31, s12, $0xb8;
	[tilespmem:$0xB3B0] =	vst v63  }
0x95: {  	_ =	swait.ge [sflag:s18], $0xC80  }
0x96: {  	[sflag:s18] =	ssyncset.done $0x0  }
0x97: {  	s31 =	rddreg [dreg:$0x19];
	[sflag:s18] =	ssyncadd.s32 $0xFFFFF380  }
0x98: {  	[spmem:s2] =	stream.indirect.scatter.add.f32 [tilespmem:s13], [sflag:$0x7], $0x8, s31, s12, $0xb8;
	[tilespmem:$0xB3B0] =	vst v63  }
0x99: {  	_ =	swait.ge [sflag:s19], $0xC80  }
0x9a: {  	[sflag:s19] =	ssyncset.done $0x0  }
0x9b: {  	s31 =	rddreg [dreg:$0x1a];
	[sflag:s19] =	ssyncadd.s32 $0xFFFFF380  }
0x9c: {  	[spmem:s2] =	stream.indirect.scatter.add.f32 [tilespmem:s14], [sflag:$0x8], $0x8, s31, s12, $0xb8;
	[tilespmem:$0xB3B0] =	vst v63  }
0x9d: {  	_ =	swait.ge [sflag:s20], $0xC80  }
0x9e: {  	[sflag:s20] =	ssyncset.done $0x0  }
0x9f: {  	s31 =	rddreg [dreg:$0x1b];
	[sflag:s20] =	ssyncadd.s32 $0xFFFFF380  }
0xa0: {  	[spmem:s2] =	stream.indirect.scatter.add.f32 [tilespmem:s15], [sflag:$0x9], $0x8, s31, s12, $0xb8;
	[tilespmem:$0xB3B0] =	vst v63  }
0xa1: {  	_ =	swait.ge [sflag:s21], $0xC80  }
0xa2: {  	[sflag:s21] =	ssyncset.done $0x0  }
0xa3: {  	s31 =	rddreg [dreg:$0x1c];
	[sflag:s21] =	ssyncadd.s32 $0xFFFFF380  }
0xa4: {  	[spmem:s2] =	stream.indirect.scatter.add.f32 [tilespmem:s16], [sflag:$0xA], $0x8, s31, s12, $0xb8;
	[tilespmem:$0xB3B0] =	vst v63  }
0xa5: {  	_ =	swait.ge [sflag:s22], $0xC80  }
0xa6: {  	[sflag:s22] =	ssyncset.done $0x0  }
0xa7: {  	s31 =	rddreg [dreg:$0x1d];
	[sflag:s22] =	ssyncadd.s32 $0xFFFFF380  }
0xa8: {  	[tilespmem:s7], [sflag:$0x1] =	stream.indirect.gather [spmem:s3], $0x8, s31, s12, $0xb8;
	[tilespmem:$0xB3B0] =	vst v63  }
0xa9: {  	_ =	swait.ge [sflag:s23], $0xC80  }
0xaa: {  	[sflag:s23] =	ssyncset.done $0x0  }
0xab: {  	s31 =	rddreg [dreg:$0x1e];
	[sflag:s23] =	ssyncadd.s32 $0xFFFFF380  }
0xac: {  	[tilespmem:s13], [sflag:$0x2] =	stream.indirect.gather [spmem:s3], $0x8, s31, s12, $0xb8;
	[tilespmem:$0xB3B0] =	vst v63  }
0xad: {  	_ =	swait.ge [sflag:s24], $0xC80  }
0xae: {  	[sflag:s24] =	ssyncset.done $0x0  }
0xaf: {  	s31 =	rddreg [dreg:$0x1f];
	[sflag:s24] =	ssyncadd.s32 $0xFFFFF380  }
0xb0: {  	[tilespmem:s14], [sflag:$0x3] =	stream.indirect.gather [spmem:s3], $0x8, s31, s12, $0xb8;
	[tilespmem:$0xB3B0] =	vst v63  }
0xb1: {  	_ =	swait.ge [sflag:s25], $0xC80  }
0xb2: {  	s31 =	sld [smem:$0x7E1]  }
0xb3: {  	[sflag:s25] =	ssyncset.done $0x0  }
0xb4: {  	[sflag:s25] =	ssyncadd.s32 $0xFFFFF380  }
0xb5: {  	[tilespmem:s15], [sflag:$0x4] =	stream.indirect.gather [spmem:s3], $0x8, s31, s12, $0xb8;
	[tilespmem:$0xB3B0] =	vst v63  }
0xb6: {  	_ =	swait.ge [sflag:s26], $0xC80  }
0xb7: {  	s31 =	sld [smem:$0x7E2]  }
0xb8: {  	[sflag:s26] =	ssyncset.done $0x0  }
0xb9: {  	[sflag:s26] =	ssyncadd.s32 $0xFFFFF380  }
0xba: {  	[tilespmem:s16], [sflag:$0x5] =	stream.indirect.gather [hbm4b:s5+s12], $0x8, s31, s12, $0xb8;
	[tilespmem:$0xB3B0] =	vst v63  }
0xbb: {  	_ =	swait.ge [sflag:s17], $0xC80  }
0xbc: {  	s31 =	sld [smem:$0x7E3]  }
0xbd: {  	[sflag:s17] =	ssyncset.done $0x0  }
0xbe: {  	[sflag:s17] =	ssyncadd.s32 $0xFFFFF380  }
0xbf: {  	[spmem:s2] =	stream.indirect.scatter.add.f32 [tilespmem:s7], [sflag:$0x6], $0x8, s31, s12, $0xb8;
	[tilespmem:$0xB3B0] =	vst v63  }
0xc0: {  	_ =	swait.ge [sflag:s18], $0xC80  }
0xc1: {  	s31 =	sld [smem:$0x7E4]  }
0xc2: {  	[sflag:s18] =	ssyncset.done $0x0  }
0xc3: {  	[sflag:s18] =	ssyncadd.s32 $0xFFFFF380  }
0xc4: {  	[spmem:s2] =	stream.indirect.scatter.add.f32 [tilespmem:s13], [sflag:$0x7], $0x8, s31, s12, $0xb8;
	[tilespmem:$0xB3B0] =	vst v63  }
0xc5: {  	_ =	swait.ge [sflag:s19], $0xC80  }
0xc6: {  	s31 =	sld [smem:$0x7E5]  }
0xc7: {  	[sflag:s19] =	ssyncset.done $0x0  }
0xc8: {  	[sflag:s19] =	ssyncadd.s32 $0xFFFFF380  }
0xc9: {  	[spmem:s2] =	stream.indirect.scatter.add.f32 [tilespmem:s14], [sflag:$0x8], $0x8, s31, s12, $0xb8;
	[tilespmem:$0xB3B0] =	vst v63  }
0xca: {  	_ =	swait.ge [sflag:s20], $0xC80  }
0xcb: {  	s31 =	sld [smem:$0x7E6]  }
0xcc: {  	[sflag:s20] =	ssyncset.done $0x0  }
0xcd: {  	[sflag:s20] =	ssyncadd.s32 $0xFFFFF380  }
0xce: {  	[spmem:s2] =	stream.indirect.scatter.add.f32 [tilespmem:s15], [sflag:$0x9], $0x8, s31, s12, $0xb8;
	[tilespmem:$0xB3B0] =	vst v63  }
0xcf: {  	_ =	swait.ge [sflag:s21], $0xC80  }
0xd0: {  	s31 =	sld [smem:$0x7E7]  }
0xd1: {  	[sflag:s21] =	ssyncset.done $0x0  }
0xd2: {  	[sflag:s21] =	ssyncadd.s32 $0xFFFFF380  }
0xd3: {  	[spmem:s2] =	stream.indirect.scatter.add.f32 [tilespmem:s16], [sflag:$0xA], $0x8, s31, s12, $0xb8;
	[tilespmem:$0xB3B0] =	vst v63  }
0xd4: {  	_ =	swait.ge [sflag:s22], $0xC80  }
0xd5: {  	s31 =	sld [smem:$0x7E8]  }
0xd6: {  	[sflag:s22] =	ssyncset.done $0x0  }
0xd7: {  	[sflag:s22] =	ssyncadd.s32 $0xFFFFF380  }
0xd8: {  	[tilespmem:s7], [sflag:$0x1] =	stream.indirect.gather [spmem:s3], $0x8, s31, s12, $0xb8;
	[tilespmem:$0xB3B0] =	vst v63  }
0xd9: {  	_ =	swait.ge [sflag:s23], $0xC80  }
0xda: {  	s31 =	sld [smem:$0x7E9]  }
0xdb: {  	[sflag:s23] =	ssyncset.done $0x0  }
0xdc: {  	[sflag:s23] =	ssyncadd.s32 $0xFFFFF380  }
0xdd: {  	[tilespmem:s13], [sflag:$0x2] =	stream.indirect.gather [spmem:s3], $0x8, s31, s12, $0xb8;
	[tilespmem:$0xB3B0] =	vst v63  }
0xde: {  	_ =	swait.ge [sflag:s24], $0xC80  }
0xdf: {  	s31 =	sld [smem:$0x7EA]  }
0xe0: {  	[sflag:s24] =	ssyncset.done $0x0  }
0xe1: {  	[sflag:s24] =	ssyncadd.s32 $0xFFFFF380  }
0xe2: {  	[tilespmem:s14], [sflag:$0x3] =	stream.indirect.gather [spmem:s3], $0x8, s31, s12, $0xb8;
	[tilespmem:$0xB3B0] =	vst v63  }
0xe3: {  	_ =	swait.ge [sflag:s25], $0xC80  }
0xe4: {  	s31 =	sld [smem:$0x7EB]  }
0xe5: {  	[sflag:s25] =	ssyncset.done $0x0  }
0xe6: {  	[sflag:s25] =	ssyncadd.s32 $0xFFFFF380  }
0xe7: {  	[tilespmem:s15], [sflag:$0x4] =	stream.indirect.gather [spmem:s3], $0x8, s31, s12, $0xb8;
	[tilespmem:$0xB3B0] =	vst v63  }
0xe8: {  	_ =	swait.ge [sflag:s26], $0xC80  }
0xe9: {  	s31 =	sld [smem:$0x7EC]  }
0xea: {  	[sflag:s26] =	ssyncset.done $0x0  }
0xeb: {  	[sflag:s26] =	ssyncadd.s32 $0xFFFFF380  }
0xec: {  	[tilespmem:s16], [sflag:$0x5] =	stream.indirect.gather [hbm4b:s5+s12], $0x8, s31, s12, $0xb8;
	[tilespmem:$0xB3B0] =	vst v63  }
0xed: {  	_ =	swait.ge [sflag:s17], $0xC80  }
0xee: {  	s31 =	sld [smem:$0x7ED]  }
0xef: {  	[sflag:s17] =	ssyncset.done $0x0  }
0xf0: {  	[sflag:s17] =	ssyncadd.s32 $0xFFFFF380  }
0xf1: {  	[spmem:s2] =	stream.indirect.scatter.add.f32 [tilespmem:s7], [sflag:$0x6], $0x8, s31, s12, $0xb8;
	[tilespmem:$0xB3B0] =	vst v63  }
0xf2: {  	_ =	swait.ge [sflag:s18], $0xC80  }
0xf3: {  	s31 =	sld [smem:$0x7EE]  }
0xf4: {  	[sflag:s18] =	ssyncset.done $0x0  }
0xf5: {  	[sflag:s18] =	ssyncadd.s32 $0xFFFFF380  }
0xf6: {  	[spmem:s2] =	stream.indirect.scatter.add.f32 [tilespmem:s13], [sflag:$0x7], $0x8, s31, s12, $0xb8;
	[tilespmem:$0xB3B0] =	vst v63  }
0xf7: {  	_ =	swait.ge [sflag:s19], $0xC80  }
0xf8: {  	s31 =	sld [smem:$0x7EF]  }
0xf9: {  	[sflag:s19] =	ssyncset.done $0x0  }
0xfa: {  	[sflag:s19] =	ssyncadd.s32 $0xFFFFF380  }
0xfb: {  	[spmem:s2] =	stream.indirect.scatter.add.f32 [tilespmem:s14], [sflag:$0x8], $0x8, s31, s12, $0xb8;
	[tilespmem:$0xB3B0] =	vst v63  }
0xfc: {  	_ =	swait.ge [sflag:s20], $0xC80  }
0xfd: {  	s31 =	sld [smem:$0x7F0]  }
0xfe: {  	[sflag:s20] =	ssyncset.done $0x0  }
0xff: {  	[sflag:s20] =	ssyncadd.s32 $0xFFFFF380  }
0x100: {  	[spmem:s2] =	stream.indirect.scatter.add.f32 [tilespmem:s15], [sflag:$0x9], $0x8, s31, s12, $0xb8;
	[tilespmem:$0xB3B0] =	vst v63  }
0x101: {  	_ =	swait.ge [sflag:s21], $0xC80  }
0x102: {  	s31 =	sld [smem:$0x7F1]  }
0x103: {  	[sflag:s21] =	ssyncset.done $0x0  }
0x104: {  	[sflag:s21] =	ssyncadd.s32 $0xFFFFF380  }
0x105: {  	[spmem:s2] =	stream.indirect.scatter.add.f32 [tilespmem:s16], [sflag:$0xA], $0x8, s31, s12, $0xb8;
	[tilespmem:$0xB3B0] =	vst v63  }
0x106: {  	_ =	swait.ge [sflag:s22], $0xC80  }
0x107: {  	s31 =	sld [smem:$0x7F2]  }
0x108: {  	[sflag:s22] =	ssyncset.done $0x0  }
0x109: {  	[sflag:s22] =	ssyncadd.s32 $0xFFFFF380  }
0x10a: {  	[tilespmem:s7], [sflag:$0x1] =	stream.indirect.gather [spmem:s3], $0x8, s31, s12, $0xb8;
	[tilespmem:$0xB3B0] =	vst v63  }
0x10b: {  	_ =	swait.ge [sflag:s23], $0xC80  }
0x10c: {  	s31 =	sld [smem:$0x7F3]  }
0x10d: {  	[sflag:s23] =	ssyncset.done $0x0  }
0x10e: {  	[sflag:s23] =	ssyncadd.s32 $0xFFFFF380  }
0x10f: {  	[tilespmem:s13], [sflag:$0x2] =	stream.indirect.gather [spmem:s3], $0x8, s31, s12, $0xb8;
	[tilespmem:$0xB3B0] =	vst v63  }
0x110: {  	_ =	swait.ge [sflag:s24], $0xC80  }
0x111: {  	s31 =	sld [smem:$0x7F4]  }
0x112: {  	[sflag:s24] =	ssyncset.done $0x0  }
0x113: {  	[sflag:s24] =	ssyncadd.s32 $0xFFFFF380  }
0x114: {  	[tilespmem:s14], [sflag:$0x3] =	stream.indirect.gather [spmem:s3], $0x8, s31, s12, $0xb8;
	[tilespmem:$0xB3B0] =	vst v63  }
0x115: {  	_ =	swait.ge [sflag:s25], $0xC80  }
0x116: {  	s31 =	sld [smem:$0x7F5]  }
0x117: {  	[sflag:s25] =	ssyncset.done $0x0  }
0x118: {  	[sflag:s25] =	ssyncadd.s32 $0xFFFFF380  }
0x119: {  	[tilespmem:s15], [sflag:$0x4] =	stream.indirect.gather [spmem:s3], $0x8, s31, s12, $0xb8;
	[tilespmem:$0xB3B0] =	vst v63  }
0x11a: {  	_ =	swait.ge [sflag:s26], $0xC80  }
0x11b: {  	s31 =	sld [smem:$0x7F6]  }
0x11c: {  	[sflag:s26] =	ssyncset.done $0x0  }
0x11d: {  	[sflag:s26] =	ssyncadd.s32 $0xFFFFF380  }
0x11e: {  	[tilespmem:s16], [sflag:$0x5] =	stream.indirect.gather [hbm4b:s5+s12], $0x8, s31, s12, $0xb8;
	[tilespmem:$0xB3B0] =	vst v63  }
0x11f: {  	_ =	swait.ge [sflag:s17], $0xC80  }
0x120: {  	s31 =	sld [smem:$0x7F7]  }
0x121: {  	[sflag:s17] =	ssyncset.done $0x0  }
0x122: {  	[sflag:s17] =	ssyncadd.s32 $0xFFFFF380  }
0x123: {  	[spmem:s2] =	stream.indirect.scatter.add.f32 [tilespmem:s7], [sflag:$0x6], $0x8, s31, s12, $0xb8;
	[tilespmem:$0xB3B0] =	vst v63  }
0x124: {  	_ =	swait.ge [sflag:s18], $0xC80  }
0x125: {  	s31 =	sld [smem:$0x7F8]  }
0x126: {  	[sflag:s18] =	ssyncset.done $0x0  }
0x127: {  	[sflag:s18] =	ssyncadd.s32 $0xFFFFF380  }
0x128: {  	[spmem:s2] =	stream.indirect.scatter.add.f32 [tilespmem:s13], [sflag:$0x7], $0x8, s31, s12, $0xb8;
	[tilespmem:$0xB3B0] =	vst v63  }
0x129: {  	_ =	swait.ge [sflag:s19], $0xC80  }
0x12a: {  	s31 =	sld [smem:$0x7F9]  }
0x12b: {  	[sflag:s19] =	ssyncset.done $0x0  }
0x12c: {  	[sflag:s19] =	ssyncadd.s32 $0xFFFFF380  }
0x12d: {  	[spmem:s2] =	stream.indirect.scatter.add.f32 [tilespmem:s14], [sflag:$0x8], $0x8, s31, s12, $0xb8;
	[tilespmem:$0xB3B0] =	vst v63  }
0x12e: {  	_ =	swait.ge [sflag:s20], $0xC80  }
0x12f: {  	s31 =	sld [smem:$0x7FA]  }
0x130: {  	[sflag:s20] =	ssyncset.done $0x0  }
0x131: {  	[sflag:s20] =	ssyncadd.s32 $0xFFFFF380  }
0x132: {  	[spmem:s2] =	stream.indirect.scatter.add.f32 [tilespmem:s15], [sflag:$0x9], $0x8, s31, s12, $0xb8;
	[tilespmem:$0xB3B0] =	vst v63  }
0x133: {  	_ =	swait.ge [sflag:s21], $0xC80  }
0x134: {  	s31 =	sld [smem:$0x7FB]  }
0x135: {  	[sflag:s21] =	ssyncset.done $0x0  }
0x136: {  	[sflag:s21] =	ssyncadd.s32 $0xFFFFF380  }
0x137: {  	[spmem:s2] =	stream.indirect.scatter.add.f32 [tilespmem:s16], [sflag:$0xA], $0x8, s31, s12, $0xb8;
	[tilespmem:$0xB3B0] =	vst v63  }
0x138: {  	_ =	swait.ge [sflag:s22], $0xC80  }
0x139: {  	[sflag:s22] =	ssyncset.done $0x0  }
0x13a: {  	[sflag:s22] =	ssyncadd.s32 $0xFFFFF380  }
0x13b: {  	_ =	swait.ge [sflag:s23], $0xC80  }
0x13c: {  	[sflag:s23] =	ssyncset.done $0x0  }
0x13d: {  	[sflag:s23] =	ssyncadd.s32 $0xFFFFF380  }
0x13e: {  	_ =	swait.ge [sflag:s24], $0xC80  }
0x13f: {  	[sflag:s24] =	ssyncset.done $0x0  }
0x140: {  	[sflag:s24] =	ssyncadd.s32 $0xFFFFF380  }
0x141: {  	_ =	swait.ge [sflag:s25], $0xC80  }
0x142: {  	[sflag:s25] =	ssyncset.done $0x0  }
0x143: {  	s31 =	smul.u32 $0x2710, s28;
	[sflag:s25] =	ssyncadd.s32 $0xFFFFF380  }
0x144: {  	_ =	swait.ge [sflag:s26], $0xC80  }
0x145: {  	s28 =	ssub.s32 $0x2, s28;
	s0 =	sadd.s32 s31, s0;
	[sflag:s26] =	ssyncset.done $0x0  }
0x146: {  	s31 =	sshrl.u32 s28, $0x1;
	s0 =	sadd.s32 $0x18000, s0;
	[sflag:s26] =	ssyncadd.s32 $0xFFFFF380  }
0x147: {  	s11 =	ssub.s32 s28, s31;
	s28 =	sadd.s32 s30, s0;
	[bflag:$0x0] =	sbarrier.arrive $0xFFFF  }
0x148: {  	s11 =	smax.u32 s11, $0x1;
	[smem:$0x7FC] =	sst s8;
	s8 =	sshrl.u32 s8, $0x3  }
0x149: {  	[hbm:s28], [sflag:s10] =	dma.local [spmem:s8], $0x190  }
0x14a: {  	p0 =	sne.s32 s11, $0x1;
	_ =	swait.ge [sflag:s6], $0x190  }
.Ltmp0:
0x14b: {  	s29 =	smov.u32 s28;
	s28 =	sld [smem:$0x7FD];
	(pc) =	sbr.rel @!p0 .LBB2_3-.Ltmp0, $4  }
0x14c: {  	_ = 	snop  }
0x14d: {  	[sflag:s6] =	ssyncset.done $0x0  }
0x14e: {  	s31 =	smov.u32 s8;
	[sflag:s6] =	ssyncadd.s32 $0xFFFFFE70;
	s30 =	sadd.s32 s28, s0  }
0x14f: {  	s0 =	sadd.s32 $0xFFFFFFFF, s11;
	s11 =	smov.u32 s9;
	s9 =	sshrl.u32 s9, $0x3  }
0x150: {  	s28 =	simm.s32 $0x2710  }
.LBB2_2:
0x151: {  	[hbm:s30], [sflag:s10] =	dma.local [spmem:s9], $0xE1  }
0x152: {  	_ =	swait.ge [sflag:s6], $0xE1  }
0x153: {  	[sflag:s6] =	ssyncset.done $0x0  }
0x154: {  	s1 =	rddreg [dreg:$0x5];
	[sflag:s6] =	ssyncadd.s32 $0xFFFFFF1F  }
0x155: {  	[tilespmem:s7], [sflag:$0xB] =	stream.linear.gather [hbm4b:s1+s4], $0xC80, $0x38;
	[tilespmem:$0xB3B0] =	vst v63  }
0x156: {  	_ =	swait.ge [sflag:s6], $0xC80  }
0x157: {  	s8 =	sld [smem:$0x7FC]  }
0x158: {  	[sflag:s6] =	ssyncset.done $0x0  }
0x159: {  	[sflag:s6] =	ssyncadd.s32 $0xFFFFF380  }
0x15a: {  	[spmem:s8] =	stream.linear.scatter [tilespmem:s7], [sflag:$0xB], $0xC80, $0x38;
	[tilespmem:$0xB3B0] =	vst v63  }
0x15b: {  	_ =	swait.ge [sflag:s6], $0xC80  }
0x15c: {  	[sflag:s6] =	ssyncset.done $0x0  }
0x15d: {  	[sflag:s6] =	ssyncadd.s32 $0xFFFFF380  }
0x15e: {  	[spmem:s11] =	stream.linear.scatter [tilespmem:s7], [sflag:$0xB], $0x708, $0x38;
	[tilespmem:$0xB3B0] =	vst v63  }
0x15f: {  	_ =	swait.ge [sflag:s6], $0x708  }
0x160: {  	[sflag:s6] =	ssyncset.done $0x0;
	s1 =	rddreg [dreg:$0x6]  }
0x161: {  	s8 =	rddreg [dreg:$0xa];
	[sflag:s6] =	ssyncadd.s32 $0xFFFFF8F8  }
0x162: {  	[spmem:s8], [sflag:s10] =	dma.local [hbm:s1], $0x190  }
0x163: {  	_ =	swait.ge [sflag:s6], $0x190  }
0x164: {  	[sflag:s6] =	ssyncset.done $0x0;
	s1 =	rddreg [dreg:$0x7]  }
0x165: {  	s8 =	rddreg [dreg:$0xb];
	[sflag:s6] =	ssyncadd.s32 $0xFFFFFE70  }
0x166: {  	[spmem:s8], [sflag:s10] =	dma.local [hbm:s1], $0xE1  }
0x167: {  	_ =	swait.ge [sflag:s6], $0xE1  }
0x168: {  	[sflag:s6] =	ssyncset.done $0x0  }
0x169: {  	s8 =	rddreg [dreg:$0x8];
	[sflag:s6] =	ssyncadd.s32 $0xFFFFFF1F  }
0x16a: {  	[tilespmem:s4], [sflag:$0xB] =	stream.linear.gather [hbm4b:s8+s4], $0x2710, $0x38;
	[tilespmem:$0xB3B0] =	vst v63  }
0x16b: {  	_ =	swait.ge [sflag:s6], $0x2710  }
0x16c: {  	[sflag:s6] =	ssyncset.done $0x0  }
0x16d: {  	s8 =	rddreg [dreg:$0x9];
	[sflag:s6] =	ssyncadd.s32 $0xFFFFD8F0  }
0x16e: {  	[tilespmem:s28], [sflag:$0xB] =	stream.linear.gather [hbm4b:s8+s4], $0x2710, $0x38;
	[tilespmem:$0xB3B0] =	vst v63  }
0x16f: {  	_ =	swait.ge [sflag:s6], $0x2710  }
0x170: {  	[sflag:s6] =	ssyncset.done $0x0  }
0x171: {  	[sflag:s6] =	ssyncadd.s32 $0xFFFFD8F0  }
0x172: {  	[bflag:$0x0] =	sbarrier.arrive $0xFFFF  }
0x173: {  	[tilespmem:s7], [sflag:$0x1] =	stream.indirect.gather [spmem:s3], $0x8, s4, s12, $0xb8;
	[tilespmem:$0xB3B0] =	vst v63  }
0x174: {  	_ = 	snop  }
0x175: {  	[tilespmem:s13], [sflag:$0x2] =	stream.indirect.gather [spmem:s3], $0x8, s12, s12, $0xb8;
	[tilespmem:$0xB3B0] =	vst v63  }
0x176: {  	s1 =	rddreg [dreg:$0xc]  }
0x177: {  	[tilespmem:s14], [sflag:$0x3] =	stream.indirect.gather [spmem:s3], $0x8, s1, s12, $0xb8;
	[tilespmem:$0xB3B0] =	vst v63  }
0x178: {  	s8 =	rddreg [dreg:$0xd]  }
0x179: {  	[tilespmem:s15], [sflag:$0x4] =	stream.indirect.gather [spmem:s3], $0x8, s8, s12, $0xb8;
	[tilespmem:$0xB3B0] =	vst v63  }
0x17a: {  	s1 =	rddreg [dreg:$0xe]  }
0x17b: {  	[tilespmem:s16], [sflag:$0x5] =	stream.indirect.gather [hbm4b:s5+s12], $0x8, s1, s12, $0xb8;
	[tilespmem:$0xB3B0] =	vst v63  }
0x17c: {  	_ =	swait.ge [sflag:s17], $0xC80  }
0x17d: {  	[sflag:s17] =	ssyncset.done $0x0  }
0x17e: {  	[sflag:s17] =	ssyncadd.s32 $0xFFFFF380  }
0x17f: {  	[spmem:s2] =	stream.indirect.scatter.add.f32 [tilespmem:s7], [sflag:$0x6], $0x8, s28, s12, $0xb8;
	[tilespmem:$0xB3B0] =	vst v63  }
0x180: {  	_ =	swait.ge [sflag:s18], $0xC80  }
0x181: {  	[sflag:s18] =	ssyncset.done $0x0  }
0x182: {  	s8 =	rddreg [dreg:$0xf];
	[sflag:s18] =	ssyncadd.s32 $0xFFFFF380  }
0x183: {  	[spmem:s2] =	stream.indirect.scatter.add.f32 [tilespmem:s13], [sflag:$0x7], $0x8, s8, s12, $0xb8;
	[tilespmem:$0xB3B0] =	vst v63  }
0x184: {  	_ =	swait.ge [sflag:s19], $0xC80  }
0x185: {  	[sflag:s19] =	ssyncset.done $0x0  }
0x186: {  	s8 =	rddreg [dreg:$0x10];
	[sflag:s19] =	ssyncadd.s32 $0xFFFFF380  }
0x187: {  	[spmem:s2] =	stream.indirect.scatter.add.f32 [tilespmem:s14], [sflag:$0x8], $0x8, s8, s12, $0xb8;
	[tilespmem:$0xB3B0] =	vst v63  }
0x188: {  	_ =	swait.ge [sflag:s20], $0xC80  }
0x189: {  	[sflag:s20] =	ssyncset.done $0x0  }
0x18a: {  	s8 =	rddreg [dreg:$0x11];
	[sflag:s20] =	ssyncadd.s32 $0xFFFFF380  }
0x18b: {  	[spmem:s2] =	stream.indirect.scatter.add.f32 [tilespmem:s15], [sflag:$0x9], $0x8, s8, s12, $0xb8;
	[tilespmem:$0xB3B0] =	vst v63  }
0x18c: {  	_ =	swait.ge [sflag:s21], $0xC80  }
0x18d: {  	[sflag:s21] =	ssyncset.done $0x0  }
0x18e: {  	s8 =	rddreg [dreg:$0x12];
	[sflag:s21] =	ssyncadd.s32 $0xFFFFF380  }
0x18f: {  	[spmem:s2] =	stream.indirect.scatter.add.f32 [tilespmem:s16], [sflag:$0xA], $0x8, s8, s12, $0xb8;
	[tilespmem:$0xB3B0] =	vst v63  }
0x190: {  	_ =	swait.ge [sflag:s22], $0xC80  }
0x191: {  	[sflag:s22] =	ssyncset.done $0x0  }
0x192: {  	s8 =	rddreg [dreg:$0x13];
	[sflag:s22] =	ssyncadd.s32 $0xFFFFF380  }
0x193: {  	[tilespmem:s7], [sflag:$0x1] =	stream.indirect.gather [spmem:s3], $0x8, s8, s12, $0xb8;
	[tilespmem:$0xB3B0] =	vst v63  }
0x194: {  	_ =	swait.ge [sflag:s23], $0xC80  }
0x195: {  	[sflag:s23] =	ssyncset.done $0x0  }
0x196: {  	s8 =	rddreg [dreg:$0x14];
	[sflag:s23] =	ssyncadd.s32 $0xFFFFF380  }
0x197: {  	[tilespmem:s13], [sflag:$0x2] =	stream.indirect.gather [spmem:s3], $0x8, s8, s12, $0xb8;
	[tilespmem:$0xB3B0] =	vst v63  }
0x198: {  	_ =	swait.ge [sflag:s24], $0xC80  }
0x199: {  	[sflag:s24] =	ssyncset.done $0x0  }
0x19a: {  	s8 =	rddreg [dreg:$0x15];
	[sflag:s24] =	ssyncadd.s32 $0xFFFFF380  }
0x19b: {  	[tilespmem:s14], [sflag:$0x3] =	stream.indirect.gather [spmem:s3], $0x8, s8, s12, $0xb8;
	[tilespmem:$0xB3B0] =	vst v63  }
0x19c: {  	_ =	swait.ge [sflag:s25], $0xC80  }
0x19d: {  	[sflag:s25] =	ssyncset.done $0x0  }
0x19e: {  	s8 =	rddreg [dreg:$0x16];
	[sflag:s25] =	ssyncadd.s32 $0xFFFFF380  }
0x19f: {  	[tilespmem:s15], [sflag:$0x4] =	stream.indirect.gather [spmem:s3], $0x8, s8, s12, $0xb8;
	[tilespmem:$0xB3B0] =	vst v63  }
0x1a0: {  	_ =	swait.ge [sflag:s26], $0xC80  }
0x1a1: {  	[sflag:s26] =	ssyncset.done $0x0  }
0x1a2: {  	s8 =	rddreg [dreg:$0x17];
	[sflag:s26] =	ssyncadd.s32 $0xFFFFF380  }
0x1a3: {  	[tilespmem:s16], [sflag:$0x5] =	stream.indirect.gather [hbm4b:s5+s12], $0x8, s8, s12, $0xb8;
	[tilespmem:$0xB3B0] =	vst v63  }
0x1a4: {  	_ =	swait.ge [sflag:s17], $0xC80  }
0x1a5: {  	[sflag:s17] =	ssyncset.done $0x0  }
0x1a6: {  	s8 =	rddreg [dreg:$0x18];
	[sflag:s17] =	ssyncadd.s32 $0xFFFFF380  }
0x1a7: {  	[spmem:s2] =	stream.indirect.scatter.add.f32 [tilespmem:s7], [sflag:$0x6], $0x8, s8, s12, $0xb8;
	[tilespmem:$0xB3B0] =	vst v63  }
0x1a8: {  	_ =	swait.ge [sflag:s18], $0xC80  }
0x1a9: {  	[sflag:s18] =	ssyncset.done $0x0  }
0x1aa: {  	s8 =	rddreg [dreg:$0x19];
	[sflag:s18] =	ssyncadd.s32 $0xFFFFF380  }
0x1ab: {  	[spmem:s2] =	stream.indirect.scatter.add.f32 [tilespmem:s13], [sflag:$0x7], $0x8, s8, s12, $0xb8;
	[tilespmem:$0xB3B0] =	vst v63  }
0x1ac: {  	_ =	swait.ge [sflag:s19], $0xC80  }
0x1ad: {  	[sflag:s19] =	ssyncset.done $0x0  }
0x1ae: {  	s8 =	rddreg [dreg:$0x1a];
	[sflag:s19] =	ssyncadd.s32 $0xFFFFF380  }
0x1af: {  	[spmem:s2] =	stream.indirect.scatter.add.f32 [tilespmem:s14], [sflag:$0x8], $0x8, s8, s12, $0xb8;
	[tilespmem:$0xB3B0] =	vst v63  }
0x1b0: {  	_ =	swait.ge [sflag:s20], $0xC80  }
0x1b1: {  	[sflag:s20] =	ssyncset.done $0x0  }
0x1b2: {  	s8 =	rddreg [dreg:$0x1b];
	[sflag:s20] =	ssyncadd.s32 $0xFFFFF380  }
0x1b3: {  	[spmem:s2] =	stream.indirect.scatter.add.f32 [tilespmem:s15], [sflag:$0x9], $0x8, s8, s12, $0xb8;
	[tilespmem:$0xB3B0] =	vst v63  }
0x1b4: {  	_ =	swait.ge [sflag:s21], $0xC80  }
0x1b5: {  	[sflag:s21] =	ssyncset.done $0x0  }
0x1b6: {  	s8 =	rddreg [dreg:$0x1c];
	[sflag:s21] =	ssyncadd.s32 $0xFFFFF380  }
0x1b7: {  	[spmem:s2] =	stream.indirect.scatter.add.f32 [tilespmem:s16], [sflag:$0xA], $0x8, s8, s12, $0xb8;
	[tilespmem:$0xB3B0] =	vst v63  }
0x1b8: {  	_ =	swait.ge [sflag:s22], $0xC80  }
0x1b9: {  	[sflag:s22] =	ssyncset.done $0x0  }
0x1ba: {  	s8 =	rddreg [dreg:$0x1d];
	[sflag:s22] =	ssyncadd.s32 $0xFFFFF380  }
0x1bb: {  	[tilespmem:s7], [sflag:$0x1] =	stream.indirect.gather [spmem:s3], $0x8, s8, s12, $0xb8;
	[tilespmem:$0xB3B0] =	vst v63  }
0x1bc: {  	_ =	swait.ge [sflag:s23], $0xC80  }
0x1bd: {  	[sflag:s23] =	ssyncset.done $0x0  }
0x1be: {  	s8 =	rddreg [dreg:$0x1e];
	[sflag:s23] =	ssyncadd.s32 $0xFFFFF380  }
0x1bf: {  	[tilespmem:s13], [sflag:$0x2] =	stream.indirect.gather [spmem:s3], $0x8, s8, s12, $0xb8;
	[tilespmem:$0xB3B0] =	vst v63  }
0x1c0: {  	_ =	swait.ge [sflag:s24], $0xC80  }
0x1c1: {  	[sflag:s24] =	ssyncset.done $0x0  }
0x1c2: {  	s8 =	rddreg [dreg:$0x1f];
	[sflag:s24] =	ssyncadd.s32 $0xFFFFF380  }
0x1c3: {  	[tilespmem:s14], [sflag:$0x3] =	stream.indirect.gather [spmem:s3], $0x8, s8, s12, $0xb8;
	[tilespmem:$0xB3B0] =	vst v63  }
0x1c4: {  	_ =	swait.ge [sflag:s25], $0xC80  }
0x1c5: {  	s8 =	sld [smem:$0x7E1]  }
0x1c6: {  	[sflag:s25] =	ssyncset.done $0x0  }
0x1c7: {  	[sflag:s25] =	ssyncadd.s32 $0xFFFFF380  }
0x1c8: {  	[tilespmem:s15], [sflag:$0x4] =	stream.indirect.gather [spmem:s3], $0x8, s8, s12, $0xb8;
	[tilespmem:$0xB3B0] =	vst v63  }
0x1c9: {  	_ =	swait.ge [sflag:s26], $0xC80  }
0x1ca: {  	s8 =	sld [smem:$0x7E2]  }
0x1cb: {  	[sflag:s26] =	ssyncset.done $0x0  }
0x1cc: {  	[sflag:s26] =	ssyncadd.s32 $0xFFFFF380  }
0x1cd: {  	[tilespmem:s16], [sflag:$0x5] =	stream.indirect.gather [hbm4b:s5+s12], $0x8, s8, s12, $0xb8;
	[tilespmem:$0xB3B0] =	vst v63  }
0x1ce: {  	_ =	swait.ge [sflag:s17], $0xC80  }
0x1cf: {  	s8 =	sld [smem:$0x7E3]  }
0x1d0: {  	[sflag:s17] =	ssyncset.done $0x0  }
0x1d1: {  	[sflag:s17] =	ssyncadd.s32 $0xFFFFF380  }
0x1d2: {  	[spmem:s2] =	stream.indirect.scatter.add.f32 [tilespmem:s7], [sflag:$0x6], $0x8, s8, s12, $0xb8;
	[tilespmem:$0xB3B0] =	vst v63  }
0x1d3: {  	_ =	swait.ge [sflag:s18], $0xC80  }
0x1d4: {  	s8 =	sld [smem:$0x7E4]  }
0x1d5: {  	[sflag:s18] =	ssyncset.done $0x0  }
0x1d6: {  	[sflag:s18] =	ssyncadd.s32 $0xFFFFF380  }
0x1d7: {  	[spmem:s2] =	stream.indirect.scatter.add.f32 [tilespmem:s13], [sflag:$0x7], $0x8, s8, s12, $0xb8;
	[tilespmem:$0xB3B0] =	vst v63  }
0x1d8: {  	_ =	swait.ge [sflag:s19], $0xC80  }
0x1d9: {  	s8 =	sld [smem:$0x7E5]  }
0x1da: {  	[sflag:s19] =	ssyncset.done $0x0  }
0x1db: {  	[sflag:s19] =	ssyncadd.s32 $0xFFFFF380  }
0x1dc: {  	[spmem:s2] =	stream.indirect.scatter.add.f32 [tilespmem:s14], [sflag:$0x8], $0x8, s8, s12, $0xb8;
	[tilespmem:$0xB3B0] =	vst v63  }
0x1dd: {  	_ =	swait.ge [sflag:s20], $0xC80  }
0x1de: {  	s8 =	sld [smem:$0x7E6]  }
0x1df: {  	[sflag:s20] =	ssyncset.done $0x0  }
0x1e0: {  	[sflag:s20] =	ssyncadd.s32 $0xFFFFF380  }
0x1e1: {  	[spmem:s2] =	stream.indirect.scatter.add.f32 [tilespmem:s15], [sflag:$0x9], $0x8, s8, s12, $0xb8;
	[tilespmem:$0xB3B0] =	vst v63  }
0x1e2: {  	_ =	swait.ge [sflag:s21], $0xC80  }
0x1e3: {  	s8 =	sld [smem:$0x7E7]  }
0x1e4: {  	[sflag:s21] =	ssyncset.done $0x0  }
0x1e5: {  	[sflag:s21] =	ssyncadd.s32 $0xFFFFF380  }
0x1e6: {  	[spmem:s2] =	stream.indirect.scatter.add.f32 [tilespmem:s16], [sflag:$0xA], $0x8, s8, s12, $0xb8;
	[tilespmem:$0xB3B0] =	vst v63  }
0x1e7: {  	_ =	swait.ge [sflag:s22], $0xC80  }
0x1e8: {  	s8 =	sld [smem:$0x7E8]  }
0x1e9: {  	[sflag:s22] =	ssyncset.done $0x0  }
0x1ea: {  	[sflag:s22] =	ssyncadd.s32 $0xFFFFF380  }
0x1eb: {  	[tilespmem:s7], [sflag:$0x1] =	stream.indirect.gather [spmem:s3], $0x8, s8, s12, $0xb8;
	[tilespmem:$0xB3B0] =	vst v63  }
0x1ec: {  	_ =	swait.ge [sflag:s23], $0xC80  }
0x1ed: {  	s8 =	sld [smem:$0x7E9]  }
0x1ee: {  	[sflag:s23] =	ssyncset.done $0x0  }
0x1ef: {  	[sflag:s23] =	ssyncadd.s32 $0xFFFFF380  }
0x1f0: {  	[tilespmem:s13], [sflag:$0x2] =	stream.indirect.gather [spmem:s3], $0x8, s8, s12, $0xb8;
	[tilespmem:$0xB3B0] =	vst v63  }
0x1f1: {  	_ =	swait.ge [sflag:s24], $0xC80  }
0x1f2: {  	s8 =	sld [smem:$0x7EA]  }
0x1f3: {  	[sflag:s24] =	ssyncset.done $0x0  }
0x1f4: {  	[sflag:s24] =	ssyncadd.s32 $0xFFFFF380  }
0x1f5: {  	[tilespmem:s14], [sflag:$0x3] =	stream.indirect.gather [spmem:s3], $0x8, s8, s12, $0xb8;
	[tilespmem:$0xB3B0] =	vst v63  }
0x1f6: {  	_ =	swait.ge [sflag:s25], $0xC80  }
0x1f7: {  	s8 =	sld [smem:$0x7EB]  }
0x1f8: {  	[sflag:s25] =	ssyncset.done $0x0  }
0x1f9: {  	[sflag:s25] =	ssyncadd.s32 $0xFFFFF380  }
0x1fa: {  	[tilespmem:s15], [sflag:$0x4] =	stream.indirect.gather [spmem:s3], $0x8, s8, s12, $0xb8;
	[tilespmem:$0xB3B0] =	vst v63  }
0x1fb: {  	_ =	swait.ge [sflag:s26], $0xC80  }
0x1fc: {  	s8 =	sld [smem:$0x7EC]  }
0x1fd: {  	[sflag:s26] =	ssyncset.done $0x0  }
0x1fe: {  	[sflag:s26] =	ssyncadd.s32 $0xFFFFF380  }
0x1ff: {  	[tilespmem:s16], [sflag:$0x5] =	stream.indirect.gather [hbm4b:s5+s12], $0x8, s8, s12, $0xb8;
	[tilespmem:$0xB3B0] =	vst v63  }
0x200: {  	_ =	swait.ge [sflag:s17], $0xC80  }
0x201: {  	s8 =	sld [smem:$0x7ED]  }
0x202: {  	[sflag:s17] =	ssyncset.done $0x0  }
0x203: {  	[sflag:s17] =	ssyncadd.s32 $0xFFFFF380  }
0x204: {  	[spmem:s2] =	stream.indirect.scatter.add.f32 [tilespmem:s7], [sflag:$0x6], $0x8, s8, s12, $0xb8;
	[tilespmem:$0xB3B0] =	vst v63  }
0x205: {  	_ =	swait.ge [sflag:s18], $0xC80  }
0x206: {  	s8 =	sld [smem:$0x7EE]  }
0x207: {  	[sflag:s18] =	ssyncset.done $0x0  }
0x208: {  	[sflag:s18] =	ssyncadd.s32 $0xFFFFF380  }
0x209: {  	[spmem:s2] =	stream.indirect.scatter.add.f32 [tilespmem:s13], [sflag:$0x7], $0x8, s8, s12, $0xb8;
	[tilespmem:$0xB3B0] =	vst v63  }
0x20a: {  	_ =	swait.ge [sflag:s19], $0xC80  }
0x20b: {  	s8 =	sld [smem:$0x7EF]  }
0x20c: {  	[sflag:s19] =	ssyncset.done $0x0  }
0x20d: {  	[sflag:s19] =	ssyncadd.s32 $0xFFFFF380  }
0x20e: {  	[spmem:s2] =	stream.indirect.scatter.add.f32 [tilespmem:s14], [sflag:$0x8], $0x8, s8, s12, $0xb8;
	[tilespmem:$0xB3B0] =	vst v63  }
0x20f: {  	_ =	swait.ge [sflag:s20], $0xC80  }
0x210: {  	s8 =	sld [smem:$0x7F0]  }
0x211: {  	[sflag:s20] =	ssyncset.done $0x0  }
0x212: {  	[sflag:s20] =	ssyncadd.s32 $0xFFFFF380  }
0x213: {  	[spmem:s2] =	stream.indirect.scatter.add.f32 [tilespmem:s15], [sflag:$0x9], $0x8, s8, s12, $0xb8;
	[tilespmem:$0xB3B0] =	vst v63  }
0x214: {  	_ =	swait.ge [sflag:s21], $0xC80  }
0x215: {  	s8 =	sld [smem:$0x7F1]  }
0x216: {  	[sflag:s21] =	ssyncset.done $0x0  }
0x217: {  	[sflag:s21] =	ssyncadd.s32 $0xFFFFF380  }
0x218: {  	[spmem:s2] =	stream.indirect.scatter.add.f32 [tilespmem:s16], [sflag:$0xA], $0x8, s8, s12, $0xb8;
	[tilespmem:$0xB3B0] =	vst v63  }
0x219: {  	_ =	swait.ge [sflag:s22], $0xC80  }
0x21a: {  	s8 =	sld [smem:$0x7F2]  }
0x21b: {  	[sflag:s22] =	ssyncset.done $0x0  }
0x21c: {  	[sflag:s22] =	ssyncadd.s32 $0xFFFFF380  }
0x21d: {  	[tilespmem:s7], [sflag:$0x1] =	stream.indirect.gather [spmem:s3], $0x8, s8, s12, $0xb8;
	[tilespmem:$0xB3B0] =	vst v63  }
0x21e: {  	_ =	swait.ge [sflag:s23], $0xC80  }
0x21f: {  	s8 =	sld [smem:$0x7F3]  }
0x220: {  	[sflag:s23] =	ssyncset.done $0x0  }
0x221: {  	[sflag:s23] =	ssyncadd.s32 $0xFFFFF380  }
0x222: {  	[tilespmem:s13], [sflag:$0x2] =	stream.indirect.gather [spmem:s3], $0x8, s8, s12, $0xb8;
	[tilespmem:$0xB3B0] =	vst v63  }
0x223: {  	_ =	swait.ge [sflag:s24], $0xC80  }
0x224: {  	s8 =	sld [smem:$0x7F4]  }
0x225: {  	[sflag:s24] =	ssyncset.done $0x0  }
0x226: {  	[sflag:s24] =	ssyncadd.s32 $0xFFFFF380  }
0x227: {  	[tilespmem:s14], [sflag:$0x3] =	stream.indirect.gather [spmem:s3], $0x8, s8, s12, $0xb8;
	[tilespmem:$0xB3B0] =	vst v63  }
0x228: {  	_ =	swait.ge [sflag:s25], $0xC80  }
0x229: {  	s8 =	sld [smem:$0x7F5]  }
0x22a: {  	[sflag:s25] =	ssyncset.done $0x0  }
0x22b: {  	[sflag:s25] =	ssyncadd.s32 $0xFFFFF380  }
0x22c: {  	[tilespmem:s15], [sflag:$0x4] =	stream.indirect.gather [spmem:s3], $0x8, s8, s12, $0xb8;
	[tilespmem:$0xB3B0] =	vst v63  }
0x22d: {  	_ =	swait.ge [sflag:s26], $0xC80  }
0x22e: {  	s8 =	sld [smem:$0x7F6]  }
0x22f: {  	[sflag:s26] =	ssyncset.done $0x0  }
0x230: {  	[sflag:s26] =	ssyncadd.s32 $0xFFFFF380  }
0x231: {  	[tilespmem:s16], [sflag:$0x5] =	stream.indirect.gather [hbm4b:s5+s12], $0x8, s8, s12, $0xb8;
	[tilespmem:$0xB3B0] =	vst v63  }
0x232: {  	_ =	swait.ge [sflag:s17], $0xC80  }
0x233: {  	s8 =	sld [smem:$0x7F7]  }
0x234: {  	[sflag:s17] =	ssyncset.done $0x0  }
0x235: {  	[sflag:s17] =	ssyncadd.s32 $0xFFFFF380  }
0x236: {  	[spmem:s2] =	stream.indirect.scatter.add.f32 [tilespmem:s7], [sflag:$0x6], $0x8, s8, s12, $0xb8;
	[tilespmem:$0xB3B0] =	vst v63  }
0x237: {  	_ =	swait.ge [sflag:s18], $0xC80  }
0x238: {  	s8 =	sld [smem:$0x7F8]  }
0x239: {  	[sflag:s18] =	ssyncset.done $0x0  }
0x23a: {  	[sflag:s18] =	ssyncadd.s32 $0xFFFFF380  }
0x23b: {  	[spmem:s2] =	stream.indirect.scatter.add.f32 [tilespmem:s13], [sflag:$0x7], $0x8, s8, s12, $0xb8;
	[tilespmem:$0xB3B0] =	vst v63  }
0x23c: {  	_ =	swait.ge [sflag:s19], $0xC80  }
0x23d: {  	s8 =	sld [smem:$0x7F9]  }
0x23e: {  	[sflag:s19] =	ssyncset.done $0x0  }
0x23f: {  	[sflag:s19] =	ssyncadd.s32 $0xFFFFF380  }
0x240: {  	[spmem:s2] =	stream.indirect.scatter.add.f32 [tilespmem:s14], [sflag:$0x8], $0x8, s8, s12, $0xb8;
	[tilespmem:$0xB3B0] =	vst v63  }
0x241: {  	_ =	swait.ge [sflag:s20], $0xC80  }
0x242: {  	s8 =	sld [smem:$0x7FA]  }
0x243: {  	[sflag:s20] =	ssyncset.done $0x0  }
0x244: {  	[sflag:s20] =	ssyncadd.s32 $0xFFFFF380  }
0x245: {  	[spmem:s2] =	stream.indirect.scatter.add.f32 [tilespmem:s15], [sflag:$0x9], $0x8, s8, s12, $0xb8;
	[tilespmem:$0xB3B0] =	vst v63  }
0x246: {  	_ =	swait.ge [sflag:s21], $0xC80  }
0x247: {  	s8 =	sld [smem:$0x7FB]  }
0x248: {  	[sflag:s21] =	ssyncset.done $0x0  }
0x249: {  	[sflag:s21] =	ssyncadd.s32 $0xFFFFF380  }
0x24a: {  	[spmem:s2] =	stream.indirect.scatter.add.f32 [tilespmem:s16], [sflag:$0xA], $0x8, s8, s12, $0xb8;
	[tilespmem:$0xB3B0] =	vst v63  }
0x24b: {  	_ =	swait.ge [sflag:s22], $0xC80  }
0x24c: {  	[sflag:s22] =	ssyncset.done $0x0  }
0x24d: {  	[sflag:s22] =	ssyncadd.s32 $0xFFFFF380  }
0x24e: {  	_ =	swait.ge [sflag:s23], $0xC80  }
0x24f: {  	[sflag:s23] =	ssyncset.done $0x0  }
0x250: {  	[sflag:s23] =	ssyncadd.s32 $0xFFFFF380  }
0x251: {  	_ =	swait.ge [sflag:s24], $0xC80  }
0x252: {  	[sflag:s24] =	ssyncset.done $0x0  }
0x253: {  	[sflag:s24] =	ssyncadd.s32 $0xFFFFF380  }
0x254: {  	_ =	swait.ge [sflag:s25], $0xC80  }
0x255: {  	[sflag:s25] =	ssyncset.done $0x0  }
0x256: {  	[sflag:s25] =	ssyncadd.s32 $0xFFFFF380  }
0x257: {  	_ =	swait.ge [sflag:s26], $0xC80  }
0x258: {  	[sflag:s26] =	ssyncset.done $0x0  }
0x259: {  	p0 =	sne.s32 s0, $0x1;
	[sflag:s26] =	ssyncadd.s32 $0xFFFFF380  }
.Ltmp1:
0x25a: {  	[bflag:$0x0] =	sbarrier.arrive $0xFFFF;
	(pc) =	sbr.rel @p0 .LBB2_2-.Ltmp1, $4  }
0x25b: {  	[hbm:s29], [sflag:s10] =	dma.local [spmem:s31], $0x190  }
0x25c: {  	_ =	swait.ge [sflag:s6], $0x190  }
0x25d: {  	[sflag:s6] =	ssyncset.done $0x0  }
0x25e: {  	s0 =	sadd.s32 $0xFFFFFFFF, s0;
	[sflag:s6] =	ssyncadd.s32 $0xFFFFFE70  }
.LBB2_3:
0x25f: {  	[hbm:s30], [sflag:s10] =	dma.local [spmem:s9], $0xE1  }
0x260: {  	_ =	swait.ge [sflag:s6], $0xE1  }
0x261: {  	[sflag:s6] =	ssyncset.done $0x0  }
0x262: {  	[sflag:s6] =	ssyncadd.s32 $0xFFFFFF1F  }
0x263: {  	_ =	sfence.sel $0x180000  }
0x264: {  	[bflag:$0x0] =	sbarrier.arrive $0xFFFF  }
0x265: {  	_ =	strace $0x9000004D  }
0x266: {  	s0 =	stileid.u32;
	[bflag:$0x2] =	sbarrier.arrive $0xFFFF  }
0x267: {  	p0 =	sne.s32 s0, $0x0;
	s0 =	rddreg [dreg:$0x4]  }
0x268: {  	s0 =	sadd.s32 @!p0 $0x100000, s0  }
0x269: {  	[sflag:s0] =	ssyncadd.tile.s32 @!p0 $0x1;
	_ =	shalt  }
.Lfunc_end2:
_tile_overlayer_lowered:
.L_overlay_start_2:
0x26a: {  	(tag) =	ssettag $0x2  }
0x26b: {  	s0 =	rddreg [dreg:$0x0];
	s2 =	stileid.u32  }
0x26c: {  	s1 =	rddreg [dreg:$0x1];
	p0 =	sne.s32 s2, $0x0  }
0x26d: {  	s3 =	rddreg [dreg:$0x2];
	[bflag:$0x3] =	sbarrier.arrive $0xFFFF;
	s2 =	simm.s32 @!p0 $0x1C0B  }
0x26e: {  	[timem:s3], [sflag:s2] =	dma.local @!p0 [hbm:s0], s1  }
0x26f: {  	s0 =	simm.s32 @!p0 $0xB  }
0x270: {  	_ =	swait.ge @!p0 [sflag:s0], s1  }
0x271: {  	s1 =	ssub.s32 @!p0 $0x0, s1;
	[sflag:s0] =	ssyncset.done @!p0 $0x0  }
0x272: {  	[sflag:s0] =	ssyncadd.s32 @!p0 s1  }
0x273: {  	[bflag:$0x3] =	sbarrier.arrive $0xFFFF  }
0x274: {  	_ =	shalt  }

// kernel: kernel.8.cloned.1.call-start
scs
__scs_entry_jumppad:
0x0: {  	(pc) =	sbr.rel $0x88, $3  }
0x1: {  	(tag) =	ssettag $0x0;
	lr =	simm.s32 $0x1  }
0x2: {  	[smem:$0x3F9B] =	sst lr;
	_ =	strace $0xD0000000  }
0x3: {  	_ = 	snop  }
0x4: {  	_ = 	snop  }
0x5: {  	_ = 	snop  }
0x6: {  	_ = 	snop  }
0x7: {  	_ = 	snop  }
__scs_overlays_trampoline_lowered:
0x8: {  	[smem:$0x3FAA] =	sst s0  }
0x9: {  	[smem:$0x3FAB] =	sst s1  }
0xa: {  	[smem:$0x3FAC] =	sst s2  }
0xb: {  	[smem:$0x3FAD] =	sst s3  }
0xc: {  	[smem:$0x3FAE] =	sst s4  }
0xd: {  	[smem:$0x3FAF] =	sst s5  }
0xe: {  	[smem:$0x3FB0] =	sst s6  }
0xf: {  	[smem:$0x3FB1] =	sst s7  }
0x10: {  	[smem:$0x3FB2] =	sst s8  }
0x11: {  	[smem:$0x3FB3] =	sst s9;
	s0 =	simm.s32 @!p0 $0x0  }
0x12: {  	s1 =	sld [smem:$0x3F99];
	s0 =	simm.s32 @p0 $0x1  }
0x13: {  	[smem:$0x3FB4] =	sst s0;
	s0 =	simm.s32 @!p1 $0x0  }
0x14: {  	s2 =	sld [smem:$0x3F98];
	s0 =	simm.s32 @p1 $0x1  }
0x15: {  	[smem:$0x3FB5] =	sst s0;
	s0 =	simm.s32 @!p2 $0x0  }
0x16: {  	s3 =	sld [smem:$0x3FDB];
	s0 =	simm.s32 @p2 $0x1  }
0x17: {  	s4 =	simm.s32 $0x1BF5;
	[smem:$0x3FB7] =	sst s0  }
0x18: {  	s0 =	sld [smem:$0x3F9A];
	_ =	swait.ge [sflag:s4], $0x0  }
0x19: {  	s7 =	sld [smem:$0x3F9B]  }
0x1a: {  	s8 =	sadd.s32 $0xFFFFE003, lr  }
0x1b: {  	s9 =	sadd.s32 $0xFFFFFEF7, lr;
	s5 =	simm.s32 $0xFFFFFFFF;
	p2 =	slt.u32 s8, $0xFFFFF086  }
0x1c: {  	p1 =	slt.u32 s9, $0xF7A;
	s5 =	simm.s32 @!p2 $0x0  }
0x1d: {  	s5 =	simm.s32 @p1 $0x1;
	p0 =	seq.s32 s7, s2  }
0x1e: {  	s7 =	smul.u32 @!p0 $0xF7A, s2;
	p2 =	seq.s32 @!p0 s5, $0x0  }
0x1f: {  	s9 =	smul.u32 $0xF7A, s1;
	s8 =	simm.s32 @!p0 $0x1BF5;
	p2 =	por !p2, p0  }
0x20: {  	[sflag:s8] =	ssyncset.s32 @!p0 $0xFFFFF086;
	s6 =	sadd.s32 @!p0 s3, s7;
	s7 =	simm.s32 @!p0 $0x108  }
0x21: {  	s3 =	sadd.s32 s3, s9;
	s6 =	sadd.s32 @!p0 $0x88, s6;
	s7 =	simm.s32 @p2 $0x1082  }
0x22: {  	[simem:s7], [sflag:s8] =	dma.local @!p0 [hbm:s6], $0xF7A  }
0x23: {  	s9 =	sor.u32 $0xD0000000, s2;
	s6 =	simm.s32 $0x108;
	_ =	swait.ge @!p0 [sflag:s8], $0x0  }
0x24: {  	s3 =	sadd.s32 $0x88, s3;
	s6 =	simm.s32 @!p1 $0x1082;
	[sflag:s4] =	ssyncset.s32 $0xFFFFF086  }
0x25: {  	[simem:s6], [sflag:s4] =	dma.local [hbm:s3], $0xF7A  }
0x26: {  	[smem:$0x3F9B] =	sst s1;
	(tag) =	ssettag s2;
	_ =	strace s9  }
0x27: {  	s1 =	sld [smem:$0x3FAB]  }
0x28: {  	s2 =	sld [smem:$0x3FAC]  }
0x29: {  	s4 =	sld [smem:$0x3FAE]  }
0x2a: {  	p0 =	seq.s32 s5, $0x0;
	s5 =	sld [smem:$0x3FAF]  }
0x2b: {  	s6 =	sld [smem:$0x3FB0]  }
0x2c: {  	s7 =	sld [smem:$0x3FB1]  }
0x2d: {  	s3 =	simm.s32 $0x108;
	s8 =	sld [smem:$0x3FB2]  }
0x2e: {  	s3 =	simm.s32 @!p0 $0x1082;
	s9 =	sld [smem:$0x3FB3]  }
0x2f: {  	lr =	sadd.s32 s0, s3;
	s0 =	sld [smem:$0x3FAA]  }
0x30: {  	s3 =	sld [smem:$0x3FAD]  }
0x31: {  	[smem:$0x3FB6] =	sst s10  }
0x32: {  	s10 =	sld [smem:$0x3FB4];
	_ =	sdelay $0x3  }
0x33: {  	p0 =	seq.s32 s10, $0x1;
	s10 =	sld [smem:$0x3FB6];
	_ =	sdelay $0x3  }
0x34: {  	[smem:$0x3FB6] =	sst s10  }
0x35: {  	s10 =	sld [smem:$0x3FB5];
	_ =	sdelay $0x3  }
0x36: {  	p1 =	seq.s32 s10, $0x1;
	s10 =	sld [smem:$0x3FB6];
	_ =	sdelay $0x3  }
0x37: {  	[smem:$0x3FB6] =	sst s10  }
0x38: {  	s10 =	sld [smem:$0x3FB7]  }
0x39: {  	_ = 	snop;
	(pc) =	sbr.ind lr, $3  }
0x3a: {  	_ = 	snop  }
0x3b: {  	_ = 	snop  }
0x3c: {  	p2 =	seq.s32 s10, $0x1;
	s10 =	sld [smem:$0x3FB6]  }
0x3d: {  	_ =	shalt  }
0x3e: {  	_ =	shalt  }
0x3f: {  	_ =	shalt  }
0x40: {  	_ =	shalt  }
0x41: {  	_ =	shalt  }
0x42: {  	_ =	shalt  }
0x43: {  	_ =	shalt  }
0x44: {  	_ =	shalt  }
0x45: {  	_ =	shalt  }
0x46: {  	_ =	shalt  }
0x47: {  	_ =	shalt  }
0x48: {  	_ =	shalt  }
0x49: {  	_ =	shalt  }
0x4a: {  	_ =	shalt  }
0x4b: {  	_ =	shalt  }
0x4c: {  	_ =	shalt  }
0x4d: {  	_ =	shalt  }
0x4e: {  	_ =	shalt  }
0x4f: {  	_ =	shalt  }
0x50: {  	_ =	shalt  }
0x51: {  	_ =	shalt  }
0x52: {  	_ =	shalt  }
0x53: {  	_ =	shalt  }
0x54: {  	_ =	shalt  }
0x55: {  	_ =	shalt  }
0x56: {  	_ =	shalt  }
0x57: {  	_ =	shalt  }
0x58: {  	_ =	shalt  }
0x59: {  	_ =	shalt  }
0x5a: {  	_ =	shalt  }
0x5b: {  	_ =	shalt  }
0x5c: {  	_ =	shalt  }
0x5d: {  	_ =	shalt  }
0x5e: {  	_ =	shalt  }
0x5f: {  	_ =	shalt  }
0x60: {  	_ =	shalt  }
0x61: {  	_ =	shalt  }
0x62: {  	_ =	shalt  }
0x63: {  	_ =	shalt  }
0x64: {  	_ =	shalt  }
0x65: {  	_ =	shalt  }
0x66: {  	_ =	shalt  }
0x67: {  	_ =	shalt  }
0x68: {  	_ =	shalt  }
0x69: {  	_ =	shalt  }
0x6a: {  	_ =	shalt  }
0x6b: {  	_ =	shalt  }
0x6c: {  	_ =	shalt  }
0x6d: {  	_ =	shalt  }
0x6e: {  	_ =	shalt  }
0x6f: {  	_ =	shalt  }
0x70: {  	_ =	shalt  }
0x71: {  	_ =	shalt  }
0x72: {  	_ =	shalt  }
0x73: {  	_ =	shalt  }
0x74: {  	_ =	shalt  }
0x75: {  	_ =	shalt  }
0x76: {  	_ =	shalt  }
0x77: {  	_ =	shalt  }
0x78: {  	_ =	shalt  }
0x79: {  	_ =	shalt  }
0x7a: {  	_ =	shalt  }
0x7b: {  	_ =	shalt  }
0x7c: {  	_ =	shalt  }
0x7d: {  	_ =	shalt  }
0x7e: {  	_ =	shalt  }
0x7f: {  	_ =	shalt  }
0x80: {  	_ =	shalt  }
0x81: {  	_ =	shalt  }
0x82: {  	_ =	shalt  }
0x83: {  	_ =	shalt  }
0x84: {  	_ =	shalt  }
0x85: {  	_ =	shalt  }
0x86: {  	_ =	shalt  }
0x87: {  	_ =	shalt  }
.Lfunc_end0:
.L_simem_size_0:
called_computation_lowered:
.L_overlay_start_0:
0x88: {  	s2 =	sld [smem:$0x3FD9]  }
0x89: {  	s3 =	sld [smem:$0x3FFE];
	_ =	sdelay $0x1  }
0x8a: {  	s1 =	srdreg.scid  }
0x8b: {  	s0 =	sand.u32 $0x1, s1  }
0x8c: {  	s16 =	sshll.u32 s0, $0xA;
	s2 =	sadd.s32 s3, s2  }
0x8d: {  	s2 =	sadd.s32 s2, s16  }
0x8e: {  	[smem:$0x3FC2] =	sst s2  }
0x8f: {  	_ = 	snop  }
0x90: {  	(tm) =	ssettm $0x1  }
0x91: {  	s17 =	sld [smem:$0x3FFB];
	_ =	sdelay $0x3  }
0x92: {  	_ =	strace s17  }
0x93: {  	s2 =	sld [smem:$0x3FFC];
	_ =	sdelay $0x3  }
0x94: {  	_ =	strace s2  }
0x95: {  	s2 =	sld [smem:$0x3FFD];
	_ =	sdelay $0x3  }
0x96: {  	_ =	strace s2  }
0x97: {  	_ =	strace $0x8FFFFFFF  }
0x98: {  	s18 =	sld [smem:$0x3FDB];
	_ =	sdelay $0x1  }
0x99: {  	s19 =	simm.s32 $_scs_section_size  }
0x9a: {  	s4 =	simm.s32 $_size__tile_overlayer_lowered;
	s5 =	simm.s32 $_tile_overlayer_lowered  }
0x9b: {  	s22 =	simm.s32 $0x1BFF;
	s21 =	sshll.u32 s5, $0x1;
	s2 =	sadd.s32 s19, s18  }
0x9c: {  	s6 =	simm.s32 $0x0;
	s20 =	sshll.u32 s4, $0x1;
	s4 =	sadd.s32 s21, s2  }
0x9d: {  	[timem:s6], [sflag:s22] =	dma.local [hbm:s4], s20  }
0x9e: {  	_ =	swait.ge [sflag:s22], s20  }
0x9f: {  	s3 =	ssub.s32 $0x0, s20;
	[sflag:s22] =	ssyncset.done $0x0  }
0xa0: {  	[sflag:s22] =	ssyncadd.s32 s3;
	_ =	sdelay $0x1  }
0xa1: {  	s23 =	simm.s32 $0x1B8B  }
0xa2: {  	_ =	swait.ge [sflag:s23], $0x1  }
0xa3: {  	[sflag:s23] =	ssyncset.done $0x0  }
0xa4: {  	s25 =	simm.s32 $0x1B8E;
	s24 =	sld [smem:$0x3FFE];
	[sflag:s23] =	ssyncadd.s32 $0xFFFFFFFF  }
0xa5: {  	s26 =	simm.s32 $execute0_lowered;
	[smem:$0x3FD2] =	sst s25  }
0xa6: {  	s4 =	sshll.u32 s26, $0x1;
	_ =	strace $0x80000046;
	[dreg:$0x1] =	wrdreg $0xFFFFFFFF  }
0xa7: {  	s28 =	simm.s32 $_size_execute0_lowered;
	s2 =	sadd.s32 s2, s4;
	[dreg:$0x0] =	wrdreg $0x0  }
0xa8: {  	s4 =	sshll.u32 s28, $0x1;
	[dreg:$0x2] =	wrdreg s2  }
0xa9: {  	[dreg:$0x3] =	wrdreg s4  }
0xaa: {  	[dreg:$0x4] =	wrdreg $0xC0  }
0xab: {  	_ =	task [dreg:s6], $0x5FFFF  }
0xac: {  	[dreg:$0x1] =	wrdreg $0xFFFFFFFF  }
0xad: {  	[dreg:$0x0] =	wrdreg $0x60  }
0xae: {  	[dreg:$0x2] =	wrdreg s24  }
0xaf: {  	[dreg:$0x3] =	wrdreg $0x2B200  }
0xb0: {  	[dreg:$0x4] =	wrdreg $0x9  }
0xb1: {  	_ =	task.clear_ibuf [dreg:s6], $0x5FFFF;
	_ =	strace $0x90000046  }
0xb2: {  	s29 =	simm.s32 $0x9;
	_ =	strace $0x80000048  }
0xb3: {  	_ =	swait.ge [sflag:s29], $0x1  }
0xb4: {  	[sflag:s29] =	ssyncadd.s32 $0xFFFFFFFF  }
0xb5: {  	_ =	strace $0x90000048  }
0xb6: {  	_ =	sfence  }
0xb7: {  	s30 =	sld [smem:$0x0];
	_ =	sdelay $0x2  }
0xb8: {  	s31 =	sshll.u32 s1, $0xD;
	s1 =	sshrl.u32 s1, $0x2  }
0xb9: {  	s3 =	sand.u32 $0x4000, s31;
	s1 =	sadd.s32 s1, s30  }
0xba: {  	s0 =	sor.u32 s3, s0;
	s1 =	sshll.u32 s1, $0x11  }
0xbb: {  	s0 =	sor.u32 s1, s0  }
0xbc: {  	s0 =	sadd.s32 $0x8F2B, s0  }
0xbd: {  	[sflag:s0] =	ssyncadd.remote.s32 $0x1  }
0xbe: {  	_ =	sfence.sel $0xFFFF  }
0xbf: {  	[dreg:$0x0] =	wrdreg $0xFFFFFFFF;
	(pc) =	sbr.abs _section_cstart, $3  }
0xc0: {  	[dreg:$0x1] =	wrdreg $0xFFFFFFFF  }
0xc1: {  	_ =	task.clear_ibuf [dreg:s6], $0x2FFFF;
	_ =	strace $0x9FFFFFFF  }
0xc2: {  	(tm) =	ssettm $0x7FFFFFFF  }
0xc3: {  	_ =	shalt  }
tec
execute0_lowered:
.L_overlay_start_1:
0x0: {  	(tag) =	ssettag $0x1  }
0x1: {  	s24 =	rddreg [dreg:$0x0];
	s2 =	simm.s32 $0x0  }
0x2: {  	v0 =	vimm.f32 $1.000000000e+00;
	[smem:$0x7FF] =	sst s2  }
0x3: {  	s1 =	rddreg [dreg:$0x1];
	_ =	strace $0x80000047;
	[tilespmem:$0x2730] =	vst v0  }
0x4: {  	[tilespmem:$0x2740] =	vst v0  }
0x5: {  	[tilespmem:$0x2750] =	vst v0  }
0x6: {  	[tilespmem:$0x2760] =	vst v0  }
0x7: {  	[tilespmem:$0x2770] =	vst v0  }
0x8: {  	[tilespmem:$0x2780] =	vst v0  }
0x9: {  	[tilespmem:$0x2790] =	vst v0  }
0xa: {  	[tilespmem:$0x27A0] =	vst v0  }
0xb: {  	[tilespmem:$0x27B0] =	vst v0  }
0xc: {  	[tilespmem:$0x27C0] =	vst v0  }
0xd: {  	[tilespmem:$0x27D0] =	vst v0  }
0xe: {  	[tilespmem:$0x27E0] =	vst v0  }
0xf: {  	[tilespmem:$0x27F0] =	vst v0  }
0x10: {  	[tilespmem:$0x2800] =	vst v0  }
0x11: {  	[tilespmem:$0x2810] =	vst v0  }
0x12: {  	[tilespmem:$0x2820] =	vst v0  }
0x13: {  	[tilespmem:$0x2830] =	vst v0  }
0x14: {  	[tilespmem:$0x2840] =	vst v0  }
0x15: {  	[tilespmem:$0x2850] =	vst v0  }
0x16: {  	[tilespmem:$0x2860] =	vst v0  }
0x17: {  	[tilespmem:$0x2870] =	vst v0  }
0x18: {  	[tilespmem:$0x2880] =	vst v0  }
0x19: {  	v1 =	vimm.f32 $0.0e+00;
	[tilespmem:$0x2890] =	vst v0  }
0x1a: {  	[tilespmem:$0x28A0] =	vst v1  }
0x1b: {  	[tilespmem:$0x28B0] =	vst v1  }
0x1c: {  	[tilespmem:$0x28C0] =	vst v1  }
0x1d: {  	[tilespmem:$0x28D0] =	vst v1  }
0x1e: {  	[tilespmem:$0x28E0] =	vst v1  }
0x1f: {  	[tilespmem:$0x28F0] =	vst v1  }
0x20: {  	[tilespmem:$0x2900] =	vst v1  }
0x21: {  	[tilespmem:$0x2910] =	vst v1  }
0x22: {  	[tilespmem:$0x2710] =	vst v0  }
0x23: {  	[tilespmem:$0x2B10] =	vst v1  }
0x24: {  	[tilespmem:$0x2B00] =	vst v1  }
0x25: {  	[tilespmem:$0x2AF0] =	vst v1  }
0x26: {  	[tilespmem:$0x2AE0] =	vst v1  }
0x27: {  	[tilespmem:$0x2AD0] =	vst v1  }
0x28: {  	[tilespmem:$0x2AC0] =	vst v1  }
0x29: {  	[tilespmem:$0x2AB0] =	vst v1  }
0x2a: {  	[tilespmem:$0x2AA0] =	vst v1  }
0x2b: {  	[tilespmem:$0x2A90] =	vst v1  }
0x2c: {  	[tilespmem:$0x2A80] =	vst v1  }
0x2d: {  	[tilespmem:$0x2A70] =	vst v1  }
0x2e: {  	[tilespmem:$0x2A60] =	vst v1  }
0x2f: {  	[tilespmem:$0x2A50] =	vst v1  }
0x30: {  	[tilespmem:$0x2A40] =	vst v1  }
0x31: {  	[tilespmem:$0x2A30] =	vst v1  }
0x32: {  	[tilespmem:$0x2A20] =	vst v1  }
0x33: {  	[tilespmem:$0x2A10] =	vst v1  }
0x34: {  	[tilespmem:$0x2A00] =	vst v1  }
0x35: {  	s11 =	simm.s32 $0x320;
	[tilespmem:$0x29F0] =	vst v1  }
0x36: {  	s12 =	simm.s32 $0x4B0;
	[tilespmem:$0x29E0] =	vst v1;
	[dreg:$0x4] =	wrdreg s11  }
0x37: {  	s13 =	simm.s32 $0x640;
	[tilespmem:$0x29D0] =	vst v1;
	[dreg:$0x5] =	wrdreg s12  }
0x38: {  	s14 =	simm.s32 $0x7D0;
	[tilespmem:$0x29C0] =	vst v1;
	[dreg:$0x6] =	wrdreg s13  }
0x39: {  	s3 =	srdreg.scid;
	s15 =	simm.s32 $0x960;
	[tilespmem:$0x29B0] =	vst v1;
	[dreg:$0x7] =	wrdreg s14  }
0x3a: {  	s0 =	stileid.u32;
	s16 =	simm.s32 $0xAF0;
	[tilespmem:$0x29A0] =	vst v1;
	[dreg:$0x8] =	wrdreg s15  }
0x3b: {  	s17 =	simm.s32 $0xC80;
	s25 =	sand.u32 $0x1, s3;
	[tilespmem:$0x2990] =	vst v1;
	[dreg:$0x9] =	wrdreg s16  }
0x3c: {  	s18 =	simm.s32 $0xE10;
	s4 =	sshll.u32 s25, $0x4;
	[tilespmem:$0x2980] =	vst v1;
	[dreg:$0xa] =	wrdreg s17  }
0x3d: {  	s19 =	simm.s32 $0xFA0;
	[tilespmem:$0x2970] =	vst v1;
	[dreg:$0xb] =	wrdreg s18;
	s4 =	sor.u32 s0, s4  }
0x3e: {  	s20 =	simm.s32 $0x1130;
	[tilespmem:$0x2960] =	vst v1;
	[dreg:$0xc] =	wrdreg s19;
	s4 =	smul.u32 $0x2710, s4  }
0x3f: {  	s5 =	simm.s32 $0x12C0;
	s21 =	simm.s32 $0x1450;
	[tilespmem:$0x2950] =	vst v1;
	[dreg:$0xd] =	wrdreg s20  }
0x40: {  	s22 =	simm.s32 $0x15E0;
	[tilespmem:$0x2940] =	vst v1;
	[dreg:$0xe] =	wrdreg s5;
	s4 =	sshrl.u32 s4, $0x3  }
0x41: {  	p0 =	seq.s32 s0, $0xF;
	[tilespmem:$0x2930] =	vst v1;
	[dreg:$0xf] =	wrdreg s21;
	s4 =	sadd.s32 s24, s4  }
0x42: {  	[tilespmem:$0x2920] =	vst v1;
	[dreg:$0x10] =	wrdreg s22;
	s5 =	simm.s32 @p0 $0x28A0;
	s4 =	sadd.s32 $0xBA40, s4  }
0x43: {  	[tilespmem:$0x2720] =	vst v0;
	s6 =	simm.s32 @p0 $0x2;
	[dreg:$0x3] =	wrdreg s4;
	s4 =	sadd.s32 $0x2490, s1  }
0x44: {  	[spmem:s4] =	stream.linear.scatter @p0 [tilespmem:s5], [sflag:$0x2], $0x280, $0x38;
	[tilespmem:$0x2D98] =	vst v63  }
0x45: {  	s26 =	smul.u32 $0x270, s0;
	_ =	swait.ge @p0 [sflag:s6], $0x280  }
0x46: {  	s9 =	simm.s32 @!p0 $0x28A0;
	[sflag:s6] =	ssyncset.done @p0 $0x0  }
0x47: {  	s7 =	simm.s32 @!p0 $0x2;
	s8 =	sadd.s32 s26, s1;
	[sflag:s6] =	ssyncadd.s32 @p0 $0xFFFFFD80  }
0x48: {  	[spmem:s8] =	stream.linear.scatter @!p0 [tilespmem:s9], [sflag:$0x2], $0x270, $0x38;
	[tilespmem:$0x2D98] =	vst v63  }
0x49: {  	_ =	swait.ge @!p0 [sflag:s7], $0x270  }
0x4a: {  	[sflag:s7] =	ssyncset.done @!p0 $0x0  }
0x4b: {  	s10 =	simm.s32 $0x2;
	s11 =	rddreg [dreg:$0x3];
	[sflag:s7] =	ssyncadd.s32 @!p0 $0xFFFFFD90  }
0x4c: {  	[tilespmem:s2], [sflag:$0x2] =	stream.linear.gather [hbm4b:s11+s2], $0x2710, $0x38;
	[tilespmem:$0x2D98] =	vst v63  }
0x4d: {  	_ =	swait.ge [sflag:s10], $0x2710  }
0x4e: {  	[sflag:s10] =	ssyncset.done $0x0  }
0x4f: {  	[sflag:s10] =	ssyncadd.s32 $0xFFFFD8F0  }
0x50: {  	s12 =	simm.s32 $0x2710;
	s11 =	simm.s32 $0x190;
	[bflag:$0x0] =	sbarrier.arrive $0xFFFF  }
0x51: {  	[spmem:s1] =	stream.indirect.scatter.add.f32 [tilespmem:s12], [sflag:$0x1], $0x1, s2, s11, $0xb8;
	[tilespmem:$0x2D98] =	vst v63  }
0x52: {  	_ = 	snop  }
0x53: {  	[spmem:s1] =	stream.indirect.scatter.add.f32 [tilespmem:s12], [sflag:$0x1], $0x1, s11, s11, $0xb8;
	[tilespmem:$0x2D98] =	vst v63  }
0x54: {  	s13 =	rddreg [dreg:$0x4]  }
0x55: {  	[spmem:s1] =	stream.indirect.scatter.add.f32 [tilespmem:s12], [sflag:$0x1], $0x1, s13, s11, $0xb8;
	[tilespmem:$0x2D98] =	vst v63  }
0x56: {  	s14 =	rddreg [dreg:$0x5]  }
0x57: {  	[spmem:s1] =	stream.indirect.scatter.add.f32 [tilespmem:s12], [sflag:$0x1], $0x1, s14, s11, $0xb8;
	[tilespmem:$0x2D98] =	vst v63  }
0x58: {  	s23 =	rddreg [dreg:$0x6]  }
0x59: {  	[spmem:s1] =	stream.indirect.scatter.add.f32 [tilespmem:s12], [sflag:$0x1], $0x1, s23, s11, $0xb8;
	[tilespmem:$0x2D98] =	vst v63  }
0x5a: {  	s3 =	rddreg [dreg:$0x7]  }
0x5b: {  	[spmem:s1] =	stream.indirect.scatter.add.f32 [tilespmem:s12], [sflag:$0x1], $0x1, s3, s11, $0xb8;
	[tilespmem:$0x2D98] =	vst v63  }
0x5c: {  	s15 =	rddreg [dreg:$0x8]  }
0x5d: {  	[spmem:s1] =	stream.indirect.scatter.add.f32 [tilespmem:s12], [sflag:$0x1], $0x1, s15, s11, $0xb8;
	[tilespmem:$0x2D98] =	vst v63  }
0x5e: {  	s16 =	rddreg [dreg:$0x9]  }
0x5f: {  	[spmem:s1] =	stream.indirect.scatter.add.f32 [tilespmem:s12], [sflag:$0x1], $0x1, s16, s11, $0xb8;
	[tilespmem:$0x2D98] =	vst v63  }
0x60: {  	s17 =	rddreg [dreg:$0xa]  }
0x61: {  	[spmem:s1] =	stream.indirect.scatter.add.f32 [tilespmem:s12], [sflag:$0x1], $0x1, s17, s11, $0xb8;
	[tilespmem:$0x2D98] =	vst v63  }
0x62: {  	s18 =	rddreg [dreg:$0xb]  }
0x63: {  	[spmem:s1] =	stream.indirect.scatter.add.f32 [tilespmem:s12], [sflag:$0x1], $0x1, s18, s11, $0xb8;
	[tilespmem:$0x2D98] =	vst v63  }
0x64: {  	s19 =	rddreg [dreg:$0xc]  }
0x65: {  	[spmem:s1] =	stream.indirect.scatter.add.f32 [tilespmem:s12], [sflag:$0x1], $0x1, s19, s11, $0xb8;
	[tilespmem:$0x2D98] =	vst v63  }
0x66: {  	s20 =	rddreg [dreg:$0xd]  }
0x67: {  	[spmem:s1] =	stream.indirect.scatter.add.f32 [tilespmem:s12], [sflag:$0x1], $0x1, s20, s11, $0xb8;
	[tilespmem:$0x2D98] =	vst v63  }
0x68: {  	s21 =	rddreg [dreg:$0xe]  }
0x69: {  	[spmem:s1] =	stream.indirect.scatter.add.f32 [tilespmem:s12], [sflag:$0x1], $0x1, s21, s11, $0xb8;
	[tilespmem:$0x2D98] =	vst v63  }
0x6a: {  	s22 =	rddreg [dreg:$0xf]  }
0x6b: {  	[spmem:s1] =	stream.indirect.scatter.add.f32 [tilespmem:s12], [sflag:$0x1], $0x1, s22, s11, $0xb8;
	[tilespmem:$0x2D98] =	vst v63  }
0x6c: {  	s23 =	rddreg [dreg:$0x10]  }
0x6d: {  	[spmem:s1] =	stream.indirect.scatter.add.f32 [tilespmem:s12], [sflag:$0x1], $0x1, s23, s11, $0xb8;
	[tilespmem:$0x2D98] =	vst v63  }
0x6e: {  	s13 =	simm.s32 $0x1770  }
0x6f: {  	[spmem:s1] =	stream.indirect.scatter.add.f32 [tilespmem:s12], [sflag:$0x1], $0x1, s13, s11, $0xb8;
	[tilespmem:$0x2D98] =	vst v63  }
0x70: {  	s14 =	simm.s32 $0x1900  }
0x71: {  	[spmem:s1] =	stream.indirect.scatter.add.f32 [tilespmem:s12], [sflag:$0x1], $0x1, s14, s11, $0xb8;
	[tilespmem:$0x2D98] =	vst v63  }
0x72: {  	s15 =	simm.s32 $0x1A90  }
0x73: {  	[spmem:s1] =	stream.indirect.scatter.add.f32 [tilespmem:s12], [sflag:$0x1], $0x1, s15, s11, $0xb8;
	[tilespmem:$0x2D98] =	vst v63  }
0x74: {  	s16 =	simm.s32 $0x1C20  }
0x75: {  	[spmem:s1] =	stream.indirect.scatter.add.f32 [tilespmem:s12], [sflag:$0x1], $0x1, s16, s11, $0xb8;
	[tilespmem:$0x2D98] =	vst v63  }
0x76: {  	s17 =	simm.s32 $0x1DB0  }
0x77: {  	[spmem:s1] =	stream.indirect.scatter.add.f32 [tilespmem:s12], [sflag:$0x1], $0x1, s17, s11, $0xb8;
	[tilespmem:$0x2D98] =	vst v63  }
0x78: {  	s18 =	simm.s32 $0x1F40  }
0x79: {  	[spmem:s1] =	stream.indirect.scatter.add.f32 [tilespmem:s12], [sflag:$0x1], $0x1, s18, s11, $0xb8;
	[tilespmem:$0x2D98] =	vst v63  }
0x7a: {  	s19 =	simm.s32 $0x20D0  }
0x7b: {  	[spmem:s1] =	stream.indirect.scatter.add.f32 [tilespmem:s12], [sflag:$0x1], $0x1, s19, s11, $0xb8;
	[tilespmem:$0x2D98] =	vst v63  }
0x7c: {  	s20 =	simm.s32 $0x2260  }
0x7d: {  	[spmem:s1] =	stream.indirect.scatter.add.f32 [tilespmem:s12], [sflag:$0x1], $0x1, s20, s11, $0xb8;
	[tilespmem:$0x2D98] =	vst v63  }
0x7e: {  	s21 =	simm.s32 $0x23F0  }
0x7f: {  	[spmem:s1] =	stream.indirect.scatter.add.f32 [tilespmem:s12], [sflag:$0x1], $0x1, s21, s11, $0xb8;
	[tilespmem:$0x2D98] =	vst v63  }
0x80: {  	s22 =	simm.s32 $0x2580;
	s23 =	simm.s32 $0x1  }
0x81: {  	[spmem:s1] =	stream.indirect.scatter.add.f32 [tilespmem:s12], [sflag:$0x1], $0x1, s22, s11, $0xb8;
	[tilespmem:$0x2D98] =	vst v63  }
0x82: {  	_ =	swait.ge [sflag:s23], $0x190  }
0x83: {  	[sflag:s23] =	ssyncset.done $0x0  }
0x84: {  	[sflag:s23] =	ssyncadd.s32 $0xFFFFFE70  }
0x85: {  	_ =	swait.ge [sflag:s23], $0x190  }
0x86: {  	[sflag:s23] =	ssyncset.done $0x0  }
0x87: {  	[sflag:s23] =	ssyncadd.s32 $0xFFFFFE70  }
0x88: {  	_ =	swait.ge [sflag:s23], $0x190  }
0x89: {  	[sflag:s23] =	ssyncset.done $0x0  }
0x8a: {  	[sflag:s23] =	ssyncadd.s32 $0xFFFFFE70  }
0x8b: {  	_ =	swait.ge [sflag:s23], $0x190  }
0x8c: {  	[sflag:s23] =	ssyncset.done $0x0  }
0x8d: {  	[sflag:s23] =	ssyncadd.s32 $0xFFFFFE70  }
0x8e: {  	_ =	swait.ge [sflag:s23], $0x190  }
0x8f: {  	[sflag:s23] =	ssyncset.done $0x0  }
0x90: {  	[sflag:s23] =	ssyncadd.s32 $0xFFFFFE70  }
0x91: {  	_ =	swait.ge [sflag:s23], $0x190  }
0x92: {  	[sflag:s23] =	ssyncset.done $0x0  }
0x93: {  	[sflag:s23] =	ssyncadd.s32 $0xFFFFFE70  }
0x94: {  	_ =	swait.ge [sflag:s23], $0x190  }
0x95: {  	[sflag:s23] =	ssyncset.done $0x0  }
0x96: {  	[sflag:s23] =	ssyncadd.s32 $0xFFFFFE70  }
0x97: {  	_ =	swait.ge [sflag:s23], $0x190  }
0x98: {  	[sflag:s23] =	ssyncset.done $0x0  }
0x99: {  	[sflag:s23] =	ssyncadd.s32 $0xFFFFFE70  }
0x9a: {  	_ =	swait.ge [sflag:s23], $0x190  }
0x9b: {  	[sflag:s23] =	ssyncset.done $0x0  }
0x9c: {  	[sflag:s23] =	ssyncadd.s32 $0xFFFFFE70  }
0x9d: {  	_ =	swait.ge [sflag:s23], $0x190  }
0x9e: {  	[sflag:s23] =	ssyncset.done $0x0  }
0x9f: {  	[sflag:s23] =	ssyncadd.s32 $0xFFFFFE70  }
0xa0: {  	_ =	swait.ge [sflag:s23], $0x190  }
0xa1: {  	[sflag:s23] =	ssyncset.done $0x0  }
0xa2: {  	[sflag:s23] =	ssyncadd.s32 $0xFFFFFE70  }
0xa3: {  	_ =	swait.ge [sflag:s23], $0x190  }
0xa4: {  	[sflag:s23] =	ssyncset.done $0x0  }
0xa5: {  	[sflag:s23] =	ssyncadd.s32 $0xFFFFFE70  }
0xa6: {  	_ =	swait.ge [sflag:s23], $0x190  }
0xa7: {  	[sflag:s23] =	ssyncset.done $0x0  }
0xa8: {  	[sflag:s23] =	ssyncadd.s32 $0xFFFFFE70  }
0xa9: {  	_ =	swait.ge [sflag:s23], $0x190  }
0xaa: {  	[sflag:s23] =	ssyncset.done $0x0  }
0xab: {  	[sflag:s23] =	ssyncadd.s32 $0xFFFFFE70  }
0xac: {  	_ =	swait.ge [sflag:s23], $0x190  }
0xad: {  	[sflag:s23] =	ssyncset.done $0x0  }
0xae: {  	[sflag:s23] =	ssyncadd.s32 $0xFFFFFE70  }
0xaf: {  	_ =	swait.ge [sflag:s23], $0x190  }
0xb0: {  	[sflag:s23] =	ssyncset.done $0x0  }
0xb1: {  	[sflag:s23] =	ssyncadd.s32 $0xFFFFFE70  }
0xb2: {  	_ =	swait.ge [sflag:s23], $0x190  }
0xb3: {  	[sflag:s23] =	ssyncset.done $0x0  }
0xb4: {  	[sflag:s23] =	ssyncadd.s32 $0xFFFFFE70  }
0xb5: {  	_ =	swait.ge [sflag:s23], $0x190  }
0xb6: {  	[sflag:s23] =	ssyncset.done $0x0  }
0xb7: {  	[sflag:s23] =	ssyncadd.s32 $0xFFFFFE70  }
0xb8: {  	_ =	swait.ge [sflag:s23], $0x190  }
0xb9: {  	[sflag:s23] =	ssyncset.done $0x0  }
0xba: {  	[sflag:s23] =	ssyncadd.s32 $0xFFFFFE70  }
0xbb: {  	_ =	swait.ge [sflag:s23], $0x190  }
0xbc: {  	[sflag:s23] =	ssyncset.done $0x0  }
0xbd: {  	[sflag:s23] =	ssyncadd.s32 $0xFFFFFE70  }
0xbe: {  	_ =	swait.ge [sflag:s23], $0x190  }
0xbf: {  	[sflag:s23] =	ssyncset.done $0x0  }
0xc0: {  	[sflag:s23] =	ssyncadd.s32 $0xFFFFFE70  }
0xc1: {  	_ =	swait.ge [sflag:s23], $0x190  }
0xc2: {  	[sflag:s23] =	ssyncset.done $0x0  }
0xc3: {  	[sflag:s23] =	ssyncadd.s32 $0xFFFFFE70  }
0xc4: {  	_ =	swait.ge [sflag:s23], $0x190  }
0xc5: {  	[sflag:s23] =	ssyncset.done $0x0  }
0xc6: {  	[sflag:s23] =	ssyncadd.s32 $0xFFFFFE70  }
0xc7: {  	s28 =	smul.u32 $0x4E2, s25;
	s25 =	ssub.s32 $0x2, s25;
	_ =	swait.ge [sflag:s23], $0x190  }
0xc8: {  	s29 =	sshrl.u32 s25, $0x1;
	[sflag:s23] =	ssyncset.done $0x0  }
0xc9: {  	s29 =	ssub.s32 s25, s29;
	[sflag:s23] =	ssyncadd.s32 $0xFFFFFE70  }
0xca: {  	s30 =	sshrl.u32 s26, $0x3;
	s29 =	smax.u32 s29, $0x1;
	_ =	swait.ge [sflag:s23], $0x190  }
0xcb: {  	s29 =	sadd.s32 $0xFFFFFFFF, s29;
	s24 =	sadd.s32 s28, s24;
	[sflag:s23] =	ssyncset.done $0x0  }
0xcc: {  	s28 =	sadd.s32 $0x15800, s24;
	s24 =	simm.s32 @p0 $0x1FC2;
	[sflag:s23] =	ssyncadd.s32 $0xFFFFFE70  }
0xcd: {  	s25 =	sadd.s32 @p0 $0x492, s28;
	s26 =	sshrl.u32 @p0 s4, $0x3;
	[bflag:$0x0] =	sbarrier.arrive $0xFFFF  }
0xce: {  	[hbm:s25], [sflag:s24] =	dma.local @p0 [spmem:s26], $0x50  }
0xcf: {  	p1 =	sne.s32 s29, $0x0;
	s28 =	sadd.s32 @!p0 s30, s28;
	_ =	swait.ge @p0 [sflag:s6], $0x50  }
.Ltmp0:
0xd0: {  	s30 =	sshll.u32 @!p0 s0, $0x6;
	[sflag:s6] =	ssyncset.done @p0 $0x0;
	(pc) =	sbr.rel @!p1 .LBB2_2-.Ltmp0, $4  }
0xd1: {  	s31 =	sshrl.u32 @!p0 s8, $0x3;
	s30 =	sor.u32 @!p0 $0x1C02, s30;
	[sflag:s6] =	ssyncadd.s32 @p0 $0xFFFFFFB0  }
0xd2: {  	[hbm:s28], [sflag:s30] =	dma.local @!p0 [spmem:s31], $0x4E  }
0xd3: {  	_ =	swait.ge @!p0 [sflag:s7], $0x4E  }
0xd4: {  	[sflag:s7] =	ssyncset.done @!p0 $0x0  }
.LBB2_1:
0xd5: {  	[sflag:s7] =	ssyncadd.s32 @!p0 $0xFFFFFFB2  }
0xd6: {  	[tilespmem:$0x2730] =	vst v0  }
0xd7: {  	[tilespmem:$0x2740] =	vst v0  }
0xd8: {  	[tilespmem:$0x2750] =	vst v0  }
0xd9: {  	[tilespmem:$0x2760] =	vst v0  }
0xda: {  	[tilespmem:$0x2770] =	vst v0  }
0xdb: {  	[tilespmem:$0x2780] =	vst v0  }
0xdc: {  	[tilespmem:$0x2790] =	vst v0  }
0xdd: {  	[tilespmem:$0x27A0] =	vst v0  }
0xde: {  	[tilespmem:$0x27B0] =	vst v0  }
0xdf: {  	[tilespmem:$0x27C0] =	vst v0  }
0xe0: {  	[tilespmem:$0x27D0] =	vst v0  }
0xe1: {  	[tilespmem:$0x27E0] =	vst v0  }
0xe2: {  	[tilespmem:$0x27F0] =	vst v0  }
0xe3: {  	[tilespmem:$0x2800] =	vst v0  }
0xe4: {  	[tilespmem:$0x2810] =	vst v0  }
0xe5: {  	[tilespmem:$0x2820] =	vst v0  }
0xe6: {  	[tilespmem:$0x2830] =	vst v0  }
0xe7: {  	[tilespmem:$0x2840] =	vst v0  }
0xe8: {  	[tilespmem:$0x2850] =	vst v0  }
0xe9: {  	[tilespmem:$0x2860] =	vst v0  }
0xea: {  	[tilespmem:$0x2870] =	vst v0  }
0xeb: {  	[tilespmem:$0x2880] =	vst v0  }
0xec: {  	[tilespmem:$0x2890] =	vst v0  }
0xed: {  	[tilespmem:$0x28A0] =	vst v1  }
0xee: {  	[tilespmem:$0x28B0] =	vst v1  }
0xef: {  	[tilespmem:$0x28C0] =	vst v1  }
0xf0: {  	[tilespmem:$0x28D0] =	vst v1  }
0xf1: {  	[tilespmem:$0x28E0] =	vst v1  }
0xf2: {  	[tilespmem:$0x28F0] =	vst v1  }
0xf3: {  	[tilespmem:$0x2900] =	vst v1  }
0xf4: {  	[tilespmem:$0x2910] =	vst v1  }
0xf5: {  	[tilespmem:$0x2710] =	vst v0  }
0xf6: {  	[tilespmem:$0x2B10] =	vst v1  }
0xf7: {  	[tilespmem:$0x2B00] =	vst v1  }
0xf8: {  	[tilespmem:$0x2AF0] =	vst v1  }
0xf9: {  	[tilespmem:$0x2AE0] =	vst v1  }
0xfa: {  	[tilespmem:$0x2AD0] =	vst v1  }
0xfb: {  	[tilespmem:$0x2AC0] =	vst v1  }
0xfc: {  	[tilespmem:$0x2AB0] =	vst v1  }
0xfd: {  	[tilespmem:$0x2AA0] =	vst v1  }
0xfe: {  	[tilespmem:$0x2A90] =	vst v1  }
0xff: {  	[tilespmem:$0x2A80] =	vst v1  }
0x100: {  	[tilespmem:$0x2A70] =	vst v1  }
0x101: {  	[tilespmem:$0x2A60] =	vst v1  }
0x102: {  	[tilespmem:$0x2A50] =	vst v1  }
0x103: {  	[tilespmem:$0x2A40] =	vst v1  }
0x104: {  	[tilespmem:$0x2A30] =	vst v1  }
0x105: {  	[tilespmem:$0x2A20] =	vst v1  }
0x106: {  	[tilespmem:$0x2A10] =	vst v1  }
0x107: {  	[tilespmem:$0x2A00] =	vst v1  }
0x108: {  	[tilespmem:$0x29F0] =	vst v1  }
0x109: {  	[tilespmem:$0x29E0] =	vst v1  }
0x10a: {  	[tilespmem:$0x29D0] =	vst v1  }
0x10b: {  	[tilespmem:$0x29C0] =	vst v1  }
0x10c: {  	[tilespmem:$0x29B0] =	vst v1  }
0x10d: {  	[tilespmem:$0x29A0] =	vst v1  }
0x10e: {  	[tilespmem:$0x2990] =	vst v1  }
0x10f: {  	[tilespmem:$0x2980] =	vst v1  }
0x110: {  	[tilespmem:$0x2970] =	vst v1  }
0x111: {  	[tilespmem:$0x2960] =	vst v1  }
0x112: {  	[tilespmem:$0x2950] =	vst v1  }
0x113: {  	[tilespmem:$0x2940] =	vst v1  }
0x114: {  	[tilespmem:$0x2930] =	vst v1  }
0x115: {  	[tilespmem:$0x2920] =	vst v1  }
0x116: {  	[tilespmem:$0x2720] =	vst v0  }
0x117: {  	[spmem:s4] =	stream.linear.scatter @p0 [tilespmem:s5], [sflag:$0x2], $0x280, $0x38;
	[tilespmem:$0x2D98] =	vst v63  }
0x118: {  	_ =	swait.ge @p0 [sflag:s6], $0x280  }
0x119: {  	[sflag:s6] =	ssyncset.done @p0 $0x0  }
0x11a: {  	[sflag:s6] =	ssyncadd.s32 @p0 $0xFFFFFD80  }
0x11b: {  	[spmem:s8] =	stream.linear.scatter @!p0 [tilespmem:s9], [sflag:$0x2], $0x270, $0x38;
	[tilespmem:$0x2D98] =	vst v63  }
0x11c: {  	_ =	swait.ge @!p0 [sflag:s7], $0x270  }
0x11d: {  	[sflag:s7] =	ssyncset.done @!p0 $0x0  }
0x11e: {  	s0 =	rddreg [dreg:$0x3];
	[sflag:s7] =	ssyncadd.s32 @!p0 $0xFFFFFD90  }
0x11f: {  	[tilespmem:s2], [sflag:$0x2] =	stream.linear.gather [hbm4b:s0+s2], $0x2710, $0x38;
	[tilespmem:$0x2D98] =	vst v63  }
0x120: {  	_ =	swait.ge [sflag:s10], $0x2710  }
0x121: {  	[sflag:s10] =	ssyncset.done $0x0  }
0x122: {  	[sflag:s10] =	ssyncadd.s32 $0xFFFFD8F0  }
0x123: {  	[bflag:$0x0] =	sbarrier.arrive $0xFFFF  }
0x124: {  	[spmem:s1] =	stream.indirect.scatter.add.f32 [tilespmem:s12], [sflag:$0x1], $0x1, s2, s11, $0xb8;
	[tilespmem:$0x2D98] =	vst v63  }
0x125: {  	_ = 	snop  }
0x126: {  	[spmem:s1] =	stream.indirect.scatter.add.f32 [tilespmem:s12], [sflag:$0x1], $0x1, s11, s11, $0xb8;
	[tilespmem:$0x2D98] =	vst v63  }
0x127: {  	s0 =	rddreg [dreg:$0x4]  }
0x128: {  	[spmem:s1] =	stream.indirect.scatter.add.f32 [tilespmem:s12], [sflag:$0x1], $0x1, s0, s11, $0xb8;
	[tilespmem:$0x2D98] =	vst v63  }
0x129: {  	s3 =	rddreg [dreg:$0x5]  }
0x12a: {  	[spmem:s1] =	stream.indirect.scatter.add.f32 [tilespmem:s12], [sflag:$0x1], $0x1, s3, s11, $0xb8;
	[tilespmem:$0x2D98] =	vst v63  }
0x12b: {  	s0 =	rddreg [dreg:$0x6]  }
0x12c: {  	[spmem:s1] =	stream.indirect.scatter.add.f32 [tilespmem:s12], [sflag:$0x1], $0x1, s0, s11, $0xb8;
	[tilespmem:$0x2D98] =	vst v63  }
0x12d: {  	s3 =	rddreg [dreg:$0x7]  }
0x12e: {  	[spmem:s1] =	stream.indirect.scatter.add.f32 [tilespmem:s12], [sflag:$0x1], $0x1, s3, s11, $0xb8;
	[tilespmem:$0x2D98] =	vst v63  }
0x12f: {  	s0 =	rddreg [dreg:$0x8]  }
0x130: {  	[spmem:s1] =	stream.indirect.scatter.add.f32 [tilespmem:s12], [sflag:$0x1], $0x1, s0, s11, $0xb8;
	[tilespmem:$0x2D98] =	vst v63  }
0x131: {  	s3 =	rddreg [dreg:$0x9]  }
0x132: {  	[spmem:s1] =	stream.indirect.scatter.add.f32 [tilespmem:s12], [sflag:$0x1], $0x1, s3, s11, $0xb8;
	[tilespmem:$0x2D98] =	vst v63  }
0x133: {  	s0 =	rddreg [dreg:$0xa]  }
0x134: {  	[spmem:s1] =	stream.indirect.scatter.add.f32 [tilespmem:s12], [sflag:$0x1], $0x1, s0, s11, $0xb8;
	[tilespmem:$0x2D98] =	vst v63  }
0x135: {  	s3 =	rddreg [dreg:$0xb]  }
0x136: {  	[spmem:s1] =	stream.indirect.scatter.add.f32 [tilespmem:s12], [sflag:$0x1], $0x1, s3, s11, $0xb8;
	[tilespmem:$0x2D98] =	vst v63  }
0x137: {  	s0 =	rddreg [dreg:$0xc]  }
0x138: {  	[spmem:s1] =	stream.indirect.scatter.add.f32 [tilespmem:s12], [sflag:$0x1], $0x1, s0, s11, $0xb8;
	[tilespmem:$0x2D98] =	vst v63  }
0x139: {  	s3 =	rddreg [dreg:$0xd]  }
0x13a: {  	[spmem:s1] =	stream.indirect.scatter.add.f32 [tilespmem:s12], [sflag:$0x1], $0x1, s3, s11, $0xb8;
	[tilespmem:$0x2D98] =	vst v63  }
0x13b: {  	s0 =	rddreg [dreg:$0xe]  }
0x13c: {  	[spmem:s1] =	stream.indirect.scatter.add.f32 [tilespmem:s12], [sflag:$0x1], $0x1, s0, s11, $0xb8;
	[tilespmem:$0x2D98] =	vst v63  }
0x13d: {  	s3 =	rddreg [dreg:$0xf]  }
0x13e: {  	[spmem:s1] =	stream.indirect.scatter.add.f32 [tilespmem:s12], [sflag:$0x1], $0x1, s3, s11, $0xb8;
	[tilespmem:$0x2D98] =	vst v63  }
0x13f: {  	s0 =	rddreg [dreg:$0x10]  }
0x140: {  	[spmem:s1] =	stream.indirect.scatter.add.f32 [tilespmem:s12], [sflag:$0x1], $0x1, s0, s11, $0xb8;
	[tilespmem:$0x2D98] =	vst v63  }
0x141: {  	_ = 	snop  }
0x142: {  	[spmem:s1] =	stream.indirect.scatter.add.f32 [tilespmem:s12], [sflag:$0x1], $0x1, s13, s11, $0xb8;
	[tilespmem:$0x2D98] =	vst v63  }
0x143: {  	_ = 	snop  }
0x144: {  	[spmem:s1] =	stream.indirect.scatter.add.f32 [tilespmem:s12], [sflag:$0x1], $0x1, s14, s11, $0xb8;
	[tilespmem:$0x2D98] =	vst v63  }
0x145: {  	_ = 	snop  }
0x146: {  	[spmem:s1] =	stream.indirect.scatter.add.f32 [tilespmem:s12], [sflag:$0x1], $0x1, s15, s11, $0xb8;
	[tilespmem:$0x2D98] =	vst v63  }
0x147: {  	_ = 	snop  }
0x148: {  	[spmem:s1] =	stream.indirect.scatter.add.f32 [tilespmem:s12], [sflag:$0x1], $0x1, s16, s11, $0xb8;
	[tilespmem:$0x2D98] =	vst v63  }
0x149: {  	_ = 	snop  }
0x14a: {  	[spmem:s1] =	stream.indirect.scatter.add.f32 [tilespmem:s12], [sflag:$0x1], $0x1, s17, s11, $0xb8;
	[tilespmem:$0x2D98] =	vst v63  }
0x14b: {  	_ = 	snop  }
0x14c: {  	[spmem:s1] =	stream.indirect.scatter.add.f32 [tilespmem:s12], [sflag:$0x1], $0x1, s18, s11, $0xb8;
	[tilespmem:$0x2D98] =	vst v63  }
0x14d: {  	_ = 	snop  }
0x14e: {  	[spmem:s1] =	stream.indirect.scatter.add.f32 [tilespmem:s12], [sflag:$0x1], $0x1, s19, s11, $0xb8;
	[tilespmem:$0x2D98] =	vst v63  }
0x14f: {  	_ = 	snop  }
0x150: {  	[spmem:s1] =	stream.indirect.scatter.add.f32 [tilespmem:s12], [sflag:$0x1], $0x1, s20, s11, $0xb8;
	[tilespmem:$0x2D98] =	vst v63  }
0x151: {  	_ = 	snop  }
0x152: {  	[spmem:s1] =	stream.indirect.scatter.add.f32 [tilespmem:s12], [sflag:$0x1], $0x1, s21, s11, $0xb8;
	[tilespmem:$0x2D98] =	vst v63  }
0x153: {  	_ = 	snop  }
0x154: {  	[spmem:s1] =	stream.indirect.scatter.add.f32 [tilespmem:s12], [sflag:$0x1], $0x1, s22, s11, $0xb8;
	[tilespmem:$0x2D98] =	vst v63  }
0x155: {  	_ =	swait.ge [sflag:s23], $0x190  }
0x156: {  	[sflag:s23] =	ssyncset.done $0x0  }
0x157: {  	[sflag:s23] =	ssyncadd.s32 $0xFFFFFE70  }
0x158: {  	_ =	swait.ge [sflag:s23], $0x190  }
0x159: {  	[sflag:s23] =	ssyncset.done $0x0  }
0x15a: {  	[sflag:s23] =	ssyncadd.s32 $0xFFFFFE70  }
0x15b: {  	_ =	swait.ge [sflag:s23], $0x190  }
0x15c: {  	[sflag:s23] =	ssyncset.done $0x0  }
0x15d: {  	[sflag:s23] =	ssyncadd.s32 $0xFFFFFE70  }
0x15e: {  	_ =	swait.ge [sflag:s23], $0x190  }
0x15f: {  	[sflag:s23] =	ssyncset.done $0x0  }
0x160: {  	[sflag:s23] =	ssyncadd.s32 $0xFFFFFE70  }
0x161: {  	_ =	swait.ge [sflag:s23], $0x190  }
0x162: {  	[sflag:s23] =	ssyncset.done $0x0  }
0x163: {  	[sflag:s23] =	ssyncadd.s32 $0xFFFFFE70  }
0x164: {  	_ =	swait.ge [sflag:s23], $0x190  }
0x165: {  	[sflag:s23] =	ssyncset.done $0x0  }
0x166: {  	[sflag:s23] =	ssyncadd.s32 $0xFFFFFE70  }
0x167: {  	_ =	swait.ge [sflag:s23], $0x190  }
0x168: {  	[sflag:s23] =	ssyncset.done $0x0  }
0x169: {  	[sflag:s23] =	ssyncadd.s32 $0xFFFFFE70  }
0x16a: {  	_ =	swait.ge [sflag:s23], $0x190  }
0x16b: {  	[sflag:s23] =	ssyncset.done $0x0  }
0x16c: {  	[sflag:s23] =	ssyncadd.s32 $0xFFFFFE70  }
0x16d: {  	_ =	swait.ge [sflag:s23], $0x190  }
0x16e: {  	[sflag:s23] =	ssyncset.done $0x0  }
0x16f: {  	[sflag:s23] =	ssyncadd.s32 $0xFFFFFE70  }
0x170: {  	_ =	swait.ge [sflag:s23], $0x190  }
0x171: {  	[sflag:s23] =	ssyncset.done $0x0  }
0x172: {  	[sflag:s23] =	ssyncadd.s32 $0xFFFFFE70  }
0x173: {  	_ =	swait.ge [sflag:s23], $0x190  }
0x174: {  	[sflag:s23] =	ssyncset.done $0x0  }
0x175: {  	[sflag:s23] =	ssyncadd.s32 $0xFFFFFE70  }
0x176: {  	_ =	swait.ge [sflag:s23], $0x190  }
0x177: {  	[sflag:s23] =	ssyncset.done $0x0  }
0x178: {  	[sflag:s23] =	ssyncadd.s32 $0xFFFFFE70  }
0x179: {  	_ =	swait.ge [sflag:s23], $0x190  }
0x17a: {  	[sflag:s23] =	ssyncset.done $0x0  }
0x17b: {  	[sflag:s23] =	ssyncadd.s32 $0xFFFFFE70  }
0x17c: {  	_ =	swait.ge [sflag:s23], $0x190  }
0x17d: {  	[sflag:s23] =	ssyncset.done $0x0  }
0x17e: {  	[sflag:s23] =	ssyncadd.s32 $0xFFFFFE70  }
0x17f: {  	_ =	swait.ge [sflag:s23], $0x190  }
0x180: {  	[sflag:s23] =	ssyncset.done $0x0  }
0x181: {  	[sflag:s23] =	ssyncadd.s32 $0xFFFFFE70  }
0x182: {  	_ =	swait.ge [sflag:s23], $0x190  }
0x183: {  	[sflag:s23] =	ssyncset.done $0x0  }
0x184: {  	[sflag:s23] =	ssyncadd.s32 $0xFFFFFE70  }
0x185: {  	_ =	swait.ge [sflag:s23], $0x190  }
0x186: {  	[sflag:s23] =	ssyncset.done $0x0  }
0x187: {  	[sflag:s23] =	ssyncadd.s32 $0xFFFFFE70  }
0x188: {  	_ =	swait.ge [sflag:s23], $0x190  }
0x189: {  	[sflag:s23] =	ssyncset.done $0x0  }
0x18a: {  	[sflag:s23] =	ssyncadd.s32 $0xFFFFFE70  }
0x18b: {  	_ =	swait.ge [sflag:s23], $0x190  }
0x18c: {  	[sflag:s23] =	ssyncset.done $0x0  }
0x18d: {  	[sflag:s23] =	ssyncadd.s32 $0xFFFFFE70  }
0x18e: {  	_ =	swait.ge [sflag:s23], $0x190  }
0x18f: {  	[sflag:s23] =	ssyncset.done $0x0  }
0x190: {  	[sflag:s23] =	ssyncadd.s32 $0xFFFFFE70  }
0x191: {  	_ =	swait.ge [sflag:s23], $0x190  }
0x192: {  	[sflag:s23] =	ssyncset.done $0x0  }
0x193: {  	[sflag:s23] =	ssyncadd.s32 $0xFFFFFE70  }
0x194: {  	_ =	swait.ge [sflag:s23], $0x190  }
0x195: {  	[sflag:s23] =	ssyncset.done $0x0  }
0x196: {  	[sflag:s23] =	ssyncadd.s32 $0xFFFFFE70  }
0x197: {  	_ =	swait.ge [sflag:s23], $0x190  }
0x198: {  	[sflag:s23] =	ssyncset.done $0x0  }
0x199: {  	[sflag:s23] =	ssyncadd.s32 $0xFFFFFE70  }
0x19a: {  	_ =	swait.ge [sflag:s23], $0x190  }
0x19b: {  	[sflag:s23] =	ssyncset.done $0x0  }
0x19c: {  	[sflag:s23] =	ssyncadd.s32 $0xFFFFFE70  }
0x19d: {  	_ =	swait.ge [sflag:s23], $0x190  }
0x19e: {  	[sflag:s23] =	ssyncset.done $0x0  }
0x19f: {  	[sflag:s23] =	ssyncadd.s32 $0xFFFFFE70  }
0x1a0: {  	s29 =	sadd.s32 $0xFFFFFFFF, s29;
	[bflag:$0x0] =	sbarrier.arrive $0xFFFF  }
0x1a1: {  	[hbm:s25], [sflag:s24] =	dma.local @p0 [spmem:s26], $0x50  }
0x1a2: {  	p1 =	sne.s32 s29, $0x0;
	_ =	swait.ge @p0 [sflag:s6], $0x50  }
.Ltmp1:
0x1a3: {  	[sflag:s6] =	ssyncset.done @p0 $0x0;
	(pc) =	sbr.rel @p1 .LBB2_1-.Ltmp1, $4  }
0x1a4: {  	[sflag:s6] =	ssyncadd.s32 @p0 $0xFFFFFFB0  }
0x1a5: {  	[hbm:s28], [sflag:s30] =	dma.local @!p0 [spmem:s31], $0x4E  }
0x1a6: {  	_ =	swait.ge @!p0 [sflag:s7], $0x4E  }
0x1a7: {  	[sflag:s7] =	ssyncset.done @!p0 $0x0  }
.LBB2_2:
0x1a8: {  	[sflag:s7] =	ssyncadd.s32 @!p0 $0xFFFFFFB2  }
0x1a9: {  	_ =	sfence.sel $0x180000  }
0x1aa: {  	[bflag:$0x0] =	sbarrier.arrive $0xFFFF  }
0x1ab: {  	_ =	strace $0x90000047  }
0x1ac: {  	s0 =	stileid.u32;
	[bflag:$0x2] =	sbarrier.arrive $0xFFFF  }
0x1ad: {  	p0 =	sne.s32 s0, $0x0;
	s0 =	rddreg [dreg:$0x2]  }
0x1ae: {  	s0 =	sadd.s32 @!p0 $0x100000, s0  }
0x1af: {  	[sflag:s0] =	ssyncadd.tile.s32 @!p0 $0x1;
	_ =	shalt  }
.Lfunc_end2:
_tile_overlayer_lowered:
.L_overlay_start_2:
0x1b0: {  	(tag) =	ssettag $0x2  }
0x1b1: {  	s0 =	rddreg [dreg:$0x0];
	s2 =	stileid.u32  }
0x1b2: {  	s1 =	rddreg [dreg:$0x1];
	p0 =	sne.s32 s2, $0x0  }
0x1b3: {  	s3 =	rddreg [dreg:$0x2];
	[bflag:$0x3] =	sbarrier.arrive $0xFFFF;
	s2 =	simm.s32 @!p0 $0x1C02  }
0x1b4: {  	[timem:s3], [sflag:s2] =	dma.local @!p0 [hbm:s0], s1  }
0x1b5: {  	s0 =	simm.s32 @!p0 $0x2  }
0x1b6: {  	_ =	swait.ge @!p0 [sflag:s0], s1  }
0x1b7: {  	s1 =	ssub.s32 @!p0 $0x0, s1;
	[sflag:s0] =	ssyncset.done @!p0 $0x0  }
0x1b8: {  	[sflag:s0] =	ssyncadd.s32 @!p0 s1  }
0x1b9: {  	[bflag:$0x3] =	sbarrier.arrive $0xFFFF  }
0x1ba: {  	_ =	shalt  }

</sc_bundles>
